<compile_context>
chip_gen: v7x
topology: tpu7x:2x2x1
jax: 0.10.2.dev20260603
libtpu: 0.0.44.dev20260713+nightly
codegen_flags: <defaults>
</compile_context>

<pallas_src>
import functools
import numpy as np
import jax
import jax.numpy as jnp
from jax import lax
from jax.experimental import pallas as pl
from jax.experimental.pallas import tpu as pltpu
from jax.experimental.pallas import tpu_sc as plsc

FEAT_STRIDE = 16
NUM_ANCHORS = 9
PRE_NMS_TOPN = 6000
POST_NMS_TOPN = 300
NMS_THRESH = 0.7
MIN_SIZE = 16.0
H, W = 50, 80
N = H * W * NUM_ANCHORS
ROWS = 288
NPAD = ROWS * 128
NEG = -1e9
DN = 6144
ROWS2 = DN // 128

NW = 32
GPW = DN // NW
VECS = NPAD // 16
NBLK = 16
VPB = VECS // NBLK


def _whctrs_k(anchor):
    w = anchor[2] - anchor[0] + 1.0
    h = anchor[3] - anchor[1] + 1.0
    return w, h, anchor[0] + 0.5 * (w - 1), anchor[1] + 0.5 * (h - 1)


def _mkanchors_k(ws, hs, x_ctr, y_ctr):
    ws = ws[:, np.newaxis]
    hs = hs[:, np.newaxis]
    return np.hstack((x_ctr - 0.5 * (ws - 1), y_ctr - 0.5 * (hs - 1),
                      x_ctr + 0.5 * (ws - 1), y_ctr + 0.5 * (hs - 1)))


def _gen_anchor_table(base_size=16, ratios=np.array([0.5, 1.0, 2.0]),
                      scales=np.array([8.0, 16.0, 32.0])):
    base_anchor = np.array([1.0, 1.0, base_size, base_size]) - 1.0
    w, h, x_ctr, y_ctr = _whctrs_k(base_anchor)
    ws0 = np.round(np.sqrt((w * h) / ratios))
    hs0 = np.round(ws0 * ratios)
    ratio_anchors = _mkanchors_k(ws0, hs0, x_ctr, y_ctr)
    outs = []
    for i in range(ratio_anchors.shape[0]):
        w, h, x_ctr, y_ctr = _whctrs_k(ratio_anchors[i, :])
        outs.append(_mkanchors_k(w * scales, h * scales, x_ctr, y_ctr))
    return np.vstack(outs).astype(np.float32)


def _anchor_consts():
    base = _gen_anchor_table().astype(np.float64)
    sx = (np.arange(W) * FEAT_STRIDE).astype(np.float64)
    sy = (np.arange(H) * FEAT_STRIDE).astype(np.float64)
    SX, SY = np.meshgrid(sx, sy)
    shifts = np.stack([SX.ravel(), SY.ravel(), SX.ravel(), SY.ravel()], axis=1)
    anchors = (base[None, :, :] + shifts[:, None, :]).reshape(-1, 4)
    widths = anchors[:, 2] - anchors[:, 0] + 1.0
    heights = anchors[:, 3] - anchors[:, 1] + 1.0
    ctr_x = anchors[:, 0] + 0.5 * widths
    ctr_y = anchors[:, 1] + 0.5 * heights

    def padr(v):
        out = np.zeros((NPAD,), np.float32)
        out[:N] = v.astype(np.float32)
        return out.reshape(ROWS, 128)

    return padr(widths), padr(heights), padr(ctr_x), padr(ctr_y)


_WA, _HA, _CXA, _CYA = _anchor_consts()


def _decode_body(sc_ref, dx_ref, dy_ref, dw_ref, dh_ref, wa_ref, ha_ref,
                 cxa_ref, cya_ref, im_ref, sg_ref, u8_ref, ones8_ref,
                 m288_ref, b8_ref, wg_ref, x1o, y1o, x2o, y2o, aro, so,
                 rank_o):
    im_h = im_ref[0, 0]
    im_w = im_ref[0, 1]
    im_scale = im_ref[0, 2]

    wa = wa_ref[...]
    ha = ha_ref[...]
    dw = jnp.clip(dw_ref[...], -10.0, 10.0)
    dh = jnp.clip(dh_ref[...], -10.0, 10.0)
    pcx = dx_ref[...] * wa + cxa_ref[...]
    pcy = dy_ref[...] * ha + cya_ref[...]
    pw = jnp.exp(dw) * wa
    ph = jnp.exp(dh) * ha
    x1 = jnp.clip(pcx - 0.5 * pw, 0.0, im_w - 1.0)
    y1 = jnp.clip(pcy - 0.5 * ph, 0.0, im_h - 1.0)
    x2 = jnp.clip(pcx + 0.5 * pw, 0.0, im_w - 1.0)
    y2 = jnp.clip(pcy + 0.5 * ph, 0.0, im_h - 1.0)
    ws = x2 - x1 + 1.0
    hs = y2 - y1 + 1.0
    min_sz = MIN_SIZE * im_scale
    keep = (ws >= min_sz) & (hs >= min_sz)

    ri = lax.broadcasted_iota(jnp.int32, (ROWS, 128), 0)
    ci = lax.broadcasted_iota(jnp.int32, (ROWS, 128), 1)
    n_i = ri * 128 + ci
    valid = n_i < N

    s0 = jnp.where(keep, sc_ref[...], jnp.float32(NEG))
    s0 = jnp.where(valid, s0, -jnp.inf)

    ks = lax.bitcast_convert_type(s0, jnp.int32)
    key_i = ks ^ ((ks >> 31) & jnp.int32(0x7FFFFFFF))
    ku = lax.bitcast_convert_type(key_i, jnp.uint32) ^ jnp.uint32(0x80000000)

    K = jnp.float32(PRE_NMS_TOPN)

    def tau_step(t, prefix):
        b = (31 - t).astype(jnp.uint32)
        cand = prefix | (jnp.uint32(1) << b)
        cnt = jnp.sum(jnp.where(ku >= cand, 1.0, 0.0))
        return jnp.where(cnt >= K, cand, prefix)

    tau = lax.fori_loop(0, 32, tau_step, jnp.uint32(0))

    c_gt = jnp.sum(jnp.where(ku > tau, 1.0, 0.0))
    needed = K - c_gt
    eqm = ku == tau

    def cut_step(t, prefix):
        cand = prefix | (jnp.int32(1) << (16 - t))
        cnt = jnp.sum(jnp.where(eqm & (n_i < cand), 1.0, 0.0))
        return jnp.where(cnt < needed, cand, prefix)

    tcut = lax.fori_loop(0, 17, cut_step, jnp.int32(0))
    elig = (ku > tau) | (eqm & (n_i <= tcut) & (needed >= 1.0))

    x1o[...] = x1
    y1o[...] = y1
    x2o[...] = x2
    y2o[...] = y2
    aro[...] = ws * hs
    so[...] = jnp.where(elig, s0, -jnp.inf)

    eligf = jnp.where(elig, 1.0, 0.0)
    hi = jax.lax.Precision.HIGHEST
    g8 = jax.lax.dot_general(eligf, sg_ref[...], (((1,), (0,)), ((), ())),
                             precision=hi)
    p_in = jax.lax.dot_general(g8, u8_ref[...], (((1,), (0,)), ((), ())),
                               precision=hi)
    rsum = jax.lax.dot_general(g8, ones8_ref[...], (((1,), (0,)), ((), ())),
                               precision=hi)
    roff = jax.lax.dot_general(m288_ref[...], rsum, (((1,), (0,)), ((), ())),
                               precision=hi)
    cum8 = roff + p_in
    cum_el = jax.lax.dot_general(cum8, b8_ref[...], (((1,), (0,)), ((), ())),
                                 precision=hi)
    p2 = jax.lax.dot_general(eligf, wg_ref[...], (((1,), (0,)), ((), ())),
                             precision=hi)
    rank = (cum_el + p2).astype(jnp.int32)
    rank_o[...] = jnp.where(elig, rank, jnp.int32(DN) + n_i)


def _sel_consts():
    sg = np.zeros((128, 8), np.float32)
    for l in range(128):
        sg[l, l // 16] = 1.0
    u8 = np.triu(np.ones((8, 8), np.float32), 1)
    ones8 = np.ones((8, 1), np.float32)
    m288 = np.tril(np.ones((288, 288), np.float32), -1)
    b8 = np.zeros((8, 128), np.float32)
    for l in range(128):
        b8[l // 16, l] = 1.0
    wg = np.zeros((128, 128), np.float32)
    for a in range(128):
        for b in range(128):
            if a // 16 == b // 16 and a < b:
                wg[a, b] = 1.0
    return sg, u8, ones8, m288, b8, wg


_SG, _U8, _ONES8, _M288, _B8, _WG = _sel_consts()


def _decode(sc, dx, dy, dw, dh, im_info):
    shp = jax.ShapeDtypeStruct((ROWS, 128), jnp.float32)
    shpi = jax.ShapeDtypeStruct((ROWS, 128), jnp.int32)
    return pl.pallas_call(
        _decode_body,
        out_shape=[shp] * 6 + [shpi],
        in_specs=[pl.BlockSpec(memory_space=pltpu.MemorySpace.VMEM)] * 9
        + [pl.BlockSpec(memory_space=pltpu.MemorySpace.SMEM)]
        + [pl.BlockSpec(memory_space=pltpu.MemorySpace.VMEM)] * 6,
        out_specs=[pl.BlockSpec(memory_space=pltpu.MemorySpace.VMEM)] * 7,
    )(sc, dx, dy, dw, dh, jnp.asarray(_WA), jnp.asarray(_HA),
      jnp.asarray(_CXA), jnp.asarray(_CYA), im_info, jnp.asarray(_SG),
      jnp.asarray(_U8), jnp.asarray(_ONES8), jnp.asarray(_M288),
      jnp.asarray(_B8), jnp.asarray(_WG))


NCHUNK = ROWS // 8
DDN = DN + NPAD


def _compact_body(rank_hbm, x1_hbm, y1_hbm, x2_hbm, y2_hbm, ar_hbm, s_hbm,
                  zeros_hbm, x1o, y1o, x2o, y2o, aro, so,
                  rnk, b0, b1, b2, b3, b4, b5, d0, d1, d2, d3, d4, d5, sem):
    cid = lax.axis_index("c")
    sid = lax.axis_index("s")
    wid = sid * 2 + cid

    denses = (d0, d1, d2, d3, d4, d5)
    for d in denses:
        pltpu.sync_copy(zeros_hbm.at[pl.ds(sid * 384, 384)],
                        d.at[pl.ds(sid * 384, 384)])
    plsc.subcore_barrier()

    for t in range(2):
        ch = wid + NW * t

        @pl.when(ch < NCHUNK)
        def _(ch=ch):
            r0 = pl.multiple_of(ch * 8, 8)
            pltpu.sync_copy(rank_hbm.at[pl.ds(r0, 8)], rnk)
            pending = []
            for d, (src, buf) in zip(denses, (
                    (x1_hbm, b0), (y1_hbm, b1), (x2_hbm, b2),
                    (y2_hbm, b3), (ar_hbm, b4), (s_hbm, b5))):
                pltpu.sync_copy(src.at[pl.ds(r0, 8)], buf)
                for j in range(8):
                    pending.append(pltpu.async_copy(
                        buf.at[j], d.at[rnk.at[j]], sem, add=True))
            for c in pending:
                c.wait()

    plsc.subcore_barrier()
    for d, dst in zip(denses, (x1o, y1o, x2o, y2o, aro, so)):
        pltpu.sync_copy(d.at[pl.ds(sid * 384, 384)],
                        dst.at[pl.ds(cid * DN + sid * 384, 384)])


@functools.lru_cache(maxsize=1)
def _compact_sc():
    return pl.kernel(
        _compact_body,
        mesh=plsc.VectorSubcoreMesh(core_axis_name="c", subcore_axis_name="s"),
        out_type=[jax.ShapeDtypeStruct((2 * DN,), jnp.float32)] * 6,
        scratch_types=[
            pltpu.VMEM((8, 128), jnp.int32)]
        + [pltpu.VMEM((8, 128), jnp.float32)] * 6
        + [pltpu.VMEM_SHARED((DDN,), jnp.float32)] * 6
        + [pltpu.SemaphoreType.DMA],
    )


def _nms_body(x1p, y1p, x2p, y2p, arp, scp, out_ref, x1_ref, y1_ref, x2_ref,
              y2_ref, ar_ref, s_ref):
    x1_ref[...] = x1p[0:ROWS2, :] + x1p[ROWS2:2 * ROWS2, :]
    y1_ref[...] = y1p[0:ROWS2, :] + y1p[ROWS2:2 * ROWS2, :]
    x2_ref[...] = x2p[0:ROWS2, :] + x2p[ROWS2:2 * ROWS2, :]
    y2_ref[...] = y2p[0:ROWS2, :] + y2p[ROWS2:2 * ROWS2, :]
    ar_ref[...] = arp[0:ROWS2, :] + arp[ROWS2:2 * ROWS2, :]
    sc_sum = scp[0:ROWS2, :] + scp[ROWS2:2 * ROWS2, :]

    ri = lax.broadcasted_iota(jnp.int32, (ROWS2, 128), 0)
    ci = lax.broadcasted_iota(jnp.int32, (ROWS2, 128), 1)
    n_i = ri * 128 + ci
    s0 = jnp.where(n_i < PRE_NMS_TOPN, sc_sum, -jnp.inf)
    s_ref[...] = s0

    nf = ri.astype(jnp.float32) * 128.0 + ci.astype(jnp.float32)
    li = lax.broadcasted_iota(jnp.int32, (1, 128), 1)

    m0 = jnp.max(s0)
    idx0 = jnp.min(jnp.where(s0 == m0, nf, jnp.float32(DN))).astype(jnp.int32)

    def nms_step(step, carry):
        m, idx, i0 = carry
        i0n = jnp.where(step == 0, idx, i0)
        sel = jnp.where(m == jnp.float32(NEG), i0n, idx)
        r = sel // 128
        c = sel % 128
        lm = li == c
        bx1 = jnp.sum(jnp.where(lm, x1_ref[pl.ds(r, 1), :], 0.0))
        by1 = jnp.sum(jnp.where(lm, y1_ref[pl.ds(r, 1), :], 0.0))
        bx2 = jnp.sum(jnp.where(lm, x2_ref[pl.ds(r, 1), :], 0.0))
        by2 = jnp.sum(jnp.where(lm, y2_ref[pl.ds(r, 1), :], 0.0))
        bar = jnp.sum(jnp.where(lm, ar_ref[pl.ds(r, 1), :], 0.0))
        s = s_ref[...]
        w = jnp.maximum(0.0, jnp.minimum(bx2, x2_ref[...])
                        - jnp.maximum(bx1, x1_ref[...]) + 1.0)
        h = jnp.maximum(0.0, jnp.minimum(by2, y2_ref[...])
                        - jnp.maximum(by1, y1_ref[...]) + 1.0)
        inter = w * h
        iou = inter / (bar + ar_ref[...] - inter)
        s_new = jnp.where(iou > jnp.float32(NMS_THRESH),
                          jnp.minimum(s, jnp.float32(NEG)), s)
        s_ref[...] = s_new
        m2 = jnp.max(s_new)
        idx2 = jnp.min(jnp.where(s_new == m2, nf,
                                 jnp.float32(DN))).astype(jnp.int32)
        rv = jnp.zeros((1, 128), jnp.float32)
        rv = jnp.where(li == 1, bx1, rv)
        rv = jnp.where(li == 2, by1, rv)
        rv = jnp.where(li == 3, bx2, rv)
        rv = jnp.where(li == 4, by2, rv)
        out_ref[pl.ds(step, 1), :] = rv
        return m2, idx2, i0n

    lax.fori_loop(0, POST_NMS_TOPN, nms_step, (m0, idx0, jnp.int32(0)))


def _nms(x1c, y1c, x2c, y2c, arc, sc):
    return pl.pallas_call(
        _nms_body,
        out_shape=jax.ShapeDtypeStruct((POST_NMS_TOPN, 128), jnp.float32),
        in_specs=[pl.BlockSpec(memory_space=pltpu.MemorySpace.VMEM)] * 6,
        out_specs=pl.BlockSpec(memory_space=pltpu.MemorySpace.VMEM),
        scratch_shapes=[pltpu.VMEM((ROWS2, 128), jnp.float32)] * 6,
    )(x1c, y1c, x2c, y2c, arc, sc)


def kernel(scores, bbox_deltas, im_info):
    sfg = jnp.transpose(scores[0, NUM_ANCHORS:], (1, 2, 0)).reshape(-1)
    dl = jnp.transpose(bbox_deltas[0], (1, 2, 0)).reshape(-1, 4)

    def pad2(v):
        return jnp.concatenate(
            [v, jnp.zeros((NPAD - N,), jnp.float32)]).reshape(ROWS, 128)

    x1, y1, x2, y2, ar, s, rank = _decode(
        pad2(sfg), pad2(dl[:, 0]), pad2(dl[:, 1]), pad2(dl[:, 2]),
        pad2(dl[:, 3]), im_info)
    x1c, y1c, x2c, y2c, arc, sc = _compact_sc()(
        rank, x1, y1, x2, y2, ar, s, jnp.zeros((DN,), jnp.float32))

    def dn(a):
        return a.reshape(2 * ROWS2, 128)

    out = _nms(dn(x1c), dn(y1c), dn(x2c), dn(y2c), dn(arc), dn(sc))
    return out[:, :5]

# --- scband reference (transcript-rebuilt; emitter-appended) ---
"""Pipeline reference for scband-proposal-layer-46832323396033 (READ-ONLY COPY).

The authoritative reference and input builder live on the scoring server;
editing this copy changes nothing except your own understanding.
"""

import jax, jax.numpy as jnp
import numpy as np

FEAT_STRIDE = 16
NUM_ANCHORS = 9
PRE_NMS_TOPN = 6000
POST_NMS_TOPN = 300
NMS_THRESH = 0.7
MIN_SIZE = 16.0
H, W = 50, 80


def _whctrs(anchor):
    w = anchor[2] - anchor[0] + 1.0
    h = anchor[3] - anchor[1] + 1.0
    x_ctr = anchor[0] + 0.5 * (w - 1)
    y_ctr = anchor[1] + 0.5 * (h - 1)
    return w, h, x_ctr, y_ctr


def _mkanchors(ws, hs, x_ctr, y_ctr):
    ws = ws[:, np.newaxis]
    hs = hs[:, np.newaxis]
    return np.hstack((x_ctr - 0.5 * (ws - 1), y_ctr - 0.5 * (hs - 1), x_ctr + 0.5 * (ws - 1), y_ctr + 0.5 * (hs - 1)))


def _ratio_enum(anchor, ratios):
    w, h, x_ctr, y_ctr = _whctrs(anchor)
    size = w * h
    size_ratios = size / ratios
    ws = np.round(np.sqrt(size_ratios))
    hs = np.round(ws * ratios)
    return _mkanchors(ws, hs, x_ctr, y_ctr)


def _scale_enum(anchor, scales):
    w, h, x_ctr, y_ctr = _whctrs(anchor)
    ws = w * scales
    hs = h * scales
    return _mkanchors(ws, hs, x_ctr, y_ctr)


def generate_anchors(base_size=16, ratios=np.array([0.5, 1.0, 2.0]), scales=np.array([8.0, 16.0, 32.0])):
    base_anchor = np.array([1.0, 1.0, base_size, base_size]) - 1.0
    ratio_anchors = _ratio_enum(base_anchor, ratios)
    return np.vstack([_scale_enum(ratio_anchors[i, :], scales) for i in range(ratio_anchors.shape[0])]).astype(np.float32)


_ANCHORS = generate_anchors()


def setup_inputs(seed: int = 0):
    key = jax.random.key(seed)
    k1, k2 = jax.random.split(key)
    scores = jax.random.normal(k1, (1, 2 * NUM_ANCHORS, H, W), dtype=jnp.float32)
    bbox_deltas = jax.random.normal(k2, (1, 4 * NUM_ANCHORS, H, W), dtype=jnp.float32)
    im_info = jnp.ones((1, 3), dtype=jnp.float32) * jnp.array([[800.0, 1280.0, 1.0]], dtype=jnp.float32)
    return {"scores": scores, "bbox_deltas": bbox_deltas, "im_info": im_info}


def _forward(scores, bbox_deltas, im_info):
    anchors_base = jnp.asarray(_ANCHORS)
    height, width = scores.shape[-2], scores.shape[-1]
    scores_fg = scores[:, NUM_ANCHORS:, :, :]
    shift_x = jnp.arange(width, dtype=jnp.float32) * FEAT_STRIDE
    shift_y = jnp.arange(height, dtype=jnp.float32) * FEAT_STRIDE
    sx, sy = jnp.meshgrid(shift_x, shift_y)
    shifts = jnp.stack([sx.ravel(), sy.ravel(), sx.ravel(), sy.ravel()], axis=1)
    anchors = (anchors_base[jnp.newaxis, :, :] + shifts[:, jnp.newaxis, :]).reshape(-1, 4)
    deltas = jnp.transpose(bbox_deltas, (0, 2, 3, 1)).reshape(-1, 4)
    deltas = jnp.concatenate([deltas[:, :2], jnp.clip(deltas[:, 2:], -10.0, 10.0)], axis=1)
    scores_flat = jnp.transpose(scores_fg, (0, 2, 3, 1)).reshape(-1)
    widths = anchors[:, 2] - anchors[:, 0] + 1.0
    heights = anchors[:, 3] - anchors[:, 1] + 1.0
    ctr_x = anchors[:, 0] + 0.5 * widths
    ctr_y = anchors[:, 1] + 0.5 * heights
    dx, dy, dw, dh = deltas[:, 0], deltas[:, 1], deltas[:, 2], deltas[:, 3]
    pred_ctr_x = dx * widths + ctr_x
    pred_ctr_y = dy * heights + ctr_y
    pred_w = jnp.exp(dw) * widths
    pred_h = jnp.exp(dh) * heights
    x1 = pred_ctr_x - 0.5 * pred_w
    y1 = pred_ctr_y - 0.5 * pred_h
    x2 = pred_ctr_x + 0.5 * pred_w
    y2 = pred_ctr_y + 0.5 * pred_h
    im_h, im_w, im_scale = im_info[0, 0], im_info[0, 1], im_info[0, 2]
    x1 = jnp.clip(x1, 0.0, im_w - 1.0)
    y1 = jnp.clip(y1, 0.0, im_h - 1.0)
    x2 = jnp.clip(x2, 0.0, im_w - 1.0)
    y2 = jnp.clip(y2, 0.0, im_h - 1.0)
    proposals = jnp.stack([x1, y1, x2, y2], axis=1)
    ws = x2 - x1 + 1.0
    hs = y2 - y1 + 1.0
    min_sz = MIN_SIZE * im_scale
    keep = (ws >= min_sz) & (hs >= min_sz)
    scores_masked = jnp.where(keep, scores_flat, -1e9)
    top_scores, order = jax.lax.top_k(scores_masked, PRE_NMS_TOPN)
    props = proposals[order]
    areas = (props[:, 2] - props[:, 0] + 1.0) * (props[:, 3] - props[:, 1] + 1.0)

    def nms_step(s, _):
        idx = jnp.argmax(s)
        box = props[idx]
        xx1 = jnp.maximum(box[0], props[:, 0])
        yy1 = jnp.maximum(box[1], props[:, 1])
        xx2 = jnp.minimum(box[2], props[:, 2])
        yy2 = jnp.minimum(box[3], props[:, 3])
        w = jnp.maximum(0.0, xx2 - xx1 + 1.0)
        h = jnp.maximum(0.0, yy2 - yy1 + 1.0)
        inter = w * h
        iou = inter / (areas[idx] + areas - inter)
        s_new = jnp.where(iou > NMS_THRESH, -1e9, s)
        return s_new, idx

    _, keep_idx = jax.lax.scan(nms_step, top_scores, None, length=POST_NMS_TOPN)
    sel = props[keep_idx]
    blob = jnp.concatenate([jnp.zeros((POST_NMS_TOPN, 1), dtype=jnp.float32), sel], axis=1)
    return blob


def reference(scores, bbox_deltas, im_info):
    return _forward(scores, bbox_deltas, im_info)

if __name__ == "__main__":
    import jax
    _d = setup_inputs()
    print(jax.jit(kernel)(*tuple(_d.values())))

</pallas_src>

<mosaic_0001>
#map = affine_map<(d0, d1) -> (0, 0)>
#map1 = affine_map<(d0, d1) -> (0)>
module attributes {stable_mosaic.version = 14 : i64} {
  func.func @_compact_body(%arg0: i32, %arg1: i32, %arg2: memref<288x128xi32, #tpu.memory_space<hbm>>, %arg3: memref<288x128xf32, #tpu.memory_space<hbm>>, %arg4: memref<288x128xf32, #tpu.memory_space<hbm>>, %arg5: memref<288x128xf32, #tpu.memory_space<hbm>>, %arg6: memref<288x128xf32, #tpu.memory_space<hbm>>, %arg7: memref<288x128xf32, #tpu.memory_space<hbm>>, %arg8: memref<288x128xf32, #tpu.memory_space<hbm>>, %arg9: memref<6144xf32, #tpu.memory_space<hbm>>, %arg10: memref<12288xf32, #tpu.memory_space<hbm>>, %arg11: memref<12288xf32, #tpu.memory_space<hbm>>, %arg12: memref<12288xf32, #tpu.memory_space<hbm>>, %arg13: memref<12288xf32, #tpu.memory_space<hbm>>, %arg14: memref<12288xf32, #tpu.memory_space<hbm>>, %arg15: memref<12288xf32, #tpu.memory_space<hbm>>, %arg16: memref<8x128xi32, #tpu.memory_space<vmem>>, %arg17: memref<8x128xf32, #tpu.memory_space<vmem>>, %arg18: memref<8x128xf32, #tpu.memory_space<vmem>>, %arg19: memref<8x128xf32, #tpu.memory_space<vmem>>, %arg20: memref<8x128xf32, #tpu.memory_space<vmem>>, %arg21: memref<8x128xf32, #tpu.memory_space<vmem>>, %arg22: memref<8x128xf32, #tpu.memory_space<vmem>>, %arg23: memref<43008xf32, #tpu.memory_space<vmem_shared>>, %arg24: memref<43008xf32, #tpu.memory_space<vmem_shared>>, %arg25: memref<43008xf32, #tpu.memory_space<vmem_shared>>, %arg26: memref<43008xf32, #tpu.memory_space<vmem_shared>>, %arg27: memref<43008xf32, #tpu.memory_space<vmem_shared>>, %arg28: memref<43008xf32, #tpu.memory_space<vmem_shared>>, %arg29: memref<!tpu.dma_semaphore, #tpu.memory_space<semaphore_mem>>) attributes {dimension_semantics = [#tpu.dimension_semantics<core_parallel>, #tpu.dimension_semantics<subcore_parallel>], iteration_bounds = array<i64: 2, 16>, scalar_prefetch = 0 : i64, scratch_operands = 14 : i64, tpu.core_type = #tpu.core_type<sc_vector_subcore>, window_params = [{transform_indices = #map}, {transform_indices = #map}, {transform_indices = #map}, {transform_indices = #map}, {transform_indices = #map}, {transform_indices = #map}, {transform_indices = #map}, {transform_indices = #map1}, {transform_indices = #map1}, {transform_indices = #map1}, {transform_indices = #map1}, {transform_indices = #map1}, {transform_indices = #map1}, {transform_indices = #map1}]} {
    %mul3A = arith.constant 2 : i32
    %mul3A_0 = arith.muli %arg1, %mul3A : i32
    %add3A = arith.addi %mul3A_0, %arg0 : i32
    %mul3A_1 = arith.constant 384 : i32
    %mul3A_2 = arith.muli %arg1, %mul3A_1 : i32
    %mul3A_3 = arith.constant 384 : i32
    %mul3A_4 = arith.muli %arg1, %mul3A_3 : i32
    "tpu.region"() ({
      %run_scoped3A = tpu.sem_alloc : memref<!tpu.dma_semaphore, #tpu.memory_space<semaphore_mem>>
      %dma_start3A = tpu.memref_slice %arg23[%mul3A_4] : memref<43008xf32, #tpu.memory_space<vmem_shared>> -> memref<384xf32, #tpu.memory_space<vmem_shared>>
      %dma_start3A_79 = tpu.memref_slice %arg9[%mul3A_2] : memref<6144xf32, #tpu.memory_space<hbm>> -> memref<384xf32, #tpu.memory_space<hbm>>
      tpu.enqueue_dma source(%dma_start3A_79 : memref<384xf32, #tpu.memory_space<hbm>>) target(%dma_start3A : memref<384xf32, #tpu.memory_space<vmem_shared>>) target_semaphore(%run_scoped3A : memref<!tpu.dma_semaphore, #tpu.memory_space<semaphore_mem>>)
      %dma_wait3A = tpu.memref_slice %arg23[%mul3A_4] : memref<43008xf32, #tpu.memory_space<vmem_shared>> -> memref<384xf32, #tpu.memory_space<vmem_shared>>
      %dma_wait3A_80 = tpu.memref_slice %arg9[%mul3A_2] : memref<6144xf32, #tpu.memory_space<hbm>> -> memref<384xf32, #tpu.memory_space<hbm>>
      tpu.wait_dma2 semaphore(%run_scoped3A : memref<!tpu.dma_semaphore, #tpu.memory_space<semaphore_mem>>) src(%dma_wait3A_80 : memref<384xf32, #tpu.memory_space<hbm>>) dst(%dma_wait3A : memref<384xf32, #tpu.memory_space<vmem_shared>>)
      tpu.yield
    }) : () -> ()
    %mul3A_5 = arith.constant 384 : i32
    %mul3A_6 = arith.muli %arg1, %mul3A_5 : i32
    %mul3A_7 = arith.constant 384 : i32
    %mul3A_8 = arith.muli %arg1, %mul3A_7 : i32
    "tpu.region"() ({
      %run_scoped3A = tpu.sem_alloc : memref<!tpu.dma_semaphore, #tpu.memory_space<semaphore_mem>>
      %dma_start3A = tpu.memref_slice %arg24[%mul3A_8] : memref<43008xf32, #tpu.memory_space<vmem_shared>> -> memref<384xf32, #tpu.memory_space<vmem_shared>>
      %dma_start3A_79 = tpu.memref_slice %arg9[%mul3A_6] : memref<6144xf32, #tpu.memory_space<hbm>> -> memref<384xf32, #tpu.memory_space<hbm>>
      tpu.enqueue_dma source(%dma_start3A_79 : memref<384xf32, #tpu.memory_space<hbm>>) target(%dma_start3A : memref<384xf32, #tpu.memory_space<vmem_shared>>) target_semaphore(%run_scoped3A : memref<!tpu.dma_semaphore, #tpu.memory_space<semaphore_mem>>)
      %dma_wait3A = tpu.memref_slice %arg24[%mul3A_8] : memref<43008xf32, #tpu.memory_space<vmem_shared>> -> memref<384xf32, #tpu.memory_space<vmem_shared>>
      %dma_wait3A_80 = tpu.memref_slice %arg9[%mul3A_6] : memref<6144xf32, #tpu.memory_space<hbm>> -> memref<384xf32, #tpu.memory_space<hbm>>
      tpu.wait_dma2 semaphore(%run_scoped3A : memref<!tpu.dma_semaphore, #tpu.memory_space<semaphore_mem>>) src(%dma_wait3A_80 : memref<384xf32, #tpu.memory_space<hbm>>) dst(%dma_wait3A : memref<384xf32, #tpu.memory_space<vmem_shared>>)
      tpu.yield
    }) : () -> ()
    %mul3A_9 = arith.constant 384 : i32
    %mul3A_10 = arith.muli %arg1, %mul3A_9 : i32
    %mul3A_11 = arith.constant 384 : i32
    %mul3A_12 = arith.muli %arg1, %mul3A_11 : i32
    "tpu.region"() ({
      %run_scoped3A = tpu.sem_alloc : memref<!tpu.dma_semaphore, #tpu.memory_space<semaphore_mem>>
      %dma_start3A = tpu.memref_slice %arg25[%mul3A_12] : memref<43008xf32, #tpu.memory_space<vmem_shared>> -> memref<384xf32, #tpu.memory_space<vmem_shared>>
      %dma_start3A_79 = tpu.memref_slice %arg9[%mul3A_10] : memref<6144xf32, #tpu.memory_space<hbm>> -> memref<384xf32, #tpu.memory_space<hbm>>
      tpu.enqueue_dma source(%dma_start3A_79 : memref<384xf32, #tpu.memory_space<hbm>>) target(%dma_start3A : memref<384xf32, #tpu.memory_space<vmem_shared>>) target_semaphore(%run_scoped3A : memref<!tpu.dma_semaphore, #tpu.memory_space<semaphore_mem>>)
      %dma_wait3A = tpu.memref_slice %arg25[%mul3A_12] : memref<43008xf32, #tpu.memory_space<vmem_shared>> -> memref<384xf32, #tpu.memory_space<vmem_shared>>
      %dma_wait3A_80 = tpu.memref_slice %arg9[%mul3A_10] : memref<6144xf32, #tpu.memory_space<hbm>> -> memref<384xf32, #tpu.memory_space<hbm>>
      tpu.wait_dma2 semaphore(%run_scoped3A : memref<!tpu.dma_semaphore, #tpu.memory_space<semaphore_mem>>) src(%dma_wait3A_80 : memref<384xf32, #tpu.memory_space<hbm>>) dst(%dma_wait3A : memref<384xf32, #tpu.memory_space<vmem_shared>>)
      tpu.yield
    }) : () -> ()
    %mul3A_13 = arith.constant 384 : i32
    %mul3A_14 = arith.muli %arg1, %mul3A_13 : i32
    %mul3A_15 = arith.constant 384 : i32
    %mul3A_16 = arith.muli %arg1, %mul3A_15 : i32
    "tpu.region"() ({
      %run_scoped3A = tpu.sem_alloc : memref<!tpu.dma_semaphore, #tpu.memory_space<semaphore_mem>>
      %dma_start3A = tpu.memref_slice %arg26[%mul3A_16] : memref<43008xf32, #tpu.memory_space<vmem_shared>> -> memref<384xf32, #tpu.memory_space<vmem_shared>>
      %dma_start3A_79 = tpu.memref_slice %arg9[%mul3A_14] : memref<6144xf32, #tpu.memory_space<hbm>> -> memref<384xf32, #tpu.memory_space<hbm>>
      tpu.enqueue_dma source(%dma_start3A_79 : memref<384xf32, #tpu.memory_space<hbm>>) target(%dma_start3A : memref<384xf32, #tpu.memory_space<vmem_shared>>) target_semaphore(%run_scoped3A : memref<!tpu.dma_semaphore, #tpu.memory_space<semaphore_mem>>)
      %dma_wait3A = tpu.memref_slice %arg26[%mul3A_16] : memref<43008xf32, #tpu.memory_space<vmem_shared>> -> memref<384xf32, #tpu.memory_space<vmem_shared>>
      %dma_wait3A_80 = tpu.memref_slice %arg9[%mul3A_14] : memref<6144xf32, #tpu.memory_space<hbm>> -> memref<384xf32, #tpu.memory_space<hbm>>
      tpu.wait_dma2 semaphore(%run_scoped3A : memref<!tpu.dma_semaphore, #tpu.memory_space<semaphore_mem>>) src(%dma_wait3A_80 : memref<384xf32, #tpu.memory_space<hbm>>) dst(%dma_wait3A : memref<384xf32, #tpu.memory_space<vmem_shared>>)
      tpu.yield
    }) : () -> ()
    %mul3A_17 = arith.constant 384 : i32
    %mul3A_18 = arith.muli %arg1, %mul3A_17 : i32
    %mul3A_19 = arith.constant 384 : i32
    %mul3A_20 = arith.muli %arg1, %mul3A_19 : i32
    "tpu.region"() ({
      %run_scoped3A = tpu.sem_alloc : memref<!tpu.dma_semaphore, #tpu.memory_space<semaphore_mem>>
      %dma_start3A = tpu.memref_slice %arg27[%mul3A_20] : memref<43008xf32, #tpu.memory_space<vmem_shared>> -> memref<384xf32, #tpu.memory_space<vmem_shared>>
      %dma_start3A_79 = tpu.memref_slice %arg9[%mul3A_18] : memref<6144xf32, #tpu.memory_space<hbm>> -> memref<384xf32, #tpu.memory_space<hbm>>
      tpu.enqueue_dma source(%dma_start3A_79 : memref<384xf32, #tpu.memory_space<hbm>>) target(%dma_start3A : memref<384xf32, #tpu.memory_space<vmem_shared>>) target_semaphore(%run_scoped3A : memref<!tpu.dma_semaphore, #tpu.memory_space<semaphore_mem>>)
      %dma_wait3A = tpu.memref_slice %arg27[%mul3A_20] : memref<43008xf32, #tpu.memory_space<vmem_shared>> -> memref<384xf32, #tpu.memory_space<vmem_shared>>
      %dma_wait3A_80 = tpu.memref_slice %arg9[%mul3A_18] : memref<6144xf32, #tpu.memory_space<hbm>> -> memref<384xf32, #tpu.memory_space<hbm>>
      tpu.wait_dma2 semaphore(%run_scoped3A : memref<!tpu.dma_semaphore, #tpu.memory_space<semaphore_mem>>) src(%dma_wait3A_80 : memref<384xf32, #tpu.memory_space<hbm>>) dst(%dma_wait3A : memref<384xf32, #tpu.memory_space<vmem_shared>>)
      tpu.yield
    }) : () -> ()
    %mul3A_21 = arith.constant 384 : i32
    %mul3A_22 = arith.muli %arg1, %mul3A_21 : i32
    %mul3A_23 = arith.constant 384 : i32
    %mul3A_24 = arith.muli %arg1, %mul3A_23 : i32
    "tpu.region"() ({
      %run_scoped3A = tpu.sem_alloc : memref<!tpu.dma_semaphore, #tpu.memory_space<semaphore_mem>>
      %dma_start3A = tpu.memref_slice %arg28[%mul3A_24] : memref<43008xf32, #tpu.memory_space<vmem_shared>> -> memref<384xf32, #tpu.memory_space<vmem_shared>>
      %dma_start3A_79 = tpu.memref_slice %arg9[%mul3A_22] : memref<6144xf32, #tpu.memory_space<hbm>> -> memref<384xf32, #tpu.memory_space<hbm>>
      tpu.enqueue_dma source(%dma_start3A_79 : memref<384xf32, #tpu.memory_space<hbm>>) target(%dma_start3A : memref<384xf32, #tpu.memory_space<vmem_shared>>) target_semaphore(%run_scoped3A : memref<!tpu.dma_semaphore, #tpu.memory_space<semaphore_mem>>)
      %dma_wait3A = tpu.memref_slice %arg28[%mul3A_24] : memref<43008xf32, #tpu.memory_space<vmem_shared>> -> memref<384xf32, #tpu.memory_space<vmem_shared>>
      %dma_wait3A_80 = tpu.memref_slice %arg9[%mul3A_22] : memref<6144xf32, #tpu.memory_space<hbm>> -> memref<384xf32, #tpu.memory_space<hbm>>
      tpu.wait_dma2 semaphore(%run_scoped3A : memref<!tpu.dma_semaphore, #tpu.memory_space<semaphore_mem>>) src(%dma_wait3A_80 : memref<384xf32, #tpu.memory_space<hbm>>) dst(%dma_wait3A : memref<384xf32, #tpu.memory_space<vmem_shared>>)
      tpu.yield
    }) : () -> ()
    %barrier3A = arith.constant 0 : index
    tpu.barrier barrier_id(%barrier3A)
    %add3A_25 = arith.constant 0 : i32
    %add3A_26 = arith.addi %add3A, %add3A_25 : i32
    %lt3A = arith.constant 36 : i32
    %lt3A_27 = arith.cmpi slt, %add3A_26, %lt3A : i32
    %convert_element_type3A = arith.extui %lt3A_27 : i1 to i32
    %cond3A = arith.constant 0 : i32
    %cond3A_28 = arith.cmpi ne, %convert_element_type3A, %cond3A : i32
    scf.if %cond3A_28 {
      %mul3A_79 = arith.constant 8 : i32
      %mul3A_80 = arith.muli %add3A_26, %mul3A_79 : i32
      %multiple_of3A = tpu.assume_multiple %mul3A_80, 8 : i32
      "tpu.region"() ({
        %run_scoped3A = tpu.sem_alloc : memref<!tpu.dma_semaphore, #tpu.memory_space<semaphore_mem>>
        %dma_start3A_1039 = arith.constant 0 : i32
        %dma_start3A_1040 = tpu.memref_slice %arg2[%multiple_of3A, %dma_start3A_1039] : memref<288x128xi32, #tpu.memory_space<hbm>> -> memref<8x128xi32, #tpu.memory_space<hbm>>
        %dma_start3A_1041 = arith.constant 0 : i32
        %dma_start3A_1042 = tpu.memref_slice %arg2[%multiple_of3A, %dma_start3A_1041] : memref<288x128xi32, #tpu.memory_space<hbm>> -> memref<8x128xi32, #tpu.memory_space<hbm>>
        tpu.enqueue_dma source(%dma_start3A_1042 : memref<8x128xi32, #tpu.memory_space<hbm>>) target(%arg16 : memref<8x128xi32, #tpu.memory_space<vmem>>) target_semaphore(%run_scoped3A : memref<!tpu.dma_semaphore, #tpu.memory_space<semaphore_mem>>)
        %dma_wait3A_1043 = arith.constant 0 : i32
        %dma_wait3A_1044 = tpu.memref_slice %arg2[%multiple_of3A, %dma_wait3A_1043] : memref<288x128xi32, #tpu.memory_space<hbm>> -> memref<8x128xi32, #tpu.memory_space<hbm>>
        %dma_wait3A_1045 = arith.constant 0 : i32
        %dma_wait3A_1046 = tpu.memref_slice %arg2[%multiple_of3A, %dma_wait3A_1045] : memref<288x128xi32, #tpu.memory_space<hbm>> -> memref<8x128xi32, #tpu.memory_space<hbm>>
        tpu.wait_dma2 semaphore(%run_scoped3A : memref<!tpu.dma_semaphore, #tpu.memory_space<semaphore_mem>>) src(%dma_wait3A_1046 : memref<8x128xi32, #tpu.memory_space<hbm>>) dst(%arg16 : memref<8x128xi32, #tpu.memory_space<vmem>>)
        tpu.yield
      }) : () -> ()
      "tpu.region"() ({
        %run_scoped3A = tpu.sem_alloc : memref<!tpu.dma_semaphore, #tpu.memory_space<semaphore_mem>>
        %dma_start3A_1039 = arith.constant 0 : i32
        %dma_start3A_1040 = tpu.memref_slice %arg3[%multiple_of3A, %dma_start3A_1039] : memref<288x128xf32, #tpu.memory_space<hbm>> -> memref<8x128xf32, #tpu.memory_space<hbm>>
        %dma_start3A_1041 = arith.constant 0 : i32
        %dma_start3A_1042 = tpu.memref_slice %arg3[%multiple_of3A, %dma_start3A_1041] : memref<288x128xf32, #tpu.memory_space<hbm>> -> memref<8x128xf32, #tpu.memory_space<hbm>>
        tpu.enqueue_dma source(%dma_start3A_1042 : memref<8x128xf32, #tpu.memory_space<hbm>>) target(%arg17 : memref<8x128xf32, #tpu.memory_space<vmem>>) target_semaphore(%run_scoped3A : memref<!tpu.dma_semaphore, #tpu.memory_space<semaphore_mem>>)
        %dma_wait3A_1043 = arith.constant 0 : i32
        %dma_wait3A_1044 = tpu.memref_slice %arg3[%multiple_of3A, %dma_wait3A_1043] : memref<288x128xf32, #tpu.memory_space<hbm>> -> memref<8x128xf32, #tpu.memory_space<hbm>>
        %dma_wait3A_1045 = arith.constant 0 : i32
        %dma_wait3A_1046 = tpu.memref_slice %arg3[%multiple_of3A, %dma_wait3A_1045] : memref<288x128xf32, #tpu.memory_space<hbm>> -> memref<8x128xf32, #tpu.memory_space<hbm>>
        tpu.wait_dma2 semaphore(%run_scoped3A : memref<!tpu.dma_semaphore, #tpu.memory_space<semaphore_mem>>) src(%dma_wait3A_1046 : memref<8x128xf32, #tpu.memory_space<hbm>>) dst(%arg17 : memref<8x128xf32, #tpu.memory_space<vmem>>)
        tpu.yield
      }) : () -> ()
      %dma_start3A = arith.constant 0 : i32
      %dma_start3A_81 = arith.constant 0 : i32
      %dma_start3A_82 = arith.constant 0 : i32
      %dma_start3A_83 = tpu.memref_slice %arg17[%dma_start3A, %dma_start3A_82] : memref<8x128xf32, #tpu.memory_space<vmem>> -> memref<1x128xf32, #tpu.memory_space<vmem>>
      %dma_start3A_84 = tpu.memref_squeeze %dma_start3A_83 : memref<1x128xf32, #tpu.memory_space<vmem>> -> memref<128xf32, #tpu.memory_space<vmem>>
      %dma_start3A_85 = arith.constant 0 : i32
      %dma_start3A_86 = tpu.memref_slice %arg16[%dma_start3A_81, %dma_start3A_85] : memref<8x128xi32, #tpu.memory_space<vmem>> -> memref<1x128xi32, #tpu.memory_space<vmem>>
      %dma_start3A_87 = tpu.memref_squeeze %dma_start3A_86 : memref<1x128xi32, #tpu.memory_space<vmem>> -> memref<128xi32, #tpu.memory_space<vmem>>
      %dma_start3A_88 = arith.constant 0 : i32
      %dma_start3A_89 = tpu.memref_slice %arg23[%dma_start3A_88] : memref<43008xf32, #tpu.memory_space<vmem_shared>> -> memref<43008xf32, #tpu.memory_space<vmem_shared>>
      tpu.enqueue_indirect_dma source(%dma_start3A_84 : memref<128xf32, #tpu.memory_space<vmem>>) target(%dma_start3A_89 : memref<43008xf32, #tpu.memory_space<vmem_shared>>) offsets(%dma_start3A_87 : memref<128xi32, #tpu.memory_space<vmem>>) semaphore(%arg29 : memref<!tpu.dma_semaphore, #tpu.memory_space<semaphore_mem>>) {add = true}
      %dma_start3A_90 = arith.constant 1 : i32
      %dma_start3A_91 = arith.constant 1 : i32
      %dma_start3A_92 = arith.constant 0 : i32
      %dma_start3A_93 = tpu.memref_slice %arg17[%dma_start3A_90, %dma_start3A_92] : memref<8x128xf32, #tpu.memory_space<vmem>> -> memref<1x128xf32, #tpu.memory_space<vmem>>
      %dma_start3A_94 = tpu.memref_squeeze %dma_start3A_93 : memref<1x128xf32, #tpu.memory_space<vmem>> -> memref<128xf32, #tpu.memory_space<vmem>>
      %dma_start3A_95 = arith.constant 0 : i32
      %dma_start3A_96 = tpu.memref_slice %arg16[%dma_start3A_91, %dma_start3A_95] : memref<8x128xi32, #tpu.memory_space<vmem>> -> memref<1x128xi32, #tpu.memory_space<vmem>>
      %dma_start3A_97 = tpu.memref_squeeze %dma_start3A_96 : memref<1x128xi32, #tpu.memory_space<vmem>> -> memref<128xi32, #tpu.memory_space<vmem>>
      %dma_start3A_98 = arith.constant 0 : i32
      %dma_start3A_99 = tpu.memref_slice %arg23[%dma_start3A_98] : memref<43008xf32, #tpu.memory_space<vmem_shared>> -> memref<43008xf32, #tpu.memory_space<vmem_shared>>
      tpu.enqueue_indirect_dma source(%dma_start3A_94 : memref<128xf32, #tpu.memory_space<vmem>>) target(%dma_start3A_99 : memref<43008xf32, #tpu.memory_space<vmem_shared>>) offsets(%dma_start3A_97 : memref<128xi32, #tpu.memory_space<vmem>>) semaphore(%arg29 : memref<!tpu.dma_semaphore, #tpu.memory_space<semaphore_mem>>) {add = true}
      %dma_start3A_100 = arith.constant 2 : i32
      %dma_start3A_101 = arith.constant 2 : i32
      %dma_start3A_102 = arith.constant 0 : i32
      %dma_start3A_103 = tpu.memref_slice %arg17[%dma_start3A_100, %dma_start3A_102] : memref<8x128xf32, #tpu.memory_space<vmem>> -> memref<1x128xf32, #tpu.memory_space<vmem>>
      %dma_start3A_104 = tpu.memref_squeeze %dma_start3A_103 : memref<1x128xf32, #tpu.memory_space<vmem>> -> memref<128xf32, #tpu.memory_space<vmem>>
      %dma_start3A_105 = arith.constant 0 : i32
      %dma_start3A_106 = tpu.memref_slice %arg16[%dma_start3A_101, %dma_start3A_105] : memref<8x128xi32, #tpu.memory_space<vmem>> -> memref<1x128xi32, #tpu.memory_space<vmem>>
      %dma_start3A_107 = tpu.memref_squeeze %dma_start3A_106 : memref<1x128xi32, #tpu.memory_space<vmem>> -> memref<128xi32, #tpu.memory_space<vmem>>
      %dma_start3A_108 = arith.constant 0 : i32
      %dma_start3A_109 = tpu.memref_slice %arg23[%dma_start3A_108] : memref<43008xf32, #tpu.memory_space<vmem_shared>> -> memref<43008xf32, #tpu.memory_space<vmem_shared>>
      tpu.enqueue_indirect_dma source(%dma_start3A_104 : memref<128xf32, #tpu.memory_space<vmem>>) target(%dma_start3A_109 : memref<43008xf32, #tpu.memory_space<vmem_shared>>) offsets(%dma_start3A_107 : memref<128xi32, #tpu.memory_space<vmem>>) semaphore(%arg29 : memref<!tpu.dma_semaphore, #tpu.memory_space<semaphore_mem>>) {add = true}
      %dma_start3A_110 = arith.constant 3 : i32
      %dma_start3A_111 = arith.constant 3 : i32
      %dma_start3A_112 = arith.constant 0 : i32
      %dma_start3A_113 = tpu.memref_slice %arg17[%dma_start3A_110, %dma_start3A_112] : memref<8x128xf32, #tpu.memory_space<vmem>> -> memref<1x128xf32, #tpu.memory_space<vmem>>
      %dma_start3A_114 = tpu.memref_squeeze %dma_start3A_113 : memref<1x128xf32, #tpu.memory_space<vmem>> -> memref<128xf32, #tpu.memory_space<vmem>>
      %dma_start3A_115 = arith.constant 0 : i32
      %dma_start3A_116 = tpu.memref_slice %arg16[%dma_start3A_111, %dma_start3A_115] : memref<8x128xi32, #tpu.memory_space<vmem>> -> memref<1x128xi32, #tpu.memory_space<vmem>>
      %dma_start3A_117 = tpu.memref_squeeze %dma_start3A_116 : memref<1x128xi32, #tpu.memory_space<vmem>> -> memref<128xi32, #tpu.memory_space<vmem>>
      %dma_start3A_118 = arith.constant 0 : i32
      %dma_start3A_119 = tpu.memref_slice %arg23[%dma_start3A_118] : memref<43008xf32, #tpu.memory_space<vmem_shared>> -> memref<43008xf32, #tpu.memory_space<vmem_shared>>
      tpu.enqueue_indirect_dma source(%dma_start3A_114 : memref<128xf32, #tpu.memory_space<vmem>>) target(%dma_start3A_119 : memref<43008xf32, #tpu.memory_space<vmem_shared>>) offsets(%dma_start3A_117 : memref<128xi32, #tpu.memory_space<vmem>>) semaphore(%arg29 : memref<!tpu.dma_semaphore, #tpu.memory_space<semaphore_mem>>) {add = true}
      %dma_start3A_120 = arith.constant 4 : i32
      %dma_start3A_121 = arith.constant 4 : i32
      %dma_start3A_122 = arith.constant 0 : i32
      %dma_start3A_123 = tpu.memref_slice %arg17[%dma_start3A_120, %dma_start3A_122] : memref<8x128xf32, #tpu.memory_space<vmem>> -> memref<1x128xf32, #tpu.memory_space<vmem>>
      %dma_start3A_124 = tpu.memref_squeeze %dma_start3A_123 : memref<1x128xf32, #tpu.memory_space<vmem>> -> memref<128xf32, #tpu.memory_space<vmem>>
      %dma_start3A_125 = arith.constant 0 : i32
      %dma_start3A_126 = tpu.memref_slice %arg16[%dma_start3A_121, %dma_start3A_125] : memref<8x128xi32, #tpu.memory_space<vmem>> -> memref<1x128xi32, #tpu.memory_space<vmem>>
      %dma_start3A_127 = tpu.memref_squeeze %dma_start3A_126 : memref<1x128xi32, #tpu.memory_space<vmem>> -> memref<128xi32, #tpu.memory_space<vmem>>
      %dma_start3A_128 = arith.constant 0 : i32
      %dma_start3A_129 = tpu.memref_slice %arg23[%dma_start3A_128] : memref<43008xf32, #tpu.memory_space<vmem_shared>> -> memref<43008xf32, #tpu.memory_space<vmem_shared>>
      tpu.enqueue_indirect_dma source(%dma_start3A_124 : memref<128xf32, #tpu.memory_space<vmem>>) target(%dma_start3A_129 : memref<43008xf32, #tpu.memory_space<vmem_shared>>) offsets(%dma_start3A_127 : memref<128xi32, #tpu.memory_space<vmem>>) semaphore(%arg29 : memref<!tpu.dma_semaphore, #tpu.memory_space<semaphore_mem>>) {add = true}
      %dma_start3A_130 = arith.constant 5 : i32
      %dma_start3A_131 = arith.constant 5 : i32
      %dma_start3A_132 = arith.constant 0 : i32
      %dma_start3A_133 = tpu.memref_slice %arg17[%dma_start3A_130, %dma_start3A_132] : memref<8x128xf32, #tpu.memory_space<vmem>> -> memref<1x128xf32, #tpu.memory_space<vmem>>
      %dma_start3A_134 = tpu.memref_squeeze %dma_start3A_133 : memref<1x128xf32, #tpu.memory_space<vmem>> -> memref<128xf32, #tpu.memory_space<vmem>>
      %dma_start3A_135 = arith.constant 0 : i32
      %dma_start3A_136 = tpu.memref_slice %arg16[%dma_start3A_131, %dma_start3A_135] : memref<8x128xi32, #tpu.memory_space<vmem>> -> memref<1x128xi32, #tpu.memory_space<vmem>>
      %dma_start3A_137 = tpu.memref_squeeze %dma_start3A_136 : memref<1x128xi32, #tpu.memory_space<vmem>> -> memref<128xi32, #tpu.memory_space<vmem>>
      %dma_start3A_138 = arith.constant 0 : i32
      %dma_start3A_139 = tpu.memref_slice %arg23[%dma_start3A_138] : memref<43008xf32, #tpu.memory_space<vmem_shared>> -> memref<43008xf32, #tpu.memory_space<vmem_shared>>
      tpu.enqueue_indirect_dma source(%dma_start3A_134 : memref<128xf32, #tpu.memory_space<vmem>>) target(%dma_start3A_139 : memref<43008xf32, #tpu.memory_space<vmem_shared>>) offsets(%dma_start3A_137 : memref<128xi32, #tpu.memory_space<vmem>>) semaphore(%arg29 : memref<!tpu.dma_semaphore, #tpu.memory_space<semaphore_mem>>) {add = true}
      %dma_start3A_140 = arith.constant 6 : i32
      %dma_start3A_141 = arith.constant 6 : i32
      %dma_start3A_142 = arith.constant 0 : i32
      %dma_start3A_143 = tpu.memref_slice %arg17[%dma_start3A_140, %dma_start3A_142] : memref<8x128xf32, #tpu.memory_space<vmem>> -> memref<1x128xf32, #tpu.memory_space<vmem>>
      %dma_start3A_144 = tpu.memref_squeeze %dma_start3A_143 : memref<1x128xf32, #tpu.memory_space<vmem>> -> memref<128xf32, #tpu.memory_space<vmem>>
      %dma_start3A_145 = arith.constant 0 : i32
      %dma_start3A_146 = tpu.memref_slice %arg16[%dma_start3A_141, %dma_start3A_145] : memref<8x128xi32, #tpu.memory_space<vmem>> -> memref<1x128xi32, #tpu.memory_space<vmem>>
      %dma_start3A_147 = tpu.memref_squeeze %dma_start3A_146 : memref<1x128xi32, #tpu.memory_space<vmem>> -> memref<128xi32, #tpu.memory_space<vmem>>
      %dma_start3A_148 = arith.constant 0 : i32
      %dma_start3A_149 = tpu.memref_slice %arg23[%dma_start3A_148] : memref<43008xf32, #tpu.memory_space<vmem_shared>> -> memref<43008xf32, #tpu.memory_space<vmem_shared>>
      tpu.enqueue_indirect_dma source(%dma_start3A_144 : memref<128xf32, #tpu.memory_space<vmem>>) target(%dma_start3A_149 : memref<43008xf32, #tpu.memory_space<vmem_shared>>) offsets(%dma_start3A_147 : memref<128xi32, #tpu.memory_space<vmem>>) semaphore(%arg29 : memref<!tpu.dma_semaphore, #tpu.memory_space<semaphore_mem>>) {add = true}
      %dma_start3A_150 = arith.constant 7 : i32
      %dma_start3A_151 = arith.constant 7 : i32
      %dma_start3A_152 = arith.constant 0 : i32
      %dma_start3A_153 = tpu.memref_slice %arg17[%dma_start3A_150, %dma_start3A_152] : memref<8x128xf32, #tpu.memory_space<vmem>> -> memref<1x128xf32, #tpu.memory_space<vmem>>
      %dma_start3A_154 = tpu.memref_squeeze %dma_start3A_153 : memref<1x128xf32, #tpu.memory_space<vmem>> -> memref<128xf32, #tpu.memory_space<vmem>>
      %dma_start3A_155 = arith.constant 0 : i32
      %dma_start3A_156 = tpu.memref_slice %arg16[%dma_start3A_151, %dma_start3A_155] : memref<8x128xi32, #tpu.memory_space<vmem>> -> memref<1x128xi32, #tpu.memory_space<vmem>>
      %dma_start3A_157 = tpu.memref_squeeze %dma_start3A_156 : memref<1x128xi32, #tpu.memory_space<vmem>> -> memref<128xi32, #tpu.memory_space<vmem>>
      %dma_start3A_158 = arith.constant 0 : i32
      %dma_start3A_159 = tpu.memref_slice %arg23[%dma_start3A_158] : memref<43008xf32, #tpu.memory_space<vmem_shared>> -> memref<43008xf32, #tpu.memory_space<vmem_shared>>
      tpu.enqueue_indirect_dma source(%dma_start3A_154 : memref<128xf32, #tpu.memory_space<vmem>>) target(%dma_start3A_159 : memref<43008xf32, #tpu.memory_space<vmem_shared>>) offsets(%dma_start3A_157 : memref<128xi32, #tpu.memory_space<vmem>>) semaphore(%arg29 : memref<!tpu.dma_semaphore, #tpu.memory_space<semaphore_mem>>) {add = true}
      "tpu.region"() ({
        %run_scoped3A = tpu.sem_alloc : memref<!tpu.dma_semaphore, #tpu.memory_space<semaphore_mem>>
        %dma_start3A_1039 = arith.constant 0 : i32
        %dma_start3A_1040 = tpu.memref_slice %arg4[%multiple_of3A, %dma_start3A_1039] : memref<288x128xf32, #tpu.memory_space<hbm>> -> memref<8x128xf32, #tpu.memory_space<hbm>>
        %dma_start3A_1041 = arith.constant 0 : i32
        %dma_start3A_1042 = tpu.memref_slice %arg4[%multiple_of3A, %dma_start3A_1041] : memref<288x128xf32, #tpu.memory_space<hbm>> -> memref<8x128xf32, #tpu.memory_space<hbm>>
        tpu.enqueue_dma source(%dma_start3A_1042 : memref<8x128xf32, #tpu.memory_space<hbm>>) target(%arg18 : memref<8x128xf32, #tpu.memory_space<vmem>>) target_semaphore(%run_scoped3A : memref<!tpu.dma_semaphore, #tpu.memory_space<semaphore_mem>>)
        %dma_wait3A_1043 = arith.constant 0 : i32
        %dma_wait3A_1044 = tpu.memref_slice %arg4[%multiple_of3A, %dma_wait3A_1043] : memref<288x128xf32, #tpu.memory_space<hbm>> -> memref<8x128xf32, #tpu.memory_space<hbm>>
        %dma_wait3A_1045 = arith.constant 0 : i32
        %dma_wait3A_1046 = tpu.memref_slice %arg4[%multiple_of3A, %dma_wait3A_1045] : memref<288x128xf32, #tpu.memory_space<hbm>> -> memref<8x128xf32, #tpu.memory_space<hbm>>
        tpu.wait_dma2 semaphore(%run_scoped3A : memref<!tpu.dma_semaphore, #tpu.memory_space<semaphore_mem>>) src(%dma_wait3A_1046 : memref<8x128xf32, #tpu.memory_space<hbm>>) dst(%arg18 : memref<8x128xf32, #tpu.memory_space<vmem>>)
        tpu.yield
      }) : () -> ()
      %dma_start3A_160 = arith.constant 0 : i32
      %dma_start3A_161 = arith.constant 0 : i32
      %dma_start3A_162 = arith.constant 0 : i32
      %dma_start3A_163 = tpu.memref_slice %arg18[%dma_start3A_160, %dma_start3A_162] : memref<8x128xf32, #tpu.memory_space<vmem>> -> memref<1x128xf32, #tpu.memory_space<vmem>>
      %dma_start3A_164 = tpu.memref_squeeze %dma_start3A_163 : memref<1x128xf32, #tpu.memory_space<vmem>> -> memref<128xf32, #tpu.memory_space<vmem>>
      %dma_start3A_165 = arith.constant 0 : i32
      %dma_start3A_166 = tpu.memref_slice %arg16[%dma_start3A_161, %dma_start3A_165] : memref<8x128xi32, #tpu.memory_space<vmem>> -> memref<1x128xi32, #tpu.memory_space<vmem>>
      %dma_start3A_167 = tpu.memref_squeeze %dma_start3A_166 : memref<1x128xi32, #tpu.memory_space<vmem>> -> memref<128xi32, #tpu.memory_space<vmem>>
      %dma_start3A_168 = arith.constant 0 : i32
      %dma_start3A_169 = tpu.memref_slice %arg24[%dma_start3A_168] : memref<43008xf32, #tpu.memory_space<vmem_shared>> -> memref<43008xf32, #tpu.memory_space<vmem_shared>>
      tpu.enqueue_indirect_dma source(%dma_start3A_164 : memref<128xf32, #tpu.memory_space<vmem>>) target(%dma_start3A_169 : memref<43008xf32, #tpu.memory_space<vmem_shared>>) offsets(%dma_start3A_167 : memref<128xi32, #tpu.memory_space<vmem>>) semaphore(%arg29 : memref<!tpu.dma_semaphore, #tpu.memory_space<semaphore_mem>>) {add = true}
      %dma_start3A_170 = arith.constant 1 : i32
      %dma_start3A_171 = arith.constant 1 : i32
      %dma_start3A_172 = arith.constant 0 : i32
      %dma_start3A_173 = tpu.memref_slice %arg18[%dma_start3A_170, %dma_start3A_172] : memref<8x128xf32, #tpu.memory_space<vmem>> -> memref<1x128xf32, #tpu.memory_space<vmem>>
      %dma_start3A_174 = tpu.memref_squeeze %dma_start3A_173 : memref<1x128xf32, #tpu.memory_space<vmem>> -> memref<128xf32, #tpu.memory_space<vmem>>
      %dma_start3A_175 = arith.constant 0 : i32
      %dma_start3A_176 = tpu.memref_slice %arg16[%dma_start3A_171, %dma_start3A_175] : memref<8x128xi32, #tpu.memory_space<vmem>> -> memref<1x128xi32, #tpu.memory_space<vmem>>
      %dma_start3A_177 = tpu.memref_squeeze %dma_start3A_176 : memref<1x128xi32, #tpu.memory_space<vmem>> -> memref<128xi32, #tpu.memory_space<vmem>>
      %dma_start3A_178 = arith.constant 0 : i32
      %dma_start3A_179 = tpu.memref_slice %arg24[%dma_start3A_178] : memref<43008xf32, #tpu.memory_space<vmem_shared>> -> memref<43008xf32, #tpu.memory_space<vmem_shared>>
      tpu.enqueue_indirect_dma source(%dma_start3A_174 : memref<128xf32, #tpu.memory_space<vmem>>) target(%dma_start3A_179 : memref<43008xf32, #tpu.memory_space<vmem_shared>>) offsets(%dma_start3A_177 : memref<128xi32, #tpu.memory_space<vmem>>) semaphore(%arg29 : memref<!tpu.dma_semaphore, #tpu.memory_space<semaphore_mem>>) {add = true}
      %dma_start3A_180 = arith.constant 2 : i32
      %dma_start3A_181 = arith.constant 2 : i32
      %dma_start3A_182 = arith.constant 0 : i32
      %dma_start3A_183 = tpu.memref_slice %arg18[%dma_start3A_180, %dma_start3A_182] : memref<8x128xf32, #tpu.memory_space<vmem>> -> memref<1x128xf32, #tpu.memory_space<vmem>>
      %dma_start3A_184 = tpu.memref_squeeze %dma_start3A_183 : memref<1x128xf32, #tpu.memory_space<vmem>> -> memref<128xf32, #tpu.memory_space<vmem>>
      %dma_start3A_185 = arith.constant 0 : i32
      %dma_start3A_186 = tpu.memref_slice %arg16[%dma_start3A_181, %dma_start3A_185] : memref<8x128xi32, #tpu.memory_space<vmem>> -> memref<1x128xi32, #tpu.memory_space<vmem>>
      %dma_start3A_187 = tpu.memref_squeeze %dma_start3A_186 : memref<1x128xi32, #tpu.memory_space<vmem>> -> memref<128xi32, #tpu.memory_space<vmem>>
      %dma_start3A_188 = arith.constant 0 : i32
      %dma_start3A_189 = tpu.memref_slice %arg24[%dma_start3A_188] : memref<43008xf32, #tpu.memory_space<vmem_shared>> -> memref<43008xf32, #tpu.memory_space<vmem_shared>>
      tpu.enqueue_indirect_dma source(%dma_start3A_184 : memref<128xf32, #tpu.memory_space<vmem>>) target(%dma_start3A_189 : memref<43008xf32, #tpu.memory_space<vmem_shared>>) offsets(%dma_start3A_187 : memref<128xi32, #tpu.memory_space<vmem>>) semaphore(%arg29 : memref<!tpu.dma_semaphore, #tpu.memory_space<semaphore_mem>>) {add = true}
      %dma_start3A_190 = arith.constant 3 : i32
      %dma_start3A_191 = arith.constant 3 : i32
      %dma_start3A_192 = arith.constant 0 : i32
      %dma_start3A_193 = tpu.memref_slice %arg18[%dma_start3A_190, %dma_start3A_192] : memref<8x128xf32, #tpu.memory_space<vmem>> -> memref<1x128xf32, #tpu.memory_space<vmem>>
      %dma_start3A_194 = tpu.memref_squeeze %dma_start3A_193 : memref<1x128xf32, #tpu.memory_space<vmem>> -> memref<128xf32, #tpu.memory_space<vmem>>
      %dma_start3A_195 = arith.constant 0 : i32
      %dma_start3A_196 = tpu.memref_slice %arg16[%dma_start3A_191, %dma_start3A_195] : memref<8x128xi32, #tpu.memory_space<vmem>> -> memref<1x128xi32, #tpu.memory_space<vmem>>
      %dma_start3A_197 = tpu.memref_squeeze %dma_start3A_196 : memref<1x128xi32, #tpu.memory_space<vmem>> -> memref<128xi32, #tpu.memory_space<vmem>>
      %dma_start3A_198 = arith.constant 0 : i32
      %dma_start3A_199 = tpu.memref_slice %arg24[%dma_start3A_198] : memref<43008xf32, #tpu.memory_space<vmem_shared>> -> memref<43008xf32, #tpu.memory_space<vmem_shared>>
      tpu.enqueue_indirect_dma source(%dma_start3A_194 : memref<128xf32, #tpu.memory_space<vmem>>) target(%dma_start3A_199 : memref<43008xf32, #tpu.memory_space<vmem_shared>>) offsets(%dma_start3A_197 : memref<128xi32, #tpu.memory_space<vmem>>) semaphore(%arg29 : memref<!tpu.dma_semaphore, #tpu.memory_space<semaphore_mem>>) {add = true}
      %dma_start3A_200 = arith.constant 4 : i32
      %dma_start3A_201 = arith.constant 4 : i32
      %dma_start3A_202 = arith.constant 0 : i32
      %dma_start3A_203 = tpu.memref_slice %arg18[%dma_start3A_200, %dma_start3A_202] : memref<8x128xf32, #tpu.memory_space<vmem>> -> memref<1x128xf32, #tpu.memory_space<vmem>>
      %dma_start3A_204 = tpu.memref_squeeze %dma_start3A_203 : memref<1x128xf32, #tpu.memory_space<vmem>> -> memref<128xf32, #tpu.memory_space<vmem>>
      %dma_start3A_205 = arith.constant 0 : i32
      %dma_start3A_206 = tpu.memref_slice %arg16[%dma_start3A_201, %dma_start3A_205] : memref<8x128xi32, #tpu.memory_space<vmem>> -> memref<1x128xi32, #tpu.memory_space<vmem>>
      %dma_start3A_207 = tpu.memref_squeeze %dma_start3A_206 : memref<1x128xi32, #tpu.memory_space<vmem>> -> memref<128xi32, #tpu.memory_space<vmem>>
      %dma_start3A_208 = arith.constant 0 : i32
      %dma_start3A_209 = tpu.memref_slice %arg24[%dma_start3A_208] : memref<43008xf32, #tpu.memory_space<vmem_shared>> -> memref<43008xf32, #tpu.memory_space<vmem_shared>>
      tpu.enqueue_indirect_dma source(%dma_start3A_204 : memref<128xf32, #tpu.memory_space<vmem>>) target(%dma_start3A_209 : memref<43008xf32, #tpu.memory_space<vmem_shared>>) offsets(%dma_start3A_207 : memref<128xi32, #tpu.memory_space<vmem>>) semaphore(%arg29 : memref<!tpu.dma_semaphore, #tpu.memory_space<semaphore_mem>>) {add = true}
      %dma_start3A_210 = arith.constant 5 : i32
      %dma_start3A_211 = arith.constant 5 : i32
      %dma_start3A_212 = arith.constant 0 : i32
      %dma_start3A_213 = tpu.memref_slice %arg18[%dma_start3A_210, %dma_start3A_212] : memref<8x128xf32, #tpu.memory_space<vmem>> -> memref<1x128xf32, #tpu.memory_space<vmem>>
      %dma_start3A_214 = tpu.memref_squeeze %dma_start3A_213 : memref<1x128xf32, #tpu.memory_space<vmem>> -> memref<128xf32, #tpu.memory_space<vmem>>
      %dma_start3A_215 = arith.constant 0 : i32
      %dma_start3A_216 = tpu.memref_slice %arg16[%dma_start3A_211, %dma_start3A_215] : memref<8x128xi32, #tpu.memory_space<vmem>> -> memref<1x128xi32, #tpu.memory_space<vmem>>
      %dma_start3A_217 = tpu.memref_squeeze %dma_start3A_216 : memref<1x128xi32, #tpu.memory_space<vmem>> -> memref<128xi32, #tpu.memory_space<vmem>>
      %dma_start3A_218 = arith.constant 0 : i32
      %dma_start3A_219 = tpu.memref_slice %arg24[%dma_start3A_218] : memref<43008xf32, #tpu.memory_space<vmem_shared>> -> memref<43008xf32, #tpu.memory_space<vmem_shared>>
      tpu.enqueue_indirect_dma source(%dma_start3A_214 : memref<128xf32, #tpu.memory_space<vmem>>) target(%dma_start3A_219 : memref<43008xf32, #tpu.memory_space<vmem_shared>>) offsets(%dma_start3A_217 : memref<128xi32, #tpu.memory_space<vmem>>) semaphore(%arg29 : memref<!tpu.dma_semaphore, #tpu.memory_space<semaphore_mem>>) {add = true}
      %dma_start3A_220 = arith.constant 6 : i32
      %dma_start3A_221 = arith.constant 6 : i32
      %dma_start3A_222 = arith.constant 0 : i32
      %dma_start3A_223 = tpu.memref_slice %arg18[%dma_start3A_220, %dma_start3A_222] : memref<8x128xf32, #tpu.memory_space<vmem>> -> memref<1x128xf32, #tpu.memory_space<vmem>>
      %dma_start3A_224 = tpu.memref_squeeze %dma_start3A_223 : memref<1x128xf32, #tpu.memory_space<vmem>> -> memref<128xf32, #tpu.memory_space<vmem>>
      %dma_start3A_225 = arith.constant 0 : i32
      %dma_start3A_226 = tpu.memref_slice %arg16[%dma_start3A_221, %dma_start3A_225] : memref<8x128xi32, #tpu.memory_space<vmem>> -> memref<1x128xi32, #tpu.memory_space<vmem>>
      %dma_start3A_227 = tpu.memref_squeeze %dma_start3A_226 : memref<1x128xi32, #tpu.memory_space<vmem>> -> memref<128xi32, #tpu.memory_space<vmem>>
      %dma_start3A_228 = arith.constant 0 : i32
      %dma_start3A_229 = tpu.memref_slice %arg24[%dma_start3A_228] : memref<43008xf32, #tpu.memory_space<vmem_shared>> -> memref<43008xf32, #tpu.memory_space<vmem_shared>>
      tpu.enqueue_indirect_dma source(%dma_start3A_224 : memref<128xf32, #tpu.memory_space<vmem>>) target(%dma_start3A_229 : memref<43008xf32, #tpu.memory_space<vmem_shared>>) offsets(%dma_start3A_227 : memref<128xi32, #tpu.memory_space<vmem>>) semaphore(%arg29 : memref<!tpu.dma_semaphore, #tpu.memory_space<semaphore_mem>>) {add = true}
      %dma_start3A_230 = arith.constant 7 : i32
      %dma_start3A_231 = arith.constant 7 : i32
      %dma_start3A_232 = arith.constant 0 : i32
      %dma_start3A_233 = tpu.memref_slice %arg18[%dma_start3A_230, %dma_start3A_232] : memref<8x128xf32, #tpu.memory_space<vmem>> -> memref<1x128xf32, #tpu.memory_space<vmem>>
      %dma_start3A_234 = tpu.memref_squeeze %dma_start3A_233 : memref<1x128xf32, #tpu.memory_space<vmem>> -> memref<128xf32, #tpu.memory_space<vmem>>
      %dma_start3A_235 = arith.constant 0 : i32
      %dma_start3A_236 = tpu.memref_slice %arg16[%dma_start3A_231, %dma_start3A_235] : memref<8x128xi32, #tpu.memory_space<vmem>> -> memref<1x128xi32, #tpu.memory_space<vmem>>
      %dma_start3A_237 = tpu.memref_squeeze %dma_start3A_236 : memref<1x128xi32, #tpu.memory_space<vmem>> -> memref<128xi32, #tpu.memory_space<vmem>>
      %dma_start3A_238 = arith.constant 0 : i32
      %dma_start3A_239 = tpu.memref_slice %arg24[%dma_start3A_238] : memref<43008xf32, #tpu.memory_space<vmem_shared>> -> memref<43008xf32, #tpu.memory_space<vmem_shared>>
      tpu.enqueue_indirect_dma source(%dma_start3A_234 : memref<128xf32, #tpu.memory_space<vmem>>) target(%dma_start3A_239 : memref<43008xf32, #tpu.memory_space<vmem_shared>>) offsets(%dma_start3A_237 : memref<128xi32, #tpu.memory_space<vmem>>) semaphore(%arg29 : memref<!tpu.dma_semaphore, #tpu.memory_space<semaphore_mem>>) {add = true}
      "tpu.region"() ({
        %run_scoped3A = tpu.sem_alloc : memref<!tpu.dma_semaphore, #tpu.memory_space<semaphore_mem>>
        %dma_start3A_1039 = arith.constant 0 : i32
        %dma_start3A_1040 = tpu.memref_slice %arg5[%multiple_of3A, %dma_start3A_1039] : memref<288x128xf32, #tpu.memory_space<hbm>> -> memref<8x128xf32, #tpu.memory_space<hbm>>
        %dma_start3A_1041 = arith.constant 0 : i32
        %dma_start3A_1042 = tpu.memref_slice %arg5[%multiple_of3A, %dma_start3A_1041] : memref<288x128xf32, #tpu.memory_space<hbm>> -> memref<8x128xf32, #tpu.memory_space<hbm>>
        tpu.enqueue_dma source(%dma_start3A_1042 : memref<8x128xf32, #tpu.memory_space<hbm>>) target(%arg19 : memref<8x128xf32, #tpu.memory_space<vmem>>) target_semaphore(%run_scoped3A : memref<!tpu.dma_semaphore, #tpu.memory_space<semaphore_mem>>)
        %dma_wait3A_1043 = arith.constant 0 : i32
        %dma_wait3A_1044 = tpu.memref_slice %arg5[%multiple_of3A, %dma_wait3A_1043] : memref<288x128xf32, #tpu.memory_space<hbm>> -> memref<8x128xf32, #tpu.memory_space<hbm>>
        %dma_wait3A_1045 = arith.constant 0 : i32
        %dma_wait3A_1046 = tpu.memref_slice %arg5[%multiple_of3A, %dma_wait3A_1045] : memref<288x128xf32, #tpu.memory_space<hbm>> -> memref<8x128xf32, #tpu.memory_space<hbm>>
        tpu.wait_dma2 semaphore(%run_scoped3A : memref<!tpu.dma_semaphore, #tpu.memory_space<semaphore_mem>>) src(%dma_wait3A_1046 : memref<8x128xf32, #tpu.memory_space<hbm>>) dst(%arg19 : memref<8x128xf32, #tpu.memory_space<vmem>>)
        tpu.yield
      }) : () -> ()
      %dma_start3A_240 = arith.constant 0 : i32
      %dma_start3A_241 = arith.constant 0 : i32
      %dma_start3A_242 = arith.constant 0 : i32
      %dma_start3A_243 = tpu.memref_slice %arg19[%dma_start3A_240, %dma_start3A_242] : memref<8x128xf32, #tpu.memory_space<vmem>> -> memref<1x128xf32, #tpu.memory_space<vmem>>
      %dma_start3A_244 = tpu.memref_squeeze %dma_start3A_243 : memref<1x128xf32, #tpu.memory_space<vmem>> -> memref<128xf32, #tpu.memory_space<vmem>>
      %dma_start3A_245 = arith.constant 0 : i32
      %dma_start3A_246 = tpu.memref_slice %arg16[%dma_start3A_241, %dma_start3A_245] : memref<8x128xi32, #tpu.memory_space<vmem>> -> memref<1x128xi32, #tpu.memory_space<vmem>>
      %dma_start3A_247 = tpu.memref_squeeze %dma_start3A_246 : memref<1x128xi32, #tpu.memory_space<vmem>> -> memref<128xi32, #tpu.memory_space<vmem>>
      %dma_start3A_248 = arith.constant 0 : i32
      %dma_start3A_249 = tpu.memref_slice %arg25[%dma_start3A_248] : memref<43008xf32, #tpu.memory_space<vmem_shared>> -> memref<43008xf32, #tpu.memory_space<vmem_shared>>
      tpu.enqueue_indirect_dma source(%dma_start3A_244 : memref<128xf32, #tpu.memory_space<vmem>>) target(%dma_start3A_249 : memref<43008xf32, #tpu.memory_space<vmem_shared>>) offsets(%dma_start3A_247 : memref<128xi32, #tpu.memory_space<vmem>>) semaphore(%arg29 : memref<!tpu.dma_semaphore, #tpu.memory_space<semaphore_mem>>) {add = true}
      %dma_start3A_250 = arith.constant 1 : i32
      %dma_start3A_251 = arith.constant 1 : i32
      %dma_start3A_252 = arith.constant 0 : i32
      %dma_start3A_253 = tpu.memref_slice %arg19[%dma_start3A_250, %dma_start3A_252] : memref<8x128xf32, #tpu.memory_space<vmem>> -> memref<1x128xf32, #tpu.memory_space<vmem>>
      %dma_start3A_254 = tpu.memref_squeeze %dma_start3A_253 : memref<1x128xf32, #tpu.memory_space<vmem>> -> memref<128xf32, #tpu.memory_space<vmem>>
      %dma_start3A_255 = arith.constant 0 : i32
      %dma_start3A_256 = tpu.memref_slice %arg16[%dma_start3A_251, %dma_start3A_255] : memref<8x128xi32, #tpu.memory_space<vmem>> -> memref<1x128xi32, #tpu.memory_space<vmem>>
      %dma_start3A_257 = tpu.memref_squeeze %dma_start3A_256 : memref<1x128xi32, #tpu.memory_space<vmem>> -> memref<128xi32, #tpu.memory_space<vmem>>
      %dma_start3A_258 = arith.constant 0 : i32
      %dma_start3A_259 = tpu.memref_slice %arg25[%dma_start3A_258] : memref<43008xf32, #tpu.memory_space<vmem_shared>> -> memref<43008xf32, #tpu.memory_space<vmem_shared>>
      tpu.enqueue_indirect_dma source(%dma_start3A_254 : memref<128xf32, #tpu.memory_space<vmem>>) target(%dma_start3A_259 : memref<43008xf32, #tpu.memory_space<vmem_shared>>) offsets(%dma_start3A_257 : memref<128xi32, #tpu.memory_space<vmem>>) semaphore(%arg29 : memref<!tpu.dma_semaphore, #tpu.memory_space<semaphore_mem>>) {add = true}
      %dma_start3A_260 = arith.constant 2 : i32
      %dma_start3A_261 = arith.constant 2 : i32
      %dma_start3A_262 = arith.constant 0 : i32
      %dma_start3A_263 = tpu.memref_slice %arg19[%dma_start3A_260, %dma_start3A_262] : memref<8x128xf32, #tpu.memory_space<vmem>> -> memref<1x128xf32, #tpu.memory_space<vmem>>
      %dma_start3A_264 = tpu.memref_squeeze %dma_start3A_263 : memref<1x128xf32, #tpu.memory_space<vmem>> -> memref<128xf32, #tpu.memory_space<vmem>>
      %dma_start3A_265 = arith.constant 0 : i32
      %dma_start3A_266 = tpu.memref_slice %arg16[%dma_start3A_261, %dma_start3A_265] : memref<8x128xi32, #tpu.memory_space<vmem>> -> memref<1x128xi32, #tpu.memory_space<vmem>>
      %dma_start3A_267 = tpu.memref_squeeze %dma_start3A_266 : memref<1x128xi32, #tpu.memory_space<vmem>> -> memref<128xi32, #tpu.memory_space<vmem>>
      %dma_start3A_268 = arith.constant 0 : i32
      %dma_start3A_269 = tpu.memref_slice %arg25[%dma_start3A_268] : memref<43008xf32, #tpu.memory_space<vmem_shared>> -> memref<43008xf32, #tpu.memory_space<vmem_shared>>
      tpu.enqueue_indirect_dma source(%dma_start3A_264 : memref<128xf32, #tpu.memory_space<vmem>>) target(%dma_start3A_269 : memref<43008xf32, #tpu.memory_space<vmem_shared>>) offsets(%dma_start3A_267 : memref<128xi32, #tpu.memory_space<vmem>>) semaphore(%arg29 : memref<!tpu.dma_semaphore, #tpu.memory_space<semaphore_mem>>) {add = true}
      %dma_start3A_270 = arith.constant 3 : i32
      %dma_start3A_271 = arith.constant 3 : i32
      %dma_start3A_272 = arith.constant 0 : i32
      %dma_start3A_273 = tpu.memref_slice %arg19[%dma_start3A_270, %dma_start3A_272] : memref<8x128xf32, #tpu.memory_space<vmem>> -> memref<1x128xf32, #tpu.memory_space<vmem>>
      %dma_start3A_274 = tpu.memref_squeeze %dma_start3A_273 : memref<1x128xf32, #tpu.memory_space<vmem>> -> memref<128xf32, #tpu.memory_space<vmem>>
      %dma_start3A_275 = arith.constant 0 : i32
      %dma_start3A_276 = tpu.memref_slice %arg16[%dma_start3A_271, %dma_start3A_275] : memref<8x128xi32, #tpu.memory_space<vmem>> -> memref<1x128xi32, #tpu.memory_space<vmem>>
      %dma_start3A_277 = tpu.memref_squeeze %dma_start3A_276 : memref<1x128xi32, #tpu.memory_space<vmem>> -> memref<128xi32, #tpu.memory_space<vmem>>
      %dma_start3A_278 = arith.constant 0 : i32
      %dma_start3A_279 = tpu.memref_slice %arg25[%dma_start3A_278] : memref<43008xf32, #tpu.memory_space<vmem_shared>> -> memref<43008xf32, #tpu.memory_space<vmem_shared>>
      tpu.enqueue_indirect_dma source(%dma_start3A_274 : memref<128xf32, #tpu.memory_space<vmem>>) target(%dma_start3A_279 : memref<43008xf32, #tpu.memory_space<vmem_shared>>) offsets(%dma_start3A_277 : memref<128xi32, #tpu.memory_space<vmem>>) semaphore(%arg29 : memref<!tpu.dma_semaphore, #tpu.memory_space<semaphore_mem>>) {add = true}
      %dma_start3A_280 = arith.constant 4 : i32
      %dma_start3A_281 = arith.constant 4 : i32
      %dma_start3A_282 = arith.constant 0 : i32
      %dma_start3A_283 = tpu.memref_slice %arg19[%dma_start3A_280, %dma_start3A_282] : memref<8x128xf32, #tpu.memory_space<vmem>> -> memref<1x128xf32, #tpu.memory_space<vmem>>
      %dma_start3A_284 = tpu.memref_squeeze %dma_start3A_283 : memref<1x128xf32, #tpu.memory_space<vmem>> -> memref<128xf32, #tpu.memory_space<vmem>>
      %dma_start3A_285 = arith.constant 0 : i32
      %dma_start3A_286 = tpu.memref_slice %arg16[%dma_start3A_281, %dma_start3A_285] : memref<8x128xi32, #tpu.memory_space<vmem>> -> memref<1x128xi32, #tpu.memory_space<vmem>>
      %dma_start3A_287 = tpu.memref_squeeze %dma_start3A_286 : memref<1x128xi32, #tpu.memory_space<vmem>> -> memref<128xi32, #tpu.memory_space<vmem>>
      %dma_start3A_288 = arith.constant 0 : i32
      %dma_start3A_289 = tpu.memref_slice %arg25[%dma_start3A_288] : memref<43008xf32, #tpu.memory_space<vmem_shared>> -> memref<43008xf32, #tpu.memory_space<vmem_shared>>
      tpu.enqueue_indirect_dma source(%dma_start3A_284 : memref<128xf32, #tpu.memory_space<vmem>>) target(%dma_start3A_289 : memref<43008xf32, #tpu.memory_space<vmem_shared>>) offsets(%dma_start3A_287 : memref<128xi32, #tpu.memory_space<vmem>>) semaphore(%arg29 : memref<!tpu.dma_semaphore, #tpu.memory_space<semaphore_mem>>) {add = true}
      %dma_start3A_290 = arith.constant 5 : i32
      %dma_start3A_291 = arith.constant 5 : i32
      %dma_start3A_292 = arith.constant 0 : i32
      %dma_start3A_293 = tpu.memref_slice %arg19[%dma_start3A_290, %dma_start3A_292] : memref<8x128xf32, #tpu.memory_space<vmem>> -> memref<1x128xf32, #tpu.memory_space<vmem>>
      %dma_start3A_294 = tpu.memref_squeeze %dma_start3A_293 : memref<1x128xf32, #tpu.memory_space<vmem>> -> memref<128xf32, #tpu.memory_space<vmem>>
      %dma_start3A_295 = arith.constant 0 : i32
      %dma_start3A_296 = tpu.memref_slice %arg16[%dma_start3A_291, %dma_start3A_295] : memref<8x128xi32, #tpu.memory_space<vmem>> -> memref<1x128xi32, #tpu.memory_space<vmem>>
      %dma_start3A_297 = tpu.memref_squeeze %dma_start3A_296 : memref<1x128xi32, #tpu.memory_space<vmem>> -> memref<128xi32, #tpu.memory_space<vmem>>
      %dma_start3A_298 = arith.constant 0 : i32
      %dma_start3A_299 = tpu.memref_slice %arg25[%dma_start3A_298] : memref<43008xf32, #tpu.memory_space<vmem_shared>> -> memref<43008xf32, #tpu.memory_space<vmem_shared>>
      tpu.enqueue_indirect_dma source(%dma_start3A_294 : memref<128xf32, #tpu.memory_space<vmem>>) target(%dma_start3A_299 : memref<43008xf32, #tpu.memory_space<vmem_shared>>) offsets(%dma_start3A_297 : memref<128xi32, #tpu.memory_space<vmem>>) semaphore(%arg29 : memref<!tpu.dma_semaphore, #tpu.memory_space<semaphore_mem>>) {add = true}
      %dma_start3A_300 = arith.constant 6 : i32
      %dma_start3A_301 = arith.constant 6 : i32
      %dma_start3A_302 = arith.constant 0 : i32
      %dma_start3A_303 = tpu.memref_slice %arg19[%dma_start3A_300, %dma_start3A_302] : memref<8x128xf32, #tpu.memory_space<vmem>> -> memref<1x128xf32, #tpu.memory_space<vmem>>
      %dma_start3A_304 = tpu.memref_squeeze %dma_start3A_303 : memref<1x128xf32, #tpu.memory_space<vmem>> -> memref<128xf32, #tpu.memory_space<vmem>>
      %dma_start3A_305 = arith.constant 0 : i32
      %dma_start3A_306 = tpu.memref_slice %arg16[%dma_start3A_301, %dma_start3A_305] : memref<8x128xi32, #tpu.memory_space<vmem>> -> memref<1x128xi32, #tpu.memory_space<vmem>>
      %dma_start3A_307 = tpu.memref_squeeze %dma_start3A_306 : memref<1x128xi32, #tpu.memory_space<vmem>> -> memref<128xi32, #tpu.memory_space<vmem>>
      %dma_start3A_308 = arith.constant 0 : i32
      %dma_start3A_309 = tpu.memref_slice %arg25[%dma_start3A_308] : memref<43008xf32, #tpu.memory_space<vmem_shared>> -> memref<43008xf32, #tpu.memory_space<vmem_shared>>
      tpu.enqueue_indirect_dma source(%dma_start3A_304 : memref<128xf32, #tpu.memory_space<vmem>>) target(%dma_start3A_309 : memref<43008xf32, #tpu.memory_space<vmem_shared>>) offsets(%dma_start3A_307 : memref<128xi32, #tpu.memory_space<vmem>>) semaphore(%arg29 : memref<!tpu.dma_semaphore, #tpu.memory_space<semaphore_mem>>) {add = true}
      %dma_start3A_310 = arith.constant 7 : i32
      %dma_start3A_311 = arith.constant 7 : i32
      %dma_start3A_312 = arith.constant 0 : i32
      %dma_start3A_313 = tpu.memref_slice %arg19[%dma_start3A_310, %dma_start3A_312] : memref<8x128xf32, #tpu.memory_space<vmem>> -> memref<1x128xf32, #tpu.memory_space<vmem>>
      %dma_start3A_314 = tpu.memref_squeeze %dma_start3A_313 : memref<1x128xf32, #tpu.memory_space<vmem>> -> memref<128xf32, #tpu.memory_space<vmem>>
      %dma_start3A_315 = arith.constant 0 : i32
      %dma_start3A_316 = tpu.memref_slice %arg16[%dma_start3A_311, %dma_start3A_315] : memref<8x128xi32, #tpu.memory_space<vmem>> -> memref<1x128xi32, #tpu.memory_space<vmem>>
      %dma_start3A_317 = tpu.memref_squeeze %dma_start3A_316 : memref<1x128xi32, #tpu.memory_space<vmem>> -> memref<128xi32, #tpu.memory_space<vmem>>
      %dma_start3A_318 = arith.constant 0 : i32
      %dma_start3A_319 = tpu.memref_slice %arg25[%dma_start3A_318] : memref<43008xf32, #tpu.memory_space<vmem_shared>> -> memref<43008xf32, #tpu.memory_space<vmem_shared>>
      tpu.enqueue_indirect_dma source(%dma_start3A_314 : memref<128xf32, #tpu.memory_space<vmem>>) target(%dma_start3A_319 : memref<43008xf32, #tpu.memory_space<vmem_shared>>) offsets(%dma_start3A_317 : memref<128xi32, #tpu.memory_space<vmem>>) semaphore(%arg29 : memref<!tpu.dma_semaphore, #tpu.memory_space<semaphore_mem>>) {add = true}
      "tpu.region"() ({
        %run_scoped3A = tpu.sem_alloc : memref<!tpu.dma_semaphore, #tpu.memory_space<semaphore_mem>>
        %dma_start3A_1039 = arith.constant 0 : i32
        %dma_start3A_1040 = tpu.memref_slice %arg6[%multiple_of3A, %dma_start3A_1039] : memref<288x128xf32, #tpu.memory_space<hbm>> -> memref<8x128xf32, #tpu.memory_space<hbm>>
        %dma_start3A_1041 = arith.constant 0 : i32
        %dma_start3A_1042 = tpu.memref_slice %arg6[%multiple_of3A, %dma_start3A_1041] : memref<288x128xf32, #tpu.memory_space<hbm>> -> memref<8x128xf32, #tpu.memory_space<hbm>>
        tpu.enqueue_dma source(%dma_start3A_1042 : memref<8x128xf32, #tpu.memory_space<hbm>>) target(%arg20 : memref<8x128xf32, #tpu.memory_space<vmem>>) target_semaphore(%run_scoped3A : memref<!tpu.dma_semaphore, #tpu.memory_space<semaphore_mem>>)
        %dma_wait3A_1043 = arith.constant 0 : i32
        %dma_wait3A_1044 = tpu.memref_slice %arg6[%multiple_of3A, %dma_wait3A_1043] : memref<288x128xf32, #tpu.memory_space<hbm>> -> memref<8x128xf32, #tpu.memory_space<hbm>>
        %dma_wait3A_1045 = arith.constant 0 : i32
        %dma_wait3A_1046 = tpu.memref_slice %arg6[%multiple_of3A, %dma_wait3A_1045] : memref<288x128xf32, #tpu.memory_space<hbm>> -> memref<8x128xf32, #tpu.memory_space<hbm>>
        tpu.wait_dma2 semaphore(%run_scoped3A : memref<!tpu.dma_semaphore, #tpu.memory_space<semaphore_mem>>) src(%dma_wait3A_1046 : memref<8x128xf32, #tpu.memory_space<hbm>>) dst(%arg20 : memref<8x128xf32, #tpu.memory_space<vmem>>)
        tpu.yield
      }) : () -> ()
      %dma_start3A_320 = arith.constant 0 : i32
      %dma_start3A_321 = arith.constant 0 : i32
      %dma_start3A_322 = arith.constant 0 : i32
      %dma_start3A_323 = tpu.memref_slice %arg20[%dma_start3A_320, %dma_start3A_322] : memref<8x128xf32, #tpu.memory_space<vmem>> -> memref<1x128xf32, #tpu.memory_space<vmem>>
      %dma_start3A_324 = tpu.memref_squeeze %dma_start3A_323 : memref<1x128xf32, #tpu.memory_space<vmem>> -> memref<128xf32, #tpu.memory_space<vmem>>
      %dma_start3A_325 = arith.constant 0 : i32
      %dma_start3A_326 = tpu.memref_slice %arg16[%dma_start3A_321, %dma_start3A_325] : memref<8x128xi32, #tpu.memory_space<vmem>> -> memref<1x128xi32, #tpu.memory_space<vmem>>
      %dma_start3A_327 = tpu.memref_squeeze %dma_start3A_326 : memref<1x128xi32, #tpu.memory_space<vmem>> -> memref<128xi32, #tpu.memory_space<vmem>>
      %dma_start3A_328 = arith.constant 0 : i32
      %dma_start3A_329 = tpu.memref_slice %arg26[%dma_start3A_328] : memref<43008xf32, #tpu.memory_space<vmem_shared>> -> memref<43008xf32, #tpu.memory_space<vmem_shared>>
      tpu.enqueue_indirect_dma source(%dma_start3A_324 : memref<128xf32, #tpu.memory_space<vmem>>) target(%dma_start3A_329 : memref<43008xf32, #tpu.memory_space<vmem_shared>>) offsets(%dma_start3A_327 : memref<128xi32, #tpu.memory_space<vmem>>) semaphore(%arg29 : memref<!tpu.dma_semaphore, #tpu.memory_space<semaphore_mem>>) {add = true}
      %dma_start3A_330 = arith.constant 1 : i32
      %dma_start3A_331 = arith.constant 1 : i32
      %dma_start3A_332 = arith.constant 0 : i32
      %dma_start3A_333 = tpu.memref_slice %arg20[%dma_start3A_330, %dma_start3A_332] : memref<8x128xf32, #tpu.memory_space<vmem>> -> memref<1x128xf32, #tpu.memory_space<vmem>>
      %dma_start3A_334 = tpu.memref_squeeze %dma_start3A_333 : memref<1x128xf32, #tpu.memory_space<vmem>> -> memref<128xf32, #tpu.memory_space<vmem>>
      %dma_start3A_335 = arith.constant 0 : i32
      %dma_start3A_336 = tpu.memref_slice %arg16[%dma_start3A_331, %dma_start3A_335] : memref<8x128xi32, #tpu.memory_space<vmem>> -> memref<1x128xi32, #tpu.memory_space<vmem>>
      %dma_start3A_337 = tpu.memref_squeeze %dma_start3A_336 : memref<1x128xi32, #tpu.memory_space<vmem>> -> memref<128xi32, #tpu.memory_space<vmem>>
      %dma_start3A_338 = arith.constant 0 : i32
      %dma_start3A_339 = tpu.memref_slice %arg26[%dma_start3A_338] : memref<43008xf32, #tpu.memory_space<vmem_shared>> -> memref<43008xf32, #tpu.memory_space<vmem_shared>>
      tpu.enqueue_indirect_dma source(%dma_start3A_334 : memref<128xf32, #tpu.memory_space<vmem>>) target(%dma_start3A_339 : memref<43008xf32, #tpu.memory_space<vmem_shared>>) offsets(%dma_start3A_337 : memref<128xi32, #tpu.memory_space<vmem>>) semaphore(%arg29 : memref<!tpu.dma_semaphore, #tpu.memory_space<semaphore_mem>>) {add = true}
      %dma_start3A_340 = arith.constant 2 : i32
      %dma_start3A_341 = arith.constant 2 : i32
      %dma_start3A_342 = arith.constant 0 : i32
      %dma_start3A_343 = tpu.memref_slice %arg20[%dma_start3A_340, %dma_start3A_342] : memref<8x128xf32, #tpu.memory_space<vmem>> -> memref<1x128xf32, #tpu.memory_space<vmem>>
      %dma_start3A_344 = tpu.memref_squeeze %dma_start3A_343 : memref<1x128xf32, #tpu.memory_space<vmem>> -> memref<128xf32, #tpu.memory_space<vmem>>
      %dma_start3A_345 = arith.constant 0 : i32
      %dma_start3A_346 = tpu.memref_slice %arg16[%dma_start3A_341, %dma_start3A_345] : memref<8x128xi32, #tpu.memory_space<vmem>> -> memref<1x128xi32, #tpu.memory_space<vmem>>
      %dma_start3A_347 = tpu.memref_squeeze %dma_start3A_346 : memref<1x128xi32, #tpu.memory_space<vmem>> -> memref<128xi32, #tpu.memory_space<vmem>>
      %dma_start3A_348 = arith.constant 0 : i32
      %dma_start3A_349 = tpu.memref_slice %arg26[%dma_start3A_348] : memref<43008xf32, #tpu.memory_space<vmem_shared>> -> memref<43008xf32, #tpu.memory_space<vmem_shared>>
      tpu.enqueue_indirect_dma source(%dma_start3A_344 : memref<128xf32, #tpu.memory_space<vmem>>) target(%dma_start3A_349 : memref<43008xf32, #tpu.memory_space<vmem_shared>>) offsets(%dma_start3A_347 : memref<128xi32, #tpu.memory_space<vmem>>) semaphore(%arg29 : memref<!tpu.dma_semaphore, #tpu.memory_space<semaphore_mem>>) {add = true}
      %dma_start3A_350 = arith.constant 3 : i32
      %dma_start3A_351 = arith.constant 3 : i32
      %dma_start3A_352 = arith.constant 0 : i32
      %dma_start3A_353 = tpu.memref_slice %arg20[%dma_start3A_350, %dma_start3A_352] : memref<8x128xf32, #tpu.memory_space<vmem>> -> memref<1x128xf32, #tpu.memory_space<vmem>>
      %dma_start3A_354 = tpu.memref_squeeze %dma_start3A_353 : memref<1x128xf32, #tpu.memory_space<vmem>> -> memref<128xf32, #tpu.memory_space<vmem>>
      %dma_start3A_355 = arith.constant 0 : i32
      %dma_start3A_356 = tpu.memref_slice %arg16[%dma_start3A_351, %dma_start3A_355] : memref<8x128xi32, #tpu.memory_space<vmem>> -> memref<1x128xi32, #tpu.memory_space<vmem>>
      %dma_start3A_357 = tpu.memref_squeeze %dma_start3A_356 : memref<1x128xi32, #tpu.memory_space<vmem>> -> memref<128xi32, #tpu.memory_space<vmem>>
      %dma_start3A_358 = arith.constant 0 : i32
      %dma_start3A_359 = tpu.memref_slice %arg26[%dma_start3A_358] : memref<43008xf32, #tpu.memory_space<vmem_shared>> -> memref<43008xf32, #tpu.memory_space<vmem_shared>>
      tpu.enqueue_indirect_dma source(%dma_start3A_354 : memref<128xf32, #tpu.memory_space<vmem>>) target(%dma_start3A_359 : memref<43008xf32, #tpu.memory_space<vmem_shared>>) offsets(%dma_start3A_357 : memref<128xi32, #tpu.memory_space<vmem>>) semaphore(%arg29 : memref<!tpu.dma_semaphore, #tpu.memory_space<semaphore_mem>>) {add = true}
      %dma_start3A_360 = arith.constant 4 : i32
      %dma_start3A_361 = arith.constant 4 : i32
      %dma_start3A_362 = arith.constant 0 : i32
      %dma_start3A_363 = tpu.memref_slice %arg20[%dma_start3A_360, %dma_start3A_362] : memref<8x128xf32, #tpu.memory_space<vmem>> -> memref<1x128xf32, #tpu.memory_space<vmem>>
      %dma_start3A_364 = tpu.memref_squeeze %dma_start3A_363 : memref<1x128xf32, #tpu.memory_space<vmem>> -> memref<128xf32, #tpu.memory_space<vmem>>
      %dma_start3A_365 = arith.constant 0 : i32
      %dma_start3A_366 = tpu.memref_slice %arg16[%dma_start3A_361, %dma_start3A_365] : memref<8x128xi32, #tpu.memory_space<vmem>> -> memref<1x128xi32, #tpu.memory_space<vmem>>
      %dma_start3A_367 = tpu.memref_squeeze %dma_start3A_366 : memref<1x128xi32, #tpu.memory_space<vmem>> -> memref<128xi32, #tpu.memory_space<vmem>>
      %dma_start3A_368 = arith.constant 0 : i32
      %dma_start3A_369 = tpu.memref_slice %arg26[%dma_start3A_368] : memref<43008xf32, #tpu.memory_space<vmem_shared>> -> memref<43008xf32, #tpu.memory_space<vmem_shared>>
      tpu.enqueue_indirect_dma source(%dma_start3A_364 : memref<128xf32, #tpu.memory_space<vmem>>) target(%dma_start3A_369 : memref<43008xf32, #tpu.memory_space<vmem_shared>>) offsets(%dma_start3A_367 : memref<128xi32, #tpu.memory_space<vmem>>) semaphore(%arg29 : memref<!tpu.dma_semaphore, #tpu.memory_space<semaphore_mem>>) {add = true}
      %dma_start3A_370 = arith.constant 5 : i32
      %dma_start3A_371 = arith.constant 5 : i32
      %dma_start3A_372 = arith.constant 0 : i32
      %dma_start3A_373 = tpu.memref_slice %arg20[%dma_start3A_370, %dma_start3A_372] : memref<8x128xf32, #tpu.memory_space<vmem>> -> memref<1x128xf32, #tpu.memory_space<vmem>>
      %dma_start3A_374 = tpu.memref_squeeze %dma_start3A_373 : memref<1x128xf32, #tpu.memory_space<vmem>> -> memref<128xf32, #tpu.memory_space<vmem>>
      %dma_start3A_375 = arith.constant 0 : i32
      %dma_start3A_376 = tpu.memref_slice %arg16[%dma_start3A_371, %dma_start3A_375] : memref<8x128xi32, #tpu.memory_space<vmem>> -> memref<1x128xi32, #tpu.memory_space<vmem>>
      %dma_start3A_377 = tpu.memref_squeeze %dma_start3A_376 : memref<1x128xi32, #tpu.memory_space<vmem>> -> memref<128xi32, #tpu.memory_space<vmem>>
      %dma_start3A_378 = arith.constant 0 : i32
      %dma_start3A_379 = tpu.memref_slice %arg26[%dma_start3A_378] : memref<43008xf32, #tpu.memory_space<vmem_shared>> -> memref<43008xf32, #tpu.memory_space<vmem_shared>>
      tpu.enqueue_indirect_dma source(%dma_start3A_374 : memref<128xf32, #tpu.memory_space<vmem>>) target(%dma_start3A_379 : memref<43008xf32, #tpu.memory_space<vmem_shared>>) offsets(%dma_start3A_377 : memref<128xi32, #tpu.memory_space<vmem>>) semaphore(%arg29 : memref<!tpu.dma_semaphore, #tpu.memory_space<semaphore_mem>>) {add = true}
      %dma_start3A_380 = arith.constant 6 : i32
      %dma_start3A_381 = arith.constant 6 : i32
      %dma_start3A_382 = arith.constant 0 : i32
      %dma_start3A_383 = tpu.memref_slice %arg20[%dma_start3A_380, %dma_start3A_382] : memref<8x128xf32, #tpu.memory_space<vmem>> -> memref<1x128xf32, #tpu.memory_space<vmem>>
      %dma_start3A_384 = tpu.memref_squeeze %dma_start3A_383 : memref<1x128xf32, #tpu.memory_space<vmem>> -> memref<128xf32, #tpu.memory_space<vmem>>
      %dma_start3A_385 = arith.constant 0 : i32
      %dma_start3A_386 = tpu.memref_slice %arg16[%dma_start3A_381, %dma_start3A_385] : memref<8x128xi32, #tpu.memory_space<vmem>> -> memref<1x128xi32, #tpu.memory_space<vmem>>
      %dma_start3A_387 = tpu.memref_squeeze %dma_start3A_386 : memref<1x128xi32, #tpu.memory_space<vmem>> -> memref<128xi32, #tpu.memory_space<vmem>>
      %dma_start3A_388 = arith.constant 0 : i32
      %dma_start3A_389 = tpu.memref_slice %arg26[%dma_start3A_388] : memref<43008xf32, #tpu.memory_space<vmem_shared>> -> memref<43008xf32, #tpu.memory_space<vmem_shared>>
      tpu.enqueue_indirect_dma source(%dma_start3A_384 : memref<128xf32, #tpu.memory_space<vmem>>) target(%dma_start3A_389 : memref<43008xf32, #tpu.memory_space<vmem_shared>>) offsets(%dma_start3A_387 : memref<128xi32, #tpu.memory_space<vmem>>) semaphore(%arg29 : memref<!tpu.dma_semaphore, #tpu.memory_space<semaphore_mem>>) {add = true}
      %dma_start3A_390 = arith.constant 7 : i32
      %dma_start3A_391 = arith.constant 7 : i32
      %dma_start3A_392 = arith.constant 0 : i32
      %dma_start3A_393 = tpu.memref_slice %arg20[%dma_start3A_390, %dma_start3A_392] : memref<8x128xf32, #tpu.memory_space<vmem>> -> memref<1x128xf32, #tpu.memory_space<vmem>>
      %dma_start3A_394 = tpu.memref_squeeze %dma_start3A_393 : memref<1x128xf32, #tpu.memory_space<vmem>> -> memref<128xf32, #tpu.memory_space<vmem>>
      %dma_start3A_395 = arith.constant 0 : i32
      %dma_start3A_396 = tpu.memref_slice %arg16[%dma_start3A_391, %dma_start3A_395] : memref<8x128xi32, #tpu.memory_space<vmem>> -> memref<1x128xi32, #tpu.memory_space<vmem>>
      %dma_start3A_397 = tpu.memref_squeeze %dma_start3A_396 : memref<1x128xi32, #tpu.memory_space<vmem>> -> memref<128xi32, #tpu.memory_space<vmem>>
      %dma_start3A_398 = arith.constant 0 : i32
      %dma_start3A_399 = tpu.memref_slice %arg26[%dma_start3A_398] : memref<43008xf32, #tpu.memory_space<vmem_shared>> -> memref<43008xf32, #tpu.memory_space<vmem_shared>>
      tpu.enqueue_indirect_dma source(%dma_start3A_394 : memref<128xf32, #tpu.memory_space<vmem>>) target(%dma_start3A_399 : memref<43008xf32, #tpu.memory_space<vmem_shared>>) offsets(%dma_start3A_397 : memref<128xi32, #tpu.memory_space<vmem>>) semaphore(%arg29 : memref<!tpu.dma_semaphore, #tpu.memory_space<semaphore_mem>>) {add = true}
      "tpu.region"() ({
        %run_scoped3A = tpu.sem_alloc : memref<!tpu.dma_semaphore, #tpu.memory_space<semaphore_mem>>
        %dma_start3A_1039 = arith.constant 0 : i32
        %dma_start3A_1040 = tpu.memref_slice %arg7[%multiple_of3A, %dma_start3A_1039] : memref<288x128xf32, #tpu.memory_space<hbm>> -> memref<8x128xf32, #tpu.memory_space<hbm>>
        %dma_start3A_1041 = arith.constant 0 : i32
        %dma_start3A_1042 = tpu.memref_slice %arg7[%multiple_of3A, %dma_start3A_1041] : memref<288x128xf32, #tpu.memory_space<hbm>> -> memref<8x128xf32, #tpu.memory_space<hbm>>
        tpu.enqueue_dma source(%dma_start3A_1042 : memref<8x128xf32, #tpu.memory_space<hbm>>) target(%arg21 : memref<8x128xf32, #tpu.memory_space<vmem>>) target_semaphore(%run_scoped3A : memref<!tpu.dma_semaphore, #tpu.memory_space<semaphore_mem>>)
        %dma_wait3A_1043 = arith.constant 0 : i32
        %dma_wait3A_1044 = tpu.memref_slice %arg7[%multiple_of3A, %dma_wait3A_1043] : memref<288x128xf32, #tpu.memory_space<hbm>> -> memref<8x128xf32, #tpu.memory_space<hbm>>
        %dma_wait3A_1045 = arith.constant 0 : i32
        %dma_wait3A_1046 = tpu.memref_slice %arg7[%multiple_of3A, %dma_wait3A_1045] : memref<288x128xf32, #tpu.memory_space<hbm>> -> memref<8x128xf32, #tpu.memory_space<hbm>>
        tpu.wait_dma2 semaphore(%run_scoped3A : memref<!tpu.dma_semaphore, #tpu.memory_space<semaphore_mem>>) src(%dma_wait3A_1046 : memref<8x128xf32, #tpu.memory_space<hbm>>) dst(%arg21 : memref<8x128xf32, #tpu.memory_space<vmem>>)
        tpu.yield
      }) : () -> ()
      %dma_start3A_400 = arith.constant 0 : i32
      %dma_start3A_401 = arith.constant 0 : i32
      %dma_start3A_402 = arith.constant 0 : i32
      %dma_start3A_403 = tpu.memref_slice %arg21[%dma_start3A_400, %dma_start3A_402] : memref<8x128xf32, #tpu.memory_space<vmem>> -> memref<1x128xf32, #tpu.memory_space<vmem>>
      %dma_start3A_404 = tpu.memref_squeeze %dma_start3A_403 : memref<1x128xf32, #tpu.memory_space<vmem>> -> memref<128xf32, #tpu.memory_space<vmem>>
      %dma_start3A_405 = arith.constant 0 : i32
      %dma_start3A_406 = tpu.memref_slice %arg16[%dma_start3A_401, %dma_start3A_405] : memref<8x128xi32, #tpu.memory_space<vmem>> -> memref<1x128xi32, #tpu.memory_space<vmem>>
      %dma_start3A_407 = tpu.memref_squeeze %dma_start3A_406 : memref<1x128xi32, #tpu.memory_space<vmem>> -> memref<128xi32, #tpu.memory_space<vmem>>
      %dma_start3A_408 = arith.constant 0 : i32
      %dma_start3A_409 = tpu.memref_slice %arg27[%dma_start3A_408] : memref<43008xf32, #tpu.memory_space<vmem_shared>> -> memref<43008xf32, #tpu.memory_space<vmem_shared>>
      tpu.enqueue_indirect_dma source(%dma_start3A_404 : memref<128xf32, #tpu.memory_space<vmem>>) target(%dma_start3A_409 : memref<43008xf32, #tpu.memory_space<vmem_shared>>) offsets(%dma_start3A_407 : memref<128xi32, #tpu.memory_space<vmem>>) semaphore(%arg29 : memref<!tpu.dma_semaphore, #tpu.memory_space<semaphore_mem>>) {add = true}
      %dma_start3A_410 = arith.constant 1 : i32
      %dma_start3A_411 = arith.constant 1 : i32
      %dma_start3A_412 = arith.constant 0 : i32
      %dma_start3A_413 = tpu.memref_slice %arg21[%dma_start3A_410, %dma_start3A_412] : memref<8x128xf32, #tpu.memory_space<vmem>> -> memref<1x128xf32, #tpu.memory_space<vmem>>
      %dma_start3A_414 = tpu.memref_squeeze %dma_start3A_413 : memref<1x128xf32, #tpu.memory_space<vmem>> -> memref<128xf32, #tpu.memory_space<vmem>>
      %dma_start3A_415 = arith.constant 0 : i32
      %dma_start3A_416 = tpu.memref_slice %arg16[%dma_start3A_411, %dma_start3A_415] : memref<8x128xi32, #tpu.memory_space<vmem>> -> memref<1x128xi32, #tpu.memory_space<vmem>>
      %dma_start3A_417 = tpu.memref_squeeze %dma_start3A_416 : memref<1x128xi32, #tpu.memory_space<vmem>> -> memref<128xi32, #tpu.memory_space<vmem>>
      %dma_start3A_418 = arith.constant 0 : i32
      %dma_start3A_419 = tpu.memref_slice %arg27[%dma_start3A_418] : memref<43008xf32, #tpu.memory_space<vmem_shared>> -> memref<43008xf32, #tpu.memory_space<vmem_shared>>
      tpu.enqueue_indirect_dma source(%dma_start3A_414 : memref<128xf32, #tpu.memory_space<vmem>>) target(%dma_start3A_419 : memref<43008xf32, #tpu.memory_space<vmem_shared>>) offsets(%dma_start3A_417 : memref<128xi32, #tpu.memory_space<vmem>>) semaphore(%arg29 : memref<!tpu.dma_semaphore, #tpu.memory_space<semaphore_mem>>) {add = true}
      %dma_start3A_420 = arith.constant 2 : i32
      %dma_start3A_421 = arith.constant 2 : i32
      %dma_start3A_422 = arith.constant 0 : i32
      %dma_start3A_423 = tpu.memref_slice %arg21[%dma_start3A_420, %dma_start3A_422] : memref<8x128xf32, #tpu.memory_space<vmem>> -> memref<1x128xf32, #tpu.memory_space<vmem>>
      %dma_start3A_424 = tpu.memref_squeeze %dma_start3A_423 : memref<1x128xf32, #tpu.memory_space<vmem>> -> memref<128xf32, #tpu.memory_space<vmem>>
      %dma_start3A_425 = arith.constant 0 : i32
      %dma_start3A_426 = tpu.memref_slice %arg16[%dma_start3A_421, %dma_start3A_425] : memref<8x128xi32, #tpu.memory_space<vmem>> -> memref<1x128xi32, #tpu.memory_space<vmem>>
      %dma_start3A_427 = tpu.memref_squeeze %dma_start3A_426 : memref<1x128xi32, #tpu.memory_space<vmem>> -> memref<128xi32, #tpu.memory_space<vmem>>
      %dma_start3A_428 = arith.constant 0 : i32
      %dma_start3A_429 = tpu.memref_slice %arg27[%dma_start3A_428] : memref<43008xf32, #tpu.memory_space<vmem_shared>> -> memref<43008xf32, #tpu.memory_space<vmem_shared>>
      tpu.enqueue_indirect_dma source(%dma_start3A_424 : memref<128xf32, #tpu.memory_space<vmem>>) target(%dma_start3A_429 : memref<43008xf32, #tpu.memory_space<vmem_shared>>) offsets(%dma_start3A_427 : memref<128xi32, #tpu.memory_space<vmem>>) semaphore(%arg29 : memref<!tpu.dma_semaphore, #tpu.memory_space<semaphore_mem>>) {add = true}
      %dma_start3A_430 = arith.constant 3 : i32
      %dma_start3A_431 = arith.constant 3 : i32
      %dma_start3A_432 = arith.constant 0 : i32
      %dma_start3A_433 = tpu.memref_slice %arg21[%dma_start3A_430, %dma_start3A_432] : memref<8x128xf32, #tpu.memory_space<vmem>> -> memref<1x128xf32, #tpu.memory_space<vmem>>
      %dma_start3A_434 = tpu.memref_squeeze %dma_start3A_433 : memref<1x128xf32, #tpu.memory_space<vmem>> -> memref<128xf32, #tpu.memory_space<vmem>>
      %dma_start3A_435 = arith.constant 0 : i32
      %dma_start3A_436 = tpu.memref_slice %arg16[%dma_start3A_431, %dma_start3A_435] : memref<8x128xi32, #tpu.memory_space<vmem>> -> memref<1x128xi32, #tpu.memory_space<vmem>>
      %dma_start3A_437 = tpu.memref_squeeze %dma_start3A_436 : memref<1x128xi32, #tpu.memory_space<vmem>> -> memref<128xi32, #tpu.memory_space<vmem>>
      %dma_start3A_438 = arith.constant 0 : i32
      %dma_start3A_439 = tpu.memref_slice %arg27[%dma_start3A_438] : memref<43008xf32, #tpu.memory_space<vmem_shared>> -> memref<43008xf32, #tpu.memory_space<vmem_shared>>
      tpu.enqueue_indirect_dma source(%dma_start3A_434 : memref<128xf32, #tpu.memory_space<vmem>>) target(%dma_start3A_439 : memref<43008xf32, #tpu.memory_space<vmem_shared>>) offsets(%dma_start3A_437 : memref<128xi32, #tpu.memory_space<vmem>>) semaphore(%arg29 : memref<!tpu.dma_semaphore, #tpu.memory_space<semaphore_mem>>) {add = true}
      %dma_start3A_440 = arith.constant 4 : i32
      %dma_start3A_441 = arith.constant 4 : i32
      %dma_start3A_442 = arith.constant 0 : i32
      %dma_start3A_443 = tpu.memref_slice %arg21[%dma_start3A_440, %dma_start3A_442] : memref<8x128xf32, #tpu.memory_space<vmem>> -> memref<1x128xf32, #tpu.memory_space<vmem>>
      %dma_start3A_444 = tpu.memref_squeeze %dma_start3A_443 : memref<1x128xf32, #tpu.memory_space<vmem>> -> memref<128xf32, #tpu.memory_space<vmem>>
      %dma_start3A_445 = arith.constant 0 : i32
      %dma_start3A_446 = tpu.memref_slice %arg16[%dma_start3A_441, %dma_start3A_445] : memref<8x128xi32, #tpu.memory_space<vmem>> -> memref<1x128xi32, #tpu.memory_space<vmem>>
      %dma_start3A_447 = tpu.memref_squeeze %dma_start3A_446 : memref<1x128xi32, #tpu.memory_space<vmem>> -> memref<128xi32, #tpu.memory_space<vmem>>
      %dma_start3A_448 = arith.constant 0 : i32
      %dma_start3A_449 = tpu.memref_slice %arg27[%dma_start3A_448] : memref<43008xf32, #tpu.memory_space<vmem_shared>> -> memref<43008xf32, #tpu.memory_space<vmem_shared>>
      tpu.enqueue_indirect_dma source(%dma_start3A_444 : memref<128xf32, #tpu.memory_space<vmem>>) target(%dma_start3A_449 : memref<43008xf32, #tpu.memory_space<vmem_shared>>) offsets(%dma_start3A_447 : memref<128xi32, #tpu.memory_space<vmem>>) semaphore(%arg29 : memref<!tpu.dma_semaphore, #tpu.memory_space<semaphore_mem>>) {add = true}
      %dma_start3A_450 = arith.constant 5 : i32
      %dma_start3A_451 = arith.constant 5 : i32
      %dma_start3A_452 = arith.constant 0 : i32
      %dma_start3A_453 = tpu.memref_slice %arg21[%dma_start3A_450, %dma_start3A_452] : memref<8x128xf32, #tpu.memory_space<vmem>> -> memref<1x128xf32, #tpu.memory_space<vmem>>
      %dma_start3A_454 = tpu.memref_squeeze %dma_start3A_453 : memref<1x128xf32, #tpu.memory_space<vmem>> -> memref<128xf32, #tpu.memory_space<vmem>>
      %dma_start3A_455 = arith.constant 0 : i32
      %dma_start3A_456 = tpu.memref_slice %arg16[%dma_start3A_451, %dma_start3A_455] : memref<8x128xi32, #tpu.memory_space<vmem>> -> memref<1x128xi32, #tpu.memory_space<vmem>>
      %dma_start3A_457 = tpu.memref_squeeze %dma_start3A_456 : memref<1x128xi32, #tpu.memory_space<vmem>> -> memref<128xi32, #tpu.memory_space<vmem>>
      %dma_start3A_458 = arith.constant 0 : i32
      %dma_start3A_459 = tpu.memref_slice %arg27[%dma_start3A_458] : memref<43008xf32, #tpu.memory_space<vmem_shared>> -> memref<43008xf32, #tpu.memory_space<vmem_shared>>
      tpu.enqueue_indirect_dma source(%dma_start3A_454 : memref<128xf32, #tpu.memory_space<vmem>>) target(%dma_start3A_459 : memref<43008xf32, #tpu.memory_space<vmem_shared>>) offsets(%dma_start3A_457 : memref<128xi32, #tpu.memory_space<vmem>>) semaphore(%arg29 : memref<!tpu.dma_semaphore, #tpu.memory_space<semaphore_mem>>) {add = true}
      %dma_start3A_460 = arith.constant 6 : i32
      %dma_start3A_461 = arith.constant 6 : i32
      %dma_start3A_462 = arith.constant 0 : i32
      %dma_start3A_463 = tpu.memref_slice %arg21[%dma_start3A_460, %dma_start3A_462] : memref<8x128xf32, #tpu.memory_space<vmem>> -> memref<1x128xf32, #tpu.memory_space<vmem>>
      %dma_start3A_464 = tpu.memref_squeeze %dma_start3A_463 : memref<1x128xf32, #tpu.memory_space<vmem>> -> memref<128xf32, #tpu.memory_space<vmem>>
      %dma_start3A_465 = arith.constant 0 : i32
      %dma_start3A_466 = tpu.memref_slice %arg16[%dma_start3A_461, %dma_start3A_465] : memref<8x128xi32, #tpu.memory_space<vmem>> -> memref<1x128xi32, #tpu.memory_space<vmem>>
      %dma_start3A_467 = tpu.memref_squeeze %dma_start3A_466 : memref<1x128xi32, #tpu.memory_space<vmem>> -> memref<128xi32, #tpu.memory_space<vmem>>
      %dma_start3A_468 = arith.constant 0 : i32
      %dma_start3A_469 = tpu.memref_slice %arg27[%dma_start3A_468] : memref<43008xf32, #tpu.memory_space<vmem_shared>> -> memref<43008xf32, #tpu.memory_space<vmem_shared>>
      tpu.enqueue_indirect_dma source(%dma_start3A_464 : memref<128xf32, #tpu.memory_space<vmem>>) target(%dma_start3A_469 : memref<43008xf32, #tpu.memory_space<vmem_shared>>) offsets(%dma_start3A_467 : memref<128xi32, #tpu.memory_space<vmem>>) semaphore(%arg29 : memref<!tpu.dma_semaphore, #tpu.memory_space<semaphore_mem>>) {add = true}
      %dma_start3A_470 = arith.constant 7 : i32
      %dma_start3A_471 = arith.constant 7 : i32
      %dma_start3A_472 = arith.constant 0 : i32
      %dma_start3A_473 = tpu.memref_slice %arg21[%dma_start3A_470, %dma_start3A_472] : memref<8x128xf32, #tpu.memory_space<vmem>> -> memref<1x128xf32, #tpu.memory_space<vmem>>
      %dma_start3A_474 = tpu.memref_squeeze %dma_start3A_473 : memref<1x128xf32, #tpu.memory_space<vmem>> -> memref<128xf32, #tpu.memory_space<vmem>>
      %dma_start3A_475 = arith.constant 0 : i32
      %dma_start3A_476 = tpu.memref_slice %arg16[%dma_start3A_471, %dma_start3A_475] : memref<8x128xi32, #tpu.memory_space<vmem>> -> memref<1x128xi32, #tpu.memory_space<vmem>>
      %dma_start3A_477 = tpu.memref_squeeze %dma_start3A_476 : memref<1x128xi32, #tpu.memory_space<vmem>> -> memref<128xi32, #tpu.memory_space<vmem>>
      %dma_start3A_478 = arith.constant 0 : i32
      %dma_start3A_479 = tpu.memref_slice %arg27[%dma_start3A_478] : memref<43008xf32, #tpu.memory_space<vmem_shared>> -> memref<43008xf32, #tpu.memory_space<vmem_shared>>
      tpu.enqueue_indirect_dma source(%dma_start3A_474 : memref<128xf32, #tpu.memory_space<vmem>>) target(%dma_start3A_479 : memref<43008xf32, #tpu.memory_space<vmem_shared>>) offsets(%dma_start3A_477 : memref<128xi32, #tpu.memory_space<vmem>>) semaphore(%arg29 : memref<!tpu.dma_semaphore, #tpu.memory_space<semaphore_mem>>) {add = true}
      "tpu.region"() ({
        %run_scoped3A = tpu.sem_alloc : memref<!tpu.dma_semaphore, #tpu.memory_space<semaphore_mem>>
        %dma_start3A_1039 = arith.constant 0 : i32
        %dma_start3A_1040 = tpu.memref_slice %arg8[%multiple_of3A, %dma_start3A_1039] : memref<288x128xf32, #tpu.memory_space<hbm>> -> memref<8x128xf32, #tpu.memory_space<hbm>>
        %dma_start3A_1041 = arith.constant 0 : i32
        %dma_start3A_1042 = tpu.memref_slice %arg8[%multiple_of3A, %dma_start3A_1041] : memref<288x128xf32, #tpu.memory_space<hbm>> -> memref<8x128xf32, #tpu.memory_space<hbm>>
        tpu.enqueue_dma source(%dma_start3A_1042 : memref<8x128xf32, #tpu.memory_space<hbm>>) target(%arg22 : memref<8x128xf32, #tpu.memory_space<vmem>>) target_semaphore(%run_scoped3A : memref<!tpu.dma_semaphore, #tpu.memory_space<semaphore_mem>>)
        %dma_wait3A_1043 = arith.constant 0 : i32
        %dma_wait3A_1044 = tpu.memref_slice %arg8[%multiple_of3A, %dma_wait3A_1043] : memref<288x128xf32, #tpu.memory_space<hbm>> -> memref<8x128xf32, #tpu.memory_space<hbm>>
        %dma_wait3A_1045 = arith.constant 0 : i32
        %dma_wait3A_1046 = tpu.memref_slice %arg8[%multiple_of3A, %dma_wait3A_1045] : memref<288x128xf32, #tpu.memory_space<hbm>> -> memref<8x128xf32, #tpu.memory_space<hbm>>
        tpu.wait_dma2 semaphore(%run_scoped3A : memref<!tpu.dma_semaphore, #tpu.memory_space<semaphore_mem>>) src(%dma_wait3A_1046 : memref<8x128xf32, #tpu.memory_space<hbm>>) dst(%arg22 : memref<8x128xf32, #tpu.memory_space<vmem>>)
        tpu.yield
      }) : () -> ()
      %dma_start3A_480 = arith.constant 0 : i32
      %dma_start3A_481 = arith.constant 0 : i32
      %dma_start3A_482 = arith.constant 0 : i32
      %dma_start3A_483 = tpu.memref_slice %arg22[%dma_start3A_480, %dma_start3A_482] : memref<8x128xf32, #tpu.memory_space<vmem>> -> memref<1x128xf32, #tpu.memory_space<vmem>>
      %dma_start3A_484 = tpu.memref_squeeze %dma_start3A_483 : memref<1x128xf32, #tpu.memory_space<vmem>> -> memref<128xf32, #tpu.memory_space<vmem>>
      %dma_start3A_485 = arith.constant 0 : i32
      %dma_start3A_486 = tpu.memref_slice %arg16[%dma_start3A_481, %dma_start3A_485] : memref<8x128xi32, #tpu.memory_space<vmem>> -> memref<1x128xi32, #tpu.memory_space<vmem>>
      %dma_start3A_487 = tpu.memref_squeeze %dma_start3A_486 : memref<1x128xi32, #tpu.memory_space<vmem>> -> memref<128xi32, #tpu.memory_space<vmem>>
      %dma_start3A_488 = arith.constant 0 : i32
      %dma_start3A_489 = tpu.memref_slice %arg28[%dma_start3A_488] : memref<43008xf32, #tpu.memory_space<vmem_shared>> -> memref<43008xf32, #tpu.memory_space<vmem_shared>>
      tpu.enqueue_indirect_dma source(%dma_start3A_484 : memref<128xf32, #tpu.memory_space<vmem>>) target(%dma_start3A_489 : memref<43008xf32, #tpu.memory_space<vmem_shared>>) offsets(%dma_start3A_487 : memref<128xi32, #tpu.memory_space<vmem>>) semaphore(%arg29 : memref<!tpu.dma_semaphore, #tpu.memory_space<semaphore_mem>>) {add = true}
      %dma_start3A_490 = arith.constant 1 : i32
      %dma_start3A_491 = arith.constant 1 : i32
      %dma_start3A_492 = arith.constant 0 : i32
      %dma_start3A_493 = tpu.memref_slice %arg22[%dma_start3A_490, %dma_start3A_492] : memref<8x128xf32, #tpu.memory_space<vmem>> -> memref<1x128xf32, #tpu.memory_space<vmem>>
      %dma_start3A_494 = tpu.memref_squeeze %dma_start3A_493 : memref<1x128xf32, #tpu.memory_space<vmem>> -> memref<128xf32, #tpu.memory_space<vmem>>
      %dma_start3A_495 = arith.constant 0 : i32
      %dma_start3A_496 = tpu.memref_slice %arg16[%dma_start3A_491, %dma_start3A_495] : memref<8x128xi32, #tpu.memory_space<vmem>> -> memref<1x128xi32, #tpu.memory_space<vmem>>
      %dma_start3A_497 = tpu.memref_squeeze %dma_start3A_496 : memref<1x128xi32, #tpu.memory_space<vmem>> -> memref<128xi32, #tpu.memory_space<vmem>>
      %dma_start3A_498 = arith.constant 0 : i32
      %dma_start3A_499 = tpu.memref_slice %arg28[%dma_start3A_498] : memref<43008xf32, #tpu.memory_space<vmem_shared>> -> memref<43008xf32, #tpu.memory_space<vmem_shared>>
      tpu.enqueue_indirect_dma source(%dma_start3A_494 : memref<128xf32, #tpu.memory_space<vmem>>) target(%dma_start3A_499 : memref<43008xf32, #tpu.memory_space<vmem_shared>>) offsets(%dma_start3A_497 : memref<128xi32, #tpu.memory_space<vmem>>) semaphore(%arg29 : memref<!tpu.dma_semaphore, #tpu.memory_space<semaphore_mem>>) {add = true}
      %dma_start3A_500 = arith.constant 2 : i32
      %dma_start3A_501 = arith.constant 2 : i32
      %dma_start3A_502 = arith.constant 0 : i32
      %dma_start3A_503 = tpu.memref_slice %arg22[%dma_start3A_500, %dma_start3A_502] : memref<8x128xf32, #tpu.memory_space<vmem>> -> memref<1x128xf32, #tpu.memory_space<vmem>>
      %dma_start3A_504 = tpu.memref_squeeze %dma_start3A_503 : memref<1x128xf32, #tpu.memory_space<vmem>> -> memref<128xf32, #tpu.memory_space<vmem>>
      %dma_start3A_505 = arith.constant 0 : i32
      %dma_start3A_506 = tpu.memref_slice %arg16[%dma_start3A_501, %dma_start3A_505] : memref<8x128xi32, #tpu.memory_space<vmem>> -> memref<1x128xi32, #tpu.memory_space<vmem>>
      %dma_start3A_507 = tpu.memref_squeeze %dma_start3A_506 : memref<1x128xi32, #tpu.memory_space<vmem>> -> memref<128xi32, #tpu.memory_space<vmem>>
      %dma_start3A_508 = arith.constant 0 : i32
      %dma_start3A_509 = tpu.memref_slice %arg28[%dma_start3A_508] : memref<43008xf32, #tpu.memory_space<vmem_shared>> -> memref<43008xf32, #tpu.memory_space<vmem_shared>>
      tpu.enqueue_indirect_dma source(%dma_start3A_504 : memref<128xf32, #tpu.memory_space<vmem>>) target(%dma_start3A_509 : memref<43008xf32, #tpu.memory_space<vmem_shared>>) offsets(%dma_start3A_507 : memref<128xi32, #tpu.memory_space<vmem>>) semaphore(%arg29 : memref<!tpu.dma_semaphore, #tpu.memory_space<semaphore_mem>>) {add = true}
      %dma_start3A_510 = arith.constant 3 : i32
      %dma_start3A_511 = arith.constant 3 : i32
      %dma_start3A_512 = arith.constant 0 : i32
      %dma_start3A_513 = tpu.memref_slice %arg22[%dma_start3A_510, %dma_start3A_512] : memref<8x128xf32, #tpu.memory_space<vmem>> -> memref<1x128xf32, #tpu.memory_space<vmem>>
      %dma_start3A_514 = tpu.memref_squeeze %dma_start3A_513 : memref<1x128xf32, #tpu.memory_space<vmem>> -> memref<128xf32, #tpu.memory_space<vmem>>
      %dma_start3A_515 = arith.constant 0 : i32
      %dma_start3A_516 = tpu.memref_slice %arg16[%dma_start3A_511, %dma_start3A_515] : memref<8x128xi32, #tpu.memory_space<vmem>> -> memref<1x128xi32, #tpu.memory_space<vmem>>
      %dma_start3A_517 = tpu.memref_squeeze %dma_start3A_516 : memref<1x128xi32, #tpu.memory_space<vmem>> -> memref<128xi32, #tpu.memory_space<vmem>>
      %dma_start3A_518 = arith.constant 0 : i32
      %dma_start3A_519 = tpu.memref_slice %arg28[%dma_start3A_518] : memref<43008xf32, #tpu.memory_space<vmem_shared>> -> memref<43008xf32, #tpu.memory_space<vmem_shared>>
      tpu.enqueue_indirect_dma source(%dma_start3A_514 : memref<128xf32, #tpu.memory_space<vmem>>) target(%dma_start3A_519 : memref<43008xf32, #tpu.memory_space<vmem_shared>>) offsets(%dma_start3A_517 : memref<128xi32, #tpu.memory_space<vmem>>) semaphore(%arg29 : memref<!tpu.dma_semaphore, #tpu.memory_space<semaphore_mem>>) {add = true}
      %dma_start3A_520 = arith.constant 4 : i32
      %dma_start3A_521 = arith.constant 4 : i32
      %dma_start3A_522 = arith.constant 0 : i32
      %dma_start3A_523 = tpu.memref_slice %arg22[%dma_start3A_520, %dma_start3A_522] : memref<8x128xf32, #tpu.memory_space<vmem>> -> memref<1x128xf32, #tpu.memory_space<vmem>>
      %dma_start3A_524 = tpu.memref_squeeze %dma_start3A_523 : memref<1x128xf32, #tpu.memory_space<vmem>> -> memref<128xf32, #tpu.memory_space<vmem>>
      %dma_start3A_525 = arith.constant 0 : i32
      %dma_start3A_526 = tpu.memref_slice %arg16[%dma_start3A_521, %dma_start3A_525] : memref<8x128xi32, #tpu.memory_space<vmem>> -> memref<1x128xi32, #tpu.memory_space<vmem>>
      %dma_start3A_527 = tpu.memref_squeeze %dma_start3A_526 : memref<1x128xi32, #tpu.memory_space<vmem>> -> memref<128xi32, #tpu.memory_space<vmem>>
      %dma_start3A_528 = arith.constant 0 : i32
      %dma_start3A_529 = tpu.memref_slice %arg28[%dma_start3A_528] : memref<43008xf32, #tpu.memory_space<vmem_shared>> -> memref<43008xf32, #tpu.memory_space<vmem_shared>>
      tpu.enqueue_indirect_dma source(%dma_start3A_524 : memref<128xf32, #tpu.memory_space<vmem>>) target(%dma_start3A_529 : memref<43008xf32, #tpu.memory_space<vmem_shared>>) offsets(%dma_start3A_527 : memref<128xi32, #tpu.memory_space<vmem>>) semaphore(%arg29 : memref<!tpu.dma_semaphore, #tpu.memory_space<semaphore_mem>>) {add = true}
      %dma_start3A_530 = arith.constant 5 : i32
      %dma_start3A_531 = arith.constant 5 : i32
      %dma_start3A_532 = arith.constant 0 : i32
      %dma_start3A_533 = tpu.memref_slice %arg22[%dma_start3A_530, %dma_start3A_532] : memref<8x128xf32, #tpu.memory_space<vmem>> -> memref<1x128xf32, #tpu.memory_space<vmem>>
      %dma_start3A_534 = tpu.memref_squeeze %dma_start3A_533 : memref<1x128xf32, #tpu.memory_space<vmem>> -> memref<128xf32, #tpu.memory_space<vmem>>
      %dma_start3A_535 = arith.constant 0 : i32
      %dma_start3A_536 = tpu.memref_slice %arg16[%dma_start3A_531, %dma_start3A_535] : memref<8x128xi32, #tpu.memory_space<vmem>> -> memref<1x128xi32, #tpu.memory_space<vmem>>
      %dma_start3A_537 = tpu.memref_squeeze %dma_start3A_536 : memref<1x128xi32, #tpu.memory_space<vmem>> -> memref<128xi32, #tpu.memory_space<vmem>>
      %dma_start3A_538 = arith.constant 0 : i32
      %dma_start3A_539 = tpu.memref_slice %arg28[%dma_start3A_538] : memref<43008xf32, #tpu.memory_space<vmem_shared>> -> memref<43008xf32, #tpu.memory_space<vmem_shared>>
      tpu.enqueue_indirect_dma source(%dma_start3A_534 : memref<128xf32, #tpu.memory_space<vmem>>) target(%dma_start3A_539 : memref<43008xf32, #tpu.memory_space<vmem_shared>>) offsets(%dma_start3A_537 : memref<128xi32, #tpu.memory_space<vmem>>) semaphore(%arg29 : memref<!tpu.dma_semaphore, #tpu.memory_space<semaphore_mem>>) {add = true}
      %dma_start3A_540 = arith.constant 6 : i32
      %dma_start3A_541 = arith.constant 6 : i32
      %dma_start3A_542 = arith.constant 0 : i32
      %dma_start3A_543 = tpu.memref_slice %arg22[%dma_start3A_540, %dma_start3A_542] : memref<8x128xf32, #tpu.memory_space<vmem>> -> memref<1x128xf32, #tpu.memory_space<vmem>>
      %dma_start3A_544 = tpu.memref_squeeze %dma_start3A_543 : memref<1x128xf32, #tpu.memory_space<vmem>> -> memref<128xf32, #tpu.memory_space<vmem>>
      %dma_start3A_545 = arith.constant 0 : i32
      %dma_start3A_546 = tpu.memref_slice %arg16[%dma_start3A_541, %dma_start3A_545] : memref<8x128xi32, #tpu.memory_space<vmem>> -> memref<1x128xi32, #tpu.memory_space<vmem>>
      %dma_start3A_547 = tpu.memref_squeeze %dma_start3A_546 : memref<1x128xi32, #tpu.memory_space<vmem>> -> memref<128xi32, #tpu.memory_space<vmem>>
      %dma_start3A_548 = arith.constant 0 : i32
      %dma_start3A_549 = tpu.memref_slice %arg28[%dma_start3A_548] : memref<43008xf32, #tpu.memory_space<vmem_shared>> -> memref<43008xf32, #tpu.memory_space<vmem_shared>>
      tpu.enqueue_indirect_dma source(%dma_start3A_544 : memref<128xf32, #tpu.memory_space<vmem>>) target(%dma_start3A_549 : memref<43008xf32, #tpu.memory_space<vmem_shared>>) offsets(%dma_start3A_547 : memref<128xi32, #tpu.memory_space<vmem>>) semaphore(%arg29 : memref<!tpu.dma_semaphore, #tpu.memory_space<semaphore_mem>>) {add = true}
      %dma_start3A_550 = arith.constant 7 : i32
      %dma_start3A_551 = arith.constant 7 : i32
      %dma_start3A_552 = arith.constant 0 : i32
      %dma_start3A_553 = tpu.memref_slice %arg22[%dma_start3A_550, %dma_start3A_552] : memref<8x128xf32, #tpu.memory_space<vmem>> -> memref<1x128xf32, #tpu.memory_space<vmem>>
      %dma_start3A_554 = tpu.memref_squeeze %dma_start3A_553 : memref<1x128xf32, #tpu.memory_space<vmem>> -> memref<128xf32, #tpu.memory_space<vmem>>
      %dma_start3A_555 = arith.constant 0 : i32
      %dma_start3A_556 = tpu.memref_slice %arg16[%dma_start3A_551, %dma_start3A_555] : memref<8x128xi32, #tpu.memory_space<vmem>> -> memref<1x128xi32, #tpu.memory_space<vmem>>
      %dma_start3A_557 = tpu.memref_squeeze %dma_start3A_556 : memref<1x128xi32, #tpu.memory_space<vmem>> -> memref<128xi32, #tpu.memory_space<vmem>>
      %dma_start3A_558 = arith.constant 0 : i32
      %dma_start3A_559 = tpu.memref_slice %arg28[%dma_start3A_558] : memref<43008xf32, #tpu.memory_space<vmem_shared>> -> memref<43008xf32, #tpu.memory_space<vmem_shared>>
      tpu.enqueue_indirect_dma source(%dma_start3A_554 : memref<128xf32, #tpu.memory_space<vmem>>) target(%dma_start3A_559 : memref<43008xf32, #tpu.memory_space<vmem_shared>>) offsets(%dma_start3A_557 : memref<128xi32, #tpu.memory_space<vmem>>) semaphore(%arg29 : memref<!tpu.dma_semaphore, #tpu.memory_space<semaphore_mem>>) {add = true}
      %dma_wait3A = arith.constant 0 : i32
      %dma_wait3A_560 = arith.constant 0 : i32
      %dma_wait3A_561 = arith.constant 0 : i32
      %dma_wait3A_562 = tpu.memref_slice %arg17[%dma_wait3A, %dma_wait3A_561] : memref<8x128xf32, #tpu.memory_space<vmem>> -> memref<1x128xf32, #tpu.memory_space<vmem>>
      %dma_wait3A_563 = tpu.memref_squeeze %dma_wait3A_562 : memref<1x128xf32, #tpu.memory_space<vmem>> -> memref<128xf32, #tpu.memory_space<vmem>>
      %dma_wait3A_564 = arith.constant 0 : i32
      %dma_wait3A_565 = tpu.memref_slice %arg16[%dma_wait3A_560, %dma_wait3A_564] : memref<8x128xi32, #tpu.memory_space<vmem>> -> memref<1x128xi32, #tpu.memory_space<vmem>>
      %dma_wait3A_566 = tpu.memref_squeeze %dma_wait3A_565 : memref<1x128xi32, #tpu.memory_space<vmem>> -> memref<128xi32, #tpu.memory_space<vmem>>
      %dma_wait3A_567 = arith.constant 0 : i32
      %dma_wait3A_568 = tpu.memref_slice %arg23[%dma_wait3A_567] : memref<43008xf32, #tpu.memory_space<vmem_shared>> -> memref<43008xf32, #tpu.memory_space<vmem_shared>>
      tpu.wait_indirect_dma semaphore(%arg29 : memref<!tpu.dma_semaphore, #tpu.memory_space<semaphore_mem>>) src(%dma_wait3A_563 : memref<128xf32, #tpu.memory_space<vmem>>) dst(%dma_wait3A_568 : memref<43008xf32, #tpu.memory_space<vmem_shared>>)
      %dma_wait3A_569 = arith.constant 1 : i32
      %dma_wait3A_570 = arith.constant 1 : i32
      %dma_wait3A_571 = arith.constant 0 : i32
      %dma_wait3A_572 = tpu.memref_slice %arg17[%dma_wait3A_569, %dma_wait3A_571] : memref<8x128xf32, #tpu.memory_space<vmem>> -> memref<1x128xf32, #tpu.memory_space<vmem>>
      %dma_wait3A_573 = tpu.memref_squeeze %dma_wait3A_572 : memref<1x128xf32, #tpu.memory_space<vmem>> -> memref<128xf32, #tpu.memory_space<vmem>>
      %dma_wait3A_574 = arith.constant 0 : i32
      %dma_wait3A_575 = tpu.memref_slice %arg16[%dma_wait3A_570, %dma_wait3A_574] : memref<8x128xi32, #tpu.memory_space<vmem>> -> memref<1x128xi32, #tpu.memory_space<vmem>>
      %dma_wait3A_576 = tpu.memref_squeeze %dma_wait3A_575 : memref<1x128xi32, #tpu.memory_space<vmem>> -> memref<128xi32, #tpu.memory_space<vmem>>
      %dma_wait3A_577 = arith.constant 0 : i32
      %dma_wait3A_578 = tpu.memref_slice %arg23[%dma_wait3A_577] : memref<43008xf32, #tpu.memory_space<vmem_shared>> -> memref<43008xf32, #tpu.memory_space<vmem_shared>>
      tpu.wait_indirect_dma semaphore(%arg29 : memref<!tpu.dma_semaphore, #tpu.memory_space<semaphore_mem>>) src(%dma_wait3A_573 : memref<128xf32, #tpu.memory_space<vmem>>) dst(%dma_wait3A_578 : memref<43008xf32, #tpu.memory_space<vmem_shared>>)
      %dma_wait3A_579 = arith.constant 2 : i32
      %dma_wait3A_580 = arith.constant 2 : i32
      %dma_wait3A_581 = arith.constant 0 : i32
      %dma_wait3A_582 = tpu.memref_slice %arg17[%dma_wait3A_579, %dma_wait3A_581] : memref<8x128xf32, #tpu.memory_space<vmem>> -> memref<1x128xf32, #tpu.memory_space<vmem>>
      %dma_wait3A_583 = tpu.memref_squeeze %dma_wait3A_582 : memref<1x128xf32, #tpu.memory_space<vmem>> -> memref<128xf32, #tpu.memory_space<vmem>>
      %dma_wait3A_584 = arith.constant 0 : i32
      %dma_wait3A_585 = tpu.memref_slice %arg16[%dma_wait3A_580, %dma_wait3A_584] : memref<8x128xi32, #tpu.memory_space<vmem>> -> memref<1x128xi32, #tpu.memory_space<vmem>>
      %dma_wait3A_586 = tpu.memref_squeeze %dma_wait3A_585 : memref<1x128xi32, #tpu.memory_space<vmem>> -> memref<128xi32, #tpu.memory_space<vmem>>
      %dma_wait3A_587 = arith.constant 0 : i32
      %dma_wait3A_588 = tpu.memref_slice %arg23[%dma_wait3A_587] : memref<43008xf32, #tpu.memory_space<vmem_shared>> -> memref<43008xf32, #tpu.memory_space<vmem_shared>>
      tpu.wait_indirect_dma semaphore(%arg29 : memref<!tpu.dma_semaphore, #tpu.memory_space<semaphore_mem>>) src(%dma_wait3A_583 : memref<128xf32, #tpu.memory_space<vmem>>) dst(%dma_wait3A_588 : memref<43008xf32, #tpu.memory_space<vmem_shared>>)
      %dma_wait3A_589 = arith.constant 3 : i32
      %dma_wait3A_590 = arith.constant 3 : i32
      %dma_wait3A_591 = arith.constant 0 : i32
      %dma_wait3A_592 = tpu.memref_slice %arg17[%dma_wait3A_589, %dma_wait3A_591] : memref<8x128xf32, #tpu.memory_space<vmem>> -> memref<1x128xf32, #tpu.memory_space<vmem>>
      %dma_wait3A_593 = tpu.memref_squeeze %dma_wait3A_592 : memref<1x128xf32, #tpu.memory_space<vmem>> -> memref<128xf32, #tpu.memory_space<vmem>>
      %dma_wait3A_594 = arith.constant 0 : i32
      %dma_wait3A_595 = tpu.memref_slice %arg16[%dma_wait3A_590, %dma_wait3A_594] : memref<8x128xi32, #tpu.memory_space<vmem>> -> memref<1x128xi32, #tpu.memory_space<vmem>>
      %dma_wait3A_596 = tpu.memref_squeeze %dma_wait3A_595 : memref<1x128xi32, #tpu.memory_space<vmem>> -> memref<128xi32, #tpu.memory_space<vmem>>
      %dma_wait3A_597 = arith.constant 0 : i32
      %dma_wait3A_598 = tpu.memref_slice %arg23[%dma_wait3A_597] : memref<43008xf32, #tpu.memory_space<vmem_shared>> -> memref<43008xf32, #tpu.memory_space<vmem_shared>>
      tpu.wait_indirect_dma semaphore(%arg29 : memref<!tpu.dma_semaphore, #tpu.memory_space<semaphore_mem>>) src(%dma_wait3A_593 : memref<128xf32, #tpu.memory_space<vmem>>) dst(%dma_wait3A_598 : memref<43008xf32, #tpu.memory_space<vmem_shared>>)
      %dma_wait3A_599 = arith.constant 4 : i32
      %dma_wait3A_600 = arith.constant 4 : i32
      %dma_wait3A_601 = arith.constant 0 : i32
      %dma_wait3A_602 = tpu.memref_slice %arg17[%dma_wait3A_599, %dma_wait3A_601] : memref<8x128xf32, #tpu.memory_space<vmem>> -> memref<1x128xf32, #tpu.memory_space<vmem>>
      %dma_wait3A_603 = tpu.memref_squeeze %dma_wait3A_602 : memref<1x128xf32, #tpu.memory_space<vmem>> -> memref<128xf32, #tpu.memory_space<vmem>>
      %dma_wait3A_604 = arith.constant 0 : i32
      %dma_wait3A_605 = tpu.memref_slice %arg16[%dma_wait3A_600, %dma_wait3A_604] : memref<8x128xi32, #tpu.memory_space<vmem>> -> memref<1x128xi32, #tpu.memory_space<vmem>>
      %dma_wait3A_606 = tpu.memref_squeeze %dma_wait3A_605 : memref<1x128xi32, #tpu.memory_space<vmem>> -> memref<128xi32, #tpu.memory_space<vmem>>
      %dma_wait3A_607 = arith.constant 0 : i32
      %dma_wait3A_608 = tpu.memref_slice %arg23[%dma_wait3A_607] : memref<43008xf32, #tpu.memory_space<vmem_shared>> -> memref<43008xf32, #tpu.memory_space<vmem_shared>>
      tpu.wait_indirect_dma semaphore(%arg29 : memref<!tpu.dma_semaphore, #tpu.memory_space<semaphore_mem>>) src(%dma_wait3A_603 : memref<128xf32, #tpu.memory_space<vmem>>) dst(%dma_wait3A_608 : memref<43008xf32, #tpu.memory_space<vmem_shared>>)
      %dma_wait3A_609 = arith.constant 5 : i32
      %dma_wait3A_610 = arith.constant 5 : i32
      %dma_wait3A_611 = arith.constant 0 : i32
      %dma_wait3A_612 = tpu.memref_slice %arg17[%dma_wait3A_609, %dma_wait3A_611] : memref<8x128xf32, #tpu.memory_space<vmem>> -> memref<1x128xf32, #tpu.memory_space<vmem>>
      %dma_wait3A_613 = tpu.memref_squeeze %dma_wait3A_612 : memref<1x128xf32, #tpu.memory_space<vmem>> -> memref<128xf32, #tpu.memory_space<vmem>>
      %dma_wait3A_614 = arith.constant 0 : i32
      %dma_wait3A_615 = tpu.memref_slice %arg16[%dma_wait3A_610, %dma_wait3A_614] : memref<8x128xi32, #tpu.memory_space<vmem>> -> memref<1x128xi32, #tpu.memory_space<vmem>>
      %dma_wait3A_616 = tpu.memref_squeeze %dma_wait3A_615 : memref<1x128xi32, #tpu.memory_space<vmem>> -> memref<128xi32, #tpu.memory_space<vmem>>
      %dma_wait3A_617 = arith.constant 0 : i32
      %dma_wait3A_618 = tpu.memref_slice %arg23[%dma_wait3A_617] : memref<43008xf32, #tpu.memory_space<vmem_shared>> -> memref<43008xf32, #tpu.memory_space<vmem_shared>>
      tpu.wait_indirect_dma semaphore(%arg29 : memref<!tpu.dma_semaphore, #tpu.memory_space<semaphore_mem>>) src(%dma_wait3A_613 : memref<128xf32, #tpu.memory_space<vmem>>) dst(%dma_wait3A_618 : memref<43008xf32, #tpu.memory_space<vmem_shared>>)
      %dma_wait3A_619 = arith.constant 6 : i32
      %dma_wait3A_620 = arith.constant 6 : i32
      %dma_wait3A_621 = arith.constant 0 : i32
      %dma_wait3A_622 = tpu.memref_slice %arg17[%dma_wait3A_619, %dma_wait3A_621] : memref<8x128xf32, #tpu.memory_space<vmem>> -> memref<1x128xf32, #tpu.memory_space<vmem>>
      %dma_wait3A_623 = tpu.memref_squeeze %dma_wait3A_622 : memref<1x128xf32, #tpu.memory_space<vmem>> -> memref<128xf32, #tpu.memory_space<vmem>>
      %dma_wait3A_624 = arith.constant 0 : i32
      %dma_wait3A_625 = tpu.memref_slice %arg16[%dma_wait3A_620, %dma_wait3A_624] : memref<8x128xi32, #tpu.memory_space<vmem>> -> memref<1x128xi32, #tpu.memory_space<vmem>>
      %dma_wait3A_626 = tpu.memref_squeeze %dma_wait3A_625 : memref<1x128xi32, #tpu.memory_space<vmem>> -> memref<128xi32, #tpu.memory_space<vmem>>
      %dma_wait3A_627 = arith.constant 0 : i32
      %dma_wait3A_628 = tpu.memref_slice %arg23[%dma_wait3A_627] : memref<43008xf32, #tpu.memory_space<vmem_shared>> -> memref<43008xf32, #tpu.memory_space<vmem_shared>>
      tpu.wait_indirect_dma semaphore(%arg29 : memref<!tpu.dma_semaphore, #tpu.memory_space<semaphore_mem>>) src(%dma_wait3A_623 : memref<128xf32, #tpu.memory_space<vmem>>) dst(%dma_wait3A_628 : memref<43008xf32, #tpu.memory_space<vmem_shared>>)
      %dma_wait3A_629 = arith.constant 7 : i32
      %dma_wait3A_630 = arith.constant 7 : i32
      %dma_wait3A_631 = arith.constant 0 : i32
      %dma_wait3A_632 = tpu.memref_slice %arg17[%dma_wait3A_629, %dma_wait3A_631] : memref<8x128xf32, #tpu.memory_space<vmem>> -> memref<1x128xf32, #tpu.memory_space<vmem>>
      %dma_wait3A_633 = tpu.memref_squeeze %dma_wait3A_632 : memref<1x128xf32, #tpu.memory_space<vmem>> -> memref<128xf32, #tpu.memory_space<vmem>>
      %dma_wait3A_634 = arith.constant 0 : i32
      %dma_wait3A_635 = tpu.memref_slice %arg16[%dma_wait3A_630, %dma_wait3A_634] : memref<8x128xi32, #tpu.memory_space<vmem>> -> memref<1x128xi32, #tpu.memory_space<vmem>>
      %dma_wait3A_636 = tpu.memref_squeeze %dma_wait3A_635 : memref<1x128xi32, #tpu.memory_space<vmem>> -> memref<128xi32, #tpu.memory_space<vmem>>
      %dma_wait3A_637 = arith.constant 0 : i32
      %dma_wait3A_638 = tpu.memref_slice %arg23[%dma_wait3A_637] : memref<43008xf32, #tpu.memory_space<vmem_shared>> -> memref<43008xf32, #tpu.memory_space<vmem_shared>>
      tpu.wait_indirect_dma semaphore(%arg29 : memref<!tpu.dma_semaphore, #tpu.memory_space<semaphore_mem>>) src(%dma_wait3A_633 : memref<128xf32, #tpu.memory_space<vmem>>) dst(%dma_wait3A_638 : memref<43008xf32, #tpu.memory_space<vmem_shared>>)
      %dma_wait3A_639 = arith.constant 0 : i32
      %dma_wait3A_640 = arith.constant 0 : i32
      %dma_wait3A_641 = arith.constant 0 : i32
      %dma_wait3A_642 = tpu.memref_slice %arg18[%dma_wait3A_639, %dma_wait3A_641] : memref<8x128xf32, #tpu.memory_space<vmem>> -> memref<1x128xf32, #tpu.memory_space<vmem>>
      %dma_wait3A_643 = tpu.memref_squeeze %dma_wait3A_642 : memref<1x128xf32, #tpu.memory_space<vmem>> -> memref<128xf32, #tpu.memory_space<vmem>>
      %dma_wait3A_644 = arith.constant 0 : i32
      %dma_wait3A_645 = tpu.memref_slice %arg16[%dma_wait3A_640, %dma_wait3A_644] : memref<8x128xi32, #tpu.memory_space<vmem>> -> memref<1x128xi32, #tpu.memory_space<vmem>>
      %dma_wait3A_646 = tpu.memref_squeeze %dma_wait3A_645 : memref<1x128xi32, #tpu.memory_space<vmem>> -> memref<128xi32, #tpu.memory_space<vmem>>
      %dma_wait3A_647 = arith.constant 0 : i32
      %dma_wait3A_648 = tpu.memref_slice %arg24[%dma_wait3A_647] : memref<43008xf32, #tpu.memory_space<vmem_shared>> -> memref<43008xf32, #tpu.memory_space<vmem_shared>>
      tpu.wait_indirect_dma semaphore(%arg29 : memref<!tpu.dma_semaphore, #tpu.memory_space<semaphore_mem>>) src(%dma_wait3A_643 : memref<128xf32, #tpu.memory_space<vmem>>) dst(%dma_wait3A_648 : memref<43008xf32, #tpu.memory_space<vmem_shared>>)
      %dma_wait3A_649 = arith.constant 1 : i32
      %dma_wait3A_650 = arith.constant 1 : i32
      %dma_wait3A_651 = arith.constant 0 : i32
      %dma_wait3A_652 = tpu.memref_slice %arg18[%dma_wait3A_649, %dma_wait3A_651] : memref<8x128xf32, #tpu.memory_space<vmem>> -> memref<1x128xf32, #tpu.memory_space<vmem>>
      %dma_wait3A_653 = tpu.memref_squeeze %dma_wait3A_652 : memref<1x128xf32, #tpu.memory_space<vmem>> -> memref<128xf32, #tpu.memory_space<vmem>>
      %dma_wait3A_654 = arith.constant 0 : i32
      %dma_wait3A_655 = tpu.memref_slice %arg16[%dma_wait3A_650, %dma_wait3A_654] : memref<8x128xi32, #tpu.memory_space<vmem>> -> memref<1x128xi32, #tpu.memory_space<vmem>>
      %dma_wait3A_656 = tpu.memref_squeeze %dma_wait3A_655 : memref<1x128xi32, #tpu.memory_space<vmem>> -> memref<128xi32, #tpu.memory_space<vmem>>
      %dma_wait3A_657 = arith.constant 0 : i32
      %dma_wait3A_658 = tpu.memref_slice %arg24[%dma_wait3A_657] : memref<43008xf32, #tpu.memory_space<vmem_shared>> -> memref<43008xf32, #tpu.memory_space<vmem_shared>>
      tpu.wait_indirect_dma semaphore(%arg29 : memref<!tpu.dma_semaphore, #tpu.memory_space<semaphore_mem>>) src(%dma_wait3A_653 : memref<128xf32, #tpu.memory_space<vmem>>) dst(%dma_wait3A_658 : memref<43008xf32, #tpu.memory_space<vmem_shared>>)
      %dma_wait3A_659 = arith.constant 2 : i32
      %dma_wait3A_660 = arith.constant 2 : i32
      %dma_wait3A_661 = arith.constant 0 : i32
      %dma_wait3A_662 = tpu.memref_slice %arg18[%dma_wait3A_659, %dma_wait3A_661] : memref<8x128xf32, #tpu.memory_space<vmem>> -> memref<1x128xf32, #tpu.memory_space<vmem>>
      %dma_wait3A_663 = tpu.memref_squeeze %dma_wait3A_662 : memref<1x128xf32, #tpu.memory_space<vmem>> -> memref<128xf32, #tpu.memory_space<vmem>>
      %dma_wait3A_664 = arith.constant 0 : i32
      %dma_wait3A_665 = tpu.memref_slice %arg16[%dma_wait3A_660, %dma_wait3A_664] : memref<8x128xi32, #tpu.memory_space<vmem>> -> memref<1x128xi32, #tpu.memory_space<vmem>>
      %dma_wait3A_666 = tpu.memref_squeeze %dma_wait3A_665 : memref<1x128xi32, #tpu.memory_space<vmem>> -> memref<128xi32, #tpu.memory_space<vmem>>
      %dma_wait3A_667 = arith.constant 0 : i32
      %dma_wait3A_668 = tpu.memref_slice %arg24[%dma_wait3A_667] : memref<43008xf32, #tpu.memory_space<vmem_shared>> -> memref<43008xf32, #tpu.memory_space<vmem_shared>>
      tpu.wait_indirect_dma semaphore(%arg29 : memref<!tpu.dma_semaphore, #tpu.memory_space<semaphore_mem>>) src(%dma_wait3A_663 : memref<128xf32, #tpu.memory_space<vmem>>) dst(%dma_wait3A_668 : memref<43008xf32, #tpu.memory_space<vmem_shared>>)
      %dma_wait3A_669 = arith.constant 3 : i32
      %dma_wait3A_670 = arith.constant 3 : i32
      %dma_wait3A_671 = arith.constant 0 : i32
      %dma_wait3A_672 = tpu.memref_slice %arg18[%dma_wait3A_669, %dma_wait3A_671] : memref<8x128xf32, #tpu.memory_space<vmem>> -> memref<1x128xf32, #tpu.memory_space<vmem>>
      %dma_wait3A_673 = tpu.memref_squeeze %dma_wait3A_672 : memref<1x128xf32, #tpu.memory_space<vmem>> -> memref<128xf32, #tpu.memory_space<vmem>>
      %dma_wait3A_674 = arith.constant 0 : i32
      %dma_wait3A_675 = tpu.memref_slice %arg16[%dma_wait3A_670, %dma_wait3A_674] : memref<8x128xi32, #tpu.memory_space<vmem>> -> memref<1x128xi32, #tpu.memory_space<vmem>>
      %dma_wait3A_676 = tpu.memref_squeeze %dma_wait3A_675 : memref<1x128xi32, #tpu.memory_space<vmem>> -> memref<128xi32, #tpu.memory_space<vmem>>
      %dma_wait3A_677 = arith.constant 0 : i32
      %dma_wait3A_678 = tpu.memref_slice %arg24[%dma_wait3A_677] : memref<43008xf32, #tpu.memory_space<vmem_shared>> -> memref<43008xf32, #tpu.memory_space<vmem_shared>>
      tpu.wait_indirect_dma semaphore(%arg29 : memref<!tpu.dma_semaphore, #tpu.memory_space<semaphore_mem>>) src(%dma_wait3A_673 : memref<128xf32, #tpu.memory_space<vmem>>) dst(%dma_wait3A_678 : memref<43008xf32, #tpu.memory_space<vmem_shared>>)
      %dma_wait3A_679 = arith.constant 4 : i32
      %dma_wait3A_680 = arith.constant 4 : i32
      %dma_wait3A_681 = arith.constant 0 : i32
      %dma_wait3A_682 = tpu.memref_slice %arg18[%dma_wait3A_679, %dma_wait3A_681] : memref<8x128xf32, #tpu.memory_space<vmem>> -> memref<1x128xf32, #tpu.memory_space<vmem>>
      %dma_wait3A_683 = tpu.memref_squeeze %dma_wait3A_682 : memref<1x128xf32, #tpu.memory_space<vmem>> -> memref<128xf32, #tpu.memory_space<vmem>>
      %dma_wait3A_684 = arith.constant 0 : i32
      %dma_wait3A_685 = tpu.memref_slice %arg16[%dma_wait3A_680, %dma_wait3A_684] : memref<8x128xi32, #tpu.memory_space<vmem>> -> memref<1x128xi32, #tpu.memory_space<vmem>>
      %dma_wait3A_686 = tpu.memref_squeeze %dma_wait3A_685 : memref<1x128xi32, #tpu.memory_space<vmem>> -> memref<128xi32, #tpu.memory_space<vmem>>
      %dma_wait3A_687 = arith.constant 0 : i32
      %dma_wait3A_688 = tpu.memref_slice %arg24[%dma_wait3A_687] : memref<43008xf32, #tpu.memory_space<vmem_shared>> -> memref<43008xf32, #tpu.memory_space<vmem_shared>>
      tpu.wait_indirect_dma semaphore(%arg29 : memref<!tpu.dma_semaphore, #tpu.memory_space<semaphore_mem>>) src(%dma_wait3A_683 : memref<128xf32, #tpu.memory_space<vmem>>) dst(%dma_wait3A_688 : memref<43008xf32, #tpu.memory_space<vmem_shared>>)
      %dma_wait3A_689 = arith.constant 5 : i32
      %dma_wait3A_690 = arith.constant 5 : i32
      %dma_wait3A_691 = arith.constant 0 : i32
      %dma_wait3A_692 = tpu.memref_slice %arg18[%dma_wait3A_689, %dma_wait3A_691] : memref<8x128xf32, #tpu.memory_space<vmem>> -> memref<1x128xf32, #tpu.memory_space<vmem>>
      %dma_wait3A_693 = tpu.memref_squeeze %dma_wait3A_692 : memref<1x128xf32, #tpu.memory_space<vmem>> -> memref<128xf32, #tpu.memory_space<vmem>>
      %dma_wait3A_694 = arith.constant 0 : i32
      %dma_wait3A_695 = tpu.memref_slice %arg16[%dma_wait3A_690, %dma_wait3A_694] : memref<8x128xi32, #tpu.memory_space<vmem>> -> memref<1x128xi32, #tpu.memory_space<vmem>>
      %dma_wait3A_696 = tpu.memref_squeeze %dma_wait3A_695 : memref<1x128xi32, #tpu.memory_space<vmem>> -> memref<128xi32, #tpu.memory_space<vmem>>
      %dma_wait3A_697 = arith.constant 0 : i32
      %dma_wait3A_698 = tpu.memref_slice %arg24[%dma_wait3A_697] : memref<43008xf32, #tpu.memory_space<vmem_shared>> -> memref<43008xf32, #tpu.memory_space<vmem_shared>>
      tpu.wait_indirect_dma semaphore(%arg29 : memref<!tpu.dma_semaphore, #tpu.memory_space<semaphore_mem>>) src(%dma_wait3A_693 : memref<128xf32, #tpu.memory_space<vmem>>) dst(%dma_wait3A_698 : memref<43008xf32, #tpu.memory_space<vmem_shared>>)
      %dma_wait3A_699 = arith.constant 6 : i32
      %dma_wait3A_700 = arith.constant 6 : i32
      %dma_wait3A_701 = arith.constant 0 : i32
      %dma_wait3A_702 = tpu.memref_slice %arg18[%dma_wait3A_699, %dma_wait3A_701] : memref<8x128xf32, #tpu.memory_space<vmem>> -> memref<1x128xf32, #tpu.memory_space<vmem>>
      %dma_wait3A_703 = tpu.memref_squeeze %dma_wait3A_702 : memref<1x128xf32, #tpu.memory_space<vmem>> -> memref<128xf32, #tpu.memory_space<vmem>>
      %dma_wait3A_704 = arith.constant 0 : i32
      %dma_wait3A_705 = tpu.memref_slice %arg16[%dma_wait3A_700, %dma_wait3A_704] : memref<8x128xi32, #tpu.memory_space<vmem>> -> memref<1x128xi32, #tpu.memory_space<vmem>>
      %dma_wait3A_706 = tpu.memref_squeeze %dma_wait3A_705 : memref<1x128xi32, #tpu.memory_space<vmem>> -> memref<128xi32, #tpu.memory_space<vmem>>
      %dma_wait3A_707 = arith.constant 0 : i32
      %dma_wait3A_708 = tpu.memref_slice %arg24[%dma_wait3A_707] : memref<43008xf32, #tpu.memory_space<vmem_shared>> -> memref<43008xf32, #tpu.memory_space<vmem_shared>>
      tpu.wait_indirect_dma semaphore(%arg29 : memref<!tpu.dma_semaphore, #tpu.memory_space<semaphore_mem>>) src(%dma_wait3A_703 : memref<128xf32, #tpu.memory_space<vmem>>) dst(%dma_wait3A_708 : memref<43008xf32, #tpu.memory_space<vmem_shared>>)
      %dma_wait3A_709 = arith.constant 7 : i32
      %dma_wait3A_710 = arith.constant 7 : i32
      %dma_wait3A_711 = arith.constant 0 : i32
      %dma_wait3A_712 = tpu.memref_slice %arg18[%dma_wait3A_709, %dma_wait3A_711] : memref<8x128xf32, #tpu.memory_space<vmem>> -> memref<1x128xf32, #tpu.memory_space<vmem>>
      %dma_wait3A_713 = tpu.memref_squeeze %dma_wait3A_712 : memref<1x128xf32, #tpu.memory_space<vmem>> -> memref<128xf32, #tpu.memory_space<vmem>>
      %dma_wait3A_714 = arith.constant 0 : i32
      %dma_wait3A_715 = tpu.memref_slice %arg16[%dma_wait3A_710, %dma_wait3A_714] : memref<8x128xi32, #tpu.memory_space<vmem>> -> memref<1x128xi32, #tpu.memory_space<vmem>>
      %dma_wait3A_716 = tpu.memref_squeeze %dma_wait3A_715 : memref<1x128xi32, #tpu.memory_space<vmem>> -> memref<128xi32, #tpu.memory_space<vmem>>
      %dma_wait3A_717 = arith.constant 0 : i32
      %dma_wait3A_718 = tpu.memref_slice %arg24[%dma_wait3A_717] : memref<43008xf32, #tpu.memory_space<vmem_shared>> -> memref<43008xf32, #tpu.memory_space<vmem_shared>>
      tpu.wait_indirect_dma semaphore(%arg29 : memref<!tpu.dma_semaphore, #tpu.memory_space<semaphore_mem>>) src(%dma_wait3A_713 : memref<128xf32, #tpu.memory_space<vmem>>) dst(%dma_wait3A_718 : memref<43008xf32, #tpu.memory_space<vmem_shared>>)
      %dma_wait3A_719 = arith.constant 0 : i32
      %dma_wait3A_720 = arith.constant 0 : i32
      %dma_wait3A_721 = arith.constant 0 : i32
      %dma_wait3A_722 = tpu.memref_slice %arg19[%dma_wait3A_719, %dma_wait3A_721] : memref<8x128xf32, #tpu.memory_space<vmem>> -> memref<1x128xf32, #tpu.memory_space<vmem>>
      %dma_wait3A_723 = tpu.memref_squeeze %dma_wait3A_722 : memref<1x128xf32, #tpu.memory_space<vmem>> -> memref<128xf32, #tpu.memory_space<vmem>>
      %dma_wait3A_724 = arith.constant 0 : i32
      %dma_wait3A_725 = tpu.memref_slice %arg16[%dma_wait3A_720, %dma_wait3A_724] : memref<8x128xi32, #tpu.memory_space<vmem>> -> memref<1x128xi32, #tpu.memory_space<vmem>>
      %dma_wait3A_726 = tpu.memref_squeeze %dma_wait3A_725 : memref<1x128xi32, #tpu.memory_space<vmem>> -> memref<128xi32, #tpu.memory_space<vmem>>
      %dma_wait3A_727 = arith.constant 0 : i32
      %dma_wait3A_728 = tpu.memref_slice %arg25[%dma_wait3A_727] : memref<43008xf32, #tpu.memory_space<vmem_shared>> -> memref<43008xf32, #tpu.memory_space<vmem_shared>>
      tpu.wait_indirect_dma semaphore(%arg29 : memref<!tpu.dma_semaphore, #tpu.memory_space<semaphore_mem>>) src(%dma_wait3A_723 : memref<128xf32, #tpu.memory_space<vmem>>) dst(%dma_wait3A_728 : memref<43008xf32, #tpu.memory_space<vmem_shared>>)
      %dma_wait3A_729 = arith.constant 1 : i32
      %dma_wait3A_730 = arith.constant 1 : i32
      %dma_wait3A_731 = arith.constant 0 : i32
      %dma_wait3A_732 = tpu.memref_slice %arg19[%dma_wait3A_729, %dma_wait3A_731] : memref<8x128xf32, #tpu.memory_space<vmem>> -> memref<1x128xf32, #tpu.memory_space<vmem>>
      %dma_wait3A_733 = tpu.memref_squeeze %dma_wait3A_732 : memref<1x128xf32, #tpu.memory_space<vmem>> -> memref<128xf32, #tpu.memory_space<vmem>>
      %dma_wait3A_734 = arith.constant 0 : i32
      %dma_wait3A_735 = tpu.memref_slice %arg16[%dma_wait3A_730, %dma_wait3A_734] : memref<8x128xi32, #tpu.memory_space<vmem>> -> memref<1x128xi32, #tpu.memory_space<vmem>>
      %dma_wait3A_736 = tpu.memref_squeeze %dma_wait3A_735 : memref<1x128xi32, #tpu.memory_space<vmem>> -> memref<128xi32, #tpu.memory_space<vmem>>
      %dma_wait3A_737 = arith.constant 0 : i32
      %dma_wait3A_738 = tpu.memref_slice %arg25[%dma_wait3A_737] : memref<43008xf32, #tpu.memory_space<vmem_shared>> -> memref<43008xf32, #tpu.memory_space<vmem_shared>>
      tpu.wait_indirect_dma semaphore(%arg29 : memref<!tpu.dma_semaphore, #tpu.memory_space<semaphore_mem>>) src(%dma_wait3A_733 : memref<128xf32, #tpu.memory_space<vmem>>) dst(%dma_wait3A_738 : memref<43008xf32, #tpu.memory_space<vmem_shared>>)
      %dma_wait3A_739 = arith.constant 2 : i32
      %dma_wait3A_740 = arith.constant 2 : i32
      %dma_wait3A_741 = arith.constant 0 : i32
      %dma_wait3A_742 = tpu.memref_slice %arg19[%dma_wait3A_739, %dma_wait3A_741] : memref<8x128xf32, #tpu.memory_space<vmem>> -> memref<1x128xf32, #tpu.memory_space<vmem>>
      %dma_wait3A_743 = tpu.memref_squeeze %dma_wait3A_742 : memref<1x128xf32, #tpu.memory_space<vmem>> -> memref<128xf32, #tpu.memory_space<vmem>>
      %dma_wait3A_744 = arith.constant 0 : i32
      %dma_wait3A_745 = tpu.memref_slice %arg16[%dma_wait3A_740, %dma_wait3A_744] : memref<8x128xi32, #tpu.memory_space<vmem>> -> memref<1x128xi32, #tpu.memory_space<vmem>>
      %dma_wait3A_746 = tpu.memref_squeeze %dma_wait3A_745 : memref<1x128xi32, #tpu.memory_space<vmem>> -> memref<128xi32, #tpu.memory_space<vmem>>
      %dma_wait3A_747 = arith.constant 0 : i32
      %dma_wait3A_748 = tpu.memref_slice %arg25[%dma_wait3A_747] : memref<43008xf32, #tpu.memory_space<vmem_shared>> -> memref<43008xf32, #tpu.memory_space<vmem_shared>>
      tpu.wait_indirect_dma semaphore(%arg29 : memref<!tpu.dma_semaphore, #tpu.memory_space<semaphore_mem>>) src(%dma_wait3A_743 : memref<128xf32, #tpu.memory_space<vmem>>) dst(%dma_wait3A_748 : memref<43008xf32, #tpu.memory_space<vmem_shared>>)
      %dma_wait3A_749 = arith.constant 3 : i32
      %dma_wait3A_750 = arith.constant 3 : i32
      %dma_wait3A_751 = arith.constant 0 : i32
      %dma_wait3A_752 = tpu.memref_slice %arg19[%dma_wait3A_749, %dma_wait3A_751] : memref<8x128xf32, #tpu.memory_space<vmem>> -> memref<1x128xf32, #tpu.memory_space<vmem>>
      %dma_wait3A_753 = tpu.memref_squeeze %dma_wait3A_752 : memref<1x128xf32, #tpu.memory_space<vmem>> -> memref<128xf32, #tpu.memory_space<vmem>>
      %dma_wait3A_754 = arith.constant 0 : i32
      %dma_wait3A_755 = tpu.memref_slice %arg16[%dma_wait3A_750, %dma_wait3A_754] : memref<8x128xi32, #tpu.memory_space<vmem>> -> memref<1x128xi32, #tpu.memory_space<vmem>>
      %dma_wait3A_756 = tpu.memref_squeeze %dma_wait3A_755 : memref<1x128xi32, #tpu.memory_space<vmem>> -> memref<128xi32, #tpu.memory_space<vmem>>
      %dma_wait3A_757 = arith.constant 0 : i32
      %dma_wait3A_758 = tpu.memref_slice %arg25[%dma_wait3A_757] : memref<43008xf32, #tpu.memory_space<vmem_shared>> -> memref<43008xf32, #tpu.memory_space<vmem_shared>>
      tpu.wait_indirect_dma semaphore(%arg29 : memref<!tpu.dma_semaphore, #tpu.memory_space<semaphore_mem>>) src(%dma_wait3A_753 : memref<128xf32, #tpu.memory_space<vmem>>) dst(%dma_wait3A_758 : memref<43008xf32, #tpu.memory_space<vmem_shared>>)
      %dma_wait3A_759 = arith.constant 4 : i32
      %dma_wait3A_760 = arith.constant 4 : i32
      %dma_wait3A_761 = arith.constant 0 : i32
      %dma_wait3A_762 = tpu.memref_slice %arg19[%dma_wait3A_759, %dma_wait3A_761] : memref<8x128xf32, #tpu.memory_space<vmem>> -> memref<1x128xf32, #tpu.memory_space<vmem>>
      %dma_wait3A_763 = tpu.memref_squeeze %dma_wait3A_762 : memref<1x128xf32, #tpu.memory_space<vmem>> -> memref<128xf32, #tpu.memory_space<vmem>>
      %dma_wait3A_764 = arith.constant 0 : i32
      %dma_wait3A_765 = tpu.memref_slice %arg16[%dma_wait3A_760, %dma_wait3A_764] : memref<8x128xi32, #tpu.memory_space<vmem>> -> memref<1x128xi32, #tpu.memory_space<vmem>>
      %dma_wait3A_766 = tpu.memref_squeeze %dma_wait3A_765 : memref<1x128xi32, #tpu.memory_space<vmem>> -> memref<128xi32, #tpu.memory_space<vmem>>
      %dma_wait3A_767 = arith.constant 0 : i32
      %dma_wait3A_768 = tpu.memref_slice %arg25[%dma_wait3A_767] : memref<43008xf32, #tpu.memory_space<vmem_shared>> -> memref<43008xf32, #tpu.memory_space<vmem_shared>>
      tpu.wait_indirect_dma semaphore(%arg29 : memref<!tpu.dma_semaphore, #tpu.memory_space<semaphore_mem>>) src(%dma_wait3A_763 : memref<128xf32, #tpu.memory_space<vmem>>) dst(%dma_wait3A_768 : memref<43008xf32, #tpu.memory_space<vmem_shared>>)
      %dma_wait3A_769 = arith.constant 5 : i32
      %dma_wait3A_770 = arith.constant 5 : i32
      %dma_wait3A_771 = arith.constant 0 : i32
      %dma_wait3A_772 = tpu.memref_slice %arg19[%dma_wait3A_769, %dma_wait3A_771] : memref<8x128xf32, #tpu.memory_space<vmem>> -> memref<1x128xf32, #tpu.memory_space<vmem>>
      %dma_wait3A_773 = tpu.memref_squeeze %dma_wait3A_772 : memref<1x128xf32, #tpu.memory_space<vmem>> -> memref<128xf32, #tpu.memory_space<vmem>>
      %dma_wait3A_774 = arith.constant 0 : i32
      %dma_wait3A_775 = tpu.memref_slice %arg16[%dma_wait3A_770, %dma_wait3A_774] : memref<8x128xi32, #tpu.memory_space<vmem>> -> memref<1x128xi32, #tpu.memory_space<vmem>>
      %dma_wait3A_776 = tpu.memref_squeeze %dma_wait3A_775 : memref<1x128xi32, #tpu.memory_space<vmem>> -> memref<128xi32, #tpu.memory_space<vmem>>
      %dma_wait3A_777 = arith.constant 0 : i32
      %dma_wait3A_778 = tpu.memref_slice %arg25[%dma_wait3A_777] : memref<43008xf32, #tpu.memory_space<vmem_shared>> -> memref<43008xf32, #tpu.memory_space<vmem_shared>>
      tpu.wait_indirect_dma semaphore(%arg29 : memref<!tpu.dma_semaphore, #tpu.memory_space<semaphore_mem>>) src(%dma_wait3A_773 : memref<128xf32, #tpu.memory_space<vmem>>) dst(%dma_wait3A_778 : memref<43008xf32, #tpu.memory_space<vmem_shared>>)
      %dma_wait3A_779 = arith.constant 6 : i32
      %dma_wait3A_780 = arith.constant 6 : i32
      %dma_wait3A_781 = arith.constant 0 : i32
      %dma_wait3A_782 = tpu.memref_slice %arg19[%dma_wait3A_779, %dma_wait3A_781] : memref<8x128xf32, #tpu.memory_space<vmem>> -> memref<1x128xf32, #tpu.memory_space<vmem>>
      %dma_wait3A_783 = tpu.memref_squeeze %dma_wait3A_782 : memref<1x128xf32, #tpu.memory_space<vmem>> -> memref<128xf32, #tpu.memory_space<vmem>>
      %dma_wait3A_784 = arith.constant 0 : i32
      %dma_wait3A_785 = tpu.memref_slice %arg16[%dma_wait3A_780, %dma_wait3A_784] : memref<8x128xi32, #tpu.memory_space<vmem>> -> memref<1x128xi32, #tpu.memory_space<vmem>>
      %dma_wait3A_786 = tpu.memref_squeeze %dma_wait3A_785 : memref<1x128xi32, #tpu.memory_space<vmem>> -> memref<128xi32, #tpu.memory_space<vmem>>
      %dma_wait3A_787 = arith.constant 0 : i32
      %dma_wait3A_788 = tpu.memref_slice %arg25[%dma_wait3A_787] : memref<43008xf32, #tpu.memory_space<vmem_shared>> -> memref<43008xf32, #tpu.memory_space<vmem_shared>>
      tpu.wait_indirect_dma semaphore(%arg29 : memref<!tpu.dma_semaphore, #tpu.memory_space<semaphore_mem>>) src(%dma_wait3A_783 : memref<128xf32, #tpu.memory_space<vmem>>) dst(%dma_wait3A_788 : memref<43008xf32, #tpu.memory_space<vmem_shared>>)
      %dma_wait3A_789 = arith.constant 7 : i32
      %dma_wait3A_790 = arith.constant 7 : i32
      %dma_wait3A_791 = arith.constant 0 : i32
      %dma_wait3A_792 = tpu.memref_slice %arg19[%dma_wait3A_789, %dma_wait3A_791] : memref<8x128xf32, #tpu.memory_space<vmem>> -> memref<1x128xf32, #tpu.memory_space<vmem>>
      %dma_wait3A_793 = tpu.memref_squeeze %dma_wait3A_792 : memref<1x128xf32, #tpu.memory_space<vmem>> -> memref<128xf32, #tpu.memory_space<vmem>>
      %dma_wait3A_794 = arith.constant 0 : i32
      %dma_wait3A_795 = tpu.memref_slice %arg16[%dma_wait3A_790, %dma_wait3A_794] : memref<8x128xi32, #tpu.memory_space<vmem>> -> memref<1x128xi32, #tpu.memory_space<vmem>>
      %dma_wait3A_796 = tpu.memref_squeeze %dma_wait3A_795 : memref<1x128xi32, #tpu.memory_space<vmem>> -> memref<128xi32, #tpu.memory_space<vmem>>
      %dma_wait3A_797 = arith.constant 0 : i32
      %dma_wait3A_798 = tpu.memref_slice %arg25[%dma_wait3A_797] : memref<43008xf32, #tpu.memory_space<vmem_shared>> -> memref<43008xf32, #tpu.memory_space<vmem_shared>>
      tpu.wait_indirect_dma semaphore(%arg29 : memref<!tpu.dma_semaphore, #tpu.memory_space<semaphore_mem>>) src(%dma_wait3A_793 : memref<128xf32, #tpu.memory_space<vmem>>) dst(%dma_wait3A_798 : memref<43008xf32, #tpu.memory_space<vmem_shared>>)
      %dma_wait3A_799 = arith.constant 0 : i32
      %dma_wait3A_800 = arith.constant 0 : i32
      %dma_wait3A_801 = arith.constant 0 : i32
      %dma_wait3A_802 = tpu.memref_slice %arg20[%dma_wait3A_799, %dma_wait3A_801] : memref<8x128xf32, #tpu.memory_space<vmem>> -> memref<1x128xf32, #tpu.memory_space<vmem>>
      %dma_wait3A_803 = tpu.memref_squeeze %dma_wait3A_802 : memref<1x128xf32, #tpu.memory_space<vmem>> -> memref<128xf32, #tpu.memory_space<vmem>>
      %dma_wait3A_804 = arith.constant 0 : i32
      %dma_wait3A_805 = tpu.memref_slice %arg16[%dma_wait3A_800, %dma_wait3A_804] : memref<8x128xi32, #tpu.memory_space<vmem>> -> memref<1x128xi32, #tpu.memory_space<vmem>>
      %dma_wait3A_806 = tpu.memref_squeeze %dma_wait3A_805 : memref<1x128xi32, #tpu.memory_space<vmem>> -> memref<128xi32, #tpu.memory_space<vmem>>
      %dma_wait3A_807 = arith.constant 0 : i32
      %dma_wait3A_808 = tpu.memref_slice %arg26[%dma_wait3A_807] : memref<43008xf32, #tpu.memory_space<vmem_shared>> -> memref<43008xf32, #tpu.memory_space<vmem_shared>>
      tpu.wait_indirect_dma semaphore(%arg29 : memref<!tpu.dma_semaphore, #tpu.memory_space<semaphore_mem>>) src(%dma_wait3A_803 : memref<128xf32, #tpu.memory_space<vmem>>) dst(%dma_wait3A_808 : memref<43008xf32, #tpu.memory_space<vmem_shared>>)
      %dma_wait3A_809 = arith.constant 1 : i32
      %dma_wait3A_810 = arith.constant 1 : i32
      %dma_wait3A_811 = arith.constant 0 : i32
      %dma_wait3A_812 = tpu.memref_slice %arg20[%dma_wait3A_809, %dma_wait3A_811] : memref<8x128xf32, #tpu.memory_space<vmem>> -> memref<1x128xf32, #tpu.memory_space<vmem>>
      %dma_wait3A_813 = tpu.memref_squeeze %dma_wait3A_812 : memref<1x128xf32, #tpu.memory_space<vmem>> -> memref<128xf32, #tpu.memory_space<vmem>>
      %dma_wait3A_814 = arith.constant 0 : i32
      %dma_wait3A_815 = tpu.memref_slice %arg16[%dma_wait3A_810, %dma_wait3A_814] : memref<8x128xi32, #tpu.memory_space<vmem>> -> memref<1x128xi32, #tpu.memory_space<vmem>>
      %dma_wait3A_816 = tpu.memref_squeeze %dma_wait3A_815 : memref<1x128xi32, #tpu.memory_space<vmem>> -> memref<128xi32, #tpu.memory_space<vmem>>
      %dma_wait3A_817 = arith.constant 0 : i32
      %dma_wait3A_818 = tpu.memref_slice %arg26[%dma_wait3A_817] : memref<43008xf32, #tpu.memory_space<vmem_shared>> -> memref<43008xf32, #tpu.memory_space<vmem_shared>>
      tpu.wait_indirect_dma semaphore(%arg29 : memref<!tpu.dma_semaphore, #tpu.memory_space<semaphore_mem>>) src(%dma_wait3A_813 : memref<128xf32, #tpu.memory_space<vmem>>) dst(%dma_wait3A_818 : memref<43008xf32, #tpu.memory_space<vmem_shared>>)
      %dma_wait3A_819 = arith.constant 2 : i32
      %dma_wait3A_820 = arith.constant 2 : i32
      %dma_wait3A_821 = arith.constant 0 : i32
      %dma_wait3A_822 = tpu.memref_slice %arg20[%dma_wait3A_819, %dma_wait3A_821] : memref<8x128xf32, #tpu.memory_space<vmem>> -> memref<1x128xf32, #tpu.memory_space<vmem>>
      %dma_wait3A_823 = tpu.memref_squeeze %dma_wait3A_822 : memref<1x128xf32, #tpu.memory_space<vmem>> -> memref<128xf32, #tpu.memory_space<vmem>>
      %dma_wait3A_824 = arith.constant 0 : i32
      %dma_wait3A_825 = tpu.memref_slice %arg16[%dma_wait3A_820, %dma_wait3A_824] : memref<8x128xi32, #tpu.memory_space<vmem>> -> memref<1x128xi32, #tpu.memory_space<vmem>>
      %dma_wait3A_826 = tpu.memref_squeeze %dma_wait3A_825 : memref<1x128xi32, #tpu.memory_space<vmem>> -> memref<128xi32, #tpu.memory_space<vmem>>
      %dma_wait3A_827 = arith.constant 0 : i32
      %dma_wait3A_828 = tpu.memref_slice %arg26[%dma_wait3A_827] : memref<43008xf32, #tpu.memory_space<vmem_shared>> -> memref<43008xf32, #tpu.memory_space<vmem_shared>>
      tpu.wait_indirect_dma semaphore(%arg29 : memref<!tpu.dma_semaphore, #tpu.memory_space<semaphore_mem>>) src(%dma_wait3A_823 : memref<128xf32, #tpu.memory_space<vmem>>) dst(%dma_wait3A_828 : memref<43008xf32, #tpu.memory_space<vmem_shared>>)
      %dma_wait3A_829 = arith.constant 3 : i32
      %dma_wait3A_830 = arith.constant 3 : i32
      %dma_wait3A_831 = arith.constant 0 : i32
      %dma_wait3A_832 = tpu.memref_slice %arg20[%dma_wait3A_829, %dma_wait3A_831] : memref<8x128xf32, #tpu.memory_space<vmem>> -> memref<1x128xf32, #tpu.memory_space<vmem>>
      %dma_wait3A_833 = tpu.memref_squeeze %dma_wait3A_832 : memref<1x128xf32, #tpu.memory_space<vmem>> -> memref<128xf32, #tpu.memory_space<vmem>>
      %dma_wait3A_834 = arith.constant 0 : i32
      %dma_wait3A_835 = tpu.memref_slice %arg16[%dma_wait3A_830, %dma_wait3A_834] : memref<8x128xi32, #tpu.memory_space<vmem>> -> memref<1x128xi32, #tpu.memory_space<vmem>>
      %dma_wait3A_836 = tpu.memref_squeeze %dma_wait3A_835 : memref<1x128xi32, #tpu.memory_space<vmem>> -> memref<128xi32, #tpu.memory_space<vmem>>
      %dma_wait3A_837 = arith.constant 0 : i32
      %dma_wait3A_838 = tpu.memref_slice %arg26[%dma_wait3A_837] : memref<43008xf32, #tpu.memory_space<vmem_shared>> -> memref<43008xf32, #tpu.memory_space<vmem_shared>>
      tpu.wait_indirect_dma semaphore(%arg29 : memref<!tpu.dma_semaphore, #tpu.memory_space<semaphore_mem>>) src(%dma_wait3A_833 : memref<128xf32, #tpu.memory_space<vmem>>) dst(%dma_wait3A_838 : memref<43008xf32, #tpu.memory_space<vmem_shared>>)
      %dma_wait3A_839 = arith.constant 4 : i32
      %dma_wait3A_840 = arith.constant 4 : i32
      %dma_wait3A_841 = arith.constant 0 : i32
      %dma_wait3A_842 = tpu.memref_slice %arg20[%dma_wait3A_839, %dma_wait3A_841] : memref<8x128xf32, #tpu.memory_space<vmem>> -> memref<1x128xf32, #tpu.memory_space<vmem>>
      %dma_wait3A_843 = tpu.memref_squeeze %dma_wait3A_842 : memref<1x128xf32, #tpu.memory_space<vmem>> -> memref<128xf32, #tpu.memory_space<vmem>>
      %dma_wait3A_844 = arith.constant 0 : i32
      %dma_wait3A_845 = tpu.memref_slice %arg16[%dma_wait3A_840, %dma_wait3A_844] : memref<8x128xi32, #tpu.memory_space<vmem>> -> memref<1x128xi32, #tpu.memory_space<vmem>>
      %dma_wait3A_846 = tpu.memref_squeeze %dma_wait3A_845 : memref<1x128xi32, #tpu.memory_space<vmem>> -> memref<128xi32, #tpu.memory_space<vmem>>
      %dma_wait3A_847 = arith.constant 0 : i32
      %dma_wait3A_848 = tpu.memref_slice %arg26[%dma_wait3A_847] : memref<43008xf32, #tpu.memory_space<vmem_shared>> -> memref<43008xf32, #tpu.memory_space<vmem_shared>>
      tpu.wait_indirect_dma semaphore(%arg29 : memref<!tpu.dma_semaphore, #tpu.memory_space<semaphore_mem>>) src(%dma_wait3A_843 : memref<128xf32, #tpu.memory_space<vmem>>) dst(%dma_wait3A_848 : memref<43008xf32, #tpu.memory_space<vmem_shared>>)
      %dma_wait3A_849 = arith.constant 5 : i32
      %dma_wait3A_850 = arith.constant 5 : i32
      %dma_wait3A_851 = arith.constant 0 : i32
      %dma_wait3A_852 = tpu.memref_slice %arg20[%dma_wait3A_849, %dma_wait3A_851] : memref<8x128xf32, #tpu.memory_space<vmem>> -> memref<1x128xf32, #tpu.memory_space<vmem>>
      %dma_wait3A_853 = tpu.memref_squeeze %dma_wait3A_852 : memref<1x128xf32, #tpu.memory_space<vmem>> -> memref<128xf32, #tpu.memory_space<vmem>>
      %dma_wait3A_854 = arith.constant 0 : i32
      %dma_wait3A_855 = tpu.memref_slice %arg16[%dma_wait3A_850, %dma_wait3A_854] : memref<8x128xi32, #tpu.memory_space<vmem>> -> memref<1x128xi32, #tpu.memory_space<vmem>>
      %dma_wait3A_856 = tpu.memref_squeeze %dma_wait3A_855 : memref<1x128xi32, #tpu.memory_space<vmem>> -> memref<128xi32, #tpu.memory_space<vmem>>
      %dma_wait3A_857 = arith.constant 0 : i32
      %dma_wait3A_858 = tpu.memref_slice %arg26[%dma_wait3A_857] : memref<43008xf32, #tpu.memory_space<vmem_shared>> -> memref<43008xf32, #tpu.memory_space<vmem_shared>>
      tpu.wait_indirect_dma semaphore(%arg29 : memref<!tpu.dma_semaphore, #tpu.memory_space<semaphore_mem>>) src(%dma_wait3A_853 : memref<128xf32, #tpu.memory_space<vmem>>) dst(%dma_wait3A_858 : memref<43008xf32, #tpu.memory_space<vmem_shared>>)
      %dma_wait3A_859 = arith.constant 6 : i32
      %dma_wait3A_860 = arith.constant 6 : i32
      %dma_wait3A_861 = arith.constant 0 : i32
      %dma_wait3A_862 = tpu.memref_slice %arg20[%dma_wait3A_859, %dma_wait3A_861] : memref<8x128xf32, #tpu.memory_space<vmem>> -> memref<1x128xf32, #tpu.memory_space<vmem>>
      %dma_wait3A_863 = tpu.memref_squeeze %dma_wait3A_862 : memref<1x128xf32, #tpu.memory_space<vmem>> -> memref<128xf32, #tpu.memory_space<vmem>>
      %dma_wait3A_864 = arith.constant 0 : i32
      %dma_wait3A_865 = tpu.memref_slice %arg16[%dma_wait3A_860, %dma_wait3A_864] : memref<8x128xi32, #tpu.memory_space<vmem>> -> memref<1x128xi32, #tpu.memory_space<vmem>>
      %dma_wait3A_866 = tpu.memref_squeeze %dma_wait3A_865 : memref<1x128xi32, #tpu.memory_space<vmem>> -> memref<128xi32, #tpu.memory_space<vmem>>
      %dma_wait3A_867 = arith.constant 0 : i32
      %dma_wait3A_868 = tpu.memref_slice %arg26[%dma_wait3A_867] : memref<43008xf32, #tpu.memory_space<vmem_shared>> -> memref<43008xf32, #tpu.memory_space<vmem_shared>>
      tpu.wait_indirect_dma semaphore(%arg29 : memref<!tpu.dma_semaphore, #tpu.memory_space<semaphore_mem>>) src(%dma_wait3A_863 : memref<128xf32, #tpu.memory_space<vmem>>) dst(%dma_wait3A_868 : memref<43008xf32, #tpu.memory_space<vmem_shared>>)
      %dma_wait3A_869 = arith.constant 7 : i32
      %dma_wait3A_870 = arith.constant 7 : i32
      %dma_wait3A_871 = arith.constant 0 : i32
      %dma_wait3A_872 = tpu.memref_slice %arg20[%dma_wait3A_869, %dma_wait3A_871] : memref<8x128xf32, #tpu.memory_space<vmem>> -> memref<1x128xf32, #tpu.memory_space<vmem>>
      %dma_wait3A_873 = tpu.memref_squeeze %dma_wait3A_872 : memref<1x128xf32, #tpu.memory_space<vmem>> -> memref<128xf32, #tpu.memory_space<vmem>>
      %dma_wait3A_874 = arith.constant 0 : i32
      %dma_wait3A_875 = tpu.memref_slice %arg16[%dma_wait3A_870, %dma_wait3A_874] : memref<8x128xi32, #tpu.memory_space<vmem>> -> memref<1x128xi32, #tpu.memory_space<vmem>>
      %dma_wait3A_876 = tpu.memref_squeeze %dma_wait3A_875 : memref<1x128xi32, #tpu.memory_space<vmem>> -> memref<128xi32, #tpu.memory_space<vmem>>
      %dma_wait3A_877 = arith.constant 0 : i32
      %dma_wait3A_878 = tpu.memref_slice %arg26[%dma_wait3A_877] : memref<43008xf32, #tpu.memory_space<vmem_shared>> -> memref<43008xf32, #tpu.memory_space<vmem_shared>>
      tpu.wait_indirect_dma semaphore(%arg29 : memref<!tpu.dma_semaphore, #tpu.memory_space<semaphore_mem>>) src(%dma_wait3A_873 : memref<128xf32, #tpu.memory_space<vmem>>) dst(%dma_wait3A_878 : memref<43008xf32, #tpu.memory_space<vmem_shared>>)
      %dma_wait3A_879 = arith.constant 0 : i32
      %dma_wait3A_880 = arith.constant 0 : i32
      %dma_wait3A_881 = arith.constant 0 : i32
      %dma_wait3A_882 = tpu.memref_slice %arg21[%dma_wait3A_879, %dma_wait3A_881] : memref<8x128xf32, #tpu.memory_space<vmem>> -> memref<1x128xf32, #tpu.memory_space<vmem>>
      %dma_wait3A_883 = tpu.memref_squeeze %dma_wait3A_882 : memref<1x128xf32, #tpu.memory_space<vmem>> -> memref<128xf32, #tpu.memory_space<vmem>>
      %dma_wait3A_884 = arith.constant 0 : i32
      %dma_wait3A_885 = tpu.memref_slice %arg16[%dma_wait3A_880, %dma_wait3A_884] : memref<8x128xi32, #tpu.memory_space<vmem>> -> memref<1x128xi32, #tpu.memory_space<vmem>>
      %dma_wait3A_886 = tpu.memref_squeeze %dma_wait3A_885 : memref<1x128xi32, #tpu.memory_space<vmem>> -> memref<128xi32, #tpu.memory_space<vmem>>
      %dma_wait3A_887 = arith.constant 0 : i32
      %dma_wait3A_888 = tpu.memref_slice %arg27[%dma_wait3A_887] : memref<43008xf32, #tpu.memory_space<vmem_shared>> -> memref<43008xf32, #tpu.memory_space<vmem_shared>>
      tpu.wait_indirect_dma semaphore(%arg29 : memref<!tpu.dma_semaphore, #tpu.memory_space<semaphore_mem>>) src(%dma_wait3A_883 : memref<128xf32, #tpu.memory_space<vmem>>) dst(%dma_wait3A_888 : memref<43008xf32, #tpu.memory_space<vmem_shared>>)
      %dma_wait3A_889 = arith.constant 1 : i32
      %dma_wait3A_890 = arith.constant 1 : i32
      %dma_wait3A_891 = arith.constant 0 : i32
      %dma_wait3A_892 = tpu.memref_slice %arg21[%dma_wait3A_889, %dma_wait3A_891] : memref<8x128xf32, #tpu.memory_space<vmem>> -> memref<1x128xf32, #tpu.memory_space<vmem>>
      %dma_wait3A_893 = tpu.memref_squeeze %dma_wait3A_892 : memref<1x128xf32, #tpu.memory_space<vmem>> -> memref<128xf32, #tpu.memory_space<vmem>>
      %dma_wait3A_894 = arith.constant 0 : i32
      %dma_wait3A_895 = tpu.memref_slice %arg16[%dma_wait3A_890, %dma_wait3A_894] : memref<8x128xi32, #tpu.memory_space<vmem>> -> memref<1x128xi32, #tpu.memory_space<vmem>>
      %dma_wait3A_896 = tpu.memref_squeeze %dma_wait3A_895 : memref<1x128xi32, #tpu.memory_space<vmem>> -> memref<128xi32, #tpu.memory_space<vmem>>
      %dma_wait3A_897 = arith.constant 0 : i32
      %dma_wait3A_898 = tpu.memref_slice %arg27[%dma_wait3A_897] : memref<43008xf32, #tpu.memory_space<vmem_shared>> -> memref<43008xf32, #tpu.memory_space<vmem_shared>>
      tpu.wait_indirect_dma semaphore(%arg29 : memref<!tpu.dma_semaphore, #tpu.memory_space<semaphore_mem>>) src(%dma_wait3A_893 : memref<128xf32, #tpu.memory_space<vmem>>) dst(%dma_wait3A_898 : memref<43008xf32, #tpu.memory_space<vmem_shared>>)
      %dma_wait3A_899 = arith.constant 2 : i32
      %dma_wait3A_900 = arith.constant 2 : i32
      %dma_wait3A_901 = arith.constant 0 : i32
      %dma_wait3A_902 = tpu.memref_slice %arg21[%dma_wait3A_899, %dma_wait3A_901] : memref<8x128xf32, #tpu.memory_space<vmem>> -> memref<1x128xf32, #tpu.memory_space<vmem>>
      %dma_wait3A_903 = tpu.memref_squeeze %dma_wait3A_902 : memref<1x128xf32, #tpu.memory_space<vmem>> -> memref<128xf32, #tpu.memory_space<vmem>>
      %dma_wait3A_904 = arith.constant 0 : i32
      %dma_wait3A_905 = tpu.memref_slice %arg16[%dma_wait3A_900, %dma_wait3A_904] : memref<8x128xi32, #tpu.memory_space<vmem>> -> memref<1x128xi32, #tpu.memory_space<vmem>>
      %dma_wait3A_906 = tpu.memref_squeeze %dma_wait3A_905 : memref<1x128xi32, #tpu.memory_space<vmem>> -> memref<128xi32, #tpu.memory_space<vmem>>
      %dma_wait3A_907 = arith.constant 0 : i32
      %dma_wait3A_908 = tpu.memref_slice %arg27[%dma_wait3A_907] : memref<43008xf32, #tpu.memory_space<vmem_shared>> -> memref<43008xf32, #tpu.memory_space<vmem_shared>>
      tpu.wait_indirect_dma semaphore(%arg29 : memref<!tpu.dma_semaphore, #tpu.memory_space<semaphore_mem>>) src(%dma_wait3A_903 : memref<128xf32, #tpu.memory_space<vmem>>) dst(%dma_wait3A_908 : memref<43008xf32, #tpu.memory_space<vmem_shared>>)
      %dma_wait3A_909 = arith.constant 3 : i32
      %dma_wait3A_910 = arith.constant 3 : i32
      %dma_wait3A_911 = arith.constant 0 : i32
      %dma_wait3A_912 = tpu.memref_slice %arg21[%dma_wait3A_909, %dma_wait3A_911] : memref<8x128xf32, #tpu.memory_space<vmem>> -> memref<1x128xf32, #tpu.memory_space<vmem>>
      %dma_wait3A_913 = tpu.memref_squeeze %dma_wait3A_912 : memref<1x128xf32, #tpu.memory_space<vmem>> -> memref<128xf32, #tpu.memory_space<vmem>>
      %dma_wait3A_914 = arith.constant 0 : i32
      %dma_wait3A_915 = tpu.memref_slice %arg16[%dma_wait3A_910, %dma_wait3A_914] : memref<8x128xi32, #tpu.memory_space<vmem>> -> memref<1x128xi32, #tpu.memory_space<vmem>>
      %dma_wait3A_916 = tpu.memref_squeeze %dma_wait3A_915 : memref<1x128xi32, #tpu.memory_space<vmem>> -> memref<128xi32, #tpu.memory_space<vmem>>
      %dma_wait3A_917 = arith.constant 0 : i32
      %dma_wait3A_918 = tpu.memref_slice %arg27[%dma_wait3A_917] : memref<43008xf32, #tpu.memory_space<vmem_shared>> -> memref<43008xf32, #tpu.memory_space<vmem_shared>>
      tpu.wait_indirect_dma semaphore(%arg29 : memref<!tpu.dma_semaphore, #tpu.memory_space<semaphore_mem>>) src(%dma_wait3A_913 : memref<128xf32, #tpu.memory_space<vmem>>) dst(%dma_wait3A_918 : memref<43008xf32, #tpu.memory_space<vmem_shared>>)
      %dma_wait3A_919 = arith.constant 4 : i32
      %dma_wait3A_920 = arith.constant 4 : i32
      %dma_wait3A_921 = arith.constant 0 : i32
      %dma_wait3A_922 = tpu.memref_slice %arg21[%dma_wait3A_919, %dma_wait3A_921] : memref<8x128xf32, #tpu.memory_space<vmem>> -> memref<1x128xf32, #tpu.memory_space<vmem>>
      %dma_wait3A_923 = tpu.memref_squeeze %dma_wait3A_922 : memref<1x128xf32, #tpu.memory_space<vmem>> -> memref<128xf32, #tpu.memory_space<vmem>>
      %dma_wait3A_924 = arith.constant 0 : i32
      %dma_wait3A_925 = tpu.memref_slice %arg16[%dma_wait3A_920, %dma_wait3A_924] : memref<8x128xi32, #tpu.memory_space<vmem>> -> memref<1x128xi32, #tpu.memory_space<vmem>>
      %dma_wait3A_926 = tpu.memref_squeeze %dma_wait3A_925 : memref<1x128xi32, #tpu.memory_space<vmem>> -> memref<128xi32, #tpu.memory_space<vmem>>
      %dma_wait3A_927 = arith.constant 0 : i32
      %dma_wait3A_928 = tpu.memref_slice %arg27[%dma_wait3A_927] : memref<43008xf32, #tpu.memory_space<vmem_shared>> -> memref<43008xf32, #tpu.memory_space<vmem_shared>>
      tpu.wait_indirect_dma semaphore(%arg29 : memref<!tpu.dma_semaphore, #tpu.memory_space<semaphore_mem>>) src(%dma_wait3A_923 : memref<128xf32, #tpu.memory_space<vmem>>) dst(%dma_wait3A_928 : memref<43008xf32, #tpu.memory_space<vmem_shared>>)
      %dma_wait3A_929 = arith.constant 5 : i32
      %dma_wait3A_930 = arith.constant 5 : i32
      %dma_wait3A_931 = arith.constant 0 : i32
      %dma_wait3A_932 = tpu.memref_slice %arg21[%dma_wait3A_929, %dma_wait3A_931] : memref<8x128xf32, #tpu.memory_space<vmem>> -> memref<1x128xf32, #tpu.memory_space<vmem>>
      %dma_wait3A_933 = tpu.memref_squeeze %dma_wait3A_932 : memref<1x128xf32, #tpu.memory_space<vmem>> -> memref<128xf32, #tpu.memory_space<vmem>>
      %dma_wait3A_934 = arith.constant 0 : i32
      %dma_wait3A_935 = tpu.memref_slice %arg16[%dma_wait3A_930, %dma_wait3A_934] : memref<8x128xi32, #tpu.memory_space<vmem>> -> memref<1x128xi32, #tpu.memory_space<vmem>>
      %dma_wait3A_936 = tpu.memref_squeeze %dma_wait3A_935 : memref<1x128xi32, #tpu.memory_space<vmem>> -> memref<128xi32, #tpu.memory_space<vmem>>
      %dma_wait3A_937 = arith.constant 0 : i32
      %dma_wait3A_938 = tpu.memref_slice %arg27[%dma_wait3A_937] : memref<43008xf32, #tpu.memory_space<vmem_shared>> -> memref<43008xf32, #tpu.memory_space<vmem_shared>>
      tpu.wait_indirect_dma semaphore(%arg29 : memref<!tpu.dma_semaphore, #tpu.memory_space<semaphore_mem>>) src(%dma_wait3A_933 : memref<128xf32, #tpu.memory_space<vmem>>) dst(%dma_wait3A_938 : memref<43008xf32, #tpu.memory_space<vmem_shared>>)
      %dma_wait3A_939 = arith.constant 6 : i32
      %dma_wait3A_940 = arith.constant 6 : i32
      %dma_wait3A_941 = arith.constant 0 : i32
      %dma_wait3A_942 = tpu.memref_slice %arg21[%dma_wait3A_939, %dma_wait3A_941] : memref<8x128xf32, #tpu.memory_space<vmem>> -> memref<1x128xf32, #tpu.memory_space<vmem>>
      %dma_wait3A_943 = tpu.memref_squeeze %dma_wait3A_942 : memref<1x128xf32, #tpu.memory_space<vmem>> -> memref<128xf32, #tpu.memory_space<vmem>>
      %dma_wait3A_944 = arith.constant 0 : i32
      %dma_wait3A_945 = tpu.memref_slice %arg16[%dma_wait3A_940, %dma_wait3A_944] : memref<8x128xi32, #tpu.memory_space<vmem>> -> memref<1x128xi32, #tpu.memory_space<vmem>>
      %dma_wait3A_946 = tpu.memref_squeeze %dma_wait3A_945 : memref<1x128xi32, #tpu.memory_space<vmem>> -> memref<128xi32, #tpu.memory_space<vmem>>
      %dma_wait3A_947 = arith.constant 0 : i32
      %dma_wait3A_948 = tpu.memref_slice %arg27[%dma_wait3A_947] : memref<43008xf32, #tpu.memory_space<vmem_shared>> -> memref<43008xf32, #tpu.memory_space<vmem_shared>>
      tpu.wait_indirect_dma semaphore(%arg29 : memref<!tpu.dma_semaphore, #tpu.memory_space<semaphore_mem>>) src(%dma_wait3A_943 : memref<128xf32, #tpu.memory_space<vmem>>) dst(%dma_wait3A_948 : memref<43008xf32, #tpu.memory_space<vmem_shared>>)
      %dma_wait3A_949 = arith.constant 7 : i32
      %dma_wait3A_950 = arith.constant 7 : i32
      %dma_wait3A_951 = arith.constant 0 : i32
      %dma_wait3A_952 = tpu.memref_slice %arg21[%dma_wait3A_949, %dma_wait3A_951] : memref<8x128xf32, #tpu.memory_space<vmem>> -> memref<1x128xf32, #tpu.memory_space<vmem>>
      %dma_wait3A_953 = tpu.memref_squeeze %dma_wait3A_952 : memref<1x128xf32, #tpu.memory_space<vmem>> -> memref<128xf32, #tpu.memory_space<vmem>>
      %dma_wait3A_954 = arith.constant 0 : i32
      %dma_wait3A_955 = tpu.memref_slice %arg16[%dma_wait3A_950, %dma_wait3A_954] : memref<8x128xi32, #tpu.memory_space<vmem>> -> memref<1x128xi32, #tpu.memory_space<vmem>>
      %dma_wait3A_956 = tpu.memref_squeeze %dma_wait3A_955 : memref<1x128xi32, #tpu.memory_space<vmem>> -> memref<128xi32, #tpu.memory_space<vmem>>
      %dma_wait3A_957 = arith.constant 0 : i32
      %dma_wait3A_958 = tpu.memref_slice %arg27[%dma_wait3A_957] : memref<43008xf32, #tpu.memory_space<vmem_shared>> -> memref<43008xf32, #tpu.memory_space<vmem_shared>>
      tpu.wait_indirect_dma semaphore(%arg29 : memref<!tpu.dma_semaphore, #tpu.memory_space<semaphore_mem>>) src(%dma_wait3A_953 : memref<128xf32, #tpu.memory_space<vmem>>) dst(%dma_wait3A_958 : memref<43008xf32, #tpu.memory_space<vmem_shared>>)
      %dma_wait3A_959 = arith.constant 0 : i32
      %dma_wait3A_960 = arith.constant 0 : i32
      %dma_wait3A_961 = arith.constant 0 : i32
      %dma_wait3A_962 = tpu.memref_slice %arg22[%dma_wait3A_959, %dma_wait3A_961] : memref<8x128xf32, #tpu.memory_space<vmem>> -> memref<1x128xf32, #tpu.memory_space<vmem>>
      %dma_wait3A_963 = tpu.memref_squeeze %dma_wait3A_962 : memref<1x128xf32, #tpu.memory_space<vmem>> -> memref<128xf32, #tpu.memory_space<vmem>>
      %dma_wait3A_964 = arith.constant 0 : i32
      %dma_wait3A_965 = tpu.memref_slice %arg16[%dma_wait3A_960, %dma_wait3A_964] : memref<8x128xi32, #tpu.memory_space<vmem>> -> memref<1x128xi32, #tpu.memory_space<vmem>>
      %dma_wait3A_966 = tpu.memref_squeeze %dma_wait3A_965 : memref<1x128xi32, #tpu.memory_space<vmem>> -> memref<128xi32, #tpu.memory_space<vmem>>
      %dma_wait3A_967 = arith.constant 0 : i32
      %dma_wait3A_968 = tpu.memref_slice %arg28[%dma_wait3A_967] : memref<43008xf32, #tpu.memory_space<vmem_shared>> -> memref<43008xf32, #tpu.memory_space<vmem_shared>>
      tpu.wait_indirect_dma semaphore(%arg29 : memref<!tpu.dma_semaphore, #tpu.memory_space<semaphore_mem>>) src(%dma_wait3A_963 : memref<128xf32, #tpu.memory_space<vmem>>) dst(%dma_wait3A_968 : memref<43008xf32, #tpu.memory_space<vmem_shared>>)
      %dma_wait3A_969 = arith.constant 1 : i32
      %dma_wait3A_970 = arith.constant 1 : i32
      %dma_wait3A_971 = arith.constant 0 : i32
      %dma_wait3A_972 = tpu.memref_slice %arg22[%dma_wait3A_969, %dma_wait3A_971] : memref<8x128xf32, #tpu.memory_space<vmem>> -> memref<1x128xf32, #tpu.memory_space<vmem>>
      %dma_wait3A_973 = tpu.memref_squeeze %dma_wait3A_972 : memref<1x128xf32, #tpu.memory_space<vmem>> -> memref<128xf32, #tpu.memory_space<vmem>>
      %dma_wait3A_974 = arith.constant 0 : i32
      %dma_wait3A_975 = tpu.memref_slice %arg16[%dma_wait3A_970, %dma_wait3A_974] : memref<8x128xi32, #tpu.memory_space<vmem>> -> memref<1x128xi32, #tpu.memory_space<vmem>>
      %dma_wait3A_976 = tpu.memref_squeeze %dma_wait3A_975 : memref<1x128xi32, #tpu.memory_space<vmem>> -> memref<128xi32, #tpu.memory_space<vmem>>
      %dma_wait3A_977 = arith.constant 0 : i32
      %dma_wait3A_978 = tpu.memref_slice %arg28[%dma_wait3A_977] : memref<43008xf32, #tpu.memory_space<vmem_shared>> -> memref<43008xf32, #tpu.memory_space<vmem_shared>>
      tpu.wait_indirect_dma semaphore(%arg29 : memref<!tpu.dma_semaphore, #tpu.memory_space<semaphore_mem>>) src(%dma_wait3A_973 : memref<128xf32, #tpu.memory_space<vmem>>) dst(%dma_wait3A_978 : memref<43008xf32, #tpu.memory_space<vmem_shared>>)
      %dma_wait3A_979 = arith.constant 2 : i32
      %dma_wait3A_980 = arith.constant 2 : i32
      %dma_wait3A_981 = arith.constant 0 : i32
      %dma_wait3A_982 = tpu.memref_slice %arg22[%dma_wait3A_979, %dma_wait3A_981] : memref<8x128xf32, #tpu.memory_space<vmem>> -> memref<1x128xf32, #tpu.memory_space<vmem>>
      %dma_wait3A_983 = tpu.memref_squeeze %dma_wait3A_982 : memref<1x128xf32, #tpu.memory_space<vmem>> -> memref<128xf32, #tpu.memory_space<vmem>>
      %dma_wait3A_984 = arith.constant 0 : i32
      %dma_wait3A_985 = tpu.memref_slice %arg16[%dma_wait3A_980, %dma_wait3A_984] : memref<8x128xi32, #tpu.memory_space<vmem>> -> memref<1x128xi32, #tpu.memory_space<vmem>>
      %dma_wait3A_986 = tpu.memref_squeeze %dma_wait3A_985 : memref<1x128xi32, #tpu.memory_space<vmem>> -> memref<128xi32, #tpu.memory_space<vmem>>
      %dma_wait3A_987 = arith.constant 0 : i32
      %dma_wait3A_988 = tpu.memref_slice %arg28[%dma_wait3A_987] : memref<43008xf32, #tpu.memory_space<vmem_shared>> -> memref<43008xf32, #tpu.memory_space<vmem_shared>>
      tpu.wait_indirect_dma semaphore(%arg29 : memref<!tpu.dma_semaphore, #tpu.memory_space<semaphore_mem>>) src(%dma_wait3A_983 : memref<128xf32, #tpu.memory_space<vmem>>) dst(%dma_wait3A_988 : memref<43008xf32, #tpu.memory_space<vmem_shared>>)
      %dma_wait3A_989 = arith.constant 3 : i32
      %dma_wait3A_990 = arith.constant 3 : i32
      %dma_wait3A_991 = arith.constant 0 : i32
      %dma_wait3A_992 = tpu.memref_slice %arg22[%dma_wait3A_989, %dma_wait3A_991] : memref<8x128xf32, #tpu.memory_space<vmem>> -> memref<1x128xf32, #tpu.memory_space<vmem>>
      %dma_wait3A_993 = tpu.memref_squeeze %dma_wait3A_992 : memref<1x128xf32, #tpu.memory_space<vmem>> -> memref<128xf32, #tpu.memory_space<vmem>>
      %dma_wait3A_994 = arith.constant 0 : i32
      %dma_wait3A_995 = tpu.memref_slice %arg16[%dma_wait3A_990, %dma_wait3A_994] : memref<8x128xi32, #tpu.memory_space<vmem>> -> memref<1x128xi32, #tpu.memory_space<vmem>>
      %dma_wait3A_996 = tpu.memref_squeeze %dma_wait3A_995 : memref<1x128xi32, #tpu.memory_space<vmem>> -> memref<128xi32, #tpu.memory_space<vmem>>
      %dma_wait3A_997 = arith.constant 0 : i32
      %dma_wait3A_998 = tpu.memref_slice %arg28[%dma_wait3A_997] : memref<43008xf32, #tpu.memory_space<vmem_shared>> -> memref<43008xf32, #tpu.memory_space<vmem_shared>>
      tpu.wait_indirect_dma semaphore(%arg29 : memref<!tpu.dma_semaphore, #tpu.memory_space<semaphore_mem>>) src(%dma_wait3A_993 : memref<128xf32, #tpu.memory_space<vmem>>) dst(%dma_wait3A_998 : memref<43008xf32, #tpu.memory_space<vmem_shared>>)
      %dma_wait3A_999 = arith.constant 4 : i32
      %dma_wait3A_1000 = arith.constant 4 : i32
      %dma_wait3A_1001 = arith.constant 0 : i32
      %dma_wait3A_1002 = tpu.memref_slice %arg22[%dma_wait3A_999, %dma_wait3A_1001] : memref<8x128xf32, #tpu.memory_space<vmem>> -> memref<1x128xf32, #tpu.memory_space<vmem>>
      %dma_wait3A_1003 = tpu.memref_squeeze %dma_wait3A_1002 : memref<1x128xf32, #tpu.memory_space<vmem>> -> memref<128xf32, #tpu.memory_space<vmem>>
      %dma_wait3A_1004 = arith.constant 0 : i32
      %dma_wait3A_1005 = tpu.memref_slice %arg16[%dma_wait3A_1000, %dma_wait3A_1004] : memref<8x128xi32, #tpu.memory_space<vmem>> -> memref<1x128xi32, #tpu.memory_space<vmem>>
      %dma_wait3A_1006 = tpu.memref_squeeze %dma_wait3A_1005 : memref<1x128xi32, #tpu.memory_space<vmem>> -> memref<128xi32, #tpu.memory_space<vmem>>
      %dma_wait3A_1007 = arith.constant 0 : i32
      %dma_wait3A_1008 = tpu.memref_slice %arg28[%dma_wait3A_1007] : memref<43008xf32, #tpu.memory_space<vmem_shared>> -> memref<43008xf32, #tpu.memory_space<vmem_shared>>
      tpu.wait_indirect_dma semaphore(%arg29 : memref<!tpu.dma_semaphore, #tpu.memory_space<semaphore_mem>>) src(%dma_wait3A_1003 : memref<128xf32, #tpu.memory_space<vmem>>) dst(%dma_wait3A_1008 : memref<43008xf32, #tpu.memory_space<vmem_shared>>)
      %dma_wait3A_1009 = arith.constant 5 : i32
      %dma_wait3A_1010 = arith.constant 5 : i32
      %dma_wait3A_1011 = arith.constant 0 : i32
      %dma_wait3A_1012 = tpu.memref_slice %arg22[%dma_wait3A_1009, %dma_wait3A_1011] : memref<8x128xf32, #tpu.memory_space<vmem>> -> memref<1x128xf32, #tpu.memory_space<vmem>>
      %dma_wait3A_1013 = tpu.memref_squeeze %dma_wait3A_1012 : memref<1x128xf32, #tpu.memory_space<vmem>> -> memref<128xf32, #tpu.memory_space<vmem>>
      %dma_wait3A_1014 = arith.constant 0 : i32
      %dma_wait3A_1015 = tpu.memref_slice %arg16[%dma_wait3A_1010, %dma_wait3A_1014] : memref<8x128xi32, #tpu.memory_space<vmem>> -> memref<1x128xi32, #tpu.memory_space<vmem>>
      %dma_wait3A_1016 = tpu.memref_squeeze %dma_wait3A_1015 : memref<1x128xi32, #tpu.memory_space<vmem>> -> memref<128xi32, #tpu.memory_space<vmem>>
      %dma_wait3A_1017 = arith.constant 0 : i32
      %dma_wait3A_1018 = tpu.memref_slice %arg28[%dma_wait3A_1017] : memref<43008xf32, #tpu.memory_space<vmem_shared>> -> memref<43008xf32, #tpu.memory_space<vmem_shared>>
      tpu.wait_indirect_dma semaphore(%arg29 : memref<!tpu.dma_semaphore, #tpu.memory_space<semaphore_mem>>) src(%dma_wait3A_1013 : memref<128xf32, #tpu.memory_space<vmem>>) dst(%dma_wait3A_1018 : memref<43008xf32, #tpu.memory_space<vmem_shared>>)
      %dma_wait3A_1019 = arith.constant 6 : i32
      %dma_wait3A_1020 = arith.constant 6 : i32
      %dma_wait3A_1021 = arith.constant 0 : i32
      %dma_wait3A_1022 = tpu.memref_slice %arg22[%dma_wait3A_1019, %dma_wait3A_1021] : memref<8x128xf32, #tpu.memory_space<vmem>> -> memref<1x128xf32, #tpu.memory_space<vmem>>
      %dma_wait3A_1023 = tpu.memref_squeeze %dma_wait3A_1022 : memref<1x128xf32, #tpu.memory_space<vmem>> -> memref<128xf32, #tpu.memory_space<vmem>>
      %dma_wait3A_1024 = arith.constant 0 : i32
      %dma_wait3A_1025 = tpu.memref_slice %arg16[%dma_wait3A_1020, %dma_wait3A_1024] : memref<8x128xi32, #tpu.memory_space<vmem>> -> memref<1x128xi32, #tpu.memory_space<vmem>>
      %dma_wait3A_1026 = tpu.memref_squeeze %dma_wait3A_1025 : memref<1x128xi32, #tpu.memory_space<vmem>> -> memref<128xi32, #tpu.memory_space<vmem>>
      %dma_wait3A_1027 = arith.constant 0 : i32
      %dma_wait3A_1028 = tpu.memref_slice %arg28[%dma_wait3A_1027] : memref<43008xf32, #tpu.memory_space<vmem_shared>> -> memref<43008xf32, #tpu.memory_space<vmem_shared>>
      tpu.wait_indirect_dma semaphore(%arg29 : memref<!tpu.dma_semaphore, #tpu.memory_space<semaphore_mem>>) src(%dma_wait3A_1023 : memref<128xf32, #tpu.memory_space<vmem>>) dst(%dma_wait3A_1028 : memref<43008xf32, #tpu.memory_space<vmem_shared>>)
      %dma_wait3A_1029 = arith.constant 7 : i32
      %dma_wait3A_1030 = arith.constant 7 : i32
      %dma_wait3A_1031 = arith.constant 0 : i32
      %dma_wait3A_1032 = tpu.memref_slice %arg22[%dma_wait3A_1029, %dma_wait3A_1031] : memref<8x128xf32, #tpu.memory_space<vmem>> -> memref<1x128xf32, #tpu.memory_space<vmem>>
      %dma_wait3A_1033 = tpu.memref_squeeze %dma_wait3A_1032 : memref<1x128xf32, #tpu.memory_space<vmem>> -> memref<128xf32, #tpu.memory_space<vmem>>
      %dma_wait3A_1034 = arith.constant 0 : i32
      %dma_wait3A_1035 = tpu.memref_slice %arg16[%dma_wait3A_1030, %dma_wait3A_1034] : memref<8x128xi32, #tpu.memory_space<vmem>> -> memref<1x128xi32, #tpu.memory_space<vmem>>
      %dma_wait3A_1036 = tpu.memref_squeeze %dma_wait3A_1035 : memref<1x128xi32, #tpu.memory_space<vmem>> -> memref<128xi32, #tpu.memory_space<vmem>>
      %dma_wait3A_1037 = arith.constant 0 : i32
      %dma_wait3A_1038 = tpu.memref_slice %arg28[%dma_wait3A_1037] : memref<43008xf32, #tpu.memory_space<vmem_shared>> -> memref<43008xf32, #tpu.memory_space<vmem_shared>>
      tpu.wait_indirect_dma semaphore(%arg29 : memref<!tpu.dma_semaphore, #tpu.memory_space<semaphore_mem>>) src(%dma_wait3A_1033 : memref<128xf32, #tpu.memory_space<vmem>>) dst(%dma_wait3A_1038 : memref<43008xf32, #tpu.memory_space<vmem_shared>>)
    } else {
    }
    %add3A_29 = arith.constant 32 : i32
    %add3A_30 = arith.addi %add3A, %add3A_29 : i32
    %lt3A_31 = arith.constant 36 : i32
    %lt3A_32 = arith.cmpi slt, %add3A_30, %lt3A_31 : i32
    %convert_element_type3A_33 = arith.extui %lt3A_32 : i1 to i32
    %cond3A_34 = arith.constant 0 : i32
    %cond3A_35 = arith.cmpi ne, %convert_element_type3A_33, %cond3A_34 : i32
    scf.if %cond3A_35 {
      %mul3A_79 = arith.constant 8 : i32
      %mul3A_80 = arith.muli %add3A_30, %mul3A_79 : i32
      %multiple_of3A = tpu.assume_multiple %mul3A_80, 8 : i32
      "tpu.region"() ({
        %run_scoped3A = tpu.sem_alloc : memref<!tpu.dma_semaphore, #tpu.memory_space<semaphore_mem>>
        %dma_start3A_1039 = arith.constant 0 : i32
        %dma_start3A_1040 = tpu.memref_slice %arg2[%multiple_of3A, %dma_start3A_1039] : memref<288x128xi32, #tpu.memory_space<hbm>> -> memref<8x128xi32, #tpu.memory_space<hbm>>
        %dma_start3A_1041 = arith.constant 0 : i32
        %dma_start3A_1042 = tpu.memref_slice %arg2[%multiple_of3A, %dma_start3A_1041] : memref<288x128xi32, #tpu.memory_space<hbm>> -> memref<8x128xi32, #tpu.memory_space<hbm>>
        tpu.enqueue_dma source(%dma_start3A_1042 : memref<8x128xi32, #tpu.memory_space<hbm>>) target(%arg16 : memref<8x128xi32, #tpu.memory_space<vmem>>) target_semaphore(%run_scoped3A : memref<!tpu.dma_semaphore, #tpu.memory_space<semaphore_mem>>)
        %dma_wait3A_1043 = arith.constant 0 : i32
        %dma_wait3A_1044 = tpu.memref_slice %arg2[%multiple_of3A, %dma_wait3A_1043] : memref<288x128xi32, #tpu.memory_space<hbm>> -> memref<8x128xi32, #tpu.memory_space<hbm>>
        %dma_wait3A_1045 = arith.constant 0 : i32
        %dma_wait3A_1046 = tpu.memref_slice %arg2[%multiple_of3A, %dma_wait3A_1045] : memref<288x128xi32, #tpu.memory_space<hbm>> -> memref<8x128xi32, #tpu.memory_space<hbm>>
        tpu.wait_dma2 semaphore(%run_scoped3A : memref<!tpu.dma_semaphore, #tpu.memory_space<semaphore_mem>>) src(%dma_wait3A_1046 : memref<8x128xi32, #tpu.memory_space<hbm>>) dst(%arg16 : memref<8x128xi32, #tpu.memory_space<vmem>>)
        tpu.yield
      }) : () -> ()
      "tpu.region"() ({
        %run_scoped3A = tpu.sem_alloc : memref<!tpu.dma_semaphore, #tpu.memory_space<semaphore_mem>>
        %dma_start3A_1039 = arith.constant 0 : i32
        %dma_start3A_1040 = tpu.memref_slice %arg3[%multiple_of3A, %dma_start3A_1039] : memref<288x128xf32, #tpu.memory_space<hbm>> -> memref<8x128xf32, #tpu.memory_space<hbm>>
        %dma_start3A_1041 = arith.constant 0 : i32
        %dma_start3A_1042 = tpu.memref_slice %arg3[%multiple_of3A, %dma_start3A_1041] : memref<288x128xf32, #tpu.memory_space<hbm>> -> memref<8x128xf32, #tpu.memory_space<hbm>>
        tpu.enqueue_dma source(%dma_start3A_1042 : memref<8x128xf32, #tpu.memory_space<hbm>>) target(%arg17 : memref<8x128xf32, #tpu.memory_space<vmem>>) target_semaphore(%run_scoped3A : memref<!tpu.dma_semaphore, #tpu.memory_space<semaphore_mem>>)
        %dma_wait3A_1043 = arith.constant 0 : i32
        %dma_wait3A_1044 = tpu.memref_slice %arg3[%multiple_of3A, %dma_wait3A_1043] : memref<288x128xf32, #tpu.memory_space<hbm>> -> memref<8x128xf32, #tpu.memory_space<hbm>>
        %dma_wait3A_1045 = arith.constant 0 : i32
        %dma_wait3A_1046 = tpu.memref_slice %arg3[%multiple_of3A, %dma_wait3A_1045] : memref<288x128xf32, #tpu.memory_space<hbm>> -> memref<8x128xf32, #tpu.memory_space<hbm>>
        tpu.wait_dma2 semaphore(%run_scoped3A : memref<!tpu.dma_semaphore, #tpu.memory_space<semaphore_mem>>) src(%dma_wait3A_1046 : memref<8x128xf32, #tpu.memory_space<hbm>>) dst(%arg17 : memref<8x128xf32, #tpu.memory_space<vmem>>)
        tpu.yield
      }) : () -> ()
      %dma_start3A = arith.constant 0 : i32
      %dma_start3A_81 = arith.constant 0 : i32
      %dma_start3A_82 = arith.constant 0 : i32
      %dma_start3A_83 = tpu.memref_slice %arg17[%dma_start3A, %dma_start3A_82] : memref<8x128xf32, #tpu.memory_space<vmem>> -> memref<1x128xf32, #tpu.memory_space<vmem>>
      %dma_start3A_84 = tpu.memref_squeeze %dma_start3A_83 : memref<1x128xf32, #tpu.memory_space<vmem>> -> memref<128xf32, #tpu.memory_space<vmem>>
      %dma_start3A_85 = arith.constant 0 : i32
      %dma_start3A_86 = tpu.memref_slice %arg16[%dma_start3A_81, %dma_start3A_85] : memref<8x128xi32, #tpu.memory_space<vmem>> -> memref<1x128xi32, #tpu.memory_space<vmem>>
      %dma_start3A_87 = tpu.memref_squeeze %dma_start3A_86 : memref<1x128xi32, #tpu.memory_space<vmem>> -> memref<128xi32, #tpu.memory_space<vmem>>
      %dma_start3A_88 = arith.constant 0 : i32
      %dma_start3A_89 = tpu.memref_slice %arg23[%dma_start3A_88] : memref<43008xf32, #tpu.memory_space<vmem_shared>> -> memref<43008xf32, #tpu.memory_space<vmem_shared>>
      tpu.enqueue_indirect_dma source(%dma_start3A_84 : memref<128xf32, #tpu.memory_space<vmem>>) target(%dma_start3A_89 : memref<43008xf32, #tpu.memory_space<vmem_shared>>) offsets(%dma_start3A_87 : memref<128xi32, #tpu.memory_space<vmem>>) semaphore(%arg29 : memref<!tpu.dma_semaphore, #tpu.memory_space<semaphore_mem>>) {add = true}
      %dma_start3A_90 = arith.constant 1 : i32
      %dma_start3A_91 = arith.constant 1 : i32
      %dma_start3A_92 = arith.constant 0 : i32
      %dma_start3A_93 = tpu.memref_slice %arg17[%dma_start3A_90, %dma_start3A_92] : memref<8x128xf32, #tpu.memory_space<vmem>> -> memref<1x128xf32, #tpu.memory_space<vmem>>
      %dma_start3A_94 = tpu.memref_squeeze %dma_start3A_93 : memref<1x128xf32, #tpu.memory_space<vmem>> -> memref<128xf32, #tpu.memory_space<vmem>>
      %dma_start3A_95 = arith.constant 0 : i32
      %dma_start3A_96 = tpu.memref_slice %arg16[%dma_start3A_91, %dma_start3A_95] : memref<8x128xi32, #tpu.memory_space<vmem>> -> memref<1x128xi32, #tpu.memory_space<vmem>>
      %dma_start3A_97 = tpu.memref_squeeze %dma_start3A_96 : memref<1x128xi32, #tpu.memory_space<vmem>> -> memref<128xi32, #tpu.memory_space<vmem>>
      %dma_start3A_98 = arith.constant 0 : i32
      %dma_start3A_99 = tpu.memref_slice %arg23[%dma_start3A_98] : memref<43008xf32, #tpu.memory_space<vmem_shared>> -> memref<43008xf32, #tpu.memory_space<vmem_shared>>
      tpu.enqueue_indirect_dma source(%dma_start3A_94 : memref<128xf32, #tpu.memory_space<vmem>>) target(%dma_start3A_99 : memref<43008xf32, #tpu.memory_space<vmem_shared>>) offsets(%dma_start3A_97 : memref<128xi32, #tpu.memory_space<vmem>>) semaphore(%arg29 : memref<!tpu.dma_semaphore, #tpu.memory_space<semaphore_mem>>) {add = true}
      %dma_start3A_100 = arith.constant 2 : i32
      %dma_start3A_101 = arith.constant 2 : i32
      %dma_start3A_102 = arith.constant 0 : i32
      %dma_start3A_103 = tpu.memref_slice %arg17[%dma_start3A_100, %dma_start3A_102] : memref<8x128xf32, #tpu.memory_space<vmem>> -> memref<1x128xf32, #tpu.memory_space<vmem>>
      %dma_start3A_104 = tpu.memref_squeeze %dma_start3A_103 : memref<1x128xf32, #tpu.memory_space<vmem>> -> memref<128xf32, #tpu.memory_space<vmem>>
      %dma_start3A_105 = arith.constant 0 : i32
      %dma_start3A_106 = tpu.memref_slice %arg16[%dma_start3A_101, %dma_start3A_105] : memref<8x128xi32, #tpu.memory_space<vmem>> -> memref<1x128xi32, #tpu.memory_space<vmem>>
      %dma_start3A_107 = tpu.memref_squeeze %dma_start3A_106 : memref<1x128xi32, #tpu.memory_space<vmem>> -> memref<128xi32, #tpu.memory_space<vmem>>
      %dma_start3A_108 = arith.constant 0 : i32
      %dma_start3A_109 = tpu.memref_slice %arg23[%dma_start3A_108] : memref<43008xf32, #tpu.memory_space<vmem_shared>> -> memref<43008xf32, #tpu.memory_space<vmem_shared>>
      tpu.enqueue_indirect_dma source(%dma_start3A_104 : memref<128xf32, #tpu.memory_space<vmem>>) target(%dma_start3A_109 : memref<43008xf32, #tpu.memory_space<vmem_shared>>) offsets(%dma_start3A_107 : memref<128xi32, #tpu.memory_space<vmem>>) semaphore(%arg29 : memref<!tpu.dma_semaphore, #tpu.memory_space<semaphore_mem>>) {add = true}
      %dma_start3A_110 = arith.constant 3 : i32
      %dma_start3A_111 = arith.constant 3 : i32
      %dma_start3A_112 = arith.constant 0 : i32
      %dma_start3A_113 = tpu.memref_slice %arg17[%dma_start3A_110, %dma_start3A_112] : memref<8x128xf32, #tpu.memory_space<vmem>> -> memref<1x128xf32, #tpu.memory_space<vmem>>
      %dma_start3A_114 = tpu.memref_squeeze %dma_start3A_113 : memref<1x128xf32, #tpu.memory_space<vmem>> -> memref<128xf32, #tpu.memory_space<vmem>>
      %dma_start3A_115 = arith.constant 0 : i32
      %dma_start3A_116 = tpu.memref_slice %arg16[%dma_start3A_111, %dma_start3A_115] : memref<8x128xi32, #tpu.memory_space<vmem>> -> memref<1x128xi32, #tpu.memory_space<vmem>>
      %dma_start3A_117 = tpu.memref_squeeze %dma_start3A_116 : memref<1x128xi32, #tpu.memory_space<vmem>> -> memref<128xi32, #tpu.memory_space<vmem>>
      %dma_start3A_118 = arith.constant 0 : i32
      %dma_start3A_119 = tpu.memref_slice %arg23[%dma_start3A_118] : memref<43008xf32, #tpu.memory_space<vmem_shared>> -> memref<43008xf32, #tpu.memory_space<vmem_shared>>
      tpu.enqueue_indirect_dma source(%dma_start3A_114 : memref<128xf32, #tpu.memory_space<vmem>>) target(%dma_start3A_119 : memref<43008xf32, #tpu.memory_space<vmem_shared>>) offsets(%dma_start3A_117 : memref<128xi32, #tpu.memory_space<vmem>>) semaphore(%arg29 : memref<!tpu.dma_semaphore, #tpu.memory_space<semaphore_mem>>) {add = true}
      %dma_start3A_120 = arith.constant 4 : i32
      %dma_start3A_121 = arith.constant 4 : i32
      %dma_start3A_122 = arith.constant 0 : i32
      %dma_start3A_123 = tpu.memref_slice %arg17[%dma_start3A_120, %dma_start3A_122] : memref<8x128xf32, #tpu.memory_space<vmem>> -> memref<1x128xf32, #tpu.memory_space<vmem>>
      %dma_start3A_124 = tpu.memref_squeeze %dma_start3A_123 : memref<1x128xf32, #tpu.memory_space<vmem>> -> memref<128xf32, #tpu.memory_space<vmem>>
      %dma_start3A_125 = arith.constant 0 : i32
      %dma_start3A_126 = tpu.memref_slice %arg16[%dma_start3A_121, %dma_start3A_125] : memref<8x128xi32, #tpu.memory_space<vmem>> -> memref<1x128xi32, #tpu.memory_space<vmem>>
      %dma_start3A_127 = tpu.memref_squeeze %dma_start3A_126 : memref<1x128xi32, #tpu.memory_space<vmem>> -> memref<128xi32, #tpu.memory_space<vmem>>
      %dma_start3A_128 = arith.constant 0 : i32
      %dma_start3A_129 = tpu.memref_slice %arg23[%dma_start3A_128] : memref<43008xf32, #tpu.memory_space<vmem_shared>> -> memref<43008xf32, #tpu.memory_space<vmem_shared>>
      tpu.enqueue_indirect_dma source(%dma_start3A_124 : memref<128xf32, #tpu.memory_space<vmem>>) target(%dma_start3A_129 : memref<43008xf32, #tpu.memory_space<vmem_shared>>) offsets(%dma_start3A_127 : memref<128xi32, #tpu.memory_space<vmem>>) semaphore(%arg29 : memref<!tpu.dma_semaphore, #tpu.memory_space<semaphore_mem>>) {add = true}
      %dma_start3A_130 = arith.constant 5 : i32
      %dma_start3A_131 = arith.constant 5 : i32
      %dma_start3A_132 = arith.constant 0 : i32
      %dma_start3A_133 = tpu.memref_slice %arg17[%dma_start3A_130, %dma_start3A_132] : memref<8x128xf32, #tpu.memory_space<vmem>> -> memref<1x128xf32, #tpu.memory_space<vmem>>
      %dma_start3A_134 = tpu.memref_squeeze %dma_start3A_133 : memref<1x128xf32, #tpu.memory_space<vmem>> -> memref<128xf32, #tpu.memory_space<vmem>>
      %dma_start3A_135 = arith.constant 0 : i32
      %dma_start3A_136 = tpu.memref_slice %arg16[%dma_start3A_131, %dma_start3A_135] : memref<8x128xi32, #tpu.memory_space<vmem>> -> memref<1x128xi32, #tpu.memory_space<vmem>>
      %dma_start3A_137 = tpu.memref_squeeze %dma_start3A_136 : memref<1x128xi32, #tpu.memory_space<vmem>> -> memref<128xi32, #tpu.memory_space<vmem>>
      %dma_start3A_138 = arith.constant 0 : i32
      %dma_start3A_139 = tpu.memref_slice %arg23[%dma_start3A_138] : memref<43008xf32, #tpu.memory_space<vmem_shared>> -> memref<43008xf32, #tpu.memory_space<vmem_shared>>
      tpu.enqueue_indirect_dma source(%dma_start3A_134 : memref<128xf32, #tpu.memory_space<vmem>>) target(%dma_start3A_139 : memref<43008xf32, #tpu.memory_space<vmem_shared>>) offsets(%dma_start3A_137 : memref<128xi32, #tpu.memory_space<vmem>>) semaphore(%arg29 : memref<!tpu.dma_semaphore, #tpu.memory_space<semaphore_mem>>) {add = true}
      %dma_start3A_140 = arith.constant 6 : i32
      %dma_start3A_141 = arith.constant 6 : i32
      %dma_start3A_142 = arith.constant 0 : i32
      %dma_start3A_143 = tpu.memref_slice %arg17[%dma_start3A_140, %dma_start3A_142] : memref<8x128xf32, #tpu.memory_space<vmem>> -> memref<1x128xf32, #tpu.memory_space<vmem>>
      %dma_start3A_144 = tpu.memref_squeeze %dma_start3A_143 : memref<1x128xf32, #tpu.memory_space<vmem>> -> memref<128xf32, #tpu.memory_space<vmem>>
      %dma_start3A_145 = arith.constant 0 : i32
      %dma_start3A_146 = tpu.memref_slice %arg16[%dma_start3A_141, %dma_start3A_145] : memref<8x128xi32, #tpu.memory_space<vmem>> -> memref<1x128xi32, #tpu.memory_space<vmem>>
      %dma_start3A_147 = tpu.memref_squeeze %dma_start3A_146 : memref<1x128xi32, #tpu.memory_space<vmem>> -> memref<128xi32, #tpu.memory_space<vmem>>
      %dma_start3A_148 = arith.constant 0 : i32
      %dma_start3A_149 = tpu.memref_slice %arg23[%dma_start3A_148] : memref<43008xf32, #tpu.memory_space<vmem_shared>> -> memref<43008xf32, #tpu.memory_space<vmem_shared>>
      tpu.enqueue_indirect_dma source(%dma_start3A_144 : memref<128xf32, #tpu.memory_space<vmem>>) target(%dma_start3A_149 : memref<43008xf32, #tpu.memory_space<vmem_shared>>) offsets(%dma_start3A_147 : memref<128xi32, #tpu.memory_space<vmem>>) semaphore(%arg29 : memref<!tpu.dma_semaphore, #tpu.memory_space<semaphore_mem>>) {add = true}
      %dma_start3A_150 = arith.constant 7 : i32
      %dma_start3A_151 = arith.constant 7 : i32
      %dma_start3A_152 = arith.constant 0 : i32
      %dma_start3A_153 = tpu.memref_slice %arg17[%dma_start3A_150, %dma_start3A_152] : memref<8x128xf32, #tpu.memory_space<vmem>> -> memref<1x128xf32, #tpu.memory_space<vmem>>
      %dma_start3A_154 = tpu.memref_squeeze %dma_start3A_153 : memref<1x128xf32, #tpu.memory_space<vmem>> -> memref<128xf32, #tpu.memory_space<vmem>>
      %dma_start3A_155 = arith.constant 0 : i32
      %dma_start3A_156 = tpu.memref_slice %arg16[%dma_start3A_151, %dma_start3A_155] : memref<8x128xi32, #tpu.memory_space<vmem>> -> memref<1x128xi32, #tpu.memory_space<vmem>>
      %dma_start3A_157 = tpu.memref_squeeze %dma_start3A_156 : memref<1x128xi32, #tpu.memory_space<vmem>> -> memref<128xi32, #tpu.memory_space<vmem>>
      %dma_start3A_158 = arith.constant 0 : i32
      %dma_start3A_159 = tpu.memref_slice %arg23[%dma_start3A_158] : memref<43008xf32, #tpu.memory_space<vmem_shared>> -> memref<43008xf32, #tpu.memory_space<vmem_shared>>
      tpu.enqueue_indirect_dma source(%dma_start3A_154 : memref<128xf32, #tpu.memory_space<vmem>>) target(%dma_start3A_159 : memref<43008xf32, #tpu.memory_space<vmem_shared>>) offsets(%dma_start3A_157 : memref<128xi32, #tpu.memory_space<vmem>>) semaphore(%arg29 : memref<!tpu.dma_semaphore, #tpu.memory_space<semaphore_mem>>) {add = true}
      "tpu.region"() ({
        %run_scoped3A = tpu.sem_alloc : memref<!tpu.dma_semaphore, #tpu.memory_space<semaphore_mem>>
        %dma_start3A_1039 = arith.constant 0 : i32
        %dma_start3A_1040 = tpu.memref_slice %arg4[%multiple_of3A, %dma_start3A_1039] : memref<288x128xf32, #tpu.memory_space<hbm>> -> memref<8x128xf32, #tpu.memory_space<hbm>>
        %dma_start3A_1041 = arith.constant 0 : i32
        %dma_start3A_1042 = tpu.memref_slice %arg4[%multiple_of3A, %dma_start3A_1041] : memref<288x128xf32, #tpu.memory_space<hbm>> -> memref<8x128xf32, #tpu.memory_space<hbm>>
        tpu.enqueue_dma source(%dma_start3A_1042 : memref<8x128xf32, #tpu.memory_space<hbm>>) target(%arg18 : memref<8x128xf32, #tpu.memory_space<vmem>>) target_semaphore(%run_scoped3A : memref<!tpu.dma_semaphore, #tpu.memory_space<semaphore_mem>>)
        %dma_wait3A_1043 = arith.constant 0 : i32
        %dma_wait3A_1044 = tpu.memref_slice %arg4[%multiple_of3A, %dma_wait3A_1043] : memref<288x128xf32, #tpu.memory_space<hbm>> -> memref<8x128xf32, #tpu.memory_space<hbm>>
        %dma_wait3A_1045 = arith.constant 0 : i32
        %dma_wait3A_1046 = tpu.memref_slice %arg4[%multiple_of3A, %dma_wait3A_1045] : memref<288x128xf32, #tpu.memory_space<hbm>> -> memref<8x128xf32, #tpu.memory_space<hbm>>
        tpu.wait_dma2 semaphore(%run_scoped3A : memref<!tpu.dma_semaphore, #tpu.memory_space<semaphore_mem>>) src(%dma_wait3A_1046 : memref<8x128xf32, #tpu.memory_space<hbm>>) dst(%arg18 : memref<8x128xf32, #tpu.memory_space<vmem>>)
        tpu.yield
      }) : () -> ()
      %dma_start3A_160 = arith.constant 0 : i32
      %dma_start3A_161 = arith.constant 0 : i32
      %dma_start3A_162 = arith.constant 0 : i32
      %dma_start3A_163 = tpu.memref_slice %arg18[%dma_start3A_160, %dma_start3A_162] : memref<8x128xf32, #tpu.memory_space<vmem>> -> memref<1x128xf32, #tpu.memory_space<vmem>>
      %dma_start3A_164 = tpu.memref_squeeze %dma_start3A_163 : memref<1x128xf32, #tpu.memory_space<vmem>> -> memref<128xf32, #tpu.memory_space<vmem>>
      %dma_start3A_165 = arith.constant 0 : i32
      %dma_start3A_166 = tpu.memref_slice %arg16[%dma_start3A_161, %dma_start3A_165] : memref<8x128xi32, #tpu.memory_space<vmem>> -> memref<1x128xi32, #tpu.memory_space<vmem>>
      %dma_start3A_167 = tpu.memref_squeeze %dma_start3A_166 : memref<1x128xi32, #tpu.memory_space<vmem>> -> memref<128xi32, #tpu.memory_space<vmem>>
      %dma_start3A_168 = arith.constant 0 : i32
      %dma_start3A_169 = tpu.memref_slice %arg24[%dma_start3A_168] : memref<43008xf32, #tpu.memory_space<vmem_shared>> -> memref<43008xf32, #tpu.memory_space<vmem_shared>>
      tpu.enqueue_indirect_dma source(%dma_start3A_164 : memref<128xf32, #tpu.memory_space<vmem>>) target(%dma_start3A_169 : memref<43008xf32, #tpu.memory_space<vmem_shared>>) offsets(%dma_start3A_167 : memref<128xi32, #tpu.memory_space<vmem>>) semaphore(%arg29 : memref<!tpu.dma_semaphore, #tpu.memory_space<semaphore_mem>>) {add = true}
      %dma_start3A_170 = arith.constant 1 : i32
      %dma_start3A_171 = arith.constant 1 : i32
      %dma_start3A_172 = arith.constant 0 : i32
      %dma_start3A_173 = tpu.memref_slice %arg18[%dma_start3A_170, %dma_start3A_172] : memref<8x128xf32, #tpu.memory_space<vmem>> -> memref<1x128xf32, #tpu.memory_space<vmem>>
      %dma_start3A_174 = tpu.memref_squeeze %dma_start3A_173 : memref<1x128xf32, #tpu.memory_space<vmem>> -> memref<128xf32, #tpu.memory_space<vmem>>
      %dma_start3A_175 = arith.constant 0 : i32
      %dma_start3A_176 = tpu.memref_slice %arg16[%dma_start3A_171, %dma_start3A_175] : memref<8x128xi32, #tpu.memory_space<vmem>> -> memref<1x128xi32, #tpu.memory_space<vmem>>
      %dma_start3A_177 = tpu.memref_squeeze %dma_start3A_176 : memref<1x128xi32, #tpu.memory_space<vmem>> -> memref<128xi32, #tpu.memory_space<vmem>>
      %dma_start3A_178 = arith.constant 0 : i32
      %dma_start3A_179 = tpu.memref_slice %arg24[%dma_start3A_178] : memref<43008xf32, #tpu.memory_space<vmem_shared>> -> memref<43008xf32, #tpu.memory_space<vmem_shared>>
      tpu.enqueue_indirect_dma source(%dma_start3A_174 : memref<128xf32, #tpu.memory_space<vmem>>) target(%dma_start3A_179 : memref<43008xf32, #tpu.memory_space<vmem_shared>>) offsets(%dma_start3A_177 : memref<128xi32, #tpu.memory_space<vmem>>) semaphore(%arg29 : memref<!tpu.dma_semaphore, #tpu.memory_space<semaphore_mem>>) {add = true}
      %dma_start3A_180 = arith.constant 2 : i32
      %dma_start3A_181 = arith.constant 2 : i32
      %dma_start3A_182 = arith.constant 0 : i32
      %dma_start3A_183 = tpu.memref_slice %arg18[%dma_start3A_180, %dma_start3A_182] : memref<8x128xf32, #tpu.memory_space<vmem>> -> memref<1x128xf32, #tpu.memory_space<vmem>>
      %dma_start3A_184 = tpu.memref_squeeze %dma_start3A_183 : memref<1x128xf32, #tpu.memory_space<vmem>> -> memref<128xf32, #tpu.memory_space<vmem>>
      %dma_start3A_185 = arith.constant 0 : i32
      %dma_start3A_186 = tpu.memref_slice %arg16[%dma_start3A_181, %dma_start3A_185] : memref<8x128xi32, #tpu.memory_space<vmem>> -> memref<1x128xi32, #tpu.memory_space<vmem>>
      %dma_start3A_187 = tpu.memref_squeeze %dma_start3A_186 : memref<1x128xi32, #tpu.memory_space<vmem>> -> memref<128xi32, #tpu.memory_space<vmem>>
      %dma_start3A_188 = arith.constant 0 : i32
      %dma_start3A_189 = tpu.memref_slice %arg24[%dma_start3A_188] : memref<43008xf32, #tpu.memory_space<vmem_shared>> -> memref<43008xf32, #tpu.memory_space<vmem_shared>>
      tpu.enqueue_indirect_dma source(%dma_start3A_184 : memref<128xf32, #tpu.memory_space<vmem>>) target(%dma_start3A_189 : memref<43008xf32, #tpu.memory_space<vmem_shared>>) offsets(%dma_start3A_187 : memref<128xi32, #tpu.memory_space<vmem>>) semaphore(%arg29 : memref<!tpu.dma_semaphore, #tpu.memory_space<semaphore_mem>>) {add = true}
      %dma_start3A_190 = arith.constant 3 : i32
      %dma_start3A_191 = arith.constant 3 : i32
      %dma_start3A_192 = arith.constant 0 : i32
      %dma_start3A_193 = tpu.memref_slice %arg18[%dma_start3A_190, %dma_start3A_192] : memref<8x128xf32, #tpu.memory_space<vmem>> -> memref<1x128xf32, #tpu.memory_space<vmem>>
      %dma_start3A_194 = tpu.memref_squeeze %dma_start3A_193 : memref<1x128xf32, #tpu.memory_space<vmem>> -> memref<128xf32, #tpu.memory_space<vmem>>
      %dma_start3A_195 = arith.constant 0 : i32
      %dma_start3A_196 = tpu.memref_slice %arg16[%dma_start3A_191, %dma_start3A_195] : memref<8x128xi32, #tpu.memory_space<vmem>> -> memref<1x128xi32, #tpu.memory_space<vmem>>
      %dma_start3A_197 = tpu.memref_squeeze %dma_start3A_196 : memref<1x128xi32, #tpu.memory_space<vmem>> -> memref<128xi32, #tpu.memory_space<vmem>>
      %dma_start3A_198 = arith.constant 0 : i32
      %dma_start3A_199 = tpu.memref_slice %arg24[%dma_start3A_198] : memref<43008xf32, #tpu.memory_space<vmem_shared>> -> memref<43008xf32, #tpu.memory_space<vmem_shared>>
      tpu.enqueue_indirect_dma source(%dma_start3A_194 : memref<128xf32, #tpu.memory_space<vmem>>) target(%dma_start3A_199 : memref<43008xf32, #tpu.memory_space<vmem_shared>>) offsets(%dma_start3A_197 : memref<128xi32, #tpu.memory_space<vmem>>) semaphore(%arg29 : memref<!tpu.dma_semaphore, #tpu.memory_space<semaphore_mem>>) {add = true}
      %dma_start3A_200 = arith.constant 4 : i32
      %dma_start3A_201 = arith.constant 4 : i32
      %dma_start3A_202 = arith.constant 0 : i32
      %dma_start3A_203 = tpu.memref_slice %arg18[%dma_start3A_200, %dma_start3A_202] : memref<8x128xf32, #tpu.memory_space<vmem>> -> memref<1x128xf32, #tpu.memory_space<vmem>>
      %dma_start3A_204 = tpu.memref_squeeze %dma_start3A_203 : memref<1x128xf32, #tpu.memory_space<vmem>> -> memref<128xf32, #tpu.memory_space<vmem>>
      %dma_start3A_205 = arith.constant 0 : i32
      %dma_start3A_206 = tpu.memref_slice %arg16[%dma_start3A_201, %dma_start3A_205] : memref<8x128xi32, #tpu.memory_space<vmem>> -> memref<1x128xi32, #tpu.memory_space<vmem>>
      %dma_start3A_207 = tpu.memref_squeeze %dma_start3A_206 : memref<1x128xi32, #tpu.memory_space<vmem>> -> memref<128xi32, #tpu.memory_space<vmem>>
      %dma_start3A_208 = arith.constant 0 : i32
      %dma_start3A_209 = tpu.memref_slice %arg24[%dma_start3A_208] : memref<43008xf32, #tpu.memory_space<vmem_shared>> -> memref<43008xf32, #tpu.memory_space<vmem_shared>>
      tpu.enqueue_indirect_dma source(%dma_start3A_204 : memref<128xf32, #tpu.memory_space<vmem>>) target(%dma_start3A_209 : memref<43008xf32, #tpu.memory_space<vmem_shared>>) offsets(%dma_start3A_207 : memref<128xi32, #tpu.memory_space<vmem>>) semaphore(%arg29 : memref<!tpu.dma_semaphore, #tpu.memory_space<semaphore_mem>>) {add = true}
      %dma_start3A_210 = arith.constant 5 : i32
      %dma_start3A_211 = arith.constant 5 : i32
      %dma_start3A_212 = arith.constant 0 : i32
      %dma_start3A_213 = tpu.memref_slice %arg18[%dma_start3A_210, %dma_start3A_212] : memref<8x128xf32, #tpu.memory_space<vmem>> -> memref<1x128xf32, #tpu.memory_space<vmem>>
      %dma_start3A_214 = tpu.memref_squeeze %dma_start3A_213 : memref<1x128xf32, #tpu.memory_space<vmem>> -> memref<128xf32, #tpu.memory_space<vmem>>
      %dma_start3A_215 = arith.constant 0 : i32
      %dma_start3A_216 = tpu.memref_slice %arg16[%dma_start3A_211, %dma_start3A_215] : memref<8x128xi32, #tpu.memory_space<vmem>> -> memref<1x128xi32, #tpu.memory_space<vmem>>
      %dma_start3A_217 = tpu.memref_squeeze %dma_start3A_216 : memref<1x128xi32, #tpu.memory_space<vmem>> -> memref<128xi32, #tpu.memory_space<vmem>>
      %dma_start3A_218 = arith.constant 0 : i32
      %dma_start3A_219 = tpu.memref_slice %arg24[%dma_start3A_218] : memref<43008xf32, #tpu.memory_space<vmem_shared>> -> memref<43008xf32, #tpu.memory_space<vmem_shared>>
      tpu.enqueue_indirect_dma source(%dma_start3A_214 : memref<128xf32, #tpu.memory_space<vmem>>) target(%dma_start3A_219 : memref<43008xf32, #tpu.memory_space<vmem_shared>>) offsets(%dma_start3A_217 : memref<128xi32, #tpu.memory_space<vmem>>) semaphore(%arg29 : memref<!tpu.dma_semaphore, #tpu.memory_space<semaphore_mem>>) {add = true}
      %dma_start3A_220 = arith.constant 6 : i32
      %dma_start3A_221 = arith.constant 6 : i32
      %dma_start3A_222 = arith.constant 0 : i32
      %dma_start3A_223 = tpu.memref_slice %arg18[%dma_start3A_220, %dma_start3A_222] : memref<8x128xf32, #tpu.memory_space<vmem>> -> memref<1x128xf32, #tpu.memory_space<vmem>>
      %dma_start3A_224 = tpu.memref_squeeze %dma_start3A_223 : memref<1x128xf32, #tpu.memory_space<vmem>> -> memref<128xf32, #tpu.memory_space<vmem>>
      %dma_start3A_225 = arith.constant 0 : i32
      %dma_start3A_226 = tpu.memref_slice %arg16[%dma_start3A_221, %dma_start3A_225] : memref<8x128xi32, #tpu.memory_space<vmem>> -> memref<1x128xi32, #tpu.memory_space<vmem>>
      %dma_start3A_227 = tpu.memref_squeeze %dma_start3A_226 : memref<1x128xi32, #tpu.memory_space<vmem>> -> memref<128xi32, #tpu.memory_space<vmem>>
      %dma_start3A_228 = arith.constant 0 : i32
      %dma_start3A_229 = tpu.memref_slice %arg24[%dma_start3A_228] : memref<43008xf32, #tpu.memory_space<vmem_shared>> -> memref<43008xf32, #tpu.memory_space<vmem_shared>>
      tpu.enqueue_indirect_dma source(%dma_start3A_224 : memref<128xf32, #tpu.memory_space<vmem>>) target(%dma_start3A_229 : memref<43008xf32, #tpu.memory_space<vmem_shared>>) offsets(%dma_start3A_227 : memref<128xi32, #tpu.memory_space<vmem>>) semaphore(%arg29 : memref<!tpu.dma_semaphore, #tpu.memory_space<semaphore_mem>>) {add = true}
      %dma_start3A_230 = arith.constant 7 : i32
      %dma_start3A_231 = arith.constant 7 : i32
      %dma_start3A_232 = arith.constant 0 : i32
      %dma_start3A_233 = tpu.memref_slice %arg18[%dma_start3A_230, %dma_start3A_232] : memref<8x128xf32, #tpu.memory_space<vmem>> -> memref<1x128xf32, #tpu.memory_space<vmem>>
      %dma_start3A_234 = tpu.memref_squeeze %dma_start3A_233 : memref<1x128xf32, #tpu.memory_space<vmem>> -> memref<128xf32, #tpu.memory_space<vmem>>
      %dma_start3A_235 = arith.constant 0 : i32
      %dma_start3A_236 = tpu.memref_slice %arg16[%dma_start3A_231, %dma_start3A_235] : memref<8x128xi32, #tpu.memory_space<vmem>> -> memref<1x128xi32, #tpu.memory_space<vmem>>
      %dma_start3A_237 = tpu.memref_squeeze %dma_start3A_236 : memref<1x128xi32, #tpu.memory_space<vmem>> -> memref<128xi32, #tpu.memory_space<vmem>>
      %dma_start3A_238 = arith.constant 0 : i32
      %dma_start3A_239 = tpu.memref_slice %arg24[%dma_start3A_238] : memref<43008xf32, #tpu.memory_space<vmem_shared>> -> memref<43008xf32, #tpu.memory_space<vmem_shared>>
      tpu.enqueue_indirect_dma source(%dma_start3A_234 : memref<128xf32, #tpu.memory_space<vmem>>) target(%dma_start3A_239 : memref<43008xf32, #tpu.memory_space<vmem_shared>>) offsets(%dma_start3A_237 : memref<128xi32, #tpu.memory_space<vmem>>) semaphore(%arg29 : memref<!tpu.dma_semaphore, #tpu.memory_space<semaphore_mem>>) {add = true}
      "tpu.region"() ({
        %run_scoped3A = tpu.sem_alloc : memref<!tpu.dma_semaphore, #tpu.memory_space<semaphore_mem>>
        %dma_start3A_1039 = arith.constant 0 : i32
        %dma_start3A_1040 = tpu.memref_slice %arg5[%multiple_of3A, %dma_start3A_1039] : memref<288x128xf32, #tpu.memory_space<hbm>> -> memref<8x128xf32, #tpu.memory_space<hbm>>
        %dma_start3A_1041 = arith.constant 0 : i32
        %dma_start3A_1042 = tpu.memref_slice %arg5[%multiple_of3A, %dma_start3A_1041] : memref<288x128xf32, #tpu.memory_space<hbm>> -> memref<8x128xf32, #tpu.memory_space<hbm>>
        tpu.enqueue_dma source(%dma_start3A_1042 : memref<8x128xf32, #tpu.memory_space<hbm>>) target(%arg19 : memref<8x128xf32, #tpu.memory_space<vmem>>) target_semaphore(%run_scoped3A : memref<!tpu.dma_semaphore, #tpu.memory_space<semaphore_mem>>)
        %dma_wait3A_1043 = arith.constant 0 : i32
        %dma_wait3A_1044 = tpu.memref_slice %arg5[%multiple_of3A, %dma_wait3A_1043] : memref<288x128xf32, #tpu.memory_space<hbm>> -> memref<8x128xf32, #tpu.memory_space<hbm>>
        %dma_wait3A_1045 = arith.constant 0 : i32
        %dma_wait3A_1046 = tpu.memref_slice %arg5[%multiple_of3A, %dma_wait3A_1045] : memref<288x128xf32, #tpu.memory_space<hbm>> -> memref<8x128xf32, #tpu.memory_space<hbm>>
        tpu.wait_dma2 semaphore(%run_scoped3A : memref<!tpu.dma_semaphore, #tpu.memory_space<semaphore_mem>>) src(%dma_wait3A_1046 : memref<8x128xf32, #tpu.memory_space<hbm>>) dst(%arg19 : memref<8x128xf32, #tpu.memory_space<vmem>>)
        tpu.yield
      }) : () -> ()
      %dma_start3A_240 = arith.constant 0 : i32
      %dma_start3A_241 = arith.constant 0 : i32
      %dma_start3A_242 = arith.constant 0 : i32
      %dma_start3A_243 = tpu.memref_slice %arg19[%dma_start3A_240, %dma_start3A_242] : memref<8x128xf32, #tpu.memory_space<vmem>> -> memref<1x128xf32, #tpu.memory_space<vmem>>
      %dma_start3A_244 = tpu.memref_squeeze %dma_start3A_243 : memref<1x128xf32, #tpu.memory_space<vmem>> -> memref<128xf32, #tpu.memory_space<vmem>>
      %dma_start3A_245 = arith.constant 0 : i32
      %dma_start3A_246 = tpu.memref_slice %arg16[%dma_start3A_241, %dma_start3A_245] : memref<8x128xi32, #tpu.memory_space<vmem>> -> memref<1x128xi32, #tpu.memory_space<vmem>>
      %dma_start3A_247 = tpu.memref_squeeze %dma_start3A_246 : memref<1x128xi32, #tpu.memory_space<vmem>> -> memref<128xi32, #tpu.memory_space<vmem>>
      %dma_start3A_248 = arith.constant 0 : i32
      %dma_start3A_249 = tpu.memref_slice %arg25[%dma_start3A_248] : memref<43008xf32, #tpu.memory_space<vmem_shared>> -> memref<43008xf32, #tpu.memory_space<vmem_shared>>
      tpu.enqueue_indirect_dma source(%dma_start3A_244 : memref<128xf32, #tpu.memory_space<vmem>>) target(%dma_start3A_249 : memref<43008xf32, #tpu.memory_space<vmem_shared>>) offsets(%dma_start3A_247 : memref<128xi32, #tpu.memory_space<vmem>>) semaphore(%arg29 : memref<!tpu.dma_semaphore, #tpu.memory_space<semaphore_mem>>) {add = true}
      %dma_start3A_250 = arith.constant 1 : i32
      %dma_start3A_251 = arith.constant 1 : i32
      %dma_start3A_252 = arith.constant 0 : i32
      %dma_start3A_253 = tpu.memref_slice %arg19[%dma_start3A_250, %dma_start3A_252] : memref<8x128xf32, #tpu.memory_space<vmem>> -> memref<1x128xf32, #tpu.memory_space<vmem>>
      %dma_start3A_254 = tpu.memref_squeeze %dma_start3A_253 : memref<1x128xf32, #tpu.memory_space<vmem>> -> memref<128xf32, #tpu.memory_space<vmem>>
      %dma_start3A_255 = arith.constant 0 : i32
      %dma_start3A_256 = tpu.memref_slice %arg16[%dma_start3A_251, %dma_start3A_255] : memref<8x128xi32, #tpu.memory_space<vmem>> -> memref<1x128xi32, #tpu.memory_space<vmem>>
      %dma_start3A_257 = tpu.memref_squeeze %dma_start3A_256 : memref<1x128xi32, #tpu.memory_space<vmem>> -> memref<128xi32, #tpu.memory_space<vmem>>
      %dma_start3A_258 = arith.constant 0 : i32
      %dma_start3A_259 = tpu.memref_slice %arg25[%dma_start3A_258] : memref<43008xf32, #tpu.memory_space<vmem_shared>> -> memref<43008xf32, #tpu.memory_space<vmem_shared>>
      tpu.enqueue_indirect_dma source(%dma_start3A_254 : memref<128xf32, #tpu.memory_space<vmem>>) target(%dma_start3A_259 : memref<43008xf32, #tpu.memory_space<vmem_shared>>) offsets(%dma_start3A_257 : memref<128xi32, #tpu.memory_space<vmem>>) semaphore(%arg29 : memref<!tpu.dma_semaphore, #tpu.memory_space<semaphore_mem>>) {add = true}
      %dma_start3A_260 = arith.constant 2 : i32
      %dma_start3A_261 = arith.constant 2 : i32
      %dma_start3A_262 = arith.constant 0 : i32
      %dma_start3A_263 = tpu.memref_slice %arg19[%dma_start3A_260, %dma_start3A_262] : memref<8x128xf32, #tpu.memory_space<vmem>> -> memref<1x128xf32, #tpu.memory_space<vmem>>
      %dma_start3A_264 = tpu.memref_squeeze %dma_start3A_263 : memref<1x128xf32, #tpu.memory_space<vmem>> -> memref<128xf32, #tpu.memory_space<vmem>>
      %dma_start3A_265 = arith.constant 0 : i32
      %dma_start3A_266 = tpu.memref_slice %arg16[%dma_start3A_261, %dma_start3A_265] : memref<8x128xi32, #tpu.memory_space<vmem>> -> memref<1x128xi32, #tpu.memory_space<vmem>>
      %dma_start3A_267 = tpu.memref_squeeze %dma_start3A_266 : memref<1x128xi32, #tpu.memory_space<vmem>> -> memref<128xi32, #tpu.memory_space<vmem>>
      %dma_start3A_268 = arith.constant 0 : i32
      %dma_start3A_269 = tpu.memref_slice %arg25[%dma_start3A_268] : memref<43008xf32, #tpu.memory_space<vmem_shared>> -> memref<43008xf32, #tpu.memory_space<vmem_shared>>
      tpu.enqueue_indirect_dma source(%dma_start3A_264 : memref<128xf32, #tpu.memory_space<vmem>>) target(%dma_start3A_269 : memref<43008xf32, #tpu.memory_space<vmem_shared>>) offsets(%dma_start3A_267 : memref<128xi32, #tpu.memory_space<vmem>>) semaphore(%arg29 : memref<!tpu.dma_semaphore, #tpu.memory_space<semaphore_mem>>) {add = true}
      %dma_start3A_270 = arith.constant 3 : i32
      %dma_start3A_271 = arith.constant 3 : i32
      %dma_start3A_272 = arith.constant 0 : i32
      %dma_start3A_273 = tpu.memref_slice %arg19[%dma_start3A_270, %dma_start3A_272] : memref<8x128xf32, #tpu.memory_space<vmem>> -> memref<1x128xf32, #tpu.memory_space<vmem>>
      %dma_start3A_274 = tpu.memref_squeeze %dma_start3A_273 : memref<1x128xf32, #tpu.memory_space<vmem>> -> memref<128xf32, #tpu.memory_space<vmem>>
      %dma_start3A_275 = arith.constant 0 : i32
      %dma_start3A_276 = tpu.memref_slice %arg16[%dma_start3A_271, %dma_start3A_275] : memref<8x128xi32, #tpu.memory_space<vmem>> -> memref<1x128xi32, #tpu.memory_space<vmem>>
      %dma_start3A_277 = tpu.memref_squeeze %dma_start3A_276 : memref<1x128xi32, #tpu.memory_space<vmem>> -> memref<128xi32, #tpu.memory_space<vmem>>
      %dma_start3A_278 = arith.constant 0 : i32
      %dma_start3A_279 = tpu.memref_slice %arg25[%dma_start3A_278] : memref<43008xf32, #tpu.memory_space<vmem_shared>> -> memref<43008xf32, #tpu.memory_space<vmem_shared>>
      tpu.enqueue_indirect_dma source(%dma_start3A_274 : memref<128xf32, #tpu.memory_space<vmem>>) target(%dma_start3A_279 : memref<43008xf32, #tpu.memory_space<vmem_shared>>) offsets(%dma_start3A_277 : memref<128xi32, #tpu.memory_space<vmem>>) semaphore(%arg29 : memref<!tpu.dma_semaphore, #tpu.memory_space<semaphore_mem>>) {add = true}
      %dma_start3A_280 = arith.constant 4 : i32
      %dma_start3A_281 = arith.constant 4 : i32
      %dma_start3A_282 = arith.constant 0 : i32
      %dma_start3A_283 = tpu.memref_slice %arg19[%dma_start3A_280, %dma_start3A_282] : memref<8x128xf32, #tpu.memory_space<vmem>> -> memref<1x128xf32, #tpu.memory_space<vmem>>
      %dma_start3A_284 = tpu.memref_squeeze %dma_start3A_283 : memref<1x128xf32, #tpu.memory_space<vmem>> -> memref<128xf32, #tpu.memory_space<vmem>>
      %dma_start3A_285 = arith.constant 0 : i32
      %dma_start3A_286 = tpu.memref_slice %arg16[%dma_start3A_281, %dma_start3A_285] : memref<8x128xi32, #tpu.memory_space<vmem>> -> memref<1x128xi32, #tpu.memory_space<vmem>>
      %dma_start3A_287 = tpu.memref_squeeze %dma_start3A_286 : memref<1x128xi32, #tpu.memory_space<vmem>> -> memref<128xi32, #tpu.memory_space<vmem>>
      %dma_start3A_288 = arith.constant 0 : i32
      %dma_start3A_289 = tpu.memref_slice %arg25[%dma_start3A_288] : memref<43008xf32, #tpu.memory_space<vmem_shared>> -> memref<43008xf32, #tpu.memory_space<vmem_shared>>
      tpu.enqueue_indirect_dma source(%dma_start3A_284 : memref<128xf32, #tpu.memory_space<vmem>>) target(%dma_start3A_289 : memref<43008xf32, #tpu.memory_space<vmem_shared>>) offsets(%dma_start3A_287 : memref<128xi32, #tpu.memory_space<vmem>>) semaphore(%arg29 : memref<!tpu.dma_semaphore, #tpu.memory_space<semaphore_mem>>) {add = true}
      %dma_start3A_290 = arith.constant 5 : i32
      %dma_start3A_291 = arith.constant 5 : i32
      %dma_start3A_292 = arith.constant 0 : i32
      %dma_start3A_293 = tpu.memref_slice %arg19[%dma_start3A_290, %dma_start3A_292] : memref<8x128xf32, #tpu.memory_space<vmem>> -> memref<1x128xf32, #tpu.memory_space<vmem>>
      %dma_start3A_294 = tpu.memref_squeeze %dma_start3A_293 : memref<1x128xf32, #tpu.memory_space<vmem>> -> memref<128xf32, #tpu.memory_space<vmem>>
      %dma_start3A_295 = arith.constant 0 : i32
      %dma_start3A_296 = tpu.memref_slice %arg16[%dma_start3A_291, %dma_start3A_295] : memref<8x128xi32, #tpu.memory_space<vmem>> -> memref<1x128xi32, #tpu.memory_space<vmem>>
      %dma_start3A_297 = tpu.memref_squeeze %dma_start3A_296 : memref<1x128xi32, #tpu.memory_space<vmem>> -> memref<128xi32, #tpu.memory_space<vmem>>
      %dma_start3A_298 = arith.constant 0 : i32
      %dma_start3A_299 = tpu.memref_slice %arg25[%dma_start3A_298] : memref<43008xf32, #tpu.memory_space<vmem_shared>> -> memref<43008xf32, #tpu.memory_space<vmem_shared>>
      tpu.enqueue_indirect_dma source(%dma_start3A_294 : memref<128xf32, #tpu.memory_space<vmem>>) target(%dma_start3A_299 : memref<43008xf32, #tpu.memory_space<vmem_shared>>) offsets(%dma_start3A_297 : memref<128xi32, #tpu.memory_space<vmem>>) semaphore(%arg29 : memref<!tpu.dma_semaphore, #tpu.memory_space<semaphore_mem>>) {add = true}
      %dma_start3A_300 = arith.constant 6 : i32
      %dma_start3A_301 = arith.constant 6 : i32
      %dma_start3A_302 = arith.constant 0 : i32
      %dma_start3A_303 = tpu.memref_slice %arg19[%dma_start3A_300, %dma_start3A_302] : memref<8x128xf32, #tpu.memory_space<vmem>> -> memref<1x128xf32, #tpu.memory_space<vmem>>
      %dma_start3A_304 = tpu.memref_squeeze %dma_start3A_303 : memref<1x128xf32, #tpu.memory_space<vmem>> -> memref<128xf32, #tpu.memory_space<vmem>>
      %dma_start3A_305 = arith.constant 0 : i32
      %dma_start3A_306 = tpu.memref_slice %arg16[%dma_start3A_301, %dma_start3A_305] : memref<8x128xi32, #tpu.memory_space<vmem>> -> memref<1x128xi32, #tpu.memory_space<vmem>>
      %dma_start3A_307 = tpu.memref_squeeze %dma_start3A_306 : memref<1x128xi32, #tpu.memory_space<vmem>> -> memref<128xi32, #tpu.memory_space<vmem>>
      %dma_start3A_308 = arith.constant 0 : i32
      %dma_start3A_309 = tpu.memref_slice %arg25[%dma_start3A_308] : memref<43008xf32, #tpu.memory_space<vmem_shared>> -> memref<43008xf32, #tpu.memory_space<vmem_shared>>
      tpu.enqueue_indirect_dma source(%dma_start3A_304 : memref<128xf32, #tpu.memory_space<vmem>>) target(%dma_start3A_309 : memref<43008xf32, #tpu.memory_space<vmem_shared>>) offsets(%dma_start3A_307 : memref<128xi32, #tpu.memory_space<vmem>>) semaphore(%arg29 : memref<!tpu.dma_semaphore, #tpu.memory_space<semaphore_mem>>) {add = true}
      %dma_start3A_310 = arith.constant 7 : i32
      %dma_start3A_311 = arith.constant 7 : i32
      %dma_start3A_312 = arith.constant 0 : i32
      %dma_start3A_313 = tpu.memref_slice %arg19[%dma_start3A_310, %dma_start3A_312] : memref<8x128xf32, #tpu.memory_space<vmem>> -> memref<1x128xf32, #tpu.memory_space<vmem>>
      %dma_start3A_314 = tpu.memref_squeeze %dma_start3A_313 : memref<1x128xf32, #tpu.memory_space<vmem>> -> memref<128xf32, #tpu.memory_space<vmem>>
      %dma_start3A_315 = arith.constant 0 : i32
      %dma_start3A_316 = tpu.memref_slice %arg16[%dma_start3A_311, %dma_start3A_315] : memref<8x128xi32, #tpu.memory_space<vmem>> -> memref<1x128xi32, #tpu.memory_space<vmem>>
      %dma_start3A_317 = tpu.memref_squeeze %dma_start3A_316 : memref<1x128xi32, #tpu.memory_space<vmem>> -> memref<128xi32, #tpu.memory_space<vmem>>
      %dma_start3A_318 = arith.constant 0 : i32
      %dma_start3A_319 = tpu.memref_slice %arg25[%dma_start3A_318] : memref<43008xf32, #tpu.memory_space<vmem_shared>> -> memref<43008xf32, #tpu.memory_space<vmem_shared>>
      tpu.enqueue_indirect_dma source(%dma_start3A_314 : memref<128xf32, #tpu.memory_space<vmem>>) target(%dma_start3A_319 : memref<43008xf32, #tpu.memory_space<vmem_shared>>) offsets(%dma_start3A_317 : memref<128xi32, #tpu.memory_space<vmem>>) semaphore(%arg29 : memref<!tpu.dma_semaphore, #tpu.memory_space<semaphore_mem>>) {add = true}
      "tpu.region"() ({
        %run_scoped3A = tpu.sem_alloc : memref<!tpu.dma_semaphore, #tpu.memory_space<semaphore_mem>>
        %dma_start3A_1039 = arith.constant 0 : i32
        %dma_start3A_1040 = tpu.memref_slice %arg6[%multiple_of3A, %dma_start3A_1039] : memref<288x128xf32, #tpu.memory_space<hbm>> -> memref<8x128xf32, #tpu.memory_space<hbm>>
        %dma_start3A_1041 = arith.constant 0 : i32
        %dma_start3A_1042 = tpu.memref_slice %arg6[%multiple_of3A, %dma_start3A_1041] : memref<288x128xf32, #tpu.memory_space<hbm>> -> memref<8x128xf32, #tpu.memory_space<hbm>>
        tpu.enqueue_dma source(%dma_start3A_1042 : memref<8x128xf32, #tpu.memory_space<hbm>>) target(%arg20 : memref<8x128xf32, #tpu.memory_space<vmem>>) target_semaphore(%run_scoped3A : memref<!tpu.dma_semaphore, #tpu.memory_space<semaphore_mem>>)
        %dma_wait3A_1043 = arith.constant 0 : i32
        %dma_wait3A_1044 = tpu.memref_slice %arg6[%multiple_of3A, %dma_wait3A_1043] : memref<288x128xf32, #tpu.memory_space<hbm>> -> memref<8x128xf32, #tpu.memory_space<hbm>>
        %dma_wait3A_1045 = arith.constant 0 : i32
        %dma_wait3A_1046 = tpu.memref_slice %arg6[%multiple_of3A, %dma_wait3A_1045] : memref<288x128xf32, #tpu.memory_space<hbm>> -> memref<8x128xf32, #tpu.memory_space<hbm>>
        tpu.wait_dma2 semaphore(%run_scoped3A : memref<!tpu.dma_semaphore, #tpu.memory_space<semaphore_mem>>) src(%dma_wait3A_1046 : memref<8x128xf32, #tpu.memory_space<hbm>>) dst(%arg20 : memref<8x128xf32, #tpu.memory_space<vmem>>)
        tpu.yield
      }) : () -> ()
      %dma_start3A_320 = arith.constant 0 : i32
      %dma_start3A_321 = arith.constant 0 : i32
      %dma_start3A_322 = arith.constant 0 : i32
      %dma_start3A_323 = tpu.memref_slice %arg20[%dma_start3A_320, %dma_start3A_322] : memref<8x128xf32, #tpu.memory_space<vmem>> -> memref<1x128xf32, #tpu.memory_space<vmem>>
      %dma_start3A_324 = tpu.memref_squeeze %dma_start3A_323 : memref<1x128xf32, #tpu.memory_space<vmem>> -> memref<128xf32, #tpu.memory_space<vmem>>
      %dma_start3A_325 = arith.constant 0 : i32
      %dma_start3A_326 = tpu.memref_slice %arg16[%dma_start3A_321, %dma_start3A_325] : memref<8x128xi32, #tpu.memory_space<vmem>> -> memref<1x128xi32, #tpu.memory_space<vmem>>
      %dma_start3A_327 = tpu.memref_squeeze %dma_start3A_326 : memref<1x128xi32, #tpu.memory_space<vmem>> -> memref<128xi32, #tpu.memory_space<vmem>>
      %dma_start3A_328 = arith.constant 0 : i32
      %dma_start3A_329 = tpu.memref_slice %arg26[%dma_start3A_328] : memref<43008xf32, #tpu.memory_space<vmem_shared>> -> memref<43008xf32, #tpu.memory_space<vmem_shared>>
      tpu.enqueue_indirect_dma source(%dma_start3A_324 : memref<128xf32, #tpu.memory_space<vmem>>) target(%dma_start3A_329 : memref<43008xf32, #tpu.memory_space<vmem_shared>>) offsets(%dma_start3A_327 : memref<128xi32, #tpu.memory_space<vmem>>) semaphore(%arg29 : memref<!tpu.dma_semaphore, #tpu.memory_space<semaphore_mem>>) {add = true}
      %dma_start3A_330 = arith.constant 1 : i32
      %dma_start3A_331 = arith.constant 1 : i32
      %dma_start3A_332 = arith.constant 0 : i32
      %dma_start3A_333 = tpu.memref_slice %arg20[%dma_start3A_330, %dma_start3A_332] : memref<8x128xf32, #tpu.memory_space<vmem>> -> memref<1x128xf32, #tpu.memory_space<vmem>>
      %dma_start3A_334 = tpu.memref_squeeze %dma_start3A_333 : memref<1x128xf32, #tpu.memory_space<vmem>> -> memref<128xf32, #tpu.memory_space<vmem>>
      %dma_start3A_335 = arith.constant 0 : i32
      %dma_start3A_336 = tpu.memref_slice %arg16[%dma_start3A_331, %dma_start3A_335] : memref<8x128xi32, #tpu.memory_space<vmem>> -> memref<1x128xi32, #tpu.memory_space<vmem>>
      %dma_start3A_337 = tpu.memref_squeeze %dma_start3A_336 : memref<1x128xi32, #tpu.memory_space<vmem>> -> memref<128xi32, #tpu.memory_space<vmem>>
      %dma_start3A_338 = arith.constant 0 : i32
      %dma_start3A_339 = tpu.memref_slice %arg26[%dma_start3A_338] : memref<43008xf32, #tpu.memory_space<vmem_shared>> -> memref<43008xf32, #tpu.memory_space<vmem_shared>>
      tpu.enqueue_indirect_dma source(%dma_start3A_334 : memref<128xf32, #tpu.memory_space<vmem>>) target(%dma_start3A_339 : memref<43008xf32, #tpu.memory_space<vmem_shared>>) offsets(%dma_start3A_337 : memref<128xi32, #tpu.memory_space<vmem>>) semaphore(%arg29 : memref<!tpu.dma_semaphore, #tpu.memory_space<semaphore_mem>>) {add = true}
      %dma_start3A_340 = arith.constant 2 : i32
      %dma_start3A_341 = arith.constant 2 : i32
      %dma_start3A_342 = arith.constant 0 : i32
      %dma_start3A_343 = tpu.memref_slice %arg20[%dma_start3A_340, %dma_start3A_342] : memref<8x128xf32, #tpu.memory_space<vmem>> -> memref<1x128xf32, #tpu.memory_space<vmem>>
      %dma_start3A_344 = tpu.memref_squeeze %dma_start3A_343 : memref<1x128xf32, #tpu.memory_space<vmem>> -> memref<128xf32, #tpu.memory_space<vmem>>
      %dma_start3A_345 = arith.constant 0 : i32
      %dma_start3A_346 = tpu.memref_slice %arg16[%dma_start3A_341, %dma_start3A_345] : memref<8x128xi32, #tpu.memory_space<vmem>> -> memref<1x128xi32, #tpu.memory_space<vmem>>
      %dma_start3A_347 = tpu.memref_squeeze %dma_start3A_346 : memref<1x128xi32, #tpu.memory_space<vmem>> -> memref<128xi32, #tpu.memory_space<vmem>>
      %dma_start3A_348 = arith.constant 0 : i32
      %dma_start3A_349 = tpu.memref_slice %arg26[%dma_start3A_348] : memref<43008xf32, #tpu.memory_space<vmem_shared>> -> memref<43008xf32, #tpu.memory_space<vmem_shared>>
      tpu.enqueue_indirect_dma source(%dma_start3A_344 : memref<128xf32, #tpu.memory_space<vmem>>) target(%dma_start3A_349 : memref<43008xf32, #tpu.memory_space<vmem_shared>>) offsets(%dma_start3A_347 : memref<128xi32, #tpu.memory_space<vmem>>) semaphore(%arg29 : memref<!tpu.dma_semaphore, #tpu.memory_space<semaphore_mem>>) {add = true}
      %dma_start3A_350 = arith.constant 3 : i32
      %dma_start3A_351 = arith.constant 3 : i32
      %dma_start3A_352 = arith.constant 0 : i32
      %dma_start3A_353 = tpu.memref_slice %arg20[%dma_start3A_350, %dma_start3A_352] : memref<8x128xf32, #tpu.memory_space<vmem>> -> memref<1x128xf32, #tpu.memory_space<vmem>>
      %dma_start3A_354 = tpu.memref_squeeze %dma_start3A_353 : memref<1x128xf32, #tpu.memory_space<vmem>> -> memref<128xf32, #tpu.memory_space<vmem>>
      %dma_start3A_355 = arith.constant 0 : i32
      %dma_start3A_356 = tpu.memref_slice %arg16[%dma_start3A_351, %dma_start3A_355] : memref<8x128xi32, #tpu.memory_space<vmem>> -> memref<1x128xi32, #tpu.memory_space<vmem>>
      %dma_start3A_357 = tpu.memref_squeeze %dma_start3A_356 : memref<1x128xi32, #tpu.memory_space<vmem>> -> memref<128xi32, #tpu.memory_space<vmem>>
      %dma_start3A_358 = arith.constant 0 : i32
      %dma_start3A_359 = tpu.memref_slice %arg26[%dma_start3A_358] : memref<43008xf32, #tpu.memory_space<vmem_shared>> -> memref<43008xf32, #tpu.memory_space<vmem_shared>>
      tpu.enqueue_indirect_dma source(%dma_start3A_354 : memref<128xf32, #tpu.memory_space<vmem>>) target(%dma_start3A_359 : memref<43008xf32, #tpu.memory_space<vmem_shared>>) offsets(%dma_start3A_357 : memref<128xi32, #tpu.memory_space<vmem>>) semaphore(%arg29 : memref<!tpu.dma_semaphore, #tpu.memory_space<semaphore_mem>>) {add = true}
      %dma_start3A_360 = arith.constant 4 : i32
      %dma_start3A_361 = arith.constant 4 : i32
      %dma_start3A_362 = arith.constant 0 : i32
      %dma_start3A_363 = tpu.memref_slice %arg20[%dma_start3A_360, %dma_start3A_362] : memref<8x128xf32, #tpu.memory_space<vmem>> -> memref<1x128xf32, #tpu.memory_space<vmem>>
      %dma_start3A_364 = tpu.memref_squeeze %dma_start3A_363 : memref<1x128xf32, #tpu.memory_space<vmem>> -> memref<128xf32, #tpu.memory_space<vmem>>
      %dma_start3A_365 = arith.constant 0 : i32
      %dma_start3A_366 = tpu.memref_slice %arg16[%dma_start3A_361, %dma_start3A_365] : memref<8x128xi32, #tpu.memory_space<vmem>> -> memref<1x128xi32, #tpu.memory_space<vmem>>
      %dma_start3A_367 = tpu.memref_squeeze %dma_start3A_366 : memref<1x128xi32, #tpu.memory_space<vmem>> -> memref<128xi32, #tpu.memory_space<vmem>>
      %dma_start3A_368 = arith.constant 0 : i32
      %dma_start3A_369 = tpu.memref_slice %arg26[%dma_start3A_368] : memref<43008xf32, #tpu.memory_space<vmem_shared>> -> memref<43008xf32, #tpu.memory_space<vmem_shared>>
      tpu.enqueue_indirect_dma source(%dma_start3A_364 : memref<128xf32, #tpu.memory_space<vmem>>) target(%dma_start3A_369 : memref<43008xf32, #tpu.memory_space<vmem_shared>>) offsets(%dma_start3A_367 : memref<128xi32, #tpu.memory_space<vmem>>) semaphore(%arg29 : memref<!tpu.dma_semaphore, #tpu.memory_space<semaphore_mem>>) {add = true}
      %dma_start3A_370 = arith.constant 5 : i32
      %dma_start3A_371 = arith.constant 5 : i32
      %dma_start3A_372 = arith.constant 0 : i32
      %dma_start3A_373 = tpu.memref_slice %arg20[%dma_start3A_370, %dma_start3A_372] : memref<8x128xf32, #tpu.memory_space<vmem>> -> memref<1x128xf32, #tpu.memory_space<vmem>>
      %dma_start3A_374 = tpu.memref_squeeze %dma_start3A_373 : memref<1x128xf32, #tpu.memory_space<vmem>> -> memref<128xf32, #tpu.memory_space<vmem>>
      %dma_start3A_375 = arith.constant 0 : i32
      %dma_start3A_376 = tpu.memref_slice %arg16[%dma_start3A_371, %dma_start3A_375] : memref<8x128xi32, #tpu.memory_space<vmem>> -> memref<1x128xi32, #tpu.memory_space<vmem>>
      %dma_start3A_377 = tpu.memref_squeeze %dma_start3A_376 : memref<1x128xi32, #tpu.memory_space<vmem>> -> memref<128xi32, #tpu.memory_space<vmem>>
      %dma_start3A_378 = arith.constant 0 : i32
      %dma_start3A_379 = tpu.memref_slice %arg26[%dma_start3A_378] : memref<43008xf32, #tpu.memory_space<vmem_shared>> -> memref<43008xf32, #tpu.memory_space<vmem_shared>>
      tpu.enqueue_indirect_dma source(%dma_start3A_374 : memref<128xf32, #tpu.memory_space<vmem>>) target(%dma_start3A_379 : memref<43008xf32, #tpu.memory_space<vmem_shared>>) offsets(%dma_start3A_377 : memref<128xi32, #tpu.memory_space<vmem>>) semaphore(%arg29 : memref<!tpu.dma_semaphore, #tpu.memory_space<semaphore_mem>>) {add = true}
      %dma_start3A_380 = arith.constant 6 : i32
      %dma_start3A_381 = arith.constant 6 : i32
      %dma_start3A_382 = arith.constant 0 : i32
      %dma_start3A_383 = tpu.memref_slice %arg20[%dma_start3A_380, %dma_start3A_382] : memref<8x128xf32, #tpu.memory_space<vmem>> -> memref<1x128xf32, #tpu.memory_space<vmem>>
      %dma_start3A_384 = tpu.memref_squeeze %dma_start3A_383 : memref<1x128xf32, #tpu.memory_space<vmem>> -> memref<128xf32, #tpu.memory_space<vmem>>
      %dma_start3A_385 = arith.constant 0 : i32
      %dma_start3A_386 = tpu.memref_slice %arg16[%dma_start3A_381, %dma_start3A_385] : memref<8x128xi32, #tpu.memory_space<vmem>> -> memref<1x128xi32, #tpu.memory_space<vmem>>
      %dma_start3A_387 = tpu.memref_squeeze %dma_start3A_386 : memref<1x128xi32, #tpu.memory_space<vmem>> -> memref<128xi32, #tpu.memory_space<vmem>>
      %dma_start3A_388 = arith.constant 0 : i32
      %dma_start3A_389 = tpu.memref_slice %arg26[%dma_start3A_388] : memref<43008xf32, #tpu.memory_space<vmem_shared>> -> memref<43008xf32, #tpu.memory_space<vmem_shared>>
      tpu.enqueue_indirect_dma source(%dma_start3A_384 : memref<128xf32, #tpu.memory_space<vmem>>) target(%dma_start3A_389 : memref<43008xf32, #tpu.memory_space<vmem_shared>>) offsets(%dma_start3A_387 : memref<128xi32, #tpu.memory_space<vmem>>) semaphore(%arg29 : memref<!tpu.dma_semaphore, #tpu.memory_space<semaphore_mem>>) {add = true}
      %dma_start3A_390 = arith.constant 7 : i32
      %dma_start3A_391 = arith.constant 7 : i32
      %dma_start3A_392 = arith.constant 0 : i32
      %dma_start3A_393 = tpu.memref_slice %arg20[%dma_start3A_390, %dma_start3A_392] : memref<8x128xf32, #tpu.memory_space<vmem>> -> memref<1x128xf32, #tpu.memory_space<vmem>>
      %dma_start3A_394 = tpu.memref_squeeze %dma_start3A_393 : memref<1x128xf32, #tpu.memory_space<vmem>> -> memref<128xf32, #tpu.memory_space<vmem>>
      %dma_start3A_395 = arith.constant 0 : i32
      %dma_start3A_396 = tpu.memref_slice %arg16[%dma_start3A_391, %dma_start3A_395] : memref<8x128xi32, #tpu.memory_space<vmem>> -> memref<1x128xi32, #tpu.memory_space<vmem>>
      %dma_start3A_397 = tpu.memref_squeeze %dma_start3A_396 : memref<1x128xi32, #tpu.memory_space<vmem>> -> memref<128xi32, #tpu.memory_space<vmem>>
      %dma_start3A_398 = arith.constant 0 : i32
      %dma_start3A_399 = tpu.memref_slice %arg26[%dma_start3A_398] : memref<43008xf32, #tpu.memory_space<vmem_shared>> -> memref<43008xf32, #tpu.memory_space<vmem_shared>>
      tpu.enqueue_indirect_dma source(%dma_start3A_394 : memref<128xf32, #tpu.memory_space<vmem>>) target(%dma_start3A_399 : memref<43008xf32, #tpu.memory_space<vmem_shared>>) offsets(%dma_start3A_397 : memref<128xi32, #tpu.memory_space<vmem>>) semaphore(%arg29 : memref<!tpu.dma_semaphore, #tpu.memory_space<semaphore_mem>>) {add = true}
      "tpu.region"() ({
        %run_scoped3A = tpu.sem_alloc : memref<!tpu.dma_semaphore, #tpu.memory_space<semaphore_mem>>
        %dma_start3A_1039 = arith.constant 0 : i32
        %dma_start3A_1040 = tpu.memref_slice %arg7[%multiple_of3A, %dma_start3A_1039] : memref<288x128xf32, #tpu.memory_space<hbm>> -> memref<8x128xf32, #tpu.memory_space<hbm>>
        %dma_start3A_1041 = arith.constant 0 : i32
        %dma_start3A_1042 = tpu.memref_slice %arg7[%multiple_of3A, %dma_start3A_1041] : memref<288x128xf32, #tpu.memory_space<hbm>> -> memref<8x128xf32, #tpu.memory_space<hbm>>
        tpu.enqueue_dma source(%dma_start3A_1042 : memref<8x128xf32, #tpu.memory_space<hbm>>) target(%arg21 : memref<8x128xf32, #tpu.memory_space<vmem>>) target_semaphore(%run_scoped3A : memref<!tpu.dma_semaphore, #tpu.memory_space<semaphore_mem>>)
        %dma_wait3A_1043 = arith.constant 0 : i32
        %dma_wait3A_1044 = tpu.memref_slice %arg7[%multiple_of3A, %dma_wait3A_1043] : memref<288x128xf32, #tpu.memory_space<hbm>> -> memref<8x128xf32, #tpu.memory_space<hbm>>
        %dma_wait3A_1045 = arith.constant 0 : i32
        %dma_wait3A_1046 = tpu.memref_slice %arg7[%multiple_of3A, %dma_wait3A_1045] : memref<288x128xf32, #tpu.memory_space<hbm>> -> memref<8x128xf32, #tpu.memory_space<hbm>>
        tpu.wait_dma2 semaphore(%run_scoped3A : memref<!tpu.dma_semaphore, #tpu.memory_space<semaphore_mem>>) src(%dma_wait3A_1046 : memref<8x128xf32, #tpu.memory_space<hbm>>) dst(%arg21 : memref<8x128xf32, #tpu.memory_space<vmem>>)
        tpu.yield
      }) : () -> ()
      %dma_start3A_400 = arith.constant 0 : i32
      %dma_start3A_401 = arith.constant 0 : i32
      %dma_start3A_402 = arith.constant 0 : i32
      %dma_start3A_403 = tpu.memref_slice %arg21[%dma_start3A_400, %dma_start3A_402] : memref<8x128xf32, #tpu.memory_space<vmem>> -> memref<1x128xf32, #tpu.memory_space<vmem>>
      %dma_start3A_404 = tpu.memref_squeeze %dma_start3A_403 : memref<1x128xf32, #tpu.memory_space<vmem>> -> memref<128xf32, #tpu.memory_space<vmem>>
      %dma_start3A_405 = arith.constant 0 : i32
      %dma_start3A_406 = tpu.memref_slice %arg16[%dma_start3A_401, %dma_start3A_405] : memref<8x128xi32, #tpu.memory_space<vmem>> -> memref<1x128xi32, #tpu.memory_space<vmem>>
      %dma_start3A_407 = tpu.memref_squeeze %dma_start3A_406 : memref<1x128xi32, #tpu.memory_space<vmem>> -> memref<128xi32, #tpu.memory_space<vmem>>
      %dma_start3A_408 = arith.constant 0 : i32
      %dma_start3A_409 = tpu.memref_slice %arg27[%dma_start3A_408] : memref<43008xf32, #tpu.memory_space<vmem_shared>> -> memref<43008xf32, #tpu.memory_space<vmem_shared>>
      tpu.enqueue_indirect_dma source(%dma_start3A_404 : memref<128xf32, #tpu.memory_space<vmem>>) target(%dma_start3A_409 : memref<43008xf32, #tpu.memory_space<vmem_shared>>) offsets(%dma_start3A_407 : memref<128xi32, #tpu.memory_space<vmem>>) semaphore(%arg29 : memref<!tpu.dma_semaphore, #tpu.memory_space<semaphore_mem>>) {add = true}
      %dma_start3A_410 = arith.constant 1 : i32
      %dma_start3A_411 = arith.constant 1 : i32
      %dma_start3A_412 = arith.constant 0 : i32
      %dma_start3A_413 = tpu.memref_slice %arg21[%dma_start3A_410, %dma_start3A_412] : memref<8x128xf32, #tpu.memory_space<vmem>> -> memref<1x128xf32, #tpu.memory_space<vmem>>
      %dma_start3A_414 = tpu.memref_squeeze %dma_start3A_413 : memref<1x128xf32, #tpu.memory_space<vmem>> -> memref<128xf32, #tpu.memory_space<vmem>>
      %dma_start3A_415 = arith.constant 0 : i32
      %dma_start3A_416 = tpu.memref_slice %arg16[%dma_start3A_411, %dma_start3A_415] : memref<8x128xi32, #tpu.memory_space<vmem>> -> memref<1x128xi32, #tpu.memory_space<vmem>>
      %dma_start3A_417 = tpu.memref_squeeze %dma_start3A_416 : memref<1x128xi32, #tpu.memory_space<vmem>> -> memref<128xi32, #tpu.memory_space<vmem>>
      %dma_start3A_418 = arith.constant 0 : i32
      %dma_start3A_419 = tpu.memref_slice %arg27[%dma_start3A_418] : memref<43008xf32, #tpu.memory_space<vmem_shared>> -> memref<43008xf32, #tpu.memory_space<vmem_shared>>
      tpu.enqueue_indirect_dma source(%dma_start3A_414 : memref<128xf32, #tpu.memory_space<vmem>>) target(%dma_start3A_419 : memref<43008xf32, #tpu.memory_space<vmem_shared>>) offsets(%dma_start3A_417 : memref<128xi32, #tpu.memory_space<vmem>>) semaphore(%arg29 : memref<!tpu.dma_semaphore, #tpu.memory_space<semaphore_mem>>) {add = true}
      %dma_start3A_420 = arith.constant 2 : i32
      %dma_start3A_421 = arith.constant 2 : i32
      %dma_start3A_422 = arith.constant 0 : i32
      %dma_start3A_423 = tpu.memref_slice %arg21[%dma_start3A_420, %dma_start3A_422] : memref<8x128xf32, #tpu.memory_space<vmem>> -> memref<1x128xf32, #tpu.memory_space<vmem>>
      %dma_start3A_424 = tpu.memref_squeeze %dma_start3A_423 : memref<1x128xf32, #tpu.memory_space<vmem>> -> memref<128xf32, #tpu.memory_space<vmem>>
      %dma_start3A_425 = arith.constant 0 : i32
      %dma_start3A_426 = tpu.memref_slice %arg16[%dma_start3A_421, %dma_start3A_425] : memref<8x128xi32, #tpu.memory_space<vmem>> -> memref<1x128xi32, #tpu.memory_space<vmem>>
      %dma_start3A_427 = tpu.memref_squeeze %dma_start3A_426 : memref<1x128xi32, #tpu.memory_space<vmem>> -> memref<128xi32, #tpu.memory_space<vmem>>
      %dma_start3A_428 = arith.constant 0 : i32
      %dma_start3A_429 = tpu.memref_slice %arg27[%dma_start3A_428] : memref<43008xf32, #tpu.memory_space<vmem_shared>> -> memref<43008xf32, #tpu.memory_space<vmem_shared>>
      tpu.enqueue_indirect_dma source(%dma_start3A_424 : memref<128xf32, #tpu.memory_space<vmem>>) target(%dma_start3A_429 : memref<43008xf32, #tpu.memory_space<vmem_shared>>) offsets(%dma_start3A_427 : memref<128xi32, #tpu.memory_space<vmem>>) semaphore(%arg29 : memref<!tpu.dma_semaphore, #tpu.memory_space<semaphore_mem>>) {add = true}
      %dma_start3A_430 = arith.constant 3 : i32
      %dma_start3A_431 = arith.constant 3 : i32
      %dma_start3A_432 = arith.constant 0 : i32
      %dma_start3A_433 = tpu.memref_slice %arg21[%dma_start3A_430, %dma_start3A_432] : memref<8x128xf32, #tpu.memory_space<vmem>> -> memref<1x128xf32, #tpu.memory_space<vmem>>
      %dma_start3A_434 = tpu.memref_squeeze %dma_start3A_433 : memref<1x128xf32, #tpu.memory_space<vmem>> -> memref<128xf32, #tpu.memory_space<vmem>>
      %dma_start3A_435 = arith.constant 0 : i32
      %dma_start3A_436 = tpu.memref_slice %arg16[%dma_start3A_431, %dma_start3A_435] : memref<8x128xi32, #tpu.memory_space<vmem>> -> memref<1x128xi32, #tpu.memory_space<vmem>>
      %dma_start3A_437 = tpu.memref_squeeze %dma_start3A_436 : memref<1x128xi32, #tpu.memory_space<vmem>> -> memref<128xi32, #tpu.memory_space<vmem>>
      %dma_start3A_438 = arith.constant 0 : i32
      %dma_start3A_439 = tpu.memref_slice %arg27[%dma_start3A_438] : memref<43008xf32, #tpu.memory_space<vmem_shared>> -> memref<43008xf32, #tpu.memory_space<vmem_shared>>
      tpu.enqueue_indirect_dma source(%dma_start3A_434 : memref<128xf32, #tpu.memory_space<vmem>>) target(%dma_start3A_439 : memref<43008xf32, #tpu.memory_space<vmem_shared>>) offsets(%dma_start3A_437 : memref<128xi32, #tpu.memory_space<vmem>>) semaphore(%arg29 : memref<!tpu.dma_semaphore, #tpu.memory_space<semaphore_mem>>) {add = true}
      %dma_start3A_440 = arith.constant 4 : i32
      %dma_start3A_441 = arith.constant 4 : i32
      %dma_start3A_442 = arith.constant 0 : i32
      %dma_start3A_443 = tpu.memref_slice %arg21[%dma_start3A_440, %dma_start3A_442] : memref<8x128xf32, #tpu.memory_space<vmem>> -> memref<1x128xf32, #tpu.memory_space<vmem>>
      %dma_start3A_444 = tpu.memref_squeeze %dma_start3A_443 : memref<1x128xf32, #tpu.memory_space<vmem>> -> memref<128xf32, #tpu.memory_space<vmem>>
      %dma_start3A_445 = arith.constant 0 : i32
      %dma_start3A_446 = tpu.memref_slice %arg16[%dma_start3A_441, %dma_start3A_445] : memref<8x128xi32, #tpu.memory_space<vmem>> -> memref<1x128xi32, #tpu.memory_space<vmem>>
      %dma_start3A_447 = tpu.memref_squeeze %dma_start3A_446 : memref<1x128xi32, #tpu.memory_space<vmem>> -> memref<128xi32, #tpu.memory_space<vmem>>
      %dma_start3A_448 = arith.constant 0 : i32
      %dma_start3A_449 = tpu.memref_slice %arg27[%dma_start3A_448] : memref<43008xf32, #tpu.memory_space<vmem_shared>> -> memref<43008xf32, #tpu.memory_space<vmem_shared>>
      tpu.enqueue_indirect_dma source(%dma_start3A_444 : memref<128xf32, #tpu.memory_space<vmem>>) target(%dma_start3A_449 : memref<43008xf32, #tpu.memory_space<vmem_shared>>) offsets(%dma_start3A_447 : memref<128xi32, #tpu.memory_space<vmem>>) semaphore(%arg29 : memref<!tpu.dma_semaphore, #tpu.memory_space<semaphore_mem>>) {add = true}
      %dma_start3A_450 = arith.constant 5 : i32
      %dma_start3A_451 = arith.constant 5 : i32
      %dma_start3A_452 = arith.constant 0 : i32
      %dma_start3A_453 = tpu.memref_slice %arg21[%dma_start3A_450, %dma_start3A_452] : memref<8x128xf32, #tpu.memory_space<vmem>> -> memref<1x128xf32, #tpu.memory_space<vmem>>
      %dma_start3A_454 = tpu.memref_squeeze %dma_start3A_453 : memref<1x128xf32, #tpu.memory_space<vmem>> -> memref<128xf32, #tpu.memory_space<vmem>>
      %dma_start3A_455 = arith.constant 0 : i32
      %dma_start3A_456 = tpu.memref_slice %arg16[%dma_start3A_451, %dma_start3A_455] : memref<8x128xi32, #tpu.memory_space<vmem>> -> memref<1x128xi32, #tpu.memory_space<vmem>>
      %dma_start3A_457 = tpu.memref_squeeze %dma_start3A_456 : memref<1x128xi32, #tpu.memory_space<vmem>> -> memref<128xi32, #tpu.memory_space<vmem>>
      %dma_start3A_458 = arith.constant 0 : i32
      %dma_start3A_459 = tpu.memref_slice %arg27[%dma_start3A_458] : memref<43008xf32, #tpu.memory_space<vmem_shared>> -> memref<43008xf32, #tpu.memory_space<vmem_shared>>
      tpu.enqueue_indirect_dma source(%dma_start3A_454 : memref<128xf32, #tpu.memory_space<vmem>>) target(%dma_start3A_459 : memref<43008xf32, #tpu.memory_space<vmem_shared>>) offsets(%dma_start3A_457 : memref<128xi32, #tpu.memory_space<vmem>>) semaphore(%arg29 : memref<!tpu.dma_semaphore, #tpu.memory_space<semaphore_mem>>) {add = true}
      %dma_start3A_460 = arith.constant 6 : i32
      %dma_start3A_461 = arith.constant 6 : i32
      %dma_start3A_462 = arith.constant 0 : i32
      %dma_start3A_463 = tpu.memref_slice %arg21[%dma_start3A_460, %dma_start3A_462] : memref<8x128xf32, #tpu.memory_space<vmem>> -> memref<1x128xf32, #tpu.memory_space<vmem>>
      %dma_start3A_464 = tpu.memref_squeeze %dma_start3A_463 : memref<1x128xf32, #tpu.memory_space<vmem>> -> memref<128xf32, #tpu.memory_space<vmem>>
      %dma_start3A_465 = arith.constant 0 : i32
      %dma_start3A_466 = tpu.memref_slice %arg16[%dma_start3A_461, %dma_start3A_465] : memref<8x128xi32, #tpu.memory_space<vmem>> -> memref<1x128xi32, #tpu.memory_space<vmem>>
      %dma_start3A_467 = tpu.memref_squeeze %dma_start3A_466 : memref<1x128xi32, #tpu.memory_space<vmem>> -> memref<128xi32, #tpu.memory_space<vmem>>
      %dma_start3A_468 = arith.constant 0 : i32
      %dma_start3A_469 = tpu.memref_slice %arg27[%dma_start3A_468] : memref<43008xf32, #tpu.memory_space<vmem_shared>> -> memref<43008xf32, #tpu.memory_space<vmem_shared>>
      tpu.enqueue_indirect_dma source(%dma_start3A_464 : memref<128xf32, #tpu.memory_space<vmem>>) target(%dma_start3A_469 : memref<43008xf32, #tpu.memory_space<vmem_shared>>) offsets(%dma_start3A_467 : memref<128xi32, #tpu.memory_space<vmem>>) semaphore(%arg29 : memref<!tpu.dma_semaphore, #tpu.memory_space<semaphore_mem>>) {add = true}
      %dma_start3A_470 = arith.constant 7 : i32
      %dma_start3A_471 = arith.constant 7 : i32
      %dma_start3A_472 = arith.constant 0 : i32
      %dma_start3A_473 = tpu.memref_slice %arg21[%dma_start3A_470, %dma_start3A_472] : memref<8x128xf32, #tpu.memory_space<vmem>> -> memref<1x128xf32, #tpu.memory_space<vmem>>
      %dma_start3A_474 = tpu.memref_squeeze %dma_start3A_473 : memref<1x128xf32, #tpu.memory_space<vmem>> -> memref<128xf32, #tpu.memory_space<vmem>>
      %dma_start3A_475 = arith.constant 0 : i32
      %dma_start3A_476 = tpu.memref_slice %arg16[%dma_start3A_471, %dma_start3A_475] : memref<8x128xi32, #tpu.memory_space<vmem>> -> memref<1x128xi32, #tpu.memory_space<vmem>>
      %dma_start3A_477 = tpu.memref_squeeze %dma_start3A_476 : memref<1x128xi32, #tpu.memory_space<vmem>> -> memref<128xi32, #tpu.memory_space<vmem>>
      %dma_start3A_478 = arith.constant 0 : i32
      %dma_start3A_479 = tpu.memref_slice %arg27[%dma_start3A_478] : memref<43008xf32, #tpu.memory_space<vmem_shared>> -> memref<43008xf32, #tpu.memory_space<vmem_shared>>
      tpu.enqueue_indirect_dma source(%dma_start3A_474 : memref<128xf32, #tpu.memory_space<vmem>>) target(%dma_start3A_479 : memref<43008xf32, #tpu.memory_space<vmem_shared>>) offsets(%dma_start3A_477 : memref<128xi32, #tpu.memory_space<vmem>>) semaphore(%arg29 : memref<!tpu.dma_semaphore, #tpu.memory_space<semaphore_mem>>) {add = true}
      "tpu.region"() ({
        %run_scoped3A = tpu.sem_alloc : memref<!tpu.dma_semaphore, #tpu.memory_space<semaphore_mem>>
        %dma_start3A_1039 = arith.constant 0 : i32
        %dma_start3A_1040 = tpu.memref_slice %arg8[%multiple_of3A, %dma_start3A_1039] : memref<288x128xf32, #tpu.memory_space<hbm>> -> memref<8x128xf32, #tpu.memory_space<hbm>>
        %dma_start3A_1041 = arith.constant 0 : i32
        %dma_start3A_1042 = tpu.memref_slice %arg8[%multiple_of3A, %dma_start3A_1041] : memref<288x128xf32, #tpu.memory_space<hbm>> -> memref<8x128xf32, #tpu.memory_space<hbm>>
        tpu.enqueue_dma source(%dma_start3A_1042 : memref<8x128xf32, #tpu.memory_space<hbm>>) target(%arg22 : memref<8x128xf32, #tpu.memory_space<vmem>>) target_semaphore(%run_scoped3A : memref<!tpu.dma_semaphore, #tpu.memory_space<semaphore_mem>>)
        %dma_wait3A_1043 = arith.constant 0 : i32
        %dma_wait3A_1044 = tpu.memref_slice %arg8[%multiple_of3A, %dma_wait3A_1043] : memref<288x128xf32, #tpu.memory_space<hbm>> -> memref<8x128xf32, #tpu.memory_space<hbm>>
        %dma_wait3A_1045 = arith.constant 0 : i32
        %dma_wait3A_1046 = tpu.memref_slice %arg8[%multiple_of3A, %dma_wait3A_1045] : memref<288x128xf32, #tpu.memory_space<hbm>> -> memref<8x128xf32, #tpu.memory_space<hbm>>
        tpu.wait_dma2 semaphore(%run_scoped3A : memref<!tpu.dma_semaphore, #tpu.memory_space<semaphore_mem>>) src(%dma_wait3A_1046 : memref<8x128xf32, #tpu.memory_space<hbm>>) dst(%arg22 : memref<8x128xf32, #tpu.memory_space<vmem>>)
        tpu.yield
      }) : () -> ()
      %dma_start3A_480 = arith.constant 0 : i32
      %dma_start3A_481 = arith.constant 0 : i32
      %dma_start3A_482 = arith.constant 0 : i32
      %dma_start3A_483 = tpu.memref_slice %arg22[%dma_start3A_480, %dma_start3A_482] : memref<8x128xf32, #tpu.memory_space<vmem>> -> memref<1x128xf32, #tpu.memory_space<vmem>>
      %dma_start3A_484 = tpu.memref_squeeze %dma_start3A_483 : memref<1x128xf32, #tpu.memory_space<vmem>> -> memref<128xf32, #tpu.memory_space<vmem>>
      %dma_start3A_485 = arith.constant 0 : i32
      %dma_start3A_486 = tpu.memref_slice %arg16[%dma_start3A_481, %dma_start3A_485] : memref<8x128xi32, #tpu.memory_space<vmem>> -> memref<1x128xi32, #tpu.memory_space<vmem>>
      %dma_start3A_487 = tpu.memref_squeeze %dma_start3A_486 : memref<1x128xi32, #tpu.memory_space<vmem>> -> memref<128xi32, #tpu.memory_space<vmem>>
      %dma_start3A_488 = arith.constant 0 : i32
      %dma_start3A_489 = tpu.memref_slice %arg28[%dma_start3A_488] : memref<43008xf32, #tpu.memory_space<vmem_shared>> -> memref<43008xf32, #tpu.memory_space<vmem_shared>>
      tpu.enqueue_indirect_dma source(%dma_start3A_484 : memref<128xf32, #tpu.memory_space<vmem>>) target(%dma_start3A_489 : memref<43008xf32, #tpu.memory_space<vmem_shared>>) offsets(%dma_start3A_487 : memref<128xi32, #tpu.memory_space<vmem>>) semaphore(%arg29 : memref<!tpu.dma_semaphore, #tpu.memory_space<semaphore_mem>>) {add = true}
      %dma_start3A_490 = arith.constant 1 : i32
      %dma_start3A_491 = arith.constant 1 : i32
      %dma_start3A_492 = arith.constant 0 : i32
      %dma_start3A_493 = tpu.memref_slice %arg22[%dma_start3A_490, %dma_start3A_492] : memref<8x128xf32, #tpu.memory_space<vmem>> -> memref<1x128xf32, #tpu.memory_space<vmem>>
      %dma_start3A_494 = tpu.memref_squeeze %dma_start3A_493 : memref<1x128xf32, #tpu.memory_space<vmem>> -> memref<128xf32, #tpu.memory_space<vmem>>
      %dma_start3A_495 = arith.constant 0 : i32
      %dma_start3A_496 = tpu.memref_slice %arg16[%dma_start3A_491, %dma_start3A_495] : memref<8x128xi32, #tpu.memory_space<vmem>> -> memref<1x128xi32, #tpu.memory_space<vmem>>
      %dma_start3A_497 = tpu.memref_squeeze %dma_start3A_496 : memref<1x128xi32, #tpu.memory_space<vmem>> -> memref<128xi32, #tpu.memory_space<vmem>>
      %dma_start3A_498 = arith.constant 0 : i32
      %dma_start3A_499 = tpu.memref_slice %arg28[%dma_start3A_498] : memref<43008xf32, #tpu.memory_space<vmem_shared>> -> memref<43008xf32, #tpu.memory_space<vmem_shared>>
      tpu.enqueue_indirect_dma source(%dma_start3A_494 : memref<128xf32, #tpu.memory_space<vmem>>) target(%dma_start3A_499 : memref<43008xf32, #tpu.memory_space<vmem_shared>>) offsets(%dma_start3A_497 : memref<128xi32, #tpu.memory_space<vmem>>) semaphore(%arg29 : memref<!tpu.dma_semaphore, #tpu.memory_space<semaphore_mem>>) {add = true}
      %dma_start3A_500 = arith.constant 2 : i32
      %dma_start3A_501 = arith.constant 2 : i32
      %dma_start3A_502 = arith.constant 0 : i32
      %dma_start3A_503 = tpu.memref_slice %arg22[%dma_start3A_500, %dma_start3A_502] : memref<8x128xf32, #tpu.memory_space<vmem>> -> memref<1x128xf32, #tpu.memory_space<vmem>>
      %dma_start3A_504 = tpu.memref_squeeze %dma_start3A_503 : memref<1x128xf32, #tpu.memory_space<vmem>> -> memref<128xf32, #tpu.memory_space<vmem>>
      %dma_start3A_505 = arith.constant 0 : i32
      %dma_start3A_506 = tpu.memref_slice %arg16[%dma_start3A_501, %dma_start3A_505] : memref<8x128xi32, #tpu.memory_space<vmem>> -> memref<1x128xi32, #tpu.memory_space<vmem>>
      %dma_start3A_507 = tpu.memref_squeeze %dma_start3A_506 : memref<1x128xi32, #tpu.memory_space<vmem>> -> memref<128xi32, #tpu.memory_space<vmem>>
      %dma_start3A_508 = arith.constant 0 : i32
      %dma_start3A_509 = tpu.memref_slice %arg28[%dma_start3A_508] : memref<43008xf32, #tpu.memory_space<vmem_shared>> -> memref<43008xf32, #tpu.memory_space<vmem_shared>>
      tpu.enqueue_indirect_dma source(%dma_start3A_504 : memref<128xf32, #tpu.memory_space<vmem>>) target(%dma_start3A_509 : memref<43008xf32, #tpu.memory_space<vmem_shared>>) offsets(%dma_start3A_507 : memref<128xi32, #tpu.memory_space<vmem>>) semaphore(%arg29 : memref<!tpu.dma_semaphore, #tpu.memory_space<semaphore_mem>>) {add = true}
      %dma_start3A_510 = arith.constant 3 : i32
      %dma_start3A_511 = arith.constant 3 : i32
      %dma_start3A_512 = arith.constant 0 : i32
      %dma_start3A_513 = tpu.memref_slice %arg22[%dma_start3A_510, %dma_start3A_512] : memref<8x128xf32, #tpu.memory_space<vmem>> -> memref<1x128xf32, #tpu.memory_space<vmem>>
      %dma_start3A_514 = tpu.memref_squeeze %dma_start3A_513 : memref<1x128xf32, #tpu.memory_space<vmem>> -> memref<128xf32, #tpu.memory_space<vmem>>
      %dma_start3A_515 = arith.constant 0 : i32
      %dma_start3A_516 = tpu.memref_slice %arg16[%dma_start3A_511, %dma_start3A_515] : memref<8x128xi32, #tpu.memory_space<vmem>> -> memref<1x128xi32, #tpu.memory_space<vmem>>
      %dma_start3A_517 = tpu.memref_squeeze %dma_start3A_516 : memref<1x128xi32, #tpu.memory_space<vmem>> -> memref<128xi32, #tpu.memory_space<vmem>>
      %dma_start3A_518 = arith.constant 0 : i32
      %dma_start3A_519 = tpu.memref_slice %arg28[%dma_start3A_518] : memref<43008xf32, #tpu.memory_space<vmem_shared>> -> memref<43008xf32, #tpu.memory_space<vmem_shared>>
      tpu.enqueue_indirect_dma source(%dma_start3A_514 : memref<128xf32, #tpu.memory_space<vmem>>) target(%dma_start3A_519 : memref<43008xf32, #tpu.memory_space<vmem_shared>>) offsets(%dma_start3A_517 : memref<128xi32, #tpu.memory_space<vmem>>) semaphore(%arg29 : memref<!tpu.dma_semaphore, #tpu.memory_space<semaphore_mem>>) {add = true}
      %dma_start3A_520 = arith.constant 4 : i32
      %dma_start3A_521 = arith.constant 4 : i32
      %dma_start3A_522 = arith.constant 0 : i32
      %dma_start3A_523 = tpu.memref_slice %arg22[%dma_start3A_520, %dma_start3A_522] : memref<8x128xf32, #tpu.memory_space<vmem>> -> memref<1x128xf32, #tpu.memory_space<vmem>>
      %dma_start3A_524 = tpu.memref_squeeze %dma_start3A_523 : memref<1x128xf32, #tpu.memory_space<vmem>> -> memref<128xf32, #tpu.memory_space<vmem>>
      %dma_start3A_525 = arith.constant 0 : i32
      %dma_start3A_526 = tpu.memref_slice %arg16[%dma_start3A_521, %dma_start3A_525] : memref<8x128xi32, #tpu.memory_space<vmem>> -> memref<1x128xi32, #tpu.memory_space<vmem>>
      %dma_start3A_527 = tpu.memref_squeeze %dma_start3A_526 : memref<1x128xi32, #tpu.memory_space<vmem>> -> memref<128xi32, #tpu.memory_space<vmem>>
      %dma_start3A_528 = arith.constant 0 : i32
      %dma_start3A_529 = tpu.memref_slice %arg28[%dma_start3A_528] : memref<43008xf32, #tpu.memory_space<vmem_shared>> -> memref<43008xf32, #tpu.memory_space<vmem_shared>>
      tpu.enqueue_indirect_dma source(%dma_start3A_524 : memref<128xf32, #tpu.memory_space<vmem>>) target(%dma_start3A_529 : memref<43008xf32, #tpu.memory_space<vmem_shared>>) offsets(%dma_start3A_527 : memref<128xi32, #tpu.memory_space<vmem>>) semaphore(%arg29 : memref<!tpu.dma_semaphore, #tpu.memory_space<semaphore_mem>>) {add = true}
      %dma_start3A_530 = arith.constant 5 : i32
      %dma_start3A_531 = arith.constant 5 : i32
      %dma_start3A_532 = arith.constant 0 : i32
      %dma_start3A_533 = tpu.memref_slice %arg22[%dma_start3A_530, %dma_start3A_532] : memref<8x128xf32, #tpu.memory_space<vmem>> -> memref<1x128xf32, #tpu.memory_space<vmem>>
      %dma_start3A_534 = tpu.memref_squeeze %dma_start3A_533 : memref<1x128xf32, #tpu.memory_space<vmem>> -> memref<128xf32, #tpu.memory_space<vmem>>
      %dma_start3A_535 = arith.constant 0 : i32
      %dma_start3A_536 = tpu.memref_slice %arg16[%dma_start3A_531, %dma_start3A_535] : memref<8x128xi32, #tpu.memory_space<vmem>> -> memref<1x128xi32, #tpu.memory_space<vmem>>
      %dma_start3A_537 = tpu.memref_squeeze %dma_start3A_536 : memref<1x128xi32, #tpu.memory_space<vmem>> -> memref<128xi32, #tpu.memory_space<vmem>>
      %dma_start3A_538 = arith.constant 0 : i32
      %dma_start3A_539 = tpu.memref_slice %arg28[%dma_start3A_538] : memref<43008xf32, #tpu.memory_space<vmem_shared>> -> memref<43008xf32, #tpu.memory_space<vmem_shared>>
      tpu.enqueue_indirect_dma source(%dma_start3A_534 : memref<128xf32, #tpu.memory_space<vmem>>) target(%dma_start3A_539 : memref<43008xf32, #tpu.memory_space<vmem_shared>>) offsets(%dma_start3A_537 : memref<128xi32, #tpu.memory_space<vmem>>) semaphore(%arg29 : memref<!tpu.dma_semaphore, #tpu.memory_space<semaphore_mem>>) {add = true}
      %dma_start3A_540 = arith.constant 6 : i32
      %dma_start3A_541 = arith.constant 6 : i32
      %dma_start3A_542 = arith.constant 0 : i32
      %dma_start3A_543 = tpu.memref_slice %arg22[%dma_start3A_540, %dma_start3A_542] : memref<8x128xf32, #tpu.memory_space<vmem>> -> memref<1x128xf32, #tpu.memory_space<vmem>>
      %dma_start3A_544 = tpu.memref_squeeze %dma_start3A_543 : memref<1x128xf32, #tpu.memory_space<vmem>> -> memref<128xf32, #tpu.memory_space<vmem>>
      %dma_start3A_545 = arith.constant 0 : i32
      %dma_start3A_546 = tpu.memref_slice %arg16[%dma_start3A_541, %dma_start3A_545] : memref<8x128xi32, #tpu.memory_space<vmem>> -> memref<1x128xi32, #tpu.memory_space<vmem>>
      %dma_start3A_547 = tpu.memref_squeeze %dma_start3A_546 : memref<1x128xi32, #tpu.memory_space<vmem>> -> memref<128xi32, #tpu.memory_space<vmem>>
      %dma_start3A_548 = arith.constant 0 : i32
      %dma_start3A_549 = tpu.memref_slice %arg28[%dma_start3A_548] : memref<43008xf32, #tpu.memory_space<vmem_shared>> -> memref<43008xf32, #tpu.memory_space<vmem_shared>>
      tpu.enqueue_indirect_dma source(%dma_start3A_544 : memref<128xf32, #tpu.memory_space<vmem>>) target(%dma_start3A_549 : memref<43008xf32, #tpu.memory_space<vmem_shared>>) offsets(%dma_start3A_547 : memref<128xi32, #tpu.memory_space<vmem>>) semaphore(%arg29 : memref<!tpu.dma_semaphore, #tpu.memory_space<semaphore_mem>>) {add = true}
      %dma_start3A_550 = arith.constant 7 : i32
      %dma_start3A_551 = arith.constant 7 : i32
      %dma_start3A_552 = arith.constant 0 : i32
      %dma_start3A_553 = tpu.memref_slice %arg22[%dma_start3A_550, %dma_start3A_552] : memref<8x128xf32, #tpu.memory_space<vmem>> -> memref<1x128xf32, #tpu.memory_space<vmem>>
      %dma_start3A_554 = tpu.memref_squeeze %dma_start3A_553 : memref<1x128xf32, #tpu.memory_space<vmem>> -> memref<128xf32, #tpu.memory_space<vmem>>
      %dma_start3A_555 = arith.constant 0 : i32
      %dma_start3A_556 = tpu.memref_slice %arg16[%dma_start3A_551, %dma_start3A_555] : memref<8x128xi32, #tpu.memory_space<vmem>> -> memref<1x128xi32, #tpu.memory_space<vmem>>
      %dma_start3A_557 = tpu.memref_squeeze %dma_start3A_556 : memref<1x128xi32, #tpu.memory_space<vmem>> -> memref<128xi32, #tpu.memory_space<vmem>>
      %dma_start3A_558 = arith.constant 0 : i32
      %dma_start3A_559 = tpu.memref_slice %arg28[%dma_start3A_558] : memref<43008xf32, #tpu.memory_space<vmem_shared>> -> memref<43008xf32, #tpu.memory_space<vmem_shared>>
      tpu.enqueue_indirect_dma source(%dma_start3A_554 : memref<128xf32, #tpu.memory_space<vmem>>) target(%dma_start3A_559 : memref<43008xf32, #tpu.memory_space<vmem_shared>>) offsets(%dma_start3A_557 : memref<128xi32, #tpu.memory_space<vmem>>) semaphore(%arg29 : memref<!tpu.dma_semaphore, #tpu.memory_space<semaphore_mem>>) {add = true}
      %dma_wait3A = arith.constant 0 : i32
      %dma_wait3A_560 = arith.constant 0 : i32
      %dma_wait3A_561 = arith.constant 0 : i32
      %dma_wait3A_562 = tpu.memref_slice %arg17[%dma_wait3A, %dma_wait3A_561] : memref<8x128xf32, #tpu.memory_space<vmem>> -> memref<1x128xf32, #tpu.memory_space<vmem>>
      %dma_wait3A_563 = tpu.memref_squeeze %dma_wait3A_562 : memref<1x128xf32, #tpu.memory_space<vmem>> -> memref<128xf32, #tpu.memory_space<vmem>>
      %dma_wait3A_564 = arith.constant 0 : i32
      %dma_wait3A_565 = tpu.memref_slice %arg16[%dma_wait3A_560, %dma_wait3A_564] : memref<8x128xi32, #tpu.memory_space<vmem>> -> memref<1x128xi32, #tpu.memory_space<vmem>>
      %dma_wait3A_566 = tpu.memref_squeeze %dma_wait3A_565 : memref<1x128xi32, #tpu.memory_space<vmem>> -> memref<128xi32, #tpu.memory_space<vmem>>
      %dma_wait3A_567 = arith.constant 0 : i32
      %dma_wait3A_568 = tpu.memref_slice %arg23[%dma_wait3A_567] : memref<43008xf32, #tpu.memory_space<vmem_shared>> -> memref<43008xf32, #tpu.memory_space<vmem_shared>>
      tpu.wait_indirect_dma semaphore(%arg29 : memref<!tpu.dma_semaphore, #tpu.memory_space<semaphore_mem>>) src(%dma_wait3A_563 : memref<128xf32, #tpu.memory_space<vmem>>) dst(%dma_wait3A_568 : memref<43008xf32, #tpu.memory_space<vmem_shared>>)
      %dma_wait3A_569 = arith.constant 1 : i32
      %dma_wait3A_570 = arith.constant 1 : i32
      %dma_wait3A_571 = arith.constant 0 : i32
      %dma_wait3A_572 = tpu.memref_slice %arg17[%dma_wait3A_569, %dma_wait3A_571] : memref<8x128xf32, #tpu.memory_space<vmem>> -> memref<1x128xf32, #tpu.memory_space<vmem>>
      %dma_wait3A_573 = tpu.memref_squeeze %dma_wait3A_572 : memref<1x128xf32, #tpu.memory_space<vmem>> -> memref<128xf32, #tpu.memory_space<vmem>>
      %dma_wait3A_574 = arith.constant 0 : i32
      %dma_wait3A_575 = tpu.memref_slice %arg16[%dma_wait3A_570, %dma_wait3A_574] : memref<8x128xi32, #tpu.memory_space<vmem>> -> memref<1x128xi32, #tpu.memory_space<vmem>>
      %dma_wait3A_576 = tpu.memref_squeeze %dma_wait3A_575 : memref<1x128xi32, #tpu.memory_space<vmem>> -> memref<128xi32, #tpu.memory_space<vmem>>
      %dma_wait3A_577 = arith.constant 0 : i32
      %dma_wait3A_578 = tpu.memref_slice %arg23[%dma_wait3A_577] : memref<43008xf32, #tpu.memory_space<vmem_shared>> -> memref<43008xf32, #tpu.memory_space<vmem_shared>>
      tpu.wait_indirect_dma semaphore(%arg29 : memref<!tpu.dma_semaphore, #tpu.memory_space<semaphore_mem>>) src(%dma_wait3A_573 : memref<128xf32, #tpu.memory_space<vmem>>) dst(%dma_wait3A_578 : memref<43008xf32, #tpu.memory_space<vmem_shared>>)
      %dma_wait3A_579 = arith.constant 2 : i32
      %dma_wait3A_580 = arith.constant 2 : i32
      %dma_wait3A_581 = arith.constant 0 : i32
      %dma_wait3A_582 = tpu.memref_slice %arg17[%dma_wait3A_579, %dma_wait3A_581] : memref<8x128xf32, #tpu.memory_space<vmem>> -> memref<1x128xf32, #tpu.memory_space<vmem>>
      %dma_wait3A_583 = tpu.memref_squeeze %dma_wait3A_582 : memref<1x128xf32, #tpu.memory_space<vmem>> -> memref<128xf32, #tpu.memory_space<vmem>>
      %dma_wait3A_584 = arith.constant 0 : i32
      %dma_wait3A_585 = tpu.memref_slice %arg16[%dma_wait3A_580, %dma_wait3A_584] : memref<8x128xi32, #tpu.memory_space<vmem>> -> memref<1x128xi32, #tpu.memory_space<vmem>>
      %dma_wait3A_586 = tpu.memref_squeeze %dma_wait3A_585 : memref<1x128xi32, #tpu.memory_space<vmem>> -> memref<128xi32, #tpu.memory_space<vmem>>
      %dma_wait3A_587 = arith.constant 0 : i32
      %dma_wait3A_588 = tpu.memref_slice %arg23[%dma_wait3A_587] : memref<43008xf32, #tpu.memory_space<vmem_shared>> -> memref<43008xf32, #tpu.memory_space<vmem_shared>>
      tpu.wait_indirect_dma semaphore(%arg29 : memref<!tpu.dma_semaphore, #tpu.memory_space<semaphore_mem>>) src(%dma_wait3A_583 : memref<128xf32, #tpu.memory_space<vmem>>) dst(%dma_wait3A_588 : memref<43008xf32, #tpu.memory_space<vmem_shared>>)
      %dma_wait3A_589 = arith.constant 3 : i32
      %dma_wait3A_590 = arith.constant 3 : i32
      %dma_wait3A_591 = arith.constant 0 : i32
      %dma_wait3A_592 = tpu.memref_slice %arg17[%dma_wait3A_589, %dma_wait3A_591] : memref<8x128xf32, #tpu.memory_space<vmem>> -> memref<1x128xf32, #tpu.memory_space<vmem>>
      %dma_wait3A_593 = tpu.memref_squeeze %dma_wait3A_592 : memref<1x128xf32, #tpu.memory_space<vmem>> -> memref<128xf32, #tpu.memory_space<vmem>>
      %dma_wait3A_594 = arith.constant 0 : i32
      %dma_wait3A_595 = tpu.memref_slice %arg16[%dma_wait3A_590, %dma_wait3A_594] : memref<8x128xi32, #tpu.memory_space<vmem>> -> memref<1x128xi32, #tpu.memory_space<vmem>>
      %dma_wait3A_596 = tpu.memref_squeeze %dma_wait3A_595 : memref<1x128xi32, #tpu.memory_space<vmem>> -> memref<128xi32, #tpu.memory_space<vmem>>
      %dma_wait3A_597 = arith.constant 0 : i32
      %dma_wait3A_598 = tpu.memref_slice %arg23[%dma_wait3A_597] : memref<43008xf32, #tpu.memory_space<vmem_shared>> -> memref<43008xf32, #tpu.memory_space<vmem_shared>>
      tpu.wait_indirect_dma semaphore(%arg29 : memref<!tpu.dma_semaphore, #tpu.memory_space<semaphore_mem>>) src(%dma_wait3A_593 : memref<128xf32, #tpu.memory_space<vmem>>) dst(%dma_wait3A_598 : memref<43008xf32, #tpu.memory_space<vmem_shared>>)
      %dma_wait3A_599 = arith.constant 4 : i32
      %dma_wait3A_600 = arith.constant 4 : i32
      %dma_wait3A_601 = arith.constant 0 : i32
      %dma_wait3A_602 = tpu.memref_slice %arg17[%dma_wait3A_599, %dma_wait3A_601] : memref<8x128xf32, #tpu.memory_space<vmem>> -> memref<1x128xf32, #tpu.memory_space<vmem>>
      %dma_wait3A_603 = tpu.memref_squeeze %dma_wait3A_602 : memref<1x128xf32, #tpu.memory_space<vmem>> -> memref<128xf32, #tpu.memory_space<vmem>>
      %dma_wait3A_604 = arith.constant 0 : i32
      %dma_wait3A_605 = tpu.memref_slice %arg16[%dma_wait3A_600, %dma_wait3A_604] : memref<8x128xi32, #tpu.memory_space<vmem>> -> memref<1x128xi32, #tpu.memory_space<vmem>>
      %dma_wait3A_606 = tpu.memref_squeeze %dma_wait3A_605 : memref<1x128xi32, #tpu.memory_space<vmem>> -> memref<128xi32, #tpu.memory_space<vmem>>
      %dma_wait3A_607 = arith.constant 0 : i32
      %dma_wait3A_608 = tpu.memref_slice %arg23[%dma_wait3A_607] : memref<43008xf32, #tpu.memory_space<vmem_shared>> -> memref<43008xf32, #tpu.memory_space<vmem_shared>>
      tpu.wait_indirect_dma semaphore(%arg29 : memref<!tpu.dma_semaphore, #tpu.memory_space<semaphore_mem>>) src(%dma_wait3A_603 : memref<128xf32, #tpu.memory_space<vmem>>) dst(%dma_wait3A_608 : memref<43008xf32, #tpu.memory_space<vmem_shared>>)
      %dma_wait3A_609 = arith.constant 5 : i32
      %dma_wait3A_610 = arith.constant 5 : i32
      %dma_wait3A_611 = arith.constant 0 : i32
      %dma_wait3A_612 = tpu.memref_slice %arg17[%dma_wait3A_609, %dma_wait3A_611] : memref<8x128xf32, #tpu.memory_space<vmem>> -> memref<1x128xf32, #tpu.memory_space<vmem>>
      %dma_wait3A_613 = tpu.memref_squeeze %dma_wait3A_612 : memref<1x128xf32, #tpu.memory_space<vmem>> -> memref<128xf32, #tpu.memory_space<vmem>>
      %dma_wait3A_614 = arith.constant 0 : i32
      %dma_wait3A_615 = tpu.memref_slice %arg16[%dma_wait3A_610, %dma_wait3A_614] : memref<8x128xi32, #tpu.memory_space<vmem>> -> memref<1x128xi32, #tpu.memory_space<vmem>>
      %dma_wait3A_616 = tpu.memref_squeeze %dma_wait3A_615 : memref<1x128xi32, #tpu.memory_space<vmem>> -> memref<128xi32, #tpu.memory_space<vmem>>
      %dma_wait3A_617 = arith.constant 0 : i32
      %dma_wait3A_618 = tpu.memref_slice %arg23[%dma_wait3A_617] : memref<43008xf32, #tpu.memory_space<vmem_shared>> -> memref<43008xf32, #tpu.memory_space<vmem_shared>>
      tpu.wait_indirect_dma semaphore(%arg29 : memref<!tpu.dma_semaphore, #tpu.memory_space<semaphore_mem>>) src(%dma_wait3A_613 : memref<128xf32, #tpu.memory_space<vmem>>) dst(%dma_wait3A_618 : memref<43008xf32, #tpu.memory_space<vmem_shared>>)
      %dma_wait3A_619 = arith.constant 6 : i32
      %dma_wait3A_620 = arith.constant 6 : i32
      %dma_wait3A_621 = arith.constant 0 : i32
      %dma_wait3A_622 = tpu.memref_slice %arg17[%dma_wait3A_619, %dma_wait3A_621] : memref<8x128xf32, #tpu.memory_space<vmem>> -> memref<1x128xf32, #tpu.memory_space<vmem>>
      %dma_wait3A_623 = tpu.memref_squeeze %dma_wait3A_622 : memref<1x128xf32, #tpu.memory_space<vmem>> -> memref<128xf32, #tpu.memory_space<vmem>>
      %dma_wait3A_624 = arith.constant 0 : i32
      %dma_wait3A_625 = tpu.memref_slice %arg16[%dma_wait3A_620, %dma_wait3A_624] : memref<8x128xi32, #tpu.memory_space<vmem>> -> memref<1x128xi32, #tpu.memory_space<vmem>>
      %dma_wait3A_626 = tpu.memref_squeeze %dma_wait3A_625 : memref<1x128xi32, #tpu.memory_space<vmem>> -> memref<128xi32, #tpu.memory_space<vmem>>
      %dma_wait3A_627 = arith.constant 0 : i32
      %dma_wait3A_628 = tpu.memref_slice %arg23[%dma_wait3A_627] : memref<43008xf32, #tpu.memory_space<vmem_shared>> -> memref<43008xf32, #tpu.memory_space<vmem_shared>>
      tpu.wait_indirect_dma semaphore(%arg29 : memref<!tpu.dma_semaphore, #tpu.memory_space<semaphore_mem>>) src(%dma_wait3A_623 : memref<128xf32, #tpu.memory_space<vmem>>) dst(%dma_wait3A_628 : memref<43008xf32, #tpu.memory_space<vmem_shared>>)
      %dma_wait3A_629 = arith.constant 7 : i32
      %dma_wait3A_630 = arith.constant 7 : i32
      %dma_wait3A_631 = arith.constant 0 : i32
      %dma_wait3A_632 = tpu.memref_slice %arg17[%dma_wait3A_629, %dma_wait3A_631] : memref<8x128xf32, #tpu.memory_space<vmem>> -> memref<1x128xf32, #tpu.memory_space<vmem>>
      %dma_wait3A_633 = tpu.memref_squeeze %dma_wait3A_632 : memref<1x128xf32, #tpu.memory_space<vmem>> -> memref<128xf32, #tpu.memory_space<vmem>>
      %dma_wait3A_634 = arith.constant 0 : i32
      %dma_wait3A_635 = tpu.memref_slice %arg16[%dma_wait3A_630, %dma_wait3A_634] : memref<8x128xi32, #tpu.memory_space<vmem>> -> memref<1x128xi32, #tpu.memory_space<vmem>>
      %dma_wait3A_636 = tpu.memref_squeeze %dma_wait3A_635 : memref<1x128xi32, #tpu.memory_space<vmem>> -> memref<128xi32, #tpu.memory_space<vmem>>
      %dma_wait3A_637 = arith.constant 0 : i32
      %dma_wait3A_638 = tpu.memref_slice %arg23[%dma_wait3A_637] : memref<43008xf32, #tpu.memory_space<vmem_shared>> -> memref<43008xf32, #tpu.memory_space<vmem_shared>>
      tpu.wait_indirect_dma semaphore(%arg29 : memref<!tpu.dma_semaphore, #tpu.memory_space<semaphore_mem>>) src(%dma_wait3A_633 : memref<128xf32, #tpu.memory_space<vmem>>) dst(%dma_wait3A_638 : memref<43008xf32, #tpu.memory_space<vmem_shared>>)
      %dma_wait3A_639 = arith.constant 0 : i32
      %dma_wait3A_640 = arith.constant 0 : i32
      %dma_wait3A_641 = arith.constant 0 : i32
      %dma_wait3A_642 = tpu.memref_slice %arg18[%dma_wait3A_639, %dma_wait3A_641] : memref<8x128xf32, #tpu.memory_space<vmem>> -> memref<1x128xf32, #tpu.memory_space<vmem>>
      %dma_wait3A_643 = tpu.memref_squeeze %dma_wait3A_642 : memref<1x128xf32, #tpu.memory_space<vmem>> -> memref<128xf32, #tpu.memory_space<vmem>>
      %dma_wait3A_644 = arith.constant 0 : i32
      %dma_wait3A_645 = tpu.memref_slice %arg16[%dma_wait3A_640, %dma_wait3A_644] : memref<8x128xi32, #tpu.memory_space<vmem>> -> memref<1x128xi32, #tpu.memory_space<vmem>>
      %dma_wait3A_646 = tpu.memref_squeeze %dma_wait3A_645 : memref<1x128xi32, #tpu.memory_space<vmem>> -> memref<128xi32, #tpu.memory_space<vmem>>
      %dma_wait3A_647 = arith.constant 0 : i32
      %dma_wait3A_648 = tpu.memref_slice %arg24[%dma_wait3A_647] : memref<43008xf32, #tpu.memory_space<vmem_shared>> -> memref<43008xf32, #tpu.memory_space<vmem_shared>>
      tpu.wait_indirect_dma semaphore(%arg29 : memref<!tpu.dma_semaphore, #tpu.memory_space<semaphore_mem>>) src(%dma_wait3A_643 : memref<128xf32, #tpu.memory_space<vmem>>) dst(%dma_wait3A_648 : memref<43008xf32, #tpu.memory_space<vmem_shared>>)
      %dma_wait3A_649 = arith.constant 1 : i32
      %dma_wait3A_650 = arith.constant 1 : i32
      %dma_wait3A_651 = arith.constant 0 : i32
      %dma_wait3A_652 = tpu.memref_slice %arg18[%dma_wait3A_649, %dma_wait3A_651] : memref<8x128xf32, #tpu.memory_space<vmem>> -> memref<1x128xf32, #tpu.memory_space<vmem>>
      %dma_wait3A_653 = tpu.memref_squeeze %dma_wait3A_652 : memref<1x128xf32, #tpu.memory_space<vmem>> -> memref<128xf32, #tpu.memory_space<vmem>>
      %dma_wait3A_654 = arith.constant 0 : i32
      %dma_wait3A_655 = tpu.memref_slice %arg16[%dma_wait3A_650, %dma_wait3A_654] : memref<8x128xi32, #tpu.memory_space<vmem>> -> memref<1x128xi32, #tpu.memory_space<vmem>>
      %dma_wait3A_656 = tpu.memref_squeeze %dma_wait3A_655 : memref<1x128xi32, #tpu.memory_space<vmem>> -> memref<128xi32, #tpu.memory_space<vmem>>
      %dma_wait3A_657 = arith.constant 0 : i32
      %dma_wait3A_658 = tpu.memref_slice %arg24[%dma_wait3A_657] : memref<43008xf32, #tpu.memory_space<vmem_shared>> -> memref<43008xf32, #tpu.memory_space<vmem_shared>>
      tpu.wait_indirect_dma semaphore(%arg29 : memref<!tpu.dma_semaphore, #tpu.memory_space<semaphore_mem>>) src(%dma_wait3A_653 : memref<128xf32, #tpu.memory_space<vmem>>) dst(%dma_wait3A_658 : memref<43008xf32, #tpu.memory_space<vmem_shared>>)
      %dma_wait3A_659 = arith.constant 2 : i32
      %dma_wait3A_660 = arith.constant 2 : i32
      %dma_wait3A_661 = arith.constant 0 : i32
      %dma_wait3A_662 = tpu.memref_slice %arg18[%dma_wait3A_659, %dma_wait3A_661] : memref<8x128xf32, #tpu.memory_space<vmem>> -> memref<1x128xf32, #tpu.memory_space<vmem>>
      %dma_wait3A_663 = tpu.memref_squeeze %dma_wait3A_662 : memref<1x128xf32, #tpu.memory_space<vmem>> -> memref<128xf32, #tpu.memory_space<vmem>>
      %dma_wait3A_664 = arith.constant 0 : i32
      %dma_wait3A_665 = tpu.memref_slice %arg16[%dma_wait3A_660, %dma_wait3A_664] : memref<8x128xi32, #tpu.memory_space<vmem>> -> memref<1x128xi32, #tpu.memory_space<vmem>>
      %dma_wait3A_666 = tpu.memref_squeeze %dma_wait3A_665 : memref<1x128xi32, #tpu.memory_space<vmem>> -> memref<128xi32, #tpu.memory_space<vmem>>
      %dma_wait3A_667 = arith.constant 0 : i32
      %dma_wait3A_668 = tpu.memref_slice %arg24[%dma_wait3A_667] : memref<43008xf32, #tpu.memory_space<vmem_shared>> -> memref<43008xf32, #tpu.memory_space<vmem_shared>>
      tpu.wait_indirect_dma semaphore(%arg29 : memref<!tpu.dma_semaphore, #tpu.memory_space<semaphore_mem>>) src(%dma_wait3A_663 : memref<128xf32, #tpu.memory_space<vmem>>) dst(%dma_wait3A_668 : memref<43008xf32, #tpu.memory_space<vmem_shared>>)
      %dma_wait3A_669 = arith.constant 3 : i32
      %dma_wait3A_670 = arith.constant 3 : i32
      %dma_wait3A_671 = arith.constant 0 : i32
      %dma_wait3A_672 = tpu.memref_slice %arg18[%dma_wait3A_669, %dma_wait3A_671] : memref<8x128xf32, #tpu.memory_space<vmem>> -> memref<1x128xf32, #tpu.memory_space<vmem>>
      %dma_wait3A_673 = tpu.memref_squeeze %dma_wait3A_672 : memref<1x128xf32, #tpu.memory_space<vmem>> -> memref<128xf32, #tpu.memory_space<vmem>>
      %dma_wait3A_674 = arith.constant 0 : i32
      %dma_wait3A_675 = tpu.memref_slice %arg16[%dma_wait3A_670, %dma_wait3A_674] : memref<8x128xi32, #tpu.memory_space<vmem>> -> memref<1x128xi32, #tpu.memory_space<vmem>>
      %dma_wait3A_676 = tpu.memref_squeeze %dma_wait3A_675 : memref<1x128xi32, #tpu.memory_space<vmem>> -> memref<128xi32, #tpu.memory_space<vmem>>
      %dma_wait3A_677 = arith.constant 0 : i32
      %dma_wait3A_678 = tpu.memref_slice %arg24[%dma_wait3A_677] : memref<43008xf32, #tpu.memory_space<vmem_shared>> -> memref<43008xf32, #tpu.memory_space<vmem_shared>>
      tpu.wait_indirect_dma semaphore(%arg29 : memref<!tpu.dma_semaphore, #tpu.memory_space<semaphore_mem>>) src(%dma_wait3A_673 : memref<128xf32, #tpu.memory_space<vmem>>) dst(%dma_wait3A_678 : memref<43008xf32, #tpu.memory_space<vmem_shared>>)
      %dma_wait3A_679 = arith.constant 4 : i32
      %dma_wait3A_680 = arith.constant 4 : i32
      %dma_wait3A_681 = arith.constant 0 : i32
      %dma_wait3A_682 = tpu.memref_slice %arg18[%dma_wait3A_679, %dma_wait3A_681] : memref<8x128xf32, #tpu.memory_space<vmem>> -> memref<1x128xf32, #tpu.memory_space<vmem>>
      %dma_wait3A_683 = tpu.memref_squeeze %dma_wait3A_682 : memref<1x128xf32, #tpu.memory_space<vmem>> -> memref<128xf32, #tpu.memory_space<vmem>>
      %dma_wait3A_684 = arith.constant 0 : i32
      %dma_wait3A_685 = tpu.memref_slice %arg16[%dma_wait3A_680, %dma_wait3A_684] : memref<8x128xi32, #tpu.memory_space<vmem>> -> memref<1x128xi32, #tpu.memory_space<vmem>>
      %dma_wait3A_686 = tpu.memref_squeeze %dma_wait3A_685 : memref<1x128xi32, #tpu.memory_space<vmem>> -> memref<128xi32, #tpu.memory_space<vmem>>
      %dma_wait3A_687 = arith.constant 0 : i32
      %dma_wait3A_688 = tpu.memref_slice %arg24[%dma_wait3A_687] : memref<43008xf32, #tpu.memory_space<vmem_shared>> -> memref<43008xf32, #tpu.memory_space<vmem_shared>>
      tpu.wait_indirect_dma semaphore(%arg29 : memref<!tpu.dma_semaphore, #tpu.memory_space<semaphore_mem>>) src(%dma_wait3A_683 : memref<128xf32, #tpu.memory_space<vmem>>) dst(%dma_wait3A_688 : memref<43008xf32, #tpu.memory_space<vmem_shared>>)
      %dma_wait3A_689 = arith.constant 5 : i32
      %dma_wait3A_690 = arith.constant 5 : i32
      %dma_wait3A_691 = arith.constant 0 : i32
      %dma_wait3A_692 = tpu.memref_slice %arg18[%dma_wait3A_689, %dma_wait3A_691] : memref<8x128xf32, #tpu.memory_space<vmem>> -> memref<1x128xf32, #tpu.memory_space<vmem>>
      %dma_wait3A_693 = tpu.memref_squeeze %dma_wait3A_692 : memref<1x128xf32, #tpu.memory_space<vmem>> -> memref<128xf32, #tpu.memory_space<vmem>>
      %dma_wait3A_694 = arith.constant 0 : i32
      %dma_wait3A_695 = tpu.memref_slice %arg16[%dma_wait3A_690, %dma_wait3A_694] : memref<8x128xi32, #tpu.memory_space<vmem>> -> memref<1x128xi32, #tpu.memory_space<vmem>>
      %dma_wait3A_696 = tpu.memref_squeeze %dma_wait3A_695 : memref<1x128xi32, #tpu.memory_space<vmem>> -> memref<128xi32, #tpu.memory_space<vmem>>
      %dma_wait3A_697 = arith.constant 0 : i32
      %dma_wait3A_698 = tpu.memref_slice %arg24[%dma_wait3A_697] : memref<43008xf32, #tpu.memory_space<vmem_shared>> -> memref<43008xf32, #tpu.memory_space<vmem_shared>>
      tpu.wait_indirect_dma semaphore(%arg29 : memref<!tpu.dma_semaphore, #tpu.memory_space<semaphore_mem>>) src(%dma_wait3A_693 : memref<128xf32, #tpu.memory_space<vmem>>) dst(%dma_wait3A_698 : memref<43008xf32, #tpu.memory_space<vmem_shared>>)
      %dma_wait3A_699 = arith.constant 6 : i32
      %dma_wait3A_700 = arith.constant 6 : i32
      %dma_wait3A_701 = arith.constant 0 : i32
      %dma_wait3A_702 = tpu.memref_slice %arg18[%dma_wait3A_699, %dma_wait3A_701] : memref<8x128xf32, #tpu.memory_space<vmem>> -> memref<1x128xf32, #tpu.memory_space<vmem>>
      %dma_wait3A_703 = tpu.memref_squeeze %dma_wait3A_702 : memref<1x128xf32, #tpu.memory_space<vmem>> -> memref<128xf32, #tpu.memory_space<vmem>>
      %dma_wait3A_704 = arith.constant 0 : i32
      %dma_wait3A_705 = tpu.memref_slice %arg16[%dma_wait3A_700, %dma_wait3A_704] : memref<8x128xi32, #tpu.memory_space<vmem>> -> memref<1x128xi32, #tpu.memory_space<vmem>>
      %dma_wait3A_706 = tpu.memref_squeeze %dma_wait3A_705 : memref<1x128xi32, #tpu.memory_space<vmem>> -> memref<128xi32, #tpu.memory_space<vmem>>
      %dma_wait3A_707 = arith.constant 0 : i32
      %dma_wait3A_708 = tpu.memref_slice %arg24[%dma_wait3A_707] : memref<43008xf32, #tpu.memory_space<vmem_shared>> -> memref<43008xf32, #tpu.memory_space<vmem_shared>>
      tpu.wait_indirect_dma semaphore(%arg29 : memref<!tpu.dma_semaphore, #tpu.memory_space<semaphore_mem>>) src(%dma_wait3A_703 : memref<128xf32, #tpu.memory_space<vmem>>) dst(%dma_wait3A_708 : memref<43008xf32, #tpu.memory_space<vmem_shared>>)
      %dma_wait3A_709 = arith.constant 7 : i32
      %dma_wait3A_710 = arith.constant 7 : i32
      %dma_wait3A_711 = arith.constant 0 : i32
      %dma_wait3A_712 = tpu.memref_slice %arg18[%dma_wait3A_709, %dma_wait3A_711] : memref<8x128xf32, #tpu.memory_space<vmem>> -> memref<1x128xf32, #tpu.memory_space<vmem>>
      %dma_wait3A_713 = tpu.memref_squeeze %dma_wait3A_712 : memref<1x128xf32, #tpu.memory_space<vmem>> -> memref<128xf32, #tpu.memory_space<vmem>>
      %dma_wait3A_714 = arith.constant 0 : i32
      %dma_wait3A_715 = tpu.memref_slice %arg16[%dma_wait3A_710, %dma_wait3A_714] : memref<8x128xi32, #tpu.memory_space<vmem>> -> memref<1x128xi32, #tpu.memory_space<vmem>>
      %dma_wait3A_716 = tpu.memref_squeeze %dma_wait3A_715 : memref<1x128xi32, #tpu.memory_space<vmem>> -> memref<128xi32, #tpu.memory_space<vmem>>
      %dma_wait3A_717 = arith.constant 0 : i32
      %dma_wait3A_718 = tpu.memref_slice %arg24[%dma_wait3A_717] : memref<43008xf32, #tpu.memory_space<vmem_shared>> -> memref<43008xf32, #tpu.memory_space<vmem_shared>>
      tpu.wait_indirect_dma semaphore(%arg29 : memref<!tpu.dma_semaphore, #tpu.memory_space<semaphore_mem>>) src(%dma_wait3A_713 : memref<128xf32, #tpu.memory_space<vmem>>) dst(%dma_wait3A_718 : memref<43008xf32, #tpu.memory_space<vmem_shared>>)
      %dma_wait3A_719 = arith.constant 0 : i32
      %dma_wait3A_720 = arith.constant 0 : i32
      %dma_wait3A_721 = arith.constant 0 : i32
      %dma_wait3A_722 = tpu.memref_slice %arg19[%dma_wait3A_719, %dma_wait3A_721] : memref<8x128xf32, #tpu.memory_space<vmem>> -> memref<1x128xf32, #tpu.memory_space<vmem>>
      %dma_wait3A_723 = tpu.memref_squeeze %dma_wait3A_722 : memref<1x128xf32, #tpu.memory_space<vmem>> -> memref<128xf32, #tpu.memory_space<vmem>>
      %dma_wait3A_724 = arith.constant 0 : i32
      %dma_wait3A_725 = tpu.memref_slice %arg16[%dma_wait3A_720, %dma_wait3A_724] : memref<8x128xi32, #tpu.memory_space<vmem>> -> memref<1x128xi32, #tpu.memory_space<vmem>>
      %dma_wait3A_726 = tpu.memref_squeeze %dma_wait3A_725 : memref<1x128xi32, #tpu.memory_space<vmem>> -> memref<128xi32, #tpu.memory_space<vmem>>
      %dma_wait3A_727 = arith.constant 0 : i32
      %dma_wait3A_728 = tpu.memref_slice %arg25[%dma_wait3A_727] : memref<43008xf32, #tpu.memory_space<vmem_shared>> -> memref<43008xf32, #tpu.memory_space<vmem_shared>>
      tpu.wait_indirect_dma semaphore(%arg29 : memref<!tpu.dma_semaphore, #tpu.memory_space<semaphore_mem>>) src(%dma_wait3A_723 : memref<128xf32, #tpu.memory_space<vmem>>) dst(%dma_wait3A_728 : memref<43008xf32, #tpu.memory_space<vmem_shared>>)
      %dma_wait3A_729 = arith.constant 1 : i32
      %dma_wait3A_730 = arith.constant 1 : i32
      %dma_wait3A_731 = arith.constant 0 : i32
      %dma_wait3A_732 = tpu.memref_slice %arg19[%dma_wait3A_729, %dma_wait3A_731] : memref<8x128xf32, #tpu.memory_space<vmem>> -> memref<1x128xf32, #tpu.memory_space<vmem>>
      %dma_wait3A_733 = tpu.memref_squeeze %dma_wait3A_732 : memref<1x128xf32, #tpu.memory_space<vmem>> -> memref<128xf32, #tpu.memory_space<vmem>>
      %dma_wait3A_734 = arith.constant 0 : i32
      %dma_wait3A_735 = tpu.memref_slice %arg16[%dma_wait3A_730, %dma_wait3A_734] : memref<8x128xi32, #tpu.memory_space<vmem>> -> memref<1x128xi32, #tpu.memory_space<vmem>>
      %dma_wait3A_736 = tpu.memref_squeeze %dma_wait3A_735 : memref<1x128xi32, #tpu.memory_space<vmem>> -> memref<128xi32, #tpu.memory_space<vmem>>
      %dma_wait3A_737 = arith.constant 0 : i32
      %dma_wait3A_738 = tpu.memref_slice %arg25[%dma_wait3A_737] : memref<43008xf32, #tpu.memory_space<vmem_shared>> -> memref<43008xf32, #tpu.memory_space<vmem_shared>>
      tpu.wait_indirect_dma semaphore(%arg29 : memref<!tpu.dma_semaphore, #tpu.memory_space<semaphore_mem>>) src(%dma_wait3A_733 : memref<128xf32, #tpu.memory_space<vmem>>) dst(%dma_wait3A_738 : memref<43008xf32, #tpu.memory_space<vmem_shared>>)
      %dma_wait3A_739 = arith.constant 2 : i32
      %dma_wait3A_740 = arith.constant 2 : i32
      %dma_wait3A_741 = arith.constant 0 : i32
      %dma_wait3A_742 = tpu.memref_slice %arg19[%dma_wait3A_739, %dma_wait3A_741] : memref<8x128xf32, #tpu.memory_space<vmem>> -> memref<1x128xf32, #tpu.memory_space<vmem>>
      %dma_wait3A_743 = tpu.memref_squeeze %dma_wait3A_742 : memref<1x128xf32, #tpu.memory_space<vmem>> -> memref<128xf32, #tpu.memory_space<vmem>>
      %dma_wait3A_744 = arith.constant 0 : i32
      %dma_wait3A_745 = tpu.memref_slice %arg16[%dma_wait3A_740, %dma_wait3A_744] : memref<8x128xi32, #tpu.memory_space<vmem>> -> memref<1x128xi32, #tpu.memory_space<vmem>>
      %dma_wait3A_746 = tpu.memref_squeeze %dma_wait3A_745 : memref<1x128xi32, #tpu.memory_space<vmem>> -> memref<128xi32, #tpu.memory_space<vmem>>
      %dma_wait3A_747 = arith.constant 0 : i32
      %dma_wait3A_748 = tpu.memref_slice %arg25[%dma_wait3A_747] : memref<43008xf32, #tpu.memory_space<vmem_shared>> -> memref<43008xf32, #tpu.memory_space<vmem_shared>>
      tpu.wait_indirect_dma semaphore(%arg29 : memref<!tpu.dma_semaphore, #tpu.memory_space<semaphore_mem>>) src(%dma_wait3A_743 : memref<128xf32, #tpu.memory_space<vmem>>) dst(%dma_wait3A_748 : memref<43008xf32, #tpu.memory_space<vmem_shared>>)
      %dma_wait3A_749 = arith.constant 3 : i32
      %dma_wait3A_750 = arith.constant 3 : i32
      %dma_wait3A_751 = arith.constant 0 : i32
      %dma_wait3A_752 = tpu.memref_slice %arg19[%dma_wait3A_749, %dma_wait3A_751] : memref<8x128xf32, #tpu.memory_space<vmem>> -> memref<1x128xf32, #tpu.memory_space<vmem>>
      %dma_wait3A_753 = tpu.memref_squeeze %dma_wait3A_752 : memref<1x128xf32, #tpu.memory_space<vmem>> -> memref<128xf32, #tpu.memory_space<vmem>>
      %dma_wait3A_754 = arith.constant 0 : i32
      %dma_wait3A_755 = tpu.memref_slice %arg16[%dma_wait3A_750, %dma_wait3A_754] : memref<8x128xi32, #tpu.memory_space<vmem>> -> memref<1x128xi32, #tpu.memory_space<vmem>>
      %dma_wait3A_756 = tpu.memref_squeeze %dma_wait3A_755 : memref<1x128xi32, #tpu.memory_space<vmem>> -> memref<128xi32, #tpu.memory_space<vmem>>
      %dma_wait3A_757 = arith.constant 0 : i32
      %dma_wait3A_758 = tpu.memref_slice %arg25[%dma_wait3A_757] : memref<43008xf32, #tpu.memory_space<vmem_shared>> -> memref<43008xf32, #tpu.memory_space<vmem_shared>>
      tpu.wait_indirect_dma semaphore(%arg29 : memref<!tpu.dma_semaphore, #tpu.memory_space<semaphore_mem>>) src(%dma_wait3A_753 : memref<128xf32, #tpu.memory_space<vmem>>) dst(%dma_wait3A_758 : memref<43008xf32, #tpu.memory_space<vmem_shared>>)
      %dma_wait3A_759 = arith.constant 4 : i32
      %dma_wait3A_760 = arith.constant 4 : i32
      %dma_wait3A_761 = arith.constant 0 : i32
      %dma_wait3A_762 = tpu.memref_slice %arg19[%dma_wait3A_759, %dma_wait3A_761] : memref<8x128xf32, #tpu.memory_space<vmem>> -> memref<1x128xf32, #tpu.memory_space<vmem>>
      %dma_wait3A_763 = tpu.memref_squeeze %dma_wait3A_762 : memref<1x128xf32, #tpu.memory_space<vmem>> -> memref<128xf32, #tpu.memory_space<vmem>>
      %dma_wait3A_764 = arith.constant 0 : i32
      %dma_wait3A_765 = tpu.memref_slice %arg16[%dma_wait3A_760, %dma_wait3A_764] : memref<8x128xi32, #tpu.memory_space<vmem>> -> memref<1x128xi32, #tpu.memory_space<vmem>>
      %dma_wait3A_766 = tpu.memref_squeeze %dma_wait3A_765 : memref<1x128xi32, #tpu.memory_space<vmem>> -> memref<128xi32, #tpu.memory_space<vmem>>
      %dma_wait3A_767 = arith.constant 0 : i32
      %dma_wait3A_768 = tpu.memref_slice %arg25[%dma_wait3A_767] : memref<43008xf32, #tpu.memory_space<vmem_shared>> -> memref<43008xf32, #tpu.memory_space<vmem_shared>>
      tpu.wait_indirect_dma semaphore(%arg29 : memref<!tpu.dma_semaphore, #tpu.memory_space<semaphore_mem>>) src(%dma_wait3A_763 : memref<128xf32, #tpu.memory_space<vmem>>) dst(%dma_wait3A_768 : memref<43008xf32, #tpu.memory_space<vmem_shared>>)
      %dma_wait3A_769 = arith.constant 5 : i32
      %dma_wait3A_770 = arith.constant 5 : i32
      %dma_wait3A_771 = arith.constant 0 : i32
      %dma_wait3A_772 = tpu.memref_slice %arg19[%dma_wait3A_769, %dma_wait3A_771] : memref<8x128xf32, #tpu.memory_space<vmem>> -> memref<1x128xf32, #tpu.memory_space<vmem>>
      %dma_wait3A_773 = tpu.memref_squeeze %dma_wait3A_772 : memref<1x128xf32, #tpu.memory_space<vmem>> -> memref<128xf32, #tpu.memory_space<vmem>>
      %dma_wait3A_774 = arith.constant 0 : i32
      %dma_wait3A_775 = tpu.memref_slice %arg16[%dma_wait3A_770, %dma_wait3A_774] : memref<8x128xi32, #tpu.memory_space<vmem>> -> memref<1x128xi32, #tpu.memory_space<vmem>>
      %dma_wait3A_776 = tpu.memref_squeeze %dma_wait3A_775 : memref<1x128xi32, #tpu.memory_space<vmem>> -> memref<128xi32, #tpu.memory_space<vmem>>
      %dma_wait3A_777 = arith.constant 0 : i32
      %dma_wait3A_778 = tpu.memref_slice %arg25[%dma_wait3A_777] : memref<43008xf32, #tpu.memory_space<vmem_shared>> -> memref<43008xf32, #tpu.memory_space<vmem_shared>>
      tpu.wait_indirect_dma semaphore(%arg29 : memref<!tpu.dma_semaphore, #tpu.memory_space<semaphore_mem>>) src(%dma_wait3A_773 : memref<128xf32, #tpu.memory_space<vmem>>) dst(%dma_wait3A_778 : memref<43008xf32, #tpu.memory_space<vmem_shared>>)
      %dma_wait3A_779 = arith.constant 6 : i32
      %dma_wait3A_780 = arith.constant 6 : i32
      %dma_wait3A_781 = arith.constant 0 : i32
      %dma_wait3A_782 = tpu.memref_slice %arg19[%dma_wait3A_779, %dma_wait3A_781] : memref<8x128xf32, #tpu.memory_space<vmem>> -> memref<1x128xf32, #tpu.memory_space<vmem>>
      %dma_wait3A_783 = tpu.memref_squeeze %dma_wait3A_782 : memref<1x128xf32, #tpu.memory_space<vmem>> -> memref<128xf32, #tpu.memory_space<vmem>>
      %dma_wait3A_784 = arith.constant 0 : i32
      %dma_wait3A_785 = tpu.memref_slice %arg16[%dma_wait3A_780, %dma_wait3A_784] : memref<8x128xi32, #tpu.memory_space<vmem>> -> memref<1x128xi32, #tpu.memory_space<vmem>>
      %dma_wait3A_786 = tpu.memref_squeeze %dma_wait3A_785 : memref<1x128xi32, #tpu.memory_space<vmem>> -> memref<128xi32, #tpu.memory_space<vmem>>
      %dma_wait3A_787 = arith.constant 0 : i32
      %dma_wait3A_788 = tpu.memref_slice %arg25[%dma_wait3A_787] : memref<43008xf32, #tpu.memory_space<vmem_shared>> -> memref<43008xf32, #tpu.memory_space<vmem_shared>>
      tpu.wait_indirect_dma semaphore(%arg29 : memref<!tpu.dma_semaphore, #tpu.memory_space<semaphore_mem>>) src(%dma_wait3A_783 : memref<128xf32, #tpu.memory_space<vmem>>) dst(%dma_wait3A_788 : memref<43008xf32, #tpu.memory_space<vmem_shared>>)
      %dma_wait3A_789 = arith.constant 7 : i32
      %dma_wait3A_790 = arith.constant 7 : i32
      %dma_wait3A_791 = arith.constant 0 : i32
      %dma_wait3A_792 = tpu.memref_slice %arg19[%dma_wait3A_789, %dma_wait3A_791] : memref<8x128xf32, #tpu.memory_space<vmem>> -> memref<1x128xf32, #tpu.memory_space<vmem>>
      %dma_wait3A_793 = tpu.memref_squeeze %dma_wait3A_792 : memref<1x128xf32, #tpu.memory_space<vmem>> -> memref<128xf32, #tpu.memory_space<vmem>>
      %dma_wait3A_794 = arith.constant 0 : i32
      %dma_wait3A_795 = tpu.memref_slice %arg16[%dma_wait3A_790, %dma_wait3A_794] : memref<8x128xi32, #tpu.memory_space<vmem>> -> memref<1x128xi32, #tpu.memory_space<vmem>>
      %dma_wait3A_796 = tpu.memref_squeeze %dma_wait3A_795 : memref<1x128xi32, #tpu.memory_space<vmem>> -> memref<128xi32, #tpu.memory_space<vmem>>
      %dma_wait3A_797 = arith.constant 0 : i32
      %dma_wait3A_798 = tpu.memref_slice %arg25[%dma_wait3A_797] : memref<43008xf32, #tpu.memory_space<vmem_shared>> -> memref<43008xf32, #tpu.memory_space<vmem_shared>>
      tpu.wait_indirect_dma semaphore(%arg29 : memref<!tpu.dma_semaphore, #tpu.memory_space<semaphore_mem>>) src(%dma_wait3A_793 : memref<128xf32, #tpu.memory_space<vmem>>) dst(%dma_wait3A_798 : memref<43008xf32, #tpu.memory_space<vmem_shared>>)
      %dma_wait3A_799 = arith.constant 0 : i32
      %dma_wait3A_800 = arith.constant 0 : i32
      %dma_wait3A_801 = arith.constant 0 : i32
      %dma_wait3A_802 = tpu.memref_slice %arg20[%dma_wait3A_799, %dma_wait3A_801] : memref<8x128xf32, #tpu.memory_space<vmem>> -> memref<1x128xf32, #tpu.memory_space<vmem>>
      %dma_wait3A_803 = tpu.memref_squeeze %dma_wait3A_802 : memref<1x128xf32, #tpu.memory_space<vmem>> -> memref<128xf32, #tpu.memory_space<vmem>>
      %dma_wait3A_804 = arith.constant 0 : i32
      %dma_wait3A_805 = tpu.memref_slice %arg16[%dma_wait3A_800, %dma_wait3A_804] : memref<8x128xi32, #tpu.memory_space<vmem>> -> memref<1x128xi32, #tpu.memory_space<vmem>>
      %dma_wait3A_806 = tpu.memref_squeeze %dma_wait3A_805 : memref<1x128xi32, #tpu.memory_space<vmem>> -> memref<128xi32, #tpu.memory_space<vmem>>
      %dma_wait3A_807 = arith.constant 0 : i32
      %dma_wait3A_808 = tpu.memref_slice %arg26[%dma_wait3A_807] : memref<43008xf32, #tpu.memory_space<vmem_shared>> -> memref<43008xf32, #tpu.memory_space<vmem_shared>>
      tpu.wait_indirect_dma semaphore(%arg29 : memref<!tpu.dma_semaphore, #tpu.memory_space<semaphore_mem>>) src(%dma_wait3A_803 : memref<128xf32, #tpu.memory_space<vmem>>) dst(%dma_wait3A_808 : memref<43008xf32, #tpu.memory_space<vmem_shared>>)
      %dma_wait3A_809 = arith.constant 1 : i32
      %dma_wait3A_810 = arith.constant 1 : i32
      %dma_wait3A_811 = arith.constant 0 : i32
      %dma_wait3A_812 = tpu.memref_slice %arg20[%dma_wait3A_809, %dma_wait3A_811] : memref<8x128xf32, #tpu.memory_space<vmem>> -> memref<1x128xf32, #tpu.memory_space<vmem>>
      %dma_wait3A_813 = tpu.memref_squeeze %dma_wait3A_812 : memref<1x128xf32, #tpu.memory_space<vmem>> -> memref<128xf32, #tpu.memory_space<vmem>>
      %dma_wait3A_814 = arith.constant 0 : i32
      %dma_wait3A_815 = tpu.memref_slice %arg16[%dma_wait3A_810, %dma_wait3A_814] : memref<8x128xi32, #tpu.memory_space<vmem>> -> memref<1x128xi32, #tpu.memory_space<vmem>>
      %dma_wait3A_816 = tpu.memref_squeeze %dma_wait3A_815 : memref<1x128xi32, #tpu.memory_space<vmem>> -> memref<128xi32, #tpu.memory_space<vmem>>
      %dma_wait3A_817 = arith.constant 0 : i32
      %dma_wait3A_818 = tpu.memref_slice %arg26[%dma_wait3A_817] : memref<43008xf32, #tpu.memory_space<vmem_shared>> -> memref<43008xf32, #tpu.memory_space<vmem_shared>>
      tpu.wait_indirect_dma semaphore(%arg29 : memref<!tpu.dma_semaphore, #tpu.memory_space<semaphore_mem>>) src(%dma_wait3A_813 : memref<128xf32, #tpu.memory_space<vmem>>) dst(%dma_wait3A_818 : memref<43008xf32, #tpu.memory_space<vmem_shared>>)
      %dma_wait3A_819 = arith.constant 2 : i32
      %dma_wait3A_820 = arith.constant 2 : i32
      %dma_wait3A_821 = arith.constant 0 : i32
      %dma_wait3A_822 = tpu.memref_slice %arg20[%dma_wait3A_819, %dma_wait3A_821] : memref<8x128xf32, #tpu.memory_space<vmem>> -> memref<1x128xf32, #tpu.memory_space<vmem>>
      %dma_wait3A_823 = tpu.memref_squeeze %dma_wait3A_822 : memref<1x128xf32, #tpu.memory_space<vmem>> -> memref<128xf32, #tpu.memory_space<vmem>>
      %dma_wait3A_824 = arith.constant 0 : i32
      %dma_wait3A_825 = tpu.memref_slice %arg16[%dma_wait3A_820, %dma_wait3A_824] : memref<8x128xi32, #tpu.memory_space<vmem>> -> memref<1x128xi32, #tpu.memory_space<vmem>>
      %dma_wait3A_826 = tpu.memref_squeeze %dma_wait3A_825 : memref<1x128xi32, #tpu.memory_space<vmem>> -> memref<128xi32, #tpu.memory_space<vmem>>
      %dma_wait3A_827 = arith.constant 0 : i32
      %dma_wait3A_828 = tpu.memref_slice %arg26[%dma_wait3A_827] : memref<43008xf32, #tpu.memory_space<vmem_shared>> -> memref<43008xf32, #tpu.memory_space<vmem_shared>>
      tpu.wait_indirect_dma semaphore(%arg29 : memref<!tpu.dma_semaphore, #tpu.memory_space<semaphore_mem>>) src(%dma_wait3A_823 : memref<128xf32, #tpu.memory_space<vmem>>) dst(%dma_wait3A_828 : memref<43008xf32, #tpu.memory_space<vmem_shared>>)
      %dma_wait3A_829 = arith.constant 3 : i32
      %dma_wait3A_830 = arith.constant 3 : i32
      %dma_wait3A_831 = arith.constant 0 : i32
      %dma_wait3A_832 = tpu.memref_slice %arg20[%dma_wait3A_829, %dma_wait3A_831] : memref<8x128xf32, #tpu.memory_space<vmem>> -> memref<1x128xf32, #tpu.memory_space<vmem>>
      %dma_wait3A_833 = tpu.memref_squeeze %dma_wait3A_832 : memref<1x128xf32, #tpu.memory_space<vmem>> -> memref<128xf32, #tpu.memory_space<vmem>>
      %dma_wait3A_834 = arith.constant 0 : i32
      %dma_wait3A_835 = tpu.memref_slice %arg16[%dma_wait3A_830, %dma_wait3A_834] : memref<8x128xi32, #tpu.memory_space<vmem>> -> memref<1x128xi32, #tpu.memory_space<vmem>>
      %dma_wait3A_836 = tpu.memref_squeeze %dma_wait3A_835 : memref<1x128xi32, #tpu.memory_space<vmem>> -> memref<128xi32, #tpu.memory_space<vmem>>
      %dma_wait3A_837 = arith.constant 0 : i32
      %dma_wait3A_838 = tpu.memref_slice %arg26[%dma_wait3A_837] : memref<43008xf32, #tpu.memory_space<vmem_shared>> -> memref<43008xf32, #tpu.memory_space<vmem_shared>>
      tpu.wait_indirect_dma semaphore(%arg29 : memref<!tpu.dma_semaphore, #tpu.memory_space<semaphore_mem>>) src(%dma_wait3A_833 : memref<128xf32, #tpu.memory_space<vmem>>) dst(%dma_wait3A_838 : memref<43008xf32, #tpu.memory_space<vmem_shared>>)
      %dma_wait3A_839 = arith.constant 4 : i32
      %dma_wait3A_840 = arith.constant 4 : i32
      %dma_wait3A_841 = arith.constant 0 : i32
      %dma_wait3A_842 = tpu.memref_slice %arg20[%dma_wait3A_839, %dma_wait3A_841] : memref<8x128xf32, #tpu.memory_space<vmem>> -> memref<1x128xf32, #tpu.memory_space<vmem>>
      %dma_wait3A_843 = tpu.memref_squeeze %dma_wait3A_842 : memref<1x128xf32, #tpu.memory_space<vmem>> -> memref<128xf32, #tpu.memory_space<vmem>>
      %dma_wait3A_844 = arith.constant 0 : i32
      %dma_wait3A_845 = tpu.memref_slice %arg16[%dma_wait3A_840, %dma_wait3A_844] : memref<8x128xi32, #tpu.memory_space<vmem>> -> memref<1x128xi32, #tpu.memory_space<vmem>>
      %dma_wait3A_846 = tpu.memref_squeeze %dma_wait3A_845 : memref<1x128xi32, #tpu.memory_space<vmem>> -> memref<128xi32, #tpu.memory_space<vmem>>
      %dma_wait3A_847 = arith.constant 0 : i32
      %dma_wait3A_848 = tpu.memref_slice %arg26[%dma_wait3A_847] : memref<43008xf32, #tpu.memory_space<vmem_shared>> -> memref<43008xf32, #tpu.memory_space<vmem_shared>>
      tpu.wait_indirect_dma semaphore(%arg29 : memref<!tpu.dma_semaphore, #tpu.memory_space<semaphore_mem>>) src(%dma_wait3A_843 : memref<128xf32, #tpu.memory_space<vmem>>) dst(%dma_wait3A_848 : memref<43008xf32, #tpu.memory_space<vmem_shared>>)
      %dma_wait3A_849 = arith.constant 5 : i32
      %dma_wait3A_850 = arith.constant 5 : i32
      %dma_wait3A_851 = arith.constant 0 : i32
      %dma_wait3A_852 = tpu.memref_slice %arg20[%dma_wait3A_849, %dma_wait3A_851] : memref<8x128xf32, #tpu.memory_space<vmem>> -> memref<1x128xf32, #tpu.memory_space<vmem>>
      %dma_wait3A_853 = tpu.memref_squeeze %dma_wait3A_852 : memref<1x128xf32, #tpu.memory_space<vmem>> -> memref<128xf32, #tpu.memory_space<vmem>>
      %dma_wait3A_854 = arith.constant 0 : i32
      %dma_wait3A_855 = tpu.memref_slice %arg16[%dma_wait3A_850, %dma_wait3A_854] : memref<8x128xi32, #tpu.memory_space<vmem>> -> memref<1x128xi32, #tpu.memory_space<vmem>>
      %dma_wait3A_856 = tpu.memref_squeeze %dma_wait3A_855 : memref<1x128xi32, #tpu.memory_space<vmem>> -> memref<128xi32, #tpu.memory_space<vmem>>
      %dma_wait3A_857 = arith.constant 0 : i32
      %dma_wait3A_858 = tpu.memref_slice %arg26[%dma_wait3A_857] : memref<43008xf32, #tpu.memory_space<vmem_shared>> -> memref<43008xf32, #tpu.memory_space<vmem_shared>>
      tpu.wait_indirect_dma semaphore(%arg29 : memref<!tpu.dma_semaphore, #tpu.memory_space<semaphore_mem>>) src(%dma_wait3A_853 : memref<128xf32, #tpu.memory_space<vmem>>) dst(%dma_wait3A_858 : memref<43008xf32, #tpu.memory_space<vmem_shared>>)
      %dma_wait3A_859 = arith.constant 6 : i32
      %dma_wait3A_860 = arith.constant 6 : i32
      %dma_wait3A_861 = arith.constant 0 : i32
      %dma_wait3A_862 = tpu.memref_slice %arg20[%dma_wait3A_859, %dma_wait3A_861] : memref<8x128xf32, #tpu.memory_space<vmem>> -> memref<1x128xf32, #tpu.memory_space<vmem>>
      %dma_wait3A_863 = tpu.memref_squeeze %dma_wait3A_862 : memref<1x128xf32, #tpu.memory_space<vmem>> -> memref<128xf32, #tpu.memory_space<vmem>>
      %dma_wait3A_864 = arith.constant 0 : i32
      %dma_wait3A_865 = tpu.memref_slice %arg16[%dma_wait3A_860, %dma_wait3A_864] : memref<8x128xi32, #tpu.memory_space<vmem>> -> memref<1x128xi32, #tpu.memory_space<vmem>>
      %dma_wait3A_866 = tpu.memref_squeeze %dma_wait3A_865 : memref<1x128xi32, #tpu.memory_space<vmem>> -> memref<128xi32, #tpu.memory_space<vmem>>
      %dma_wait3A_867 = arith.constant 0 : i32
      %dma_wait3A_868 = tpu.memref_slice %arg26[%dma_wait3A_867] : memref<43008xf32, #tpu.memory_space<vmem_shared>> -> memref<43008xf32, #tpu.memory_space<vmem_shared>>
      tpu.wait_indirect_dma semaphore(%arg29 : memref<!tpu.dma_semaphore, #tpu.memory_space<semaphore_mem>>) src(%dma_wait3A_863 : memref<128xf32, #tpu.memory_space<vmem>>) dst(%dma_wait3A_868 : memref<43008xf32, #tpu.memory_space<vmem_shared>>)
      %dma_wait3A_869 = arith.constant 7 : i32
      %dma_wait3A_870 = arith.constant 7 : i32
      %dma_wait3A_871 = arith.constant 0 : i32
      %dma_wait3A_872 = tpu.memref_slice %arg20[%dma_wait3A_869, %dma_wait3A_871] : memref<8x128xf32, #tpu.memory_space<vmem>> -> memref<1x128xf32, #tpu.memory_space<vmem>>
      %dma_wait3A_873 = tpu.memref_squeeze %dma_wait3A_872 : memref<1x128xf32, #tpu.memory_space<vmem>> -> memref<128xf32, #tpu.memory_space<vmem>>
      %dma_wait3A_874 = arith.constant 0 : i32
      %dma_wait3A_875 = tpu.memref_slice %arg16[%dma_wait3A_870, %dma_wait3A_874] : memref<8x128xi32, #tpu.memory_space<vmem>> -> memref<1x128xi32, #tpu.memory_space<vmem>>
      %dma_wait3A_876 = tpu.memref_squeeze %dma_wait3A_875 : memref<1x128xi32, #tpu.memory_space<vmem>> -> memref<128xi32, #tpu.memory_space<vmem>>
      %dma_wait3A_877 = arith.constant 0 : i32
      %dma_wait3A_878 = tpu.memref_slice %arg26[%dma_wait3A_877] : memref<43008xf32, #tpu.memory_space<vmem_shared>> -> memref<43008xf32, #tpu.memory_space<vmem_shared>>
      tpu.wait_indirect_dma semaphore(%arg29 : memref<!tpu.dma_semaphore, #tpu.memory_space<semaphore_mem>>) src(%dma_wait3A_873 : memref<128xf32, #tpu.memory_space<vmem>>) dst(%dma_wait3A_878 : memref<43008xf32, #tpu.memory_space<vmem_shared>>)
      %dma_wait3A_879 = arith.constant 0 : i32
      %dma_wait3A_880 = arith.constant 0 : i32
      %dma_wait3A_881 = arith.constant 0 : i32
      %dma_wait3A_882 = tpu.memref_slice %arg21[%dma_wait3A_879, %dma_wait3A_881] : memref<8x128xf32, #tpu.memory_space<vmem>> -> memref<1x128xf32, #tpu.memory_space<vmem>>
      %dma_wait3A_883 = tpu.memref_squeeze %dma_wait3A_882 : memref<1x128xf32, #tpu.memory_space<vmem>> -> memref<128xf32, #tpu.memory_space<vmem>>
      %dma_wait3A_884 = arith.constant 0 : i32
      %dma_wait3A_885 = tpu.memref_slice %arg16[%dma_wait3A_880, %dma_wait3A_884] : memref<8x128xi32, #tpu.memory_space<vmem>> -> memref<1x128xi32, #tpu.memory_space<vmem>>
      %dma_wait3A_886 = tpu.memref_squeeze %dma_wait3A_885 : memref<1x128xi32, #tpu.memory_space<vmem>> -> memref<128xi32, #tpu.memory_space<vmem>>
      %dma_wait3A_887 = arith.constant 0 : i32
      %dma_wait3A_888 = tpu.memref_slice %arg27[%dma_wait3A_887] : memref<43008xf32, #tpu.memory_space<vmem_shared>> -> memref<43008xf32, #tpu.memory_space<vmem_shared>>
      tpu.wait_indirect_dma semaphore(%arg29 : memref<!tpu.dma_semaphore, #tpu.memory_space<semaphore_mem>>) src(%dma_wait3A_883 : memref<128xf32, #tpu.memory_space<vmem>>) dst(%dma_wait3A_888 : memref<43008xf32, #tpu.memory_space<vmem_shared>>)
      %dma_wait3A_889 = arith.constant 1 : i32
      %dma_wait3A_890 = arith.constant 1 : i32
      %dma_wait3A_891 = arith.constant 0 : i32
      %dma_wait3A_892 = tpu.memref_slice %arg21[%dma_wait3A_889, %dma_wait3A_891] : memref<8x128xf32, #tpu.memory_space<vmem>> -> memref<1x128xf32, #tpu.memory_space<vmem>>
      %dma_wait3A_893 = tpu.memref_squeeze %dma_wait3A_892 : memref<1x128xf32, #tpu.memory_space<vmem>> -> memref<128xf32, #tpu.memory_space<vmem>>
      %dma_wait3A_894 = arith.constant 0 : i32
      %dma_wait3A_895 = tpu.memref_slice %arg16[%dma_wait3A_890, %dma_wait3A_894] : memref<8x128xi32, #tpu.memory_space<vmem>> -> memref<1x128xi32, #tpu.memory_space<vmem>>
      %dma_wait3A_896 = tpu.memref_squeeze %dma_wait3A_895 : memref<1x128xi32, #tpu.memory_space<vmem>> -> memref<128xi32, #tpu.memory_space<vmem>>
      %dma_wait3A_897 = arith.constant 0 : i32
      %dma_wait3A_898 = tpu.memref_slice %arg27[%dma_wait3A_897] : memref<43008xf32, #tpu.memory_space<vmem_shared>> -> memref<43008xf32, #tpu.memory_space<vmem_shared>>
      tpu.wait_indirect_dma semaphore(%arg29 : memref<!tpu.dma_semaphore, #tpu.memory_space<semaphore_mem>>) src(%dma_wait3A_893 : memref<128xf32, #tpu.memory_space<vmem>>) dst(%dma_wait3A_898 : memref<43008xf32, #tpu.memory_space<vmem_shared>>)
      %dma_wait3A_899 = arith.constant 2 : i32
      %dma_wait3A_900 = arith.constant 2 : i32
      %dma_wait3A_901 = arith.constant 0 : i32
      %dma_wait3A_902 = tpu.memref_slice %arg21[%dma_wait3A_899, %dma_wait3A_901] : memref<8x128xf32, #tpu.memory_space<vmem>> -> memref<1x128xf32, #tpu.memory_space<vmem>>
      %dma_wait3A_903 = tpu.memref_squeeze %dma_wait3A_902 : memref<1x128xf32, #tpu.memory_space<vmem>> -> memref<128xf32, #tpu.memory_space<vmem>>
      %dma_wait3A_904 = arith.constant 0 : i32
      %dma_wait3A_905 = tpu.memref_slice %arg16[%dma_wait3A_900, %dma_wait3A_904] : memref<8x128xi32, #tpu.memory_space<vmem>> -> memref<1x128xi32, #tpu.memory_space<vmem>>
      %dma_wait3A_906 = tpu.memref_squeeze %dma_wait3A_905 : memref<1x128xi32, #tpu.memory_space<vmem>> -> memref<128xi32, #tpu.memory_space<vmem>>
      %dma_wait3A_907 = arith.constant 0 : i32
      %dma_wait3A_908 = tpu.memref_slice %arg27[%dma_wait3A_907] : memref<43008xf32, #tpu.memory_space<vmem_shared>> -> memref<43008xf32, #tpu.memory_space<vmem_shared>>
      tpu.wait_indirect_dma semaphore(%arg29 : memref<!tpu.dma_semaphore, #tpu.memory_space<semaphore_mem>>) src(%dma_wait3A_903 : memref<128xf32, #tpu.memory_space<vmem>>) dst(%dma_wait3A_908 : memref<43008xf32, #tpu.memory_space<vmem_shared>>)
      %dma_wait3A_909 = arith.constant 3 : i32
      %dma_wait3A_910 = arith.constant 3 : i32
      %dma_wait3A_911 = arith.constant 0 : i32
      %dma_wait3A_912 = tpu.memref_slice %arg21[%dma_wait3A_909, %dma_wait3A_911] : memref<8x128xf32, #tpu.memory_space<vmem>> -> memref<1x128xf32, #tpu.memory_space<vmem>>
      %dma_wait3A_913 = tpu.memref_squeeze %dma_wait3A_912 : memref<1x128xf32, #tpu.memory_space<vmem>> -> memref<128xf32, #tpu.memory_space<vmem>>
      %dma_wait3A_914 = arith.constant 0 : i32
      %dma_wait3A_915 = tpu.memref_slice %arg16[%dma_wait3A_910, %dma_wait3A_914] : memref<8x128xi32, #tpu.memory_space<vmem>> -> memref<1x128xi32, #tpu.memory_space<vmem>>
      %dma_wait3A_916 = tpu.memref_squeeze %dma_wait3A_915 : memref<1x128xi32, #tpu.memory_space<vmem>> -> memref<128xi32, #tpu.memory_space<vmem>>
      %dma_wait3A_917 = arith.constant 0 : i32
      %dma_wait3A_918 = tpu.memref_slice %arg27[%dma_wait3A_917] : memref<43008xf32, #tpu.memory_space<vmem_shared>> -> memref<43008xf32, #tpu.memory_space<vmem_shared>>
      tpu.wait_indirect_dma semaphore(%arg29 : memref<!tpu.dma_semaphore, #tpu.memory_space<semaphore_mem>>) src(%dma_wait3A_913 : memref<128xf32, #tpu.memory_space<vmem>>) dst(%dma_wait3A_918 : memref<43008xf32, #tpu.memory_space<vmem_shared>>)
      %dma_wait3A_919 = arith.constant 4 : i32
      %dma_wait3A_920 = arith.constant 4 : i32
      %dma_wait3A_921 = arith.constant 0 : i32
      %dma_wait3A_922 = tpu.memref_slice %arg21[%dma_wait3A_919, %dma_wait3A_921] : memref<8x128xf32, #tpu.memory_space<vmem>> -> memref<1x128xf32, #tpu.memory_space<vmem>>
      %dma_wait3A_923 = tpu.memref_squeeze %dma_wait3A_922 : memref<1x128xf32, #tpu.memory_space<vmem>> -> memref<128xf32, #tpu.memory_space<vmem>>
      %dma_wait3A_924 = arith.constant 0 : i32
      %dma_wait3A_925 = tpu.memref_slice %arg16[%dma_wait3A_920, %dma_wait3A_924] : memref<8x128xi32, #tpu.memory_space<vmem>> -> memref<1x128xi32, #tpu.memory_space<vmem>>
      %dma_wait3A_926 = tpu.memref_squeeze %dma_wait3A_925 : memref<1x128xi32, #tpu.memory_space<vmem>> -> memref<128xi32, #tpu.memory_space<vmem>>
      %dma_wait3A_927 = arith.constant 0 : i32
      %dma_wait3A_928 = tpu.memref_slice %arg27[%dma_wait3A_927] : memref<43008xf32, #tpu.memory_space<vmem_shared>> -> memref<43008xf32, #tpu.memory_space<vmem_shared>>
      tpu.wait_indirect_dma semaphore(%arg29 : memref<!tpu.dma_semaphore, #tpu.memory_space<semaphore_mem>>) src(%dma_wait3A_923 : memref<128xf32, #tpu.memory_space<vmem>>) dst(%dma_wait3A_928 : memref<43008xf32, #tpu.memory_space<vmem_shared>>)
      %dma_wait3A_929 = arith.constant 5 : i32
      %dma_wait3A_930 = arith.constant 5 : i32
      %dma_wait3A_931 = arith.constant 0 : i32
      %dma_wait3A_932 = tpu.memref_slice %arg21[%dma_wait3A_929, %dma_wait3A_931] : memref<8x128xf32, #tpu.memory_space<vmem>> -> memref<1x128xf32, #tpu.memory_space<vmem>>
      %dma_wait3A_933 = tpu.memref_squeeze %dma_wait3A_932 : memref<1x128xf32, #tpu.memory_space<vmem>> -> memref<128xf32, #tpu.memory_space<vmem>>
      %dma_wait3A_934 = arith.constant 0 : i32
      %dma_wait3A_935 = tpu.memref_slice %arg16[%dma_wait3A_930, %dma_wait3A_934] : memref<8x128xi32, #tpu.memory_space<vmem>> -> memref<1x128xi32, #tpu.memory_space<vmem>>
      %dma_wait3A_936 = tpu.memref_squeeze %dma_wait3A_935 : memref<1x128xi32, #tpu.memory_space<vmem>> -> memref<128xi32, #tpu.memory_space<vmem>>
      %dma_wait3A_937 = arith.constant 0 : i32
      %dma_wait3A_938 = tpu.memref_slice %arg27[%dma_wait3A_937] : memref<43008xf32, #tpu.memory_space<vmem_shared>> -> memref<43008xf32, #tpu.memory_space<vmem_shared>>
      tpu.wait_indirect_dma semaphore(%arg29 : memref<!tpu.dma_semaphore, #tpu.memory_space<semaphore_mem>>) src(%dma_wait3A_933 : memref<128xf32, #tpu.memory_space<vmem>>) dst(%dma_wait3A_938 : memref<43008xf32, #tpu.memory_space<vmem_shared>>)
      %dma_wait3A_939 = arith.constant 6 : i32
      %dma_wait3A_940 = arith.constant 6 : i32
      %dma_wait3A_941 = arith.constant 0 : i32
      %dma_wait3A_942 = tpu.memref_slice %arg21[%dma_wait3A_939, %dma_wait3A_941] : memref<8x128xf32, #tpu.memory_space<vmem>> -> memref<1x128xf32, #tpu.memory_space<vmem>>
      %dma_wait3A_943 = tpu.memref_squeeze %dma_wait3A_942 : memref<1x128xf32, #tpu.memory_space<vmem>> -> memref<128xf32, #tpu.memory_space<vmem>>
      %dma_wait3A_944 = arith.constant 0 : i32
      %dma_wait3A_945 = tpu.memref_slice %arg16[%dma_wait3A_940, %dma_wait3A_944] : memref<8x128xi32, #tpu.memory_space<vmem>> -> memref<1x128xi32, #tpu.memory_space<vmem>>
      %dma_wait3A_946 = tpu.memref_squeeze %dma_wait3A_945 : memref<1x128xi32, #tpu.memory_space<vmem>> -> memref<128xi32, #tpu.memory_space<vmem>>
      %dma_wait3A_947 = arith.constant 0 : i32
      %dma_wait3A_948 = tpu.memref_slice %arg27[%dma_wait3A_947] : memref<43008xf32, #tpu.memory_space<vmem_shared>> -> memref<43008xf32, #tpu.memory_space<vmem_shared>>
      tpu.wait_indirect_dma semaphore(%arg29 : memref<!tpu.dma_semaphore, #tpu.memory_space<semaphore_mem>>) src(%dma_wait3A_943 : memref<128xf32, #tpu.memory_space<vmem>>) dst(%dma_wait3A_948 : memref<43008xf32, #tpu.memory_space<vmem_shared>>)
      %dma_wait3A_949 = arith.constant 7 : i32
      %dma_wait3A_950 = arith.constant 7 : i32
      %dma_wait3A_951 = arith.constant 0 : i32
      %dma_wait3A_952 = tpu.memref_slice %arg21[%dma_wait3A_949, %dma_wait3A_951] : memref<8x128xf32, #tpu.memory_space<vmem>> -> memref<1x128xf32, #tpu.memory_space<vmem>>
      %dma_wait3A_953 = tpu.memref_squeeze %dma_wait3A_952 : memref<1x128xf32, #tpu.memory_space<vmem>> -> memref<128xf32, #tpu.memory_space<vmem>>
      %dma_wait3A_954 = arith.constant 0 : i32
      %dma_wait3A_955 = tpu.memref_slice %arg16[%dma_wait3A_950, %dma_wait3A_954] : memref<8x128xi32, #tpu.memory_space<vmem>> -> memref<1x128xi32, #tpu.memory_space<vmem>>
      %dma_wait3A_956 = tpu.memref_squeeze %dma_wait3A_955 : memref<1x128xi32, #tpu.memory_space<vmem>> -> memref<128xi32, #tpu.memory_space<vmem>>
      %dma_wait3A_957 = arith.constant 0 : i32
      %dma_wait3A_958 = tpu.memref_slice %arg27[%dma_wait3A_957] : memref<43008xf32, #tpu.memory_space<vmem_shared>> -> memref<43008xf32, #tpu.memory_space<vmem_shared>>
      tpu.wait_indirect_dma semaphore(%arg29 : memref<!tpu.dma_semaphore, #tpu.memory_space<semaphore_mem>>) src(%dma_wait3A_953 : memref<128xf32, #tpu.memory_space<vmem>>) dst(%dma_wait3A_958 : memref<43008xf32, #tpu.memory_space<vmem_shared>>)
      %dma_wait3A_959 = arith.constant 0 : i32
      %dma_wait3A_960 = arith.constant 0 : i32
      %dma_wait3A_961 = arith.constant 0 : i32
      %dma_wait3A_962 = tpu.memref_slice %arg22[%dma_wait3A_959, %dma_wait3A_961] : memref<8x128xf32, #tpu.memory_space<vmem>> -> memref<1x128xf32, #tpu.memory_space<vmem>>
      %dma_wait3A_963 = tpu.memref_squeeze %dma_wait3A_962 : memref<1x128xf32, #tpu.memory_space<vmem>> -> memref<128xf32, #tpu.memory_space<vmem>>
      %dma_wait3A_964 = arith.constant 0 : i32
      %dma_wait3A_965 = tpu.memref_slice %arg16[%dma_wait3A_960, %dma_wait3A_964] : memref<8x128xi32, #tpu.memory_space<vmem>> -> memref<1x128xi32, #tpu.memory_space<vmem>>
      %dma_wait3A_966 = tpu.memref_squeeze %dma_wait3A_965 : memref<1x128xi32, #tpu.memory_space<vmem>> -> memref<128xi32, #tpu.memory_space<vmem>>
      %dma_wait3A_967 = arith.constant 0 : i32
      %dma_wait3A_968 = tpu.memref_slice %arg28[%dma_wait3A_967] : memref<43008xf32, #tpu.memory_space<vmem_shared>> -> memref<43008xf32, #tpu.memory_space<vmem_shared>>
      tpu.wait_indirect_dma semaphore(%arg29 : memref<!tpu.dma_semaphore, #tpu.memory_space<semaphore_mem>>) src(%dma_wait3A_963 : memref<128xf32, #tpu.memory_space<vmem>>) dst(%dma_wait3A_968 : memref<43008xf32, #tpu.memory_space<vmem_shared>>)
      %dma_wait3A_969 = arith.constant 1 : i32
      %dma_wait3A_970 = arith.constant 1 : i32
      %dma_wait3A_971 = arith.constant 0 : i32
      %dma_wait3A_972 = tpu.memref_slice %arg22[%dma_wait3A_969, %dma_wait3A_971] : memref<8x128xf32, #tpu.memory_space<vmem>> -> memref<1x128xf32, #tpu.memory_space<vmem>>
      %dma_wait3A_973 = tpu.memref_squeeze %dma_wait3A_972 : memref<1x128xf32, #tpu.memory_space<vmem>> -> memref<128xf32, #tpu.memory_space<vmem>>
      %dma_wait3A_974 = arith.constant 0 : i32
      %dma_wait3A_975 = tpu.memref_slice %arg16[%dma_wait3A_970, %dma_wait3A_974] : memref<8x128xi32, #tpu.memory_space<vmem>> -> memref<1x128xi32, #tpu.memory_space<vmem>>
      %dma_wait3A_976 = tpu.memref_squeeze %dma_wait3A_975 : memref<1x128xi32, #tpu.memory_space<vmem>> -> memref<128xi32, #tpu.memory_space<vmem>>
      %dma_wait3A_977 = arith.constant 0 : i32
      %dma_wait3A_978 = tpu.memref_slice %arg28[%dma_wait3A_977] : memref<43008xf32, #tpu.memory_space<vmem_shared>> -> memref<43008xf32, #tpu.memory_space<vmem_shared>>
      tpu.wait_indirect_dma semaphore(%arg29 : memref<!tpu.dma_semaphore, #tpu.memory_space<semaphore_mem>>) src(%dma_wait3A_973 : memref<128xf32, #tpu.memory_space<vmem>>) dst(%dma_wait3A_978 : memref<43008xf32, #tpu.memory_space<vmem_shared>>)
      %dma_wait3A_979 = arith.constant 2 : i32
      %dma_wait3A_980 = arith.constant 2 : i32
      %dma_wait3A_981 = arith.constant 0 : i32
      %dma_wait3A_982 = tpu.memref_slice %arg22[%dma_wait3A_979, %dma_wait3A_981] : memref<8x128xf32, #tpu.memory_space<vmem>> -> memref<1x128xf32, #tpu.memory_space<vmem>>
      %dma_wait3A_983 = tpu.memref_squeeze %dma_wait3A_982 : memref<1x128xf32, #tpu.memory_space<vmem>> -> memref<128xf32, #tpu.memory_space<vmem>>
      %dma_wait3A_984 = arith.constant 0 : i32
      %dma_wait3A_985 = tpu.memref_slice %arg16[%dma_wait3A_980, %dma_wait3A_984] : memref<8x128xi32, #tpu.memory_space<vmem>> -> memref<1x128xi32, #tpu.memory_space<vmem>>
      %dma_wait3A_986 = tpu.memref_squeeze %dma_wait3A_985 : memref<1x128xi32, #tpu.memory_space<vmem>> -> memref<128xi32, #tpu.memory_space<vmem>>
      %dma_wait3A_987 = arith.constant 0 : i32
      %dma_wait3A_988 = tpu.memref_slice %arg28[%dma_wait3A_987] : memref<43008xf32, #tpu.memory_space<vmem_shared>> -> memref<43008xf32, #tpu.memory_space<vmem_shared>>
      tpu.wait_indirect_dma semaphore(%arg29 : memref<!tpu.dma_semaphore, #tpu.memory_space<semaphore_mem>>) src(%dma_wait3A_983 : memref<128xf32, #tpu.memory_space<vmem>>) dst(%dma_wait3A_988 : memref<43008xf32, #tpu.memory_space<vmem_shared>>)
      %dma_wait3A_989 = arith.constant 3 : i32
      %dma_wait3A_990 = arith.constant 3 : i32
      %dma_wait3A_991 = arith.constant 0 : i32
      %dma_wait3A_992 = tpu.memref_slice %arg22[%dma_wait3A_989, %dma_wait3A_991] : memref<8x128xf32, #tpu.memory_space<vmem>> -> memref<1x128xf32, #tpu.memory_space<vmem>>
      %dma_wait3A_993 = tpu.memref_squeeze %dma_wait3A_992 : memref<1x128xf32, #tpu.memory_space<vmem>> -> memref<128xf32, #tpu.memory_space<vmem>>
      %dma_wait3A_994 = arith.constant 0 : i32
      %dma_wait3A_995 = tpu.memref_slice %arg16[%dma_wait3A_990, %dma_wait3A_994] : memref<8x128xi32, #tpu.memory_space<vmem>> -> memref<1x128xi32, #tpu.memory_space<vmem>>
      %dma_wait3A_996 = tpu.memref_squeeze %dma_wait3A_995 : memref<1x128xi32, #tpu.memory_space<vmem>> -> memref<128xi32, #tpu.memory_space<vmem>>
      %dma_wait3A_997 = arith.constant 0 : i32
      %dma_wait3A_998 = tpu.memref_slice %arg28[%dma_wait3A_997] : memref<43008xf32, #tpu.memory_space<vmem_shared>> -> memref<43008xf32, #tpu.memory_space<vmem_shared>>
      tpu.wait_indirect_dma semaphore(%arg29 : memref<!tpu.dma_semaphore, #tpu.memory_space<semaphore_mem>>) src(%dma_wait3A_993 : memref<128xf32, #tpu.memory_space<vmem>>) dst(%dma_wait3A_998 : memref<43008xf32, #tpu.memory_space<vmem_shared>>)
      %dma_wait3A_999 = arith.constant 4 : i32
      %dma_wait3A_1000 = arith.constant 4 : i32
      %dma_wait3A_1001 = arith.constant 0 : i32
      %dma_wait3A_1002 = tpu.memref_slice %arg22[%dma_wait3A_999, %dma_wait3A_1001] : memref<8x128xf32, #tpu.memory_space<vmem>> -> memref<1x128xf32, #tpu.memory_space<vmem>>
      %dma_wait3A_1003 = tpu.memref_squeeze %dma_wait3A_1002 : memref<1x128xf32, #tpu.memory_space<vmem>> -> memref<128xf32, #tpu.memory_space<vmem>>
      %dma_wait3A_1004 = arith.constant 0 : i32
      %dma_wait3A_1005 = tpu.memref_slice %arg16[%dma_wait3A_1000, %dma_wait3A_1004] : memref<8x128xi32, #tpu.memory_space<vmem>> -> memref<1x128xi32, #tpu.memory_space<vmem>>
      %dma_wait3A_1006 = tpu.memref_squeeze %dma_wait3A_1005 : memref<1x128xi32, #tpu.memory_space<vmem>> -> memref<128xi32, #tpu.memory_space<vmem>>
      %dma_wait3A_1007 = arith.constant 0 : i32
      %dma_wait3A_1008 = tpu.memref_slice %arg28[%dma_wait3A_1007] : memref<43008xf32, #tpu.memory_space<vmem_shared>> -> memref<43008xf32, #tpu.memory_space<vmem_shared>>
      tpu.wait_indirect_dma semaphore(%arg29 : memref<!tpu.dma_semaphore, #tpu.memory_space<semaphore_mem>>) src(%dma_wait3A_1003 : memref<128xf32, #tpu.memory_space<vmem>>) dst(%dma_wait3A_1008 : memref<43008xf32, #tpu.memory_space<vmem_shared>>)
      %dma_wait3A_1009 = arith.constant 5 : i32
      %dma_wait3A_1010 = arith.constant 5 : i32
      %dma_wait3A_1011 = arith.constant 0 : i32
      %dma_wait3A_1012 = tpu.memref_slice %arg22[%dma_wait3A_1009, %dma_wait3A_1011] : memref<8x128xf32, #tpu.memory_space<vmem>> -> memref<1x128xf32, #tpu.memory_space<vmem>>
      %dma_wait3A_1013 = tpu.memref_squeeze %dma_wait3A_1012 : memref<1x128xf32, #tpu.memory_space<vmem>> -> memref<128xf32, #tpu.memory_space<vmem>>
      %dma_wait3A_1014 = arith.constant 0 : i32
      %dma_wait3A_1015 = tpu.memref_slice %arg16[%dma_wait3A_1010, %dma_wait3A_1014] : memref<8x128xi32, #tpu.memory_space<vmem>> -> memref<1x128xi32, #tpu.memory_space<vmem>>
      %dma_wait3A_1016 = tpu.memref_squeeze %dma_wait3A_1015 : memref<1x128xi32, #tpu.memory_space<vmem>> -> memref<128xi32, #tpu.memory_space<vmem>>
      %dma_wait3A_1017 = arith.constant 0 : i32
      %dma_wait3A_1018 = tpu.memref_slice %arg28[%dma_wait3A_1017] : memref<43008xf32, #tpu.memory_space<vmem_shared>> -> memref<43008xf32, #tpu.memory_space<vmem_shared>>
      tpu.wait_indirect_dma semaphore(%arg29 : memref<!tpu.dma_semaphore, #tpu.memory_space<semaphore_mem>>) src(%dma_wait3A_1013 : memref<128xf32, #tpu.memory_space<vmem>>) dst(%dma_wait3A_1018 : memref<43008xf32, #tpu.memory_space<vmem_shared>>)
      %dma_wait3A_1019 = arith.constant 6 : i32
      %dma_wait3A_1020 = arith.constant 6 : i32
      %dma_wait3A_1021 = arith.constant 0 : i32
      %dma_wait3A_1022 = tpu.memref_slice %arg22[%dma_wait3A_1019, %dma_wait3A_1021] : memref<8x128xf32, #tpu.memory_space<vmem>> -> memref<1x128xf32, #tpu.memory_space<vmem>>
      %dma_wait3A_1023 = tpu.memref_squeeze %dma_wait3A_1022 : memref<1x128xf32, #tpu.memory_space<vmem>> -> memref<128xf32, #tpu.memory_space<vmem>>
      %dma_wait3A_1024 = arith.constant 0 : i32
      %dma_wait3A_1025 = tpu.memref_slice %arg16[%dma_wait3A_1020, %dma_wait3A_1024] : memref<8x128xi32, #tpu.memory_space<vmem>> -> memref<1x128xi32, #tpu.memory_space<vmem>>
      %dma_wait3A_1026 = tpu.memref_squeeze %dma_wait3A_1025 : memref<1x128xi32, #tpu.memory_space<vmem>> -> memref<128xi32, #tpu.memory_space<vmem>>
      %dma_wait3A_1027 = arith.constant 0 : i32
      %dma_wait3A_1028 = tpu.memref_slice %arg28[%dma_wait3A_1027] : memref<43008xf32, #tpu.memory_space<vmem_shared>> -> memref<43008xf32, #tpu.memory_space<vmem_shared>>
      tpu.wait_indirect_dma semaphore(%arg29 : memref<!tpu.dma_semaphore, #tpu.memory_space<semaphore_mem>>) src(%dma_wait3A_1023 : memref<128xf32, #tpu.memory_space<vmem>>) dst(%dma_wait3A_1028 : memref<43008xf32, #tpu.memory_space<vmem_shared>>)
      %dma_wait3A_1029 = arith.constant 7 : i32
      %dma_wait3A_1030 = arith.constant 7 : i32
      %dma_wait3A_1031 = arith.constant 0 : i32
      %dma_wait3A_1032 = tpu.memref_slice %arg22[%dma_wait3A_1029, %dma_wait3A_1031] : memref<8x128xf32, #tpu.memory_space<vmem>> -> memref<1x128xf32, #tpu.memory_space<vmem>>
      %dma_wait3A_1033 = tpu.memref_squeeze %dma_wait3A_1032 : memref<1x128xf32, #tpu.memory_space<vmem>> -> memref<128xf32, #tpu.memory_space<vmem>>
      %dma_wait3A_1034 = arith.constant 0 : i32
      %dma_wait3A_1035 = tpu.memref_slice %arg16[%dma_wait3A_1030, %dma_wait3A_1034] : memref<8x128xi32, #tpu.memory_space<vmem>> -> memref<1x128xi32, #tpu.memory_space<vmem>>
      %dma_wait3A_1036 = tpu.memref_squeeze %dma_wait3A_1035 : memref<1x128xi32, #tpu.memory_space<vmem>> -> memref<128xi32, #tpu.memory_space<vmem>>
      %dma_wait3A_1037 = arith.constant 0 : i32
      %dma_wait3A_1038 = tpu.memref_slice %arg28[%dma_wait3A_1037] : memref<43008xf32, #tpu.memory_space<vmem_shared>> -> memref<43008xf32, #tpu.memory_space<vmem_shared>>
      tpu.wait_indirect_dma semaphore(%arg29 : memref<!tpu.dma_semaphore, #tpu.memory_space<semaphore_mem>>) src(%dma_wait3A_1033 : memref<128xf32, #tpu.memory_space<vmem>>) dst(%dma_wait3A_1038 : memref<43008xf32, #tpu.memory_space<vmem_shared>>)
    } else {
    }
    %barrier3A_36 = arith.constant 0 : index
    tpu.barrier barrier_id(%barrier3A_36)
    %mul3A_37 = arith.constant 384 : i32
    %mul3A_38 = arith.muli %arg1, %mul3A_37 : i32
    %mul3A_39 = arith.constant 6144 : i32
    %mul3A_40 = arith.muli %arg0, %mul3A_39 : i32
    %mul3A_41 = arith.constant 384 : i32
    %mul3A_42 = arith.muli %arg1, %mul3A_41 : i32
    %add3A_43 = arith.addi %mul3A_40, %mul3A_42 : i32
    "tpu.region"() ({
      %run_scoped3A = tpu.sem_alloc : memref<!tpu.dma_semaphore, #tpu.memory_space<semaphore_mem>>
      %dma_start3A = tpu.memref_slice %arg10[%add3A_43] : memref<12288xf32, #tpu.memory_space<hbm>> -> memref<384xf32, #tpu.memory_space<hbm>>
      %dma_start3A_79 = tpu.memref_slice %arg23[%mul3A_38] : memref<43008xf32, #tpu.memory_space<vmem_shared>> -> memref<384xf32, #tpu.memory_space<vmem_shared>>
      tpu.enqueue_dma source(%dma_start3A_79 : memref<384xf32, #tpu.memory_space<vmem_shared>>) target(%dma_start3A : memref<384xf32, #tpu.memory_space<hbm>>) target_semaphore(%run_scoped3A : memref<!tpu.dma_semaphore, #tpu.memory_space<semaphore_mem>>)
      %dma_wait3A = tpu.memref_slice %arg10[%add3A_43] : memref<12288xf32, #tpu.memory_space<hbm>> -> memref<384xf32, #tpu.memory_space<hbm>>
      %dma_wait3A_80 = tpu.memref_slice %arg23[%mul3A_38] : memref<43008xf32, #tpu.memory_space<vmem_shared>> -> memref<384xf32, #tpu.memory_space<vmem_shared>>
      tpu.wait_dma2 semaphore(%run_scoped3A : memref<!tpu.dma_semaphore, #tpu.memory_space<semaphore_mem>>) src(%dma_wait3A_80 : memref<384xf32, #tpu.memory_space<vmem_shared>>) dst(%dma_wait3A : memref<384xf32, #tpu.memory_space<hbm>>)
      tpu.yield
    }) : () -> ()
    %mul3A_44 = arith.constant 384 : i32
    %mul3A_45 = arith.muli %arg1, %mul3A_44 : i32
    %mul3A_46 = arith.constant 6144 : i32
    %mul3A_47 = arith.muli %arg0, %mul3A_46 : i32
    %mul3A_48 = arith.constant 384 : i32
    %mul3A_49 = arith.muli %arg1, %mul3A_48 : i32
    %add3A_50 = arith.addi %mul3A_47, %mul3A_49 : i32
    "tpu.region"() ({
      %run_scoped3A = tpu.sem_alloc : memref<!tpu.dma_semaphore, #tpu.memory_space<semaphore_mem>>
      %dma_start3A = tpu.memref_slice %arg11[%add3A_50] : memref<12288xf32, #tpu.memory_space<hbm>> -> memref<384xf32, #tpu.memory_space<hbm>>
      %dma_start3A_79 = tpu.memref_slice %arg24[%mul3A_45] : memref<43008xf32, #tpu.memory_space<vmem_shared>> -> memref<384xf32, #tpu.memory_space<vmem_shared>>
      tpu.enqueue_dma source(%dma_start3A_79 : memref<384xf32, #tpu.memory_space<vmem_shared>>) target(%dma_start3A : memref<384xf32, #tpu.memory_space<hbm>>) target_semaphore(%run_scoped3A : memref<!tpu.dma_semaphore, #tpu.memory_space<semaphore_mem>>)
      %dma_wait3A = tpu.memref_slice %arg11[%add3A_50] : memref<12288xf32, #tpu.memory_space<hbm>> -> memref<384xf32, #tpu.memory_space<hbm>>
      %dma_wait3A_80 = tpu.memref_slice %arg24[%mul3A_45] : memref<43008xf32, #tpu.memory_space<vmem_shared>> -> memref<384xf32, #tpu.memory_space<vmem_shared>>
      tpu.wait_dma2 semaphore(%run_scoped3A : memref<!tpu.dma_semaphore, #tpu.memory_space<semaphore_mem>>) src(%dma_wait3A_80 : memref<384xf32, #tpu.memory_space<vmem_shared>>) dst(%dma_wait3A : memref<384xf32, #tpu.memory_space<hbm>>)
      tpu.yield
    }) : () -> ()
    %mul3A_51 = arith.constant 384 : i32
    %mul3A_52 = arith.muli %arg1, %mul3A_51 : i32
    %mul3A_53 = arith.constant 6144 : i32
    %mul3A_54 = arith.muli %arg0, %mul3A_53 : i32
    %mul3A_55 = arith.constant 384 : i32
    %mul3A_56 = arith.muli %arg1, %mul3A_55 : i32
    %add3A_57 = arith.addi %mul3A_54, %mul3A_56 : i32
    "tpu.region"() ({
      %run_scoped3A = tpu.sem_alloc : memref<!tpu.dma_semaphore, #tpu.memory_space<semaphore_mem>>
      %dma_start3A = tpu.memref_slice %arg12[%add3A_57] : memref<12288xf32, #tpu.memory_space<hbm>> -> memref<384xf32, #tpu.memory_space<hbm>>
      %dma_start3A_79 = tpu.memref_slice %arg25[%mul3A_52] : memref<43008xf32, #tpu.memory_space<vmem_shared>> -> memref<384xf32, #tpu.memory_space<vmem_shared>>
      tpu.enqueue_dma source(%dma_start3A_79 : memref<384xf32, #tpu.memory_space<vmem_shared>>) target(%dma_start3A : memref<384xf32, #tpu.memory_space<hbm>>) target_semaphore(%run_scoped3A : memref<!tpu.dma_semaphore, #tpu.memory_space<semaphore_mem>>)
      %dma_wait3A = tpu.memref_slice %arg12[%add3A_57] : memref<12288xf32, #tpu.memory_space<hbm>> -> memref<384xf32, #tpu.memory_space<hbm>>
      %dma_wait3A_80 = tpu.memref_slice %arg25[%mul3A_52] : memref<43008xf32, #tpu.memory_space<vmem_shared>> -> memref<384xf32, #tpu.memory_space<vmem_shared>>
      tpu.wait_dma2 semaphore(%run_scoped3A : memref<!tpu.dma_semaphore, #tpu.memory_space<semaphore_mem>>) src(%dma_wait3A_80 : memref<384xf32, #tpu.memory_space<vmem_shared>>) dst(%dma_wait3A : memref<384xf32, #tpu.memory_space<hbm>>)
      tpu.yield
    }) : () -> ()
    %mul3A_58 = arith.constant 384 : i32
    %mul3A_59 = arith.muli %arg1, %mul3A_58 : i32
    %mul3A_60 = arith.constant 6144 : i32
    %mul3A_61 = arith.muli %arg0, %mul3A_60 : i32
    %mul3A_62 = arith.constant 384 : i32
    %mul3A_63 = arith.muli %arg1, %mul3A_62 : i32
    %add3A_64 = arith.addi %mul3A_61, %mul3A_63 : i32
    "tpu.region"() ({
      %run_scoped3A = tpu.sem_alloc : memref<!tpu.dma_semaphore, #tpu.memory_space<semaphore_mem>>
      %dma_start3A = tpu.memref_slice %arg13[%add3A_64] : memref<12288xf32, #tpu.memory_space<hbm>> -> memref<384xf32, #tpu.memory_space<hbm>>
      %dma_start3A_79 = tpu.memref_slice %arg26[%mul3A_59] : memref<43008xf32, #tpu.memory_space<vmem_shared>> -> memref<384xf32, #tpu.memory_space<vmem_shared>>
      tpu.enqueue_dma source(%dma_start3A_79 : memref<384xf32, #tpu.memory_space<vmem_shared>>) target(%dma_start3A : memref<384xf32, #tpu.memory_space<hbm>>) target_semaphore(%run_scoped3A : memref<!tpu.dma_semaphore, #tpu.memory_space<semaphore_mem>>)
      %dma_wait3A = tpu.memref_slice %arg13[%add3A_64] : memref<12288xf32, #tpu.memory_space<hbm>> -> memref<384xf32, #tpu.memory_space<hbm>>
      %dma_wait3A_80 = tpu.memref_slice %arg26[%mul3A_59] : memref<43008xf32, #tpu.memory_space<vmem_shared>> -> memref<384xf32, #tpu.memory_space<vmem_shared>>
      tpu.wait_dma2 semaphore(%run_scoped3A : memref<!tpu.dma_semaphore, #tpu.memory_space<semaphore_mem>>) src(%dma_wait3A_80 : memref<384xf32, #tpu.memory_space<vmem_shared>>) dst(%dma_wait3A : memref<384xf32, #tpu.memory_space<hbm>>)
      tpu.yield
    }) : () -> ()
    %mul3A_65 = arith.constant 384 : i32
    %mul3A_66 = arith.muli %arg1, %mul3A_65 : i32
    %mul3A_67 = arith.constant 6144 : i32
    %mul3A_68 = arith.muli %arg0, %mul3A_67 : i32
    %mul3A_69 = arith.constant 384 : i32
    %mul3A_70 = arith.muli %arg1, %mul3A_69 : i32
    %add3A_71 = arith.addi %mul3A_68, %mul3A_70 : i32
    "tpu.region"() ({
      %run_scoped3A = tpu.sem_alloc : memref<!tpu.dma_semaphore, #tpu.memory_space<semaphore_mem>>
      %dma_start3A = tpu.memref_slice %arg14[%add3A_71] : memref<12288xf32, #tpu.memory_space<hbm>> -> memref<384xf32, #tpu.memory_space<hbm>>
      %dma_start3A_79 = tpu.memref_slice %arg27[%mul3A_66] : memref<43008xf32, #tpu.memory_space<vmem_shared>> -> memref<384xf32, #tpu.memory_space<vmem_shared>>
      tpu.enqueue_dma source(%dma_start3A_79 : memref<384xf32, #tpu.memory_space<vmem_shared>>) target(%dma_start3A : memref<384xf32, #tpu.memory_space<hbm>>) target_semaphore(%run_scoped3A : memref<!tpu.dma_semaphore, #tpu.memory_space<semaphore_mem>>)
      %dma_wait3A = tpu.memref_slice %arg14[%add3A_71] : memref<12288xf32, #tpu.memory_space<hbm>> -> memref<384xf32, #tpu.memory_space<hbm>>
      %dma_wait3A_80 = tpu.memref_slice %arg27[%mul3A_66] : memref<43008xf32, #tpu.memory_space<vmem_shared>> -> memref<384xf32, #tpu.memory_space<vmem_shared>>
      tpu.wait_dma2 semaphore(%run_scoped3A : memref<!tpu.dma_semaphore, #tpu.memory_space<semaphore_mem>>) src(%dma_wait3A_80 : memref<384xf32, #tpu.memory_space<vmem_shared>>) dst(%dma_wait3A : memref<384xf32, #tpu.memory_space<hbm>>)
      tpu.yield
    }) : () -> ()
    %mul3A_72 = arith.constant 384 : i32
    %mul3A_73 = arith.muli %arg1, %mul3A_72 : i32
    %mul3A_74 = arith.constant 6144 : i32
    %mul3A_75 = arith.muli %arg0, %mul3A_74 : i32
    %mul3A_76 = arith.constant 384 : i32
    %mul3A_77 = arith.muli %arg1, %mul3A_76 : i32
    %add3A_78 = arith.addi %mul3A_75, %mul3A_77 : i32
    "tpu.region"() ({
      %run_scoped3A = tpu.sem_alloc : memref<!tpu.dma_semaphore, #tpu.memory_space<semaphore_mem>>
      %dma_start3A = tpu.memref_slice %arg15[%add3A_78] : memref<12288xf32, #tpu.memory_space<hbm>> -> memref<384xf32, #tpu.memory_space<hbm>>
      %dma_start3A_79 = tpu.memref_slice %arg28[%mul3A_73] : memref<43008xf32, #tpu.memory_space<vmem_shared>> -> memref<384xf32, #tpu.memory_space<vmem_shared>>
      tpu.enqueue_dma source(%dma_start3A_79 : memref<384xf32, #tpu.memory_space<vmem_shared>>) target(%dma_start3A : memref<384xf32, #tpu.memory_space<hbm>>) target_semaphore(%run_scoped3A : memref<!tpu.dma_semaphore, #tpu.memory_space<semaphore_mem>>)
      %dma_wait3A = tpu.memref_slice %arg15[%add3A_78] : memref<12288xf32, #tpu.memory_space<hbm>> -> memref<384xf32, #tpu.memory_space<hbm>>
      %dma_wait3A_80 = tpu.memref_slice %arg28[%mul3A_73] : memref<43008xf32, #tpu.memory_space<vmem_shared>> -> memref<384xf32, #tpu.memory_space<vmem_shared>>
      tpu.wait_dma2 semaphore(%run_scoped3A : memref<!tpu.dma_semaphore, #tpu.memory_space<semaphore_mem>>) src(%dma_wait3A_80 : memref<384xf32, #tpu.memory_space<vmem_shared>>) dst(%dma_wait3A : memref<384xf32, #tpu.memory_space<hbm>>)
      tpu.yield
    }) : () -> ()
    return
  }
}

module attributes {stable_mosaic.version = 14 : i64} {
  func.func @_decode_body(%arg0: memref<288x128xf32, #tpu.memory_space<vmem>>, %arg1: memref<288x128xf32, #tpu.memory_space<vmem>>, %arg2: memref<288x128xf32, #tpu.memory_space<vmem>>, %arg3: memref<288x128xf32, #tpu.memory_space<vmem>>, %arg4: memref<288x128xf32, #tpu.memory_space<vmem>>, %arg5: memref<288x128xf32, #tpu.memory_space<vmem>>, %arg6: memref<288x128xf32, #tpu.memory_space<vmem>>, %arg7: memref<288x128xf32, #tpu.memory_space<vmem>>, %arg8: memref<288x128xf32, #tpu.memory_space<vmem>>, %arg9: memref<1x3xf32, #tpu.memory_space<smem>>, %arg10: memref<128x8xf32, #tpu.memory_space<vmem>>, %arg11: memref<8x8xf32, #tpu.memory_space<vmem>>, %arg12: memref<8x1xf32, #tpu.memory_space<vmem>>, %arg13: memref<288x288xf32, #tpu.memory_space<vmem>>, %arg14: memref<8x128xf32, #tpu.memory_space<vmem>>, %arg15: memref<128x128xf32, #tpu.memory_space<vmem>>, %arg16: memref<288x128xf32, #tpu.memory_space<vmem>>, %arg17: memref<288x128xf32, #tpu.memory_space<vmem>>, %arg18: memref<288x128xf32, #tpu.memory_space<vmem>>, %arg19: memref<288x128xf32, #tpu.memory_space<vmem>>, %arg20: memref<288x128xf32, #tpu.memory_space<vmem>>, %arg21: memref<288x128xf32, #tpu.memory_space<vmem>>, %arg22: memref<288x128xi32, #tpu.memory_space<vmem>>) attributes {dimension_semantics = [], scalar_prefetch = 0 : i64, scratch_operands = 0 : i64, tpu.core_type = #tpu.core_type<tc>} {
    %get3A = arith.constant 0 : index
    %get3A_0 = arith.constant 0 : index
    %get3A_1 = memref.load %arg9[%get3A, %get3A_0] : memref<1x3xf32, #tpu.memory_space<smem>>
    %get3A_2 = arith.constant 0 : index
    %get3A_3 = arith.constant 1 : index
    %get3A_4 = memref.load %arg9[%get3A_2, %get3A_3] : memref<1x3xf32, #tpu.memory_space<smem>>
    %get3A_5 = arith.constant 0 : index
    %get3A_6 = arith.constant 2 : index
    %get3A_7 = memref.load %arg9[%get3A_5, %get3A_6] : memref<1x3xf32, #tpu.memory_space<smem>>
    %get3A_8 = arith.constant 0 : index
    %get3A_9 = arith.constant 0 : index
    %get3A_10 = vector.load %arg5[%get3A_8, %get3A_9] : memref<288x128xf32, #tpu.memory_space<vmem>>, vector<288x128xf32>
    %get3A_11 = arith.constant 0 : index
    %get3A_12 = arith.constant 0 : index
    %get3A_13 = vector.load %arg6[%get3A_11, %get3A_12] : memref<288x128xf32, #tpu.memory_space<vmem>>, vector<288x128xf32>
    %get3A_14 = arith.constant 0 : index
    %get3A_15 = arith.constant 0 : index
    %get3A_16 = vector.load %arg3[%get3A_14, %get3A_15] : memref<288x128xf32, #tpu.memory_space<vmem>>, vector<288x128xf32>
    %jit3A = arith.constant -1.000000e+01 : f32
    %jit3A_17 = arith.constant 1.000000e+01 : f32
    %max3A = vector.broadcast %jit3A : f32 to vector<288x128xf32>
    %max3A_18 = arith.maximumf %max3A, %get3A_16 : vector<288x128xf32>
    %min3A = vector.broadcast %jit3A_17 : f32 to vector<288x128xf32>
    %min3A_19 = arith.minimumf %min3A, %max3A_18 : vector<288x128xf32>
    %get3A_20 = arith.constant 0 : index
    %get3A_21 = arith.constant 0 : index
    %get3A_22 = vector.load %arg4[%get3A_20, %get3A_21] : memref<288x128xf32, #tpu.memory_space<vmem>>, vector<288x128xf32>
    %jit3A_23 = arith.constant -1.000000e+01 : f32
    %jit3A_24 = arith.constant 1.000000e+01 : f32
    %max3A_25 = vector.broadcast %jit3A_23 : f32 to vector<288x128xf32>
    %max3A_26 = arith.maximumf %max3A_25, %get3A_22 : vector<288x128xf32>
    %min3A_27 = vector.broadcast %jit3A_24 : f32 to vector<288x128xf32>
    %min3A_28 = arith.minimumf %min3A_27, %max3A_26 : vector<288x128xf32>
    %get3A_29 = arith.constant 0 : index
    %get3A_30 = arith.constant 0 : index
    %get3A_31 = vector.load %arg1[%get3A_29, %get3A_30] : memref<288x128xf32, #tpu.memory_space<vmem>>, vector<288x128xf32>
    %mul3A = arith.mulf %get3A_31, %get3A_10 : vector<288x128xf32>
    %get3A_32 = arith.constant 0 : index
    %get3A_33 = arith.constant 0 : index
    %get3A_34 = vector.load %arg7[%get3A_32, %get3A_33] : memref<288x128xf32, #tpu.memory_space<vmem>>, vector<288x128xf32>
    %add3A = arith.addf %mul3A, %get3A_34 : vector<288x128xf32>
    %get3A_35 = arith.constant 0 : index
    %get3A_36 = arith.constant 0 : index
    %get3A_37 = vector.load %arg2[%get3A_35, %get3A_36] : memref<288x128xf32, #tpu.memory_space<vmem>>, vector<288x128xf32>
    %mul3A_38 = arith.mulf %get3A_37, %get3A_13 : vector<288x128xf32>
    %get3A_39 = arith.constant 0 : index
    %get3A_40 = arith.constant 0 : index
    %get3A_41 = vector.load %arg8[%get3A_39, %get3A_40] : memref<288x128xf32, #tpu.memory_space<vmem>>, vector<288x128xf32>
    %add3A_42 = arith.addf %mul3A_38, %get3A_41 : vector<288x128xf32>
    %exp3A = math.exp %min3A_19 : vector<288x128xf32>
    %mul3A_43 = arith.mulf %exp3A, %get3A_10 : vector<288x128xf32>
    %exp3A_44 = math.exp %min3A_28 : vector<288x128xf32>
    %mul3A_45 = arith.mulf %exp3A_44, %get3A_13 : vector<288x128xf32>
    %mul3A_46 = arith.constant 5.000000e-01 : f32
    %mul3A_47 = vector.broadcast %mul3A_46 : f32 to vector<288x128xf32>
    %mul3A_48 = arith.mulf %mul3A_47, %mul3A_43 : vector<288x128xf32>
    %sub3A = arith.subf %add3A, %mul3A_48 : vector<288x128xf32>
    %sub3A_49 = arith.constant 1.000000e+00 : f32
    %sub3A_50 = arith.subf %get3A_4, %sub3A_49 : f32
    %jit3A_51 = arith.constant 0.000000e+00 : f32
    %max3A_52 = vector.broadcast %jit3A_51 : f32 to vector<288x128xf32>
    %max3A_53 = arith.maximumf %max3A_52, %sub3A : vector<288x128xf32>
    %min3A_54 = vector.broadcast %sub3A_50 : f32 to vector<288x128xf32>
    %min3A_55 = arith.minimumf %min3A_54, %max3A_53 : vector<288x128xf32>
    %mul3A_56 = arith.constant 5.000000e-01 : f32
    %mul3A_57 = vector.broadcast %mul3A_56 : f32 to vector<288x128xf32>
    %mul3A_58 = arith.mulf %mul3A_57, %mul3A_45 : vector<288x128xf32>
    %sub3A_59 = arith.subf %add3A_42, %mul3A_58 : vector<288x128xf32>
    %sub3A_60 = arith.constant 1.000000e+00 : f32
    %sub3A_61 = arith.subf %get3A_1, %sub3A_60 : f32
    %jit3A_62 = arith.constant 0.000000e+00 : f32
    %max3A_63 = vector.broadcast %jit3A_62 : f32 to vector<288x128xf32>
    %max3A_64 = arith.maximumf %max3A_63, %sub3A_59 : vector<288x128xf32>
    %min3A_65 = vector.broadcast %sub3A_61 : f32 to vector<288x128xf32>
    %min3A_66 = arith.minimumf %min3A_65, %max3A_64 : vector<288x128xf32>
    %mul3A_67 = arith.constant 5.000000e-01 : f32
    %mul3A_68 = vector.broadcast %mul3A_67 : f32 to vector<288x128xf32>
    %mul3A_69 = arith.mulf %mul3A_68, %mul3A_43 : vector<288x128xf32>
    %add3A_70 = arith.addf %add3A, %mul3A_69 : vector<288x128xf32>
    %sub3A_71 = arith.constant 1.000000e+00 : f32
    %sub3A_72 = arith.subf %get3A_4, %sub3A_71 : f32
    %jit3A_73 = arith.constant 0.000000e+00 : f32
    %max3A_74 = vector.broadcast %jit3A_73 : f32 to vector<288x128xf32>
    %max3A_75 = arith.maximumf %max3A_74, %add3A_70 : vector<288x128xf32>
    %min3A_76 = vector.broadcast %sub3A_72 : f32 to vector<288x128xf32>
    %min3A_77 = arith.minimumf %min3A_76, %max3A_75 : vector<288x128xf32>
    %mul3A_78 = arith.constant 5.000000e-01 : f32
    %mul3A_79 = vector.broadcast %mul3A_78 : f32 to vector<288x128xf32>
    %mul3A_80 = arith.mulf %mul3A_79, %mul3A_45 : vector<288x128xf32>
    %add3A_81 = arith.addf %add3A_42, %mul3A_80 : vector<288x128xf32>
    %sub3A_82 = arith.constant 1.000000e+00 : f32
    %sub3A_83 = arith.subf %get3A_1, %sub3A_82 : f32
    %jit3A_84 = arith.constant 0.000000e+00 : f32
    %max3A_85 = vector.broadcast %jit3A_84 : f32 to vector<288x128xf32>
    %max3A_86 = arith.maximumf %max3A_85, %add3A_81 : vector<288x128xf32>
    %min3A_87 = vector.broadcast %sub3A_83 : f32 to vector<288x128xf32>
    %min3A_88 = arith.minimumf %min3A_87, %max3A_86 : vector<288x128xf32>
    %sub3A_89 = arith.subf %min3A_77, %min3A_55 : vector<288x128xf32>
    %add3A_90 = arith.constant 1.000000e+00 : f32
    %add3A_91 = vector.broadcast %add3A_90 : f32 to vector<288x128xf32>
    %add3A_92 = arith.addf %sub3A_89, %add3A_91 : vector<288x128xf32>
    %sub3A_93 = arith.subf %min3A_88, %min3A_66 : vector<288x128xf32>
    %add3A_94 = arith.constant 1.000000e+00 : f32
    %add3A_95 = vector.broadcast %add3A_94 : f32 to vector<288x128xf32>
    %add3A_96 = arith.addf %sub3A_93, %add3A_95 : vector<288x128xf32>
    %mul3A_97 = arith.constant 1.600000e+01 : f32
    %mul3A_98 = arith.mulf %mul3A_97, %get3A_7 : f32
    %ge3A = vector.broadcast %mul3A_98 : f32 to vector<288x128xf32>
    %ge3A_99 = arith.cmpf oge, %add3A_92, %ge3A : vector<288x128xf32>
    %ge3A_100 = vector.broadcast %mul3A_98 : f32 to vector<288x128xf32>
    %ge3A_101 = arith.cmpf oge, %add3A_96, %ge3A_100 : vector<288x128xf32>
    %and3A = arith.andi %ge3A_99, %ge3A_101 : vector<288x128xi1>
    %iota3A = tpu.iota {dimensions = array<i32: 0>} : vector<288x128xi32>
    %iota3A_102 = tpu.iota {dimensions = array<i32: 1>} : vector<288x128xi32>
    %mul3A_103 = arith.constant 128 : i32
    %mul3A_104 = vector.broadcast %mul3A_103 : i32 to vector<288x128xi32>
    %mul3A_105 = arith.muli %iota3A, %mul3A_104 : vector<288x128xi32>
    %add3A_106 = arith.addi %mul3A_105, %iota3A_102 : vector<288x128xi32>
    %lt3A = arith.constant 36000 : i32
    %lt3A_107 = vector.broadcast %lt3A : i32 to vector<288x128xi32>
    %lt3A_108 = arith.cmpi slt, %add3A_106, %lt3A_107 : vector<288x128xi32>
    %get3A_109 = arith.constant 0 : index
    %get3A_110 = arith.constant 0 : index
    %get3A_111 = vector.load %arg0[%get3A_109, %get3A_110] : memref<288x128xf32, #tpu.memory_space<vmem>>, vector<288x128xf32>
    %jit3A_112 = arith.constant -1.000000e+09 : f32
    %broadcast_in_dim3A = vector.broadcast %jit3A_112 : f32 to vector<288x128xf32>
    %select_n3A = arith.select %and3A, %get3A_111, %broadcast_in_dim3A : vector<288x128xi1>, vector<288x128xf32>
    %jit3A_113 = arith.constant 0xFF800000 : f32
    %broadcast_in_dim3A_114 = vector.broadcast %jit3A_113 : f32 to vector<288x128xf32>
    %select_n3A_115 = arith.select %lt3A_108, %select_n3A, %broadcast_in_dim3A_114 : vector<288x128xi1>, vector<288x128xf32>
    %bitcast_convert_type3A = tpu.bitcast %select_n3A_115 : vector<288x128xf32> -> vector<288x128xi32>
    %shift_right_arithmetic3A = arith.constant 31 : i32
    %shift_right_arithmetic3A_116 = vector.broadcast %shift_right_arithmetic3A : i32 to vector<288x128xi32>
    %shift_right_arithmetic3A_117 = arith.shrsi %bitcast_convert_type3A, %shift_right_arithmetic3A_116 : vector<288x128xi32>
    %and3A_118 = arith.constant 2147483647 : i32
    %and3A_119 = vector.broadcast %and3A_118 : i32 to vector<288x128xi32>
    %and3A_120 = arith.andi %shift_right_arithmetic3A_117, %and3A_119 : vector<288x128xi32>
    %xor3A = arith.xori %bitcast_convert_type3A, %and3A_120 : vector<288x128xi32>
    %bitcast_convert_type3A_121 = tpu.bitcast %xor3A : vector<288x128xi32> -> vector<288x128xi32>
    %xor3A_122 = arith.constant -2147483648 : i32
    %xor3A_123 = vector.broadcast %xor3A_122 : i32 to vector<288x128xi32>
    %xor3A_124 = arith.xori %bitcast_convert_type3A_121, %xor3A_123 : vector<288x128xi32>
    %scan3A = arith.constant 6.000000e+03 : f32
    %scan3A_125 = arith.constant 0 : i32
    %scan3A_126 = arith.constant 0 : i32
    %scan3A_127 = arith.constant 32 : i32
    %scan3A_128 = arith.addi %scan3A_126, %scan3A_127 : i32
    %scan3A_129 = arith.constant 1 : i32
    %scan3A_130 = scf.for %scan3A_225 = %scan3A_126 to %scan3A_128 step %scan3A_129 iter_args(%scan3A_226 = %scan3A_125) -> (i32)  : i32 {
      %sub3A_227 = arith.constant 31 : i32
      %sub3A_228 = arith.subi %sub3A_227, %scan3A_225 : i32
      %shift_left3A = arith.constant 1 : i32
      %shift_left3A_229 = arith.shli %shift_left3A, %sub3A_228 : i32
      %or3A_230 = arith.ori %scan3A_226, %shift_left3A_229 : i32
      %ge3A_231 = vector.broadcast %or3A_230 : i32 to vector<288x128xi32>
      %ge3A_232 = arith.cmpi uge, %xor3A_124, %ge3A_231 : vector<288x128xi32>
      %jit3A_233 = arith.constant 1.000000e+00 : f32
      %jit3A_234 = arith.constant 0.000000e+00 : f32
      %broadcast_in_dim3A_235 = vector.broadcast %jit3A_233 : f32 to vector<288x128xf32>
      %broadcast_in_dim3A_236 = vector.broadcast %jit3A_234 : f32 to vector<288x128xf32>
      %select_n3A_237 = arith.select %ge3A_232, %broadcast_in_dim3A_235, %broadcast_in_dim3A_236 : vector<288x128xi1>, vector<288x128xf32>
      %reduce_sum3A_238 = vector.shape_cast %select_n3A_237 : vector<288x128xf32> to vector<1x288x128xf32>
      %reduce_sum3A_239 = arith.constant dense<0.000000e+00> : vector<1xf32>
      %reduce_sum3A_240 = vector.multi_reduction <add>, %reduce_sum3A_238, %reduce_sum3A_239 [1, 2] : vector<1x288x128xf32> to vector<1xf32>
      %reduce_sum3A_241 = vector.shape_cast %reduce_sum3A_240 : vector<1xf32> to vector<1x1x1xf32>
      %reduce_sum3A_242 = vector.extract %reduce_sum3A_241[0, 0, 0] : f32 from vector<1x1x1xf32>
      %ge3A_243 = arith.cmpf oge, %reduce_sum3A_242, %scan3A : f32
      %select_n3A_244 = arith.select %ge3A_243, %or3A_230, %scan3A_226 : i32
      scf.yield %select_n3A_244 : i32
    }
    %scan3A_131 = arith.constant 32 : i32
    %gt3A = vector.broadcast %scan3A_130 : i32 to vector<288x128xi32>
    %gt3A_132 = arith.cmpi ugt, %xor3A_124, %gt3A : vector<288x128xi32>
    %jit3A_133 = arith.constant 1.000000e+00 : f32
    %jit3A_134 = arith.constant 0.000000e+00 : f32
    %broadcast_in_dim3A_135 = vector.broadcast %jit3A_133 : f32 to vector<288x128xf32>
    %broadcast_in_dim3A_136 = vector.broadcast %jit3A_134 : f32 to vector<288x128xf32>
    %select_n3A_137 = arith.select %gt3A_132, %broadcast_in_dim3A_135, %broadcast_in_dim3A_136 : vector<288x128xi1>, vector<288x128xf32>
    %reduce_sum3A = vector.shape_cast %select_n3A_137 : vector<288x128xf32> to vector<1x288x128xf32>
    %reduce_sum3A_138 = arith.constant dense<0.000000e+00> : vector<1xf32>
    %reduce_sum3A_139 = vector.multi_reduction <add>, %reduce_sum3A, %reduce_sum3A_138 [1, 2] : vector<1x288x128xf32> to vector<1xf32>
    %reduce_sum3A_140 = vector.shape_cast %reduce_sum3A_139 : vector<1xf32> to vector<1x1x1xf32>
    %reduce_sum3A_141 = vector.extract %reduce_sum3A_140[0, 0, 0] : f32 from vector<1x1x1xf32>
    %sub3A_142 = arith.constant 6.000000e+03 : f32
    %sub3A_143 = arith.subf %sub3A_142, %reduce_sum3A_141 : f32
    %eq3A = vector.broadcast %scan3A_130 : i32 to vector<288x128xi32>
    %eq3A_144 = arith.cmpi eq, %xor3A_124, %eq3A : vector<288x128xi32>
    %scan3A_145 = arith.constant 0 : i32
    %scan3A_146 = arith.constant 0 : i32
    %scan3A_147 = arith.constant 17 : i32
    %scan3A_148 = arith.addi %scan3A_146, %scan3A_147 : i32
    %scan3A_149 = arith.constant 1 : i32
    %scan3A_150 = scf.for %scan3A_225 = %scan3A_146 to %scan3A_148 step %scan3A_149 iter_args(%scan3A_226 = %scan3A_145) -> (i32)  : i32 {
      %sub3A_227 = arith.constant 16 : i32
      %sub3A_228 = arith.subi %sub3A_227, %scan3A_225 : i32
      %shift_left3A = arith.constant 1 : i32
      %shift_left3A_229 = arith.shli %shift_left3A, %sub3A_228 : i32
      %or3A_230 = arith.ori %scan3A_226, %shift_left3A_229 : i32
      %lt3A_231 = vector.broadcast %or3A_230 : i32 to vector<288x128xi32>
      %lt3A_232 = arith.cmpi slt, %add3A_106, %lt3A_231 : vector<288x128xi32>
      %and3A_233 = arith.andi %eq3A_144, %lt3A_232 : vector<288x128xi1>
      %jit3A_234 = arith.constant 1.000000e+00 : f32
      %jit3A_235 = arith.constant 0.000000e+00 : f32
      %broadcast_in_dim3A_236 = vector.broadcast %jit3A_234 : f32 to vector<288x128xf32>
      %broadcast_in_dim3A_237 = vector.broadcast %jit3A_235 : f32 to vector<288x128xf32>
      %select_n3A_238 = arith.select %and3A_233, %broadcast_in_dim3A_236, %broadcast_in_dim3A_237 : vector<288x128xi1>, vector<288x128xf32>
      %reduce_sum3A_239 = vector.shape_cast %select_n3A_238 : vector<288x128xf32> to vector<1x288x128xf32>
      %reduce_sum3A_240 = arith.constant dense<0.000000e+00> : vector<1xf32>
      %reduce_sum3A_241 = vector.multi_reduction <add>, %reduce_sum3A_239, %reduce_sum3A_240 [1, 2] : vector<1x288x128xf32> to vector<1xf32>
      %reduce_sum3A_242 = vector.shape_cast %reduce_sum3A_241 : vector<1xf32> to vector<1x1x1xf32>
      %reduce_sum3A_243 = vector.extract %reduce_sum3A_242[0, 0, 0] : f32 from vector<1x1x1xf32>
      %lt3A_244 = arith.cmpf olt, %reduce_sum3A_243, %sub3A_143 : f32
      %select_n3A_245 = arith.select %lt3A_244, %or3A_230, %scan3A_226 : i32
      scf.yield %select_n3A_245 : i32
    }
    %scan3A_151 = arith.constant 17 : i32
    %gt3A_152 = vector.broadcast %scan3A_130 : i32 to vector<288x128xi32>
    %gt3A_153 = arith.cmpi ugt, %xor3A_124, %gt3A_152 : vector<288x128xi32>
    %le3A = vector.broadcast %scan3A_150 : i32 to vector<288x128xi32>
    %le3A_154 = arith.cmpi sle, %add3A_106, %le3A : vector<288x128xi32>
    %and3A_155 = arith.andi %eq3A_144, %le3A_154 : vector<288x128xi1>
    %ge3A_156 = arith.constant 1.000000e+00 : f32
    %ge3A_157 = arith.cmpf oge, %sub3A_143, %ge3A_156 : f32
    %and3A_158 = vector.broadcast %ge3A_157 : i1 to vector<288x128xi1>
    %and3A_159 = arith.andi %and3A_155, %and3A_158 : vector<288x128xi1>
    %or3A = arith.ori %gt3A_153, %and3A_159 : vector<288x128xi1>
    %swap3A = arith.constant 0 : index
    %swap3A_160 = arith.constant 0 : index
    %swap3A_161 = vector.load %arg16[%swap3A, %swap3A_160] : memref<288x128xf32, #tpu.memory_space<vmem>>, vector<288x128xf32>
    tpu.vector_store %arg16[%swap3A, %swap3A_160], %min3A_55 {strides = array<i32>} : memref<288x128xf32, #tpu.memory_space<vmem>>, vector<288x128xf32>,
    %swap3A_162 = arith.constant 0 : index
    %swap3A_163 = arith.constant 0 : index
    %swap3A_164 = vector.load %arg17[%swap3A_162, %swap3A_163] : memref<288x128xf32, #tpu.memory_space<vmem>>, vector<288x128xf32>
    tpu.vector_store %arg17[%swap3A_162, %swap3A_163], %min3A_66 {strides = array<i32>} : memref<288x128xf32, #tpu.memory_space<vmem>>, vector<288x128xf32>,
    %swap3A_165 = arith.constant 0 : index
    %swap3A_166 = arith.constant 0 : index
    %swap3A_167 = vector.load %arg18[%swap3A_165, %swap3A_166] : memref<288x128xf32, #tpu.memory_space<vmem>>, vector<288x128xf32>
    tpu.vector_store %arg18[%swap3A_165, %swap3A_166], %min3A_77 {strides = array<i32>} : memref<288x128xf32, #tpu.memory_space<vmem>>, vector<288x128xf32>,
    %swap3A_168 = arith.constant 0 : index
    %swap3A_169 = arith.constant 0 : index
    %swap3A_170 = vector.load %arg19[%swap3A_168, %swap3A_169] : memref<288x128xf32, #tpu.memory_space<vmem>>, vector<288x128xf32>
    tpu.vector_store %arg19[%swap3A_168, %swap3A_169], %min3A_88 {strides = array<i32>} : memref<288x128xf32, #tpu.memory_space<vmem>>, vector<288x128xf32>,
    %mul3A_171 = arith.mulf %add3A_92, %add3A_96 : vector<288x128xf32>
    %swap3A_172 = arith.constant 0 : index
    %swap3A_173 = arith.constant 0 : index
    %swap3A_174 = vector.load %arg20[%swap3A_172, %swap3A_173] : memref<288x128xf32, #tpu.memory_space<vmem>>, vector<288x128xf32>
    tpu.vector_store %arg20[%swap3A_172, %swap3A_173], %mul3A_171 {strides = array<i32>} : memref<288x128xf32, #tpu.memory_space<vmem>>, vector<288x128xf32>,
    %jit3A_175 = arith.constant 0xFF800000 : f32
    %broadcast_in_dim3A_176 = vector.broadcast %jit3A_175 : f32 to vector<288x128xf32>
    %select_n3A_177 = arith.select %or3A, %select_n3A_115, %broadcast_in_dim3A_176 : vector<288x128xi1>, vector<288x128xf32>
    %swap3A_178 = arith.constant 0 : index
    %swap3A_179 = arith.constant 0 : index
    %swap3A_180 = vector.load %arg21[%swap3A_178, %swap3A_179] : memref<288x128xf32, #tpu.memory_space<vmem>>, vector<288x128xf32>
    tpu.vector_store %arg21[%swap3A_178, %swap3A_179], %select_n3A_177 {strides = array<i32>} : memref<288x128xf32, #tpu.memory_space<vmem>>, vector<288x128xf32>,
    %jit3A_181 = arith.constant 1.000000e+00 : f32
    %jit3A_182 = arith.constant 0.000000e+00 : f32
    %broadcast_in_dim3A_183 = vector.broadcast %jit3A_181 : f32 to vector<288x128xf32>
    %broadcast_in_dim3A_184 = vector.broadcast %jit3A_182 : f32 to vector<288x128xf32>
    %select_n3A_185 = arith.select %or3A, %broadcast_in_dim3A_183, %broadcast_in_dim3A_184 : vector<288x128xi1>, vector<288x128xf32>
    %get3A_186 = arith.constant 0 : index
    %get3A_187 = arith.constant 0 : index
    %get3A_188 = vector.load %arg10[%get3A_186, %get3A_187] : memref<128x8xf32, #tpu.memory_space<vmem>>, vector<128x8xf32>
    %dot_general3A = arith.constant dense<0.000000e+00> : vector<288x8xf32>
    %dot_general3A_189 = tpu.matmul %select_n3A_185, %get3A_188, %dot_general3A {dimension_numbers = #tpu.dot_dimension_numbers<[1], [0], [0], [1], [0, 0, 1, 1], [], []>, precision = #tpu.contract_precision<fp32>, transpose_lhs_hint = false} : vector<288x128xf32>, vector<128x8xf32>, vector<288x8xf32> -> vector<288x8xf32>
    %get3A_190 = arith.constant 0 : index
    %get3A_191 = arith.constant 0 : index
    %get3A_192 = vector.load %arg11[%get3A_190, %get3A_191] : memref<8x8xf32, #tpu.memory_space<vmem>>, vector<8x8xf32>
    %dot_general3A_193 = arith.constant dense<0.000000e+00> : vector<288x8xf32>
    %dot_general3A_194 = tpu.matmul %dot_general3A_189, %get3A_192, %dot_general3A_193 {dimension_numbers = #tpu.dot_dimension_numbers<[1], [0], [0], [1], [0, 0, 1, 1], [], []>, precision = #tpu.contract_precision<fp32>, transpose_lhs_hint = false} : vector<288x8xf32>, vector<8x8xf32>, vector<288x8xf32> -> vector<288x8xf32>
    %get3A_195 = arith.constant 0 : index
    %get3A_196 = arith.constant 0 : index
    %get3A_197 = vector.load %arg12[%get3A_195, %get3A_196] : memref<8x1xf32, #tpu.memory_space<vmem>>, vector<8x1xf32>
    %dot_general3A_198 = arith.constant dense<0.000000e+00> : vector<288x1xf32>
    %dot_general3A_199 = tpu.matmul %dot_general3A_189, %get3A_197, %dot_general3A_198 {dimension_numbers = #tpu.dot_dimension_numbers<[1], [0], [0], [1], [0, 0, 1, 1], [], []>, precision = #tpu.contract_precision<fp32>, transpose_lhs_hint = false} : vector<288x8xf32>, vector<8x1xf32>, vector<288x1xf32> -> vector<288x1xf32>
    %get3A_200 = arith.constant 0 : index
    %get3A_201 = arith.constant 0 : index
    %get3A_202 = vector.load %arg13[%get3A_200, %get3A_201] : memref<288x288xf32, #tpu.memory_space<vmem>>, vector<288x288xf32>
    %dot_general3A_203 = arith.constant dense<0.000000e+00> : vector<288x1xf32>
    %dot_general3A_204 = tpu.matmul %get3A_202, %dot_general3A_199, %dot_general3A_203 {dimension_numbers = #tpu.dot_dimension_numbers<[1], [0], [0], [1], [0, 0, 1, 1], [], []>, precision = #tpu.contract_precision<fp32>, transpose_lhs_hint = false} : vector<288x288xf32>, vector<288x1xf32>, vector<288x1xf32> -> vector<288x1xf32>
    %add3A_205 = vector.broadcast %dot_general3A_204 : vector<288x1xf32> to vector<288x8xf32>
    %add3A_206 = arith.addf %add3A_205, %dot_general3A_194 : vector<288x8xf32>
    %get3A_207 = arith.constant 0 : index
    %get3A_208 = arith.constant 0 : index
    %get3A_209 = vector.load %arg14[%get3A_207, %get3A_208] : memref<8x128xf32, #tpu.memory_space<vmem>>, vector<8x128xf32>
    %dot_general3A_210 = arith.constant dense<0.000000e+00> : vector<288x128xf32>
    %dot_general3A_211 = tpu.matmul %add3A_206, %get3A_209, %dot_general3A_210 {dimension_numbers = #tpu.dot_dimension_numbers<[1], [0], [0], [1], [0, 0, 1, 1], [], []>, precision = #tpu.contract_precision<fp32>, transpose_lhs_hint = false} : vector<288x8xf32>, vector<8x128xf32>, vector<288x128xf32> -> vector<288x128xf32>
    %get3A_212 = arith.constant 0 : index
    %get3A_213 = arith.constant 0 : index
    %get3A_214 = vector.load %arg15[%get3A_212, %get3A_213] : memref<128x128xf32, #tpu.memory_space<vmem>>, vector<128x128xf32>
    %dot_general3A_215 = arith.constant dense<0.000000e+00> : vector<288x128xf32>
    %dot_general3A_216 = tpu.matmul %select_n3A_185, %get3A_214, %dot_general3A_215 {dimension_numbers = #tpu.dot_dimension_numbers<[1], [0], [0], [1], [0, 0, 1, 1], [], []>, precision = #tpu.contract_precision<fp32>, transpose_lhs_hint = false} : vector<288x128xf32>, vector<128x128xf32>, vector<288x128xf32> -> vector<288x128xf32>
    %add3A_217 = arith.addf %dot_general3A_211, %dot_general3A_216 : vector<288x128xf32>
    %convert_element_type3A = arith.fptosi %add3A_217 : vector<288x128xf32> to vector<288x128xi32>
    %add3A_218 = arith.constant 6144 : i32
    %add3A_219 = vector.broadcast %add3A_218 : i32 to vector<288x128xi32>
    %add3A_220 = arith.addi %add3A_219, %add3A_106 : vector<288x128xi32>
    %select_n3A_221 = arith.select %or3A, %convert_element_type3A, %add3A_220 : vector<288x128xi1>, vector<288x128xi32>
    %swap3A_222 = arith.constant 0 : index
    %swap3A_223 = arith.constant 0 : index
    %swap3A_224 = vector.load %arg22[%swap3A_222, %swap3A_223] : memref<288x128xi32, #tpu.memory_space<vmem>>, vector<288x128xi32>
    tpu.vector_store %arg22[%swap3A_222, %swap3A_223], %select_n3A_221 {strides = array<i32>} : memref<288x128xi32, #tpu.memory_space<vmem>>, vector<288x128xi32>,
    return
  }
}

module attributes {stable_mosaic.version = 14 : i64} {
  func.func @_nms_body(%arg0: memref<96x128xf32, #tpu.memory_space<vmem>>, %arg1: memref<96x128xf32, #tpu.memory_space<vmem>>, %arg2: memref<96x128xf32, #tpu.memory_space<vmem>>, %arg3: memref<96x128xf32, #tpu.memory_space<vmem>>, %arg4: memref<96x128xf32, #tpu.memory_space<vmem>>, %arg5: memref<96x128xf32, #tpu.memory_space<vmem>>, %arg6: memref<300x128xf32, #tpu.memory_space<vmem>>, %arg7: memref<48x128xf32, #tpu.memory_space<vmem>>, %arg8: memref<48x128xf32, #tpu.memory_space<vmem>>, %arg9: memref<48x128xf32, #tpu.memory_space<vmem>>, %arg10: memref<48x128xf32, #tpu.memory_space<vmem>>, %arg11: memref<48x128xf32, #tpu.memory_space<vmem>>, %arg12: memref<48x128xf32, #tpu.memory_space<vmem>>) attributes {dimension_semantics = [], scalar_prefetch = 0 : i64, scratch_operands = 6 : i64, tpu.core_type = #tpu.core_type<tc>} {
    %get3A = arith.constant 0 : index
    %get3A_0 = arith.constant 0 : index
    %get3A_1 = vector.load %arg0[%get3A, %get3A_0] : memref<96x128xf32, #tpu.memory_space<vmem>>, vector<48x128xf32>
    %get3A_2 = arith.constant 48 : index
    %get3A_3 = arith.constant 0 : index
    %get3A_4 = vector.load %arg0[%get3A_2, %get3A_3] : memref<96x128xf32, #tpu.memory_space<vmem>>, vector<48x128xf32>
    %add3A = arith.addf %get3A_1, %get3A_4 : vector<48x128xf32>
    %swap3A = arith.constant 0 : index
    %swap3A_5 = arith.constant 0 : index
    %swap3A_6 = vector.load %arg7[%swap3A, %swap3A_5] : memref<48x128xf32, #tpu.memory_space<vmem>>, vector<48x128xf32>
    tpu.vector_store %arg7[%swap3A, %swap3A_5], %add3A {strides = array<i32>} : memref<48x128xf32, #tpu.memory_space<vmem>>, vector<48x128xf32>,
    %get3A_7 = arith.constant 0 : index
    %get3A_8 = arith.constant 0 : index
    %get3A_9 = vector.load %arg1[%get3A_7, %get3A_8] : memref<96x128xf32, #tpu.memory_space<vmem>>, vector<48x128xf32>
    %get3A_10 = arith.constant 48 : index
    %get3A_11 = arith.constant 0 : index
    %get3A_12 = vector.load %arg1[%get3A_10, %get3A_11] : memref<96x128xf32, #tpu.memory_space<vmem>>, vector<48x128xf32>
    %add3A_13 = arith.addf %get3A_9, %get3A_12 : vector<48x128xf32>
    %swap3A_14 = arith.constant 0 : index
    %swap3A_15 = arith.constant 0 : index
    %swap3A_16 = vector.load %arg8[%swap3A_14, %swap3A_15] : memref<48x128xf32, #tpu.memory_space<vmem>>, vector<48x128xf32>
    tpu.vector_store %arg8[%swap3A_14, %swap3A_15], %add3A_13 {strides = array<i32>} : memref<48x128xf32, #tpu.memory_space<vmem>>, vector<48x128xf32>,
    %get3A_17 = arith.constant 0 : index
    %get3A_18 = arith.constant 0 : index
    %get3A_19 = vector.load %arg2[%get3A_17, %get3A_18] : memref<96x128xf32, #tpu.memory_space<vmem>>, vector<48x128xf32>
    %get3A_20 = arith.constant 48 : index
    %get3A_21 = arith.constant 0 : index
    %get3A_22 = vector.load %arg2[%get3A_20, %get3A_21] : memref<96x128xf32, #tpu.memory_space<vmem>>, vector<48x128xf32>
    %add3A_23 = arith.addf %get3A_19, %get3A_22 : vector<48x128xf32>
    %swap3A_24 = arith.constant 0 : index
    %swap3A_25 = arith.constant 0 : index
    %swap3A_26 = vector.load %arg9[%swap3A_24, %swap3A_25] : memref<48x128xf32, #tpu.memory_space<vmem>>, vector<48x128xf32>
    tpu.vector_store %arg9[%swap3A_24, %swap3A_25], %add3A_23 {strides = array<i32>} : memref<48x128xf32, #tpu.memory_space<vmem>>, vector<48x128xf32>,
    %get3A_27 = arith.constant 0 : index
    %get3A_28 = arith.constant 0 : index
    %get3A_29 = vector.load %arg3[%get3A_27, %get3A_28] : memref<96x128xf32, #tpu.memory_space<vmem>>, vector<48x128xf32>
    %get3A_30 = arith.constant 48 : index
    %get3A_31 = arith.constant 0 : index
    %get3A_32 = vector.load %arg3[%get3A_30, %get3A_31] : memref<96x128xf32, #tpu.memory_space<vmem>>, vector<48x128xf32>
    %add3A_33 = arith.addf %get3A_29, %get3A_32 : vector<48x128xf32>
    %swap3A_34 = arith.constant 0 : index
    %swap3A_35 = arith.constant 0 : index
    %swap3A_36 = vector.load %arg10[%swap3A_34, %swap3A_35] : memref<48x128xf32, #tpu.memory_space<vmem>>, vector<48x128xf32>
    tpu.vector_store %arg10[%swap3A_34, %swap3A_35], %add3A_33 {strides = array<i32>} : memref<48x128xf32, #tpu.memory_space<vmem>>, vector<48x128xf32>,
    %get3A_37 = arith.constant 0 : index
    %get3A_38 = arith.constant 0 : index
    %get3A_39 = vector.load %arg4[%get3A_37, %get3A_38] : memref<96x128xf32, #tpu.memory_space<vmem>>, vector<48x128xf32>
    %get3A_40 = arith.constant 48 : index
    %get3A_41 = arith.constant 0 : index
    %get3A_42 = vector.load %arg4[%get3A_40, %get3A_41] : memref<96x128xf32, #tpu.memory_space<vmem>>, vector<48x128xf32>
    %add3A_43 = arith.addf %get3A_39, %get3A_42 : vector<48x128xf32>
    %swap3A_44 = arith.constant 0 : index
    %swap3A_45 = arith.constant 0 : index
    %swap3A_46 = vector.load %arg11[%swap3A_44, %swap3A_45] : memref<48x128xf32, #tpu.memory_space<vmem>>, vector<48x128xf32>
    tpu.vector_store %arg11[%swap3A_44, %swap3A_45], %add3A_43 {strides = array<i32>} : memref<48x128xf32, #tpu.memory_space<vmem>>, vector<48x128xf32>,
    %get3A_47 = arith.constant 0 : index
    %get3A_48 = arith.constant 0 : index
    %get3A_49 = vector.load %arg5[%get3A_47, %get3A_48] : memref<96x128xf32, #tpu.memory_space<vmem>>, vector<48x128xf32>
    %get3A_50 = arith.constant 48 : index
    %get3A_51 = arith.constant 0 : index
    %get3A_52 = vector.load %arg5[%get3A_50, %get3A_51] : memref<96x128xf32, #tpu.memory_space<vmem>>, vector<48x128xf32>
    %add3A_53 = arith.addf %get3A_49, %get3A_52 : vector<48x128xf32>
    %iota3A = tpu.iota {dimensions = array<i32: 0>} : vector<48x128xi32>
    %iota3A_54 = tpu.iota {dimensions = array<i32: 1>} : vector<48x128xi32>
    %mul3A = arith.constant 128 : i32
    %mul3A_55 = vector.broadcast %mul3A : i32 to vector<48x128xi32>
    %mul3A_56 = arith.muli %iota3A, %mul3A_55 : vector<48x128xi32>
    %add3A_57 = arith.addi %mul3A_56, %iota3A_54 : vector<48x128xi32>
    %lt3A = arith.constant 6000 : i32
    %lt3A_58 = vector.broadcast %lt3A : i32 to vector<48x128xi32>
    %lt3A_59 = arith.cmpi slt, %add3A_57, %lt3A_58 : vector<48x128xi32>
    %jit3A = arith.constant 0xFF800000 : f32
    %broadcast_in_dim3A = vector.broadcast %jit3A : f32 to vector<48x128xf32>
    %select_n3A = arith.select %lt3A_59, %add3A_53, %broadcast_in_dim3A : vector<48x128xi1>, vector<48x128xf32>
    %swap3A_60 = arith.constant 0 : index
    %swap3A_61 = arith.constant 0 : index
    %swap3A_62 = vector.load %arg12[%swap3A_60, %swap3A_61] : memref<48x128xf32, #tpu.memory_space<vmem>>, vector<48x128xf32>
    tpu.vector_store %arg12[%swap3A_60, %swap3A_61], %select_n3A {strides = array<i32>} : memref<48x128xf32, #tpu.memory_space<vmem>>, vector<48x128xf32>,
    %convert_element_type3A = arith.sitofp %iota3A : vector<48x128xi32> to vector<48x128xf32>
    %mul3A_63 = arith.constant 1.280000e+02 : f32
    %mul3A_64 = vector.broadcast %mul3A_63 : f32 to vector<48x128xf32>
    %mul3A_65 = arith.mulf %convert_element_type3A, %mul3A_64 : vector<48x128xf32>
    %convert_element_type3A_66 = arith.sitofp %iota3A_54 : vector<48x128xi32> to vector<48x128xf32>
    %add3A_67 = arith.addf %mul3A_65, %convert_element_type3A_66 : vector<48x128xf32>
    %iota3A_68 = tpu.iota {dimensions = array<i32: 1>} : vector<1x128xi32>
    %reduce_max3A = vector.shape_cast %select_n3A : vector<48x128xf32> to vector<1x48x128xf32>
    %reduce_max3A_69 = arith.constant dense<0xFF800000> : vector<1xf32>
    %reduce_max3A_70 = vector.multi_reduction <maximumf>, %reduce_max3A, %reduce_max3A_69 [1, 2] : vector<1x48x128xf32> to vector<1xf32>
    %reduce_max3A_71 = vector.shape_cast %reduce_max3A_70 : vector<1xf32> to vector<1x1x1xf32>
    %reduce_max3A_72 = vector.extract %reduce_max3A_71[0, 0, 0] : f32 from vector<1x1x1xf32>
    %eq3A = vector.broadcast %reduce_max3A_72 : f32 to vector<48x128xf32>
    %eq3A_73 = arith.cmpf oeq, %select_n3A, %eq3A : vector<48x128xf32>
    %jit3A_74 = arith.constant 6.144000e+03 : f32
    %broadcast_in_dim3A_75 = vector.broadcast %jit3A_74 : f32 to vector<48x128xf32>
    %select_n3A_76 = arith.select %eq3A_73, %add3A_67, %broadcast_in_dim3A_75 : vector<48x128xi1>, vector<48x128xf32>
    %reduce_min3A = vector.shape_cast %select_n3A_76 : vector<48x128xf32> to vector<1x48x128xf32>
    %reduce_min3A_77 = arith.constant dense<0x7F800000> : vector<1xf32>
    %reduce_min3A_78 = vector.multi_reduction <minimumf>, %reduce_min3A, %reduce_min3A_77 [1, 2] : vector<1x48x128xf32> to vector<1xf32>
    %reduce_min3A_79 = vector.shape_cast %reduce_min3A_78 : vector<1xf32> to vector<1x1x1xf32>
    %reduce_min3A_80 = vector.extract %reduce_min3A_79[0, 0, 0] : f32 from vector<1x1x1xf32>
    %convert_element_type3A_81 = arith.fptosi %reduce_min3A_80 : f32 to i32
    %scan3A = arith.constant 0 : i32
    %scan3A_82 = arith.constant 0 : i32
    %scan3A_83 = arith.constant 300 : i32
    %scan3A_84 = arith.addi %scan3A_82, %scan3A_83 : i32
    %scan3A_85 = arith.constant 1 : i32
    %scan3A_86:3 = scf.for %scan3A_88 = %scan3A_82 to %scan3A_84 step %scan3A_85 iter_args(%scan3A_89 = %reduce_max3A_72, %scan3A_90 = %convert_element_type3A_81, %scan3A_91 = %scan3A) -> (f32, i32, i32)  : i32 {
      %eq3A_92 = arith.constant 0 : i32
      %eq3A_93 = arith.cmpi eq, %scan3A_88, %eq3A_92 : i32
      %select_n3A_94 = arith.select %eq3A_93, %scan3A_90, %scan3A_91 : i32
      %eq3A_95 = arith.constant -1.000000e+09 : f32
      %eq3A_96 = arith.cmpf oeq, %scan3A_89, %eq3A_95 : f32
      %select_n3A_97 = arith.select %eq3A_96, %select_n3A_94, %scan3A_90 : i32
      %jit3A_98 = arith.constant 128 : i32
      %div3A = arith.divsi %select_n3A_97, %jit3A_98 : i32
      %sign3A = arith.constant 0 : i32
      %sign3A_99 = arith.cmpi sgt, %select_n3A_97, %sign3A : i32
      %sign3A_100 = arith.extui %sign3A_99 : i1 to i32
      %sign3A_101 = arith.constant 0 : i32
      %sign3A_102 = arith.cmpi slt, %select_n3A_97, %sign3A_101 : i32
      %sign3A_103 = arith.extui %sign3A_102 : i1 to i32
      %sign3A_104 = arith.subi %sign3A_100, %sign3A_103 : i32
      %sign3A_105 = arith.constant 0 : i32
      %sign3A_106 = arith.cmpi sgt, %jit3A_98, %sign3A_105 : i32
      %sign3A_107 = arith.extui %sign3A_106 : i1 to i32
      %sign3A_108 = arith.constant 0 : i32
      %sign3A_109 = arith.cmpi slt, %jit3A_98, %sign3A_108 : i32
      %sign3A_110 = arith.extui %sign3A_109 : i1 to i32
      %sign3A_111 = arith.subi %sign3A_107, %sign3A_110 : i32
      %ne3A = arith.cmpi ne, %sign3A_104, %sign3A_111 : i32
      %rem3A = arith.remsi %select_n3A_97, %jit3A_98 : i32
      %ne3A_112 = arith.constant 0 : i32
      %ne3A_113 = arith.cmpi ne, %rem3A, %ne3A_112 : i32
      %and3A = arith.andi %ne3A, %ne3A_113 : i1
      %sub3A = arith.constant 1 : i32
      %sub3A_114 = arith.subi %div3A, %sub3A : i32
      %select_n3A_115 = arith.select %and3A, %sub3A_114, %div3A : i32
      %jit3A_116 = arith.constant 128 : i32
      %eq3A_117 = arith.constant 0 : i32
      %eq3A_118 = arith.cmpi eq, %jit3A_116, %eq3A_117 : i32
      %jit3A_119 = arith.constant 1 : i32
      %select_n3A_120 = arith.select %eq3A_118, %jit3A_119, %jit3A_116 : i32
      %rem3A_121 = arith.remsi %select_n3A_97, %select_n3A_120 : i32
      %ne3A_122 = arith.constant 0 : i32
      %ne3A_123 = arith.cmpi ne, %rem3A_121, %ne3A_122 : i32
      %lt3A_124 = arith.constant 0 : i32
      %lt3A_125 = arith.cmpi slt, %rem3A_121, %lt3A_124 : i32
      %lt3A_126 = arith.constant 0 : i32
      %lt3A_127 = arith.cmpi slt, %select_n3A_120, %lt3A_126 : i32
      %ne3A_128 = arith.xori %lt3A_125, %lt3A_127 : i1
      %and3A_129 = arith.andi %ne3A_128, %ne3A_123 : i1
      %add3A_130 = arith.addi %rem3A_121, %select_n3A_120 : i32
      %select_n3A_131 = arith.select %and3A_129, %add3A_130, %rem3A_121 : i32
      %eq3A_132 = vector.broadcast %select_n3A_131 : i32 to vector<1x128xi32>
      %eq3A_133 = arith.cmpi eq, %iota3A_68, %eq3A_132 : vector<1x128xi32>
      %get3A_134 = arith.index_cast %select_n3A_115 : i32 to index
      %get3A_135 = arith.constant 0 : index
      %get3A_136 = vector.load %arg7[%get3A_134, %get3A_135] : memref<48x128xf32, #tpu.memory_space<vmem>>, vector<1x128xf32>
      %jit3A_137 = arith.constant 0.000000e+00 : f32
      %broadcast_in_dim3A_138 = vector.broadcast %jit3A_137 : f32 to vector<1x128xf32>
      %select_n3A_139 = arith.select %eq3A_133, %get3A_136, %broadcast_in_dim3A_138 : vector<1x128xi1>, vector<1x128xf32>
      %reduce_sum3A = vector.shape_cast %select_n3A_139 : vector<1x128xf32> to vector<1x1x128xf32>
      %reduce_sum3A_140 = arith.constant dense<0.000000e+00> : vector<1xf32>
      %reduce_sum3A_141 = vector.multi_reduction <add>, %reduce_sum3A, %reduce_sum3A_140 [1, 2] : vector<1x1x128xf32> to vector<1xf32>
      %reduce_sum3A_142 = vector.shape_cast %reduce_sum3A_141 : vector<1xf32> to vector<1x1x1xf32>
      %reduce_sum3A_143 = vector.extract %reduce_sum3A_142[0, 0, 0] : f32 from vector<1x1x1xf32>
      %get3A_144 = arith.index_cast %select_n3A_115 : i32 to index
      %get3A_145 = arith.constant 0 : index
      %get3A_146 = vector.load %arg8[%get3A_144, %get3A_145] : memref<48x128xf32, #tpu.memory_space<vmem>>, vector<1x128xf32>
      %jit3A_147 = arith.constant 0.000000e+00 : f32
      %broadcast_in_dim3A_148 = vector.broadcast %jit3A_147 : f32 to vector<1x128xf32>
      %select_n3A_149 = arith.select %eq3A_133, %get3A_146, %broadcast_in_dim3A_148 : vector<1x128xi1>, vector<1x128xf32>
      %reduce_sum3A_150 = vector.shape_cast %select_n3A_149 : vector<1x128xf32> to vector<1x1x128xf32>
      %reduce_sum3A_151 = arith.constant dense<0.000000e+00> : vector<1xf32>
      %reduce_sum3A_152 = vector.multi_reduction <add>, %reduce_sum3A_150, %reduce_sum3A_151 [1, 2] : vector<1x1x128xf32> to vector<1xf32>
      %reduce_sum3A_153 = vector.shape_cast %reduce_sum3A_152 : vector<1xf32> to vector<1x1x1xf32>
      %reduce_sum3A_154 = vector.extract %reduce_sum3A_153[0, 0, 0] : f32 from vector<1x1x1xf32>
      %get3A_155 = arith.index_cast %select_n3A_115 : i32 to index
      %get3A_156 = arith.constant 0 : index
      %get3A_157 = vector.load %arg9[%get3A_155, %get3A_156] : memref<48x128xf32, #tpu.memory_space<vmem>>, vector<1x128xf32>
      %jit3A_158 = arith.constant 0.000000e+00 : f32
      %broadcast_in_dim3A_159 = vector.broadcast %jit3A_158 : f32 to vector<1x128xf32>
      %select_n3A_160 = arith.select %eq3A_133, %get3A_157, %broadcast_in_dim3A_159 : vector<1x128xi1>, vector<1x128xf32>
      %reduce_sum3A_161 = vector.shape_cast %select_n3A_160 : vector<1x128xf32> to vector<1x1x128xf32>
      %reduce_sum3A_162 = arith.constant dense<0.000000e+00> : vector<1xf32>
      %reduce_sum3A_163 = vector.multi_reduction <add>, %reduce_sum3A_161, %reduce_sum3A_162 [1, 2] : vector<1x1x128xf32> to vector<1xf32>
      %reduce_sum3A_164 = vector.shape_cast %reduce_sum3A_163 : vector<1xf32> to vector<1x1x1xf32>
      %reduce_sum3A_165 = vector.extract %reduce_sum3A_164[0, 0, 0] : f32 from vector<1x1x1xf32>
      %get3A_166 = arith.index_cast %select_n3A_115 : i32 to index
      %get3A_167 = arith.constant 0 : index
      %get3A_168 = vector.load %arg10[%get3A_166, %get3A_167] : memref<48x128xf32, #tpu.memory_space<vmem>>, vector<1x128xf32>
      %jit3A_169 = arith.constant 0.000000e+00 : f32
      %broadcast_in_dim3A_170 = vector.broadcast %jit3A_169 : f32 to vector<1x128xf32>
      %select_n3A_171 = arith.select %eq3A_133, %get3A_168, %broadcast_in_dim3A_170 : vector<1x128xi1>, vector<1x128xf32>
      %reduce_sum3A_172 = vector.shape_cast %select_n3A_171 : vector<1x128xf32> to vector<1x1x128xf32>
      %reduce_sum3A_173 = arith.constant dense<0.000000e+00> : vector<1xf32>
      %reduce_sum3A_174 = vector.multi_reduction <add>, %reduce_sum3A_172, %reduce_sum3A_173 [1, 2] : vector<1x1x128xf32> to vector<1xf32>
      %reduce_sum3A_175 = vector.shape_cast %reduce_sum3A_174 : vector<1xf32> to vector<1x1x1xf32>
      %reduce_sum3A_176 = vector.extract %reduce_sum3A_175[0, 0, 0] : f32 from vector<1x1x1xf32>
      %get3A_177 = arith.index_cast %select_n3A_115 : i32 to index
      %get3A_178 = arith.constant 0 : index
      %get3A_179 = vector.load %arg11[%get3A_177, %get3A_178] : memref<48x128xf32, #tpu.memory_space<vmem>>, vector<1x128xf32>
      %jit3A_180 = arith.constant 0.000000e+00 : f32
      %broadcast_in_dim3A_181 = vector.broadcast %jit3A_180 : f32 to vector<1x128xf32>
      %select_n3A_182 = arith.select %eq3A_133, %get3A_179, %broadcast_in_dim3A_181 : vector<1x128xi1>, vector<1x128xf32>
      %reduce_sum3A_183 = vector.shape_cast %select_n3A_182 : vector<1x128xf32> to vector<1x1x128xf32>
      %reduce_sum3A_184 = arith.constant dense<0.000000e+00> : vector<1xf32>
      %reduce_sum3A_185 = vector.multi_reduction <add>, %reduce_sum3A_183, %reduce_sum3A_184 [1, 2] : vector<1x1x128xf32> to vector<1xf32>
      %reduce_sum3A_186 = vector.shape_cast %reduce_sum3A_185 : vector<1xf32> to vector<1x1x1xf32>
      %reduce_sum3A_187 = vector.extract %reduce_sum3A_186[0, 0, 0] : f32 from vector<1x1x1xf32>
      %get3A_188 = arith.constant 0 : index
      %get3A_189 = arith.constant 0 : index
      %get3A_190 = vector.load %arg12[%get3A_188, %get3A_189] : memref<48x128xf32, #tpu.memory_space<vmem>>, vector<48x128xf32>
      %get3A_191 = arith.constant 0 : index
      %get3A_192 = arith.constant 0 : index
      %get3A_193 = vector.load %arg9[%get3A_191, %get3A_192] : memref<48x128xf32, #tpu.memory_space<vmem>>, vector<48x128xf32>
      %min3A = vector.broadcast %reduce_sum3A_165 : f32 to vector<48x128xf32>
      %min3A_194 = arith.minimumf %min3A, %get3A_193 : vector<48x128xf32>
      %get3A_195 = arith.constant 0 : index
      %get3A_196 = arith.constant 0 : index
      %get3A_197 = vector.load %arg7[%get3A_195, %get3A_196] : memref<48x128xf32, #tpu.memory_space<vmem>>, vector<48x128xf32>
      %max3A = vector.broadcast %reduce_sum3A_143 : f32 to vector<48x128xf32>
      %max3A_198 = arith.maximumf %max3A, %get3A_197 : vector<48x128xf32>
      %sub3A_199 = arith.subf %min3A_194, %max3A_198 : vector<48x128xf32>
      %add3A_200 = arith.constant 1.000000e+00 : f32
      %add3A_201 = vector.broadcast %add3A_200 : f32 to vector<48x128xf32>
      %add3A_202 = arith.addf %sub3A_199, %add3A_201 : vector<48x128xf32>
      %max3A_203 = arith.constant 0.000000e+00 : f32
      %max3A_204 = vector.broadcast %max3A_203 : f32 to vector<48x128xf32>
      %max3A_205 = arith.maximumf %max3A_204, %add3A_202 : vector<48x128xf32>
      %get3A_206 = arith.constant 0 : index
      %get3A_207 = arith.constant 0 : index
      %get3A_208 = vector.load %arg10[%get3A_206, %get3A_207] : memref<48x128xf32, #tpu.memory_space<vmem>>, vector<48x128xf32>
      %min3A_209 = vector.broadcast %reduce_sum3A_176 : f32 to vector<48x128xf32>
      %min3A_210 = arith.minimumf %min3A_209, %get3A_208 : vector<48x128xf32>
      %get3A_211 = arith.constant 0 : index
      %get3A_212 = arith.constant 0 : index
      %get3A_213 = vector.load %arg8[%get3A_211, %get3A_212] : memref<48x128xf32, #tpu.memory_space<vmem>>, vector<48x128xf32>
      %max3A_214 = vector.broadcast %reduce_sum3A_154 : f32 to vector<48x128xf32>
      %max3A_215 = arith.maximumf %max3A_214, %get3A_213 : vector<48x128xf32>
      %sub3A_216 = arith.subf %min3A_210, %max3A_215 : vector<48x128xf32>
      %add3A_217 = arith.constant 1.000000e+00 : f32
      %add3A_218 = vector.broadcast %add3A_217 : f32 to vector<48x128xf32>
      %add3A_219 = arith.addf %sub3A_216, %add3A_218 : vector<48x128xf32>
      %max3A_220 = arith.constant 0.000000e+00 : f32
      %max3A_221 = vector.broadcast %max3A_220 : f32 to vector<48x128xf32>
      %max3A_222 = arith.maximumf %max3A_221, %add3A_219 : vector<48x128xf32>
      %mul3A_223 = arith.mulf %max3A_205, %max3A_222 : vector<48x128xf32>
      %get3A_224 = arith.constant 0 : index
      %get3A_225 = arith.constant 0 : index
      %get3A_226 = vector.load %arg11[%get3A_224, %get3A_225] : memref<48x128xf32, #tpu.memory_space<vmem>>, vector<48x128xf32>
      %add3A_227 = vector.broadcast %reduce_sum3A_187 : f32 to vector<48x128xf32>
      %add3A_228 = arith.addf %add3A_227, %get3A_226 : vector<48x128xf32>
      %sub3A_229 = arith.subf %add3A_228, %mul3A_223 : vector<48x128xf32>
      %div3A_230 = arith.divf %mul3A_223, %sub3A_229 : vector<48x128xf32>
      %gt3A = arith.constant 0.699999988 : f32
      %gt3A_231 = vector.broadcast %gt3A : f32 to vector<48x128xf32>
      %gt3A_232 = arith.cmpf ogt, %div3A_230, %gt3A_231 : vector<48x128xf32>
      %min3A_233 = arith.constant -1.000000e+09 : f32
      %min3A_234 = vector.broadcast %min3A_233 : f32 to vector<48x128xf32>
      %min3A_235 = arith.minimumf %get3A_190, %min3A_234 : vector<48x128xf32>
      %select_n3A_236 = arith.select %gt3A_232, %min3A_235, %get3A_190 : vector<48x128xi1>, vector<48x128xf32>
      %swap3A_237 = arith.constant 0 : index
      %swap3A_238 = arith.constant 0 : index
      %swap3A_239 = vector.load %arg12[%swap3A_237, %swap3A_238] : memref<48x128xf32, #tpu.memory_space<vmem>>, vector<48x128xf32>
      tpu.vector_store %arg12[%swap3A_237, %swap3A_238], %select_n3A_236 {strides = array<i32>} : memref<48x128xf32, #tpu.memory_space<vmem>>, vector<48x128xf32>,
      %reduce_max3A_240 = vector.shape_cast %select_n3A_236 : vector<48x128xf32> to vector<1x48x128xf32>
      %reduce_max3A_241 = arith.constant dense<0xFF800000> : vector<1xf32>
      %reduce_max3A_242 = vector.multi_reduction <maximumf>, %reduce_max3A_240, %reduce_max3A_241 [1, 2] : vector<1x48x128xf32> to vector<1xf32>
      %reduce_max3A_243 = vector.shape_cast %reduce_max3A_242 : vector<1xf32> to vector<1x1x1xf32>
      %reduce_max3A_244 = vector.extract %reduce_max3A_243[0, 0, 0] : f32 from vector<1x1x1xf32>
      %eq3A_245 = vector.broadcast %reduce_max3A_244 : f32 to vector<48x128xf32>
      %eq3A_246 = arith.cmpf oeq, %select_n3A_236, %eq3A_245 : vector<48x128xf32>
      %jit3A_247 = arith.constant 6.144000e+03 : f32
      %broadcast_in_dim3A_248 = vector.broadcast %jit3A_247 : f32 to vector<48x128xf32>
      %select_n3A_249 = arith.select %eq3A_246, %add3A_67, %broadcast_in_dim3A_248 : vector<48x128xi1>, vector<48x128xf32>
      %reduce_min3A_250 = vector.shape_cast %select_n3A_249 : vector<48x128xf32> to vector<1x48x128xf32>
      %reduce_min3A_251 = arith.constant dense<0x7F800000> : vector<1xf32>
      %reduce_min3A_252 = vector.multi_reduction <minimumf>, %reduce_min3A_250, %reduce_min3A_251 [1, 2] : vector<1x48x128xf32> to vector<1xf32>
      %reduce_min3A_253 = vector.shape_cast %reduce_min3A_252 : vector<1xf32> to vector<1x1x1xf32>
      %reduce_min3A_254 = vector.extract %reduce_min3A_253[0, 0, 0] : f32 from vector<1x1x1xf32>
      %convert_element_type3A_255 = arith.fptosi %reduce_min3A_254 : f32 to i32
      %broadcast_in_dim3A_256 = arith.constant 0.000000e+00 : f32
      %broadcast_in_dim3A_257 = vector.broadcast %broadcast_in_dim3A_256 : f32 to vector<1x128xf32>
      %eq3A_258 = arith.constant 1 : i32
      %eq3A_259 = vector.broadcast %eq3A_258 : i32 to vector<1x128xi32>
      %eq3A_260 = arith.cmpi eq, %iota3A_68, %eq3A_259 : vector<1x128xi32>
      %broadcast_in_dim3A_261 = vector.broadcast %reduce_sum3A_143 : f32 to vector<1x128xf32>
      %select_n3A_262 = arith.select %eq3A_260, %broadcast_in_dim3A_261, %broadcast_in_dim3A_257 : vector<1x128xi1>, vector<1x128xf32>
      %eq3A_263 = arith.constant 2 : i32
      %eq3A_264 = vector.broadcast %eq3A_263 : i32 to vector<1x128xi32>
      %eq3A_265 = arith.cmpi eq, %iota3A_68, %eq3A_264 : vector<1x128xi32>
      %broadcast_in_dim3A_266 = vector.broadcast %reduce_sum3A_154 : f32 to vector<1x128xf32>
      %select_n3A_267 = arith.select %eq3A_265, %broadcast_in_dim3A_266, %select_n3A_262 : vector<1x128xi1>, vector<1x128xf32>
      %eq3A_268 = arith.constant 3 : i32
      %eq3A_269 = vector.broadcast %eq3A_268 : i32 to vector<1x128xi32>
      %eq3A_270 = arith.cmpi eq, %iota3A_68, %eq3A_269 : vector<1x128xi32>
      %broadcast_in_dim3A_271 = vector.broadcast %reduce_sum3A_165 : f32 to vector<1x128xf32>
      %select_n3A_272 = arith.select %eq3A_270, %broadcast_in_dim3A_271, %select_n3A_267 : vector<1x128xi1>, vector<1x128xf32>
      %eq3A_273 = arith.constant 4 : i32
      %eq3A_274 = vector.broadcast %eq3A_273 : i32 to vector<1x128xi32>
      %eq3A_275 = arith.cmpi eq, %iota3A_68, %eq3A_274 : vector<1x128xi32>
      %broadcast_in_dim3A_276 = vector.broadcast %reduce_sum3A_176 : f32 to vector<1x128xf32>
      %select_n3A_277 = arith.select %eq3A_275, %broadcast_in_dim3A_276, %select_n3A_272 : vector<1x128xi1>, vector<1x128xf32>
      %swap3A_278 = arith.index_cast %scan3A_88 : i32 to index
      %swap3A_279 = arith.constant 0 : index
      %swap3A_280 = vector.load %arg6[%swap3A_278, %swap3A_279] : memref<300x128xf32, #tpu.memory_space<vmem>>, vector<1x128xf32>
      tpu.vector_store %arg6[%swap3A_278, %swap3A_279], %select_n3A_277 {strides = array<i32>} : memref<300x128xf32, #tpu.memory_space<vmem>>, vector<1x128xf32>,
      scf.yield %reduce_max3A_244, %convert_element_type3A_255, %select_n3A_94 : f32, i32, i32
    }
    %scan3A_87 = arith.constant 300 : i32
    return
  }
}

</mosaic_0001>

<sc_bundles>
// kernel: kernel.5.cloned.1.call-start
scs
__scs_entry_jumppad:
0x0: {  	(pc) =	sbr.rel $0x88, $3  }
0x1: {  	(tag) =	ssettag $0x0;
	lr =	simm.s32 $0x1  }
0x2: {  	[smem:$0x3F9E] =	sst lr;
	_ =	strace $0xD0000000  }
0x3: {  	_ = 	snop  }
0x4: {  	_ = 	snop  }
0x5: {  	_ = 	snop  }
0x6: {  	_ = 	snop  }
0x7: {  	_ = 	snop  }
__scs_overlays_trampoline_lowered:
0x8: {  	[smem:$0x3FAD] =	sst s0  }
0x9: {  	[smem:$0x3FAE] =	sst s1  }
0xa: {  	[smem:$0x3FAF] =	sst s2  }
0xb: {  	[smem:$0x3FB0] =	sst s3  }
0xc: {  	[smem:$0x3FB1] =	sst s4  }
0xd: {  	[smem:$0x3FB2] =	sst s5  }
0xe: {  	[smem:$0x3FB3] =	sst s6  }
0xf: {  	[smem:$0x3FB4] =	sst s7  }
0x10: {  	[smem:$0x3FB5] =	sst s8  }
0x11: {  	[smem:$0x3FB6] =	sst s9;
	s0 =	simm.s32 @!p0 $0x0  }
0x12: {  	s1 =	sld [smem:$0x3F9C];
	s0 =	simm.s32 @p0 $0x1  }
0x13: {  	[smem:$0x3FB7] =	sst s0;
	s0 =	simm.s32 @!p1 $0x0  }
0x14: {  	s2 =	sld [smem:$0x3F9B];
	s0 =	simm.s32 @p1 $0x1  }
0x15: {  	[smem:$0x3FB8] =	sst s0;
	s0 =	simm.s32 @!p2 $0x0  }
0x16: {  	s3 =	sld [smem:$0x3FDB];
	s0 =	simm.s32 @p2 $0x1  }
0x17: {  	s4 =	simm.s32 $0x1BF5;
	[smem:$0x3FBA] =	sst s0  }
0x18: {  	s0 =	sld [smem:$0x3F9D];
	_ =	swait.ge [sflag:s4], $0x0  }
0x19: {  	s7 =	sld [smem:$0x3F9E]  }
0x1a: {  	s8 =	sadd.s32 $0xFFFFE003, lr  }
0x1b: {  	s9 =	sadd.s32 $0xFFFFFEF7, lr;
	s5 =	simm.s32 $0xFFFFFFFF;
	p2 =	slt.u32 s8, $0xFFFFF086  }
0x1c: {  	p1 =	slt.u32 s9, $0xF7A;
	s5 =	simm.s32 @!p2 $0x0  }
0x1d: {  	s5 =	simm.s32 @p1 $0x1;
	p0 =	seq.s32 s7, s2  }
0x1e: {  	s7 =	smul.u32 @!p0 $0xF7A, s2;
	p2 =	seq.s32 @!p0 s5, $0x0  }
0x1f: {  	s9 =	smul.u32 $0xF7A, s1;
	s8 =	simm.s32 @!p0 $0x1BF5;
	p2 =	por !p2, p0  }
0x20: {  	[sflag:s8] =	ssyncset.s32 @!p0 $0xFFFFF086;
	s6 =	sadd.s32 @!p0 s3, s7;
	s7 =	simm.s32 @!p0 $0x108  }
0x21: {  	s3 =	sadd.s32 s3, s9;
	s6 =	sadd.s32 @!p0 $0x88, s6;
	s7 =	simm.s32 @p2 $0x1082  }
0x22: {  	[simem:s7], [sflag:s8] =	dma.local @!p0 [hbm:s6], $0xF7A  }
0x23: {  	s9 =	sor.u32 $0xD0000000, s2;
	s6 =	simm.s32 $0x108;
	_ =	swait.ge @!p0 [sflag:s8], $0x0  }
0x24: {  	s3 =	sadd.s32 $0x88, s3;
	s6 =	simm.s32 @!p1 $0x1082;
	[sflag:s4] =	ssyncset.s32 $0xFFFFF086  }
0x25: {  	[simem:s6], [sflag:s4] =	dma.local [hbm:s3], $0xF7A  }
0x26: {  	[smem:$0x3F9E] =	sst s1;
	(tag) =	ssettag s2;
	_ =	strace s9  }
0x27: {  	s1 =	sld [smem:$0x3FAE]  }
0x28: {  	s2 =	sld [smem:$0x3FAF]  }
0x29: {  	s4 =	sld [smem:$0x3FB1]  }
0x2a: {  	p0 =	seq.s32 s5, $0x0;
	s5 =	sld [smem:$0x3FB2]  }
0x2b: {  	s6 =	sld [smem:$0x3FB3]  }
0x2c: {  	s7 =	sld [smem:$0x3FB4]  }
0x2d: {  	s3 =	simm.s32 $0x108;
	s8 =	sld [smem:$0x3FB5]  }
0x2e: {  	s3 =	simm.s32 @!p0 $0x1082;
	s9 =	sld [smem:$0x3FB6]  }
0x2f: {  	lr =	sadd.s32 s0, s3;
	s0 =	sld [smem:$0x3FAD]  }
0x30: {  	s3 =	sld [smem:$0x3FB0]  }
0x31: {  	[smem:$0x3FB9] =	sst s10  }
0x32: {  	s10 =	sld [smem:$0x3FB7];
	_ =	sdelay $0x3  }
0x33: {  	p0 =	seq.s32 s10, $0x1;
	s10 =	sld [smem:$0x3FB9];
	_ =	sdelay $0x3  }
0x34: {  	[smem:$0x3FB9] =	sst s10  }
0x35: {  	s10 =	sld [smem:$0x3FB8];
	_ =	sdelay $0x3  }
0x36: {  	p1 =	seq.s32 s10, $0x1;
	s10 =	sld [smem:$0x3FB9];
	_ =	sdelay $0x3  }
0x37: {  	[smem:$0x3FB9] =	sst s10  }
0x38: {  	s10 =	sld [smem:$0x3FBA]  }
0x39: {  	_ = 	snop;
	(pc) =	sbr.ind lr, $3  }
0x3a: {  	_ = 	snop  }
0x3b: {  	_ = 	snop  }
0x3c: {  	p2 =	seq.s32 s10, $0x1;
	s10 =	sld [smem:$0x3FB9]  }
0x3d: {  	_ =	shalt  }
0x3e: {  	_ =	shalt  }
0x3f: {  	_ =	shalt  }
0x40: {  	_ =	shalt  }
0x41: {  	_ =	shalt  }
0x42: {  	_ =	shalt  }
0x43: {  	_ =	shalt  }
0x44: {  	_ =	shalt  }
0x45: {  	_ =	shalt  }
0x46: {  	_ =	shalt  }
0x47: {  	_ =	shalt  }
0x48: {  	_ =	shalt  }
0x49: {  	_ =	shalt  }
0x4a: {  	_ =	shalt  }
0x4b: {  	_ =	shalt  }
0x4c: {  	_ =	shalt  }
0x4d: {  	_ =	shalt  }
0x4e: {  	_ =	shalt  }
0x4f: {  	_ =	shalt  }
0x50: {  	_ =	shalt  }
0x51: {  	_ =	shalt  }
0x52: {  	_ =	shalt  }
0x53: {  	_ =	shalt  }
0x54: {  	_ =	shalt  }
0x55: {  	_ =	shalt  }
0x56: {  	_ =	shalt  }
0x57: {  	_ =	shalt  }
0x58: {  	_ =	shalt  }
0x59: {  	_ =	shalt  }
0x5a: {  	_ =	shalt  }
0x5b: {  	_ =	shalt  }
0x5c: {  	_ =	shalt  }
0x5d: {  	_ =	shalt  }
0x5e: {  	_ =	shalt  }
0x5f: {  	_ =	shalt  }
0x60: {  	_ =	shalt  }
0x61: {  	_ =	shalt  }
0x62: {  	_ =	shalt  }
0x63: {  	_ =	shalt  }
0x64: {  	_ =	shalt  }
0x65: {  	_ =	shalt  }
0x66: {  	_ =	shalt  }
0x67: {  	_ =	shalt  }
0x68: {  	_ =	shalt  }
0x69: {  	_ =	shalt  }
0x6a: {  	_ =	shalt  }
0x6b: {  	_ =	shalt  }
0x6c: {  	_ =	shalt  }
0x6d: {  	_ =	shalt  }
0x6e: {  	_ =	shalt  }
0x6f: {  	_ =	shalt  }
0x70: {  	_ =	shalt  }
0x71: {  	_ =	shalt  }
0x72: {  	_ =	shalt  }
0x73: {  	_ =	shalt  }
0x74: {  	_ =	shalt  }
0x75: {  	_ =	shalt  }
0x76: {  	_ =	shalt  }
0x77: {  	_ =	shalt  }
0x78: {  	_ =	shalt  }
0x79: {  	_ =	shalt  }
0x7a: {  	_ =	shalt  }
0x7b: {  	_ =	shalt  }
0x7c: {  	_ =	shalt  }
0x7d: {  	_ =	shalt  }
0x7e: {  	_ =	shalt  }
0x7f: {  	_ =	shalt  }
0x80: {  	_ =	shalt  }
0x81: {  	_ =	shalt  }
0x82: {  	_ =	shalt  }
0x83: {  	_ =	shalt  }
0x84: {  	_ =	shalt  }
0x85: {  	_ =	shalt  }
0x86: {  	_ =	shalt  }
0x87: {  	_ =	shalt  }
.Lfunc_end0:
.L_simem_size_0:
called_computation_lowered:
.L_overlay_start_0:
0x88: {  	s2 =	sld [smem:$0x3FD9]  }
0x89: {  	s3 =	sld [smem:$0x3FFE];
	_ =	sdelay $0x1  }
0x8a: {  	s1 =	srdreg.scid  }
0x8b: {  	s0 =	sand.u32 $0x1, s1  }
0x8c: {  	s16 =	sshll.u32 s0, $0xA;
	s2 =	sadd.s32 s3, s2  }
0x8d: {  	s2 =	sadd.s32 s2, s16  }
0x8e: {  	[smem:$0x3FC5] =	sst s2  }
0x8f: {  	_ = 	snop  }
0x90: {  	(tm) =	ssettm $0x1  }
0x91: {  	s17 =	sld [smem:$0x3FFB];
	_ =	sdelay $0x3  }
0x92: {  	_ =	strace s17  }
0x93: {  	s2 =	sld [smem:$0x3FFC];
	_ =	sdelay $0x3  }
0x94: {  	_ =	strace s2  }
0x95: {  	s2 =	sld [smem:$0x3FFD];
	_ =	sdelay $0x3  }
0x96: {  	_ =	strace s2  }
0x97: {  	_ =	strace $0x8FFFFFFF  }
0x98: {  	s18 =	sld [smem:$0x3FDB];
	_ =	sdelay $0x1  }
0x99: {  	s19 =	simm.s32 $_scs_section_size  }
0x9a: {  	s4 =	simm.s32 $_size__tile_overlayer_lowered;
	s5 =	simm.s32 $_tile_overlayer_lowered  }
0x9b: {  	s22 =	simm.s32 $0x1BFF;
	s21 =	sshll.u32 s5, $0x1;
	s2 =	sadd.s32 s19, s18  }
0x9c: {  	s6 =	simm.s32 $0x0;
	s20 =	sshll.u32 s4, $0x1;
	s4 =	sadd.s32 s21, s2  }
0x9d: {  	[timem:s6], [sflag:s22] =	dma.local [hbm:s4], s20  }
0x9e: {  	_ =	swait.ge [sflag:s22], s20  }
0x9f: {  	s3 =	ssub.s32 $0x0, s20;
	[sflag:s22] =	ssyncset.done $0x0  }
0xa0: {  	[sflag:s22] =	ssyncadd.s32 s3;
	_ =	sdelay $0x1  }
0xa1: {  	s23 =	simm.s32 $0x1B8B  }
0xa2: {  	_ =	swait.ge [sflag:s23], $0x1  }
0xa3: {  	[sflag:s23] =	ssyncset.done $0x0  }
0xa4: {  	s25 =	simm.s32 $0x1B8E;
	s24 =	sld [smem:$0x3FFE];
	[sflag:s23] =	ssyncadd.s32 $0xFFFFFFFF  }
0xa5: {  	s26 =	simm.s32 $execute0_lowered;
	[smem:$0x3FD2] =	sst s25  }
0xa6: {  	s4 =	sshll.u32 s26, $0x1;
	_ =	strace $0x80000046;
	[dreg:$0x1] =	wrdreg $0xFFFFFFFF  }
0xa7: {  	s28 =	simm.s32 $_size_execute0_lowered;
	s2 =	sadd.s32 s2, s4;
	[dreg:$0x0] =	wrdreg $0x0  }
0xa8: {  	s4 =	sshll.u32 s28, $0x1;
	[dreg:$0x2] =	wrdreg s2  }
0xa9: {  	[dreg:$0x3] =	wrdreg s4  }
0xaa: {  	[dreg:$0x4] =	wrdreg $0xC0  }
0xab: {  	_ =	task [dreg:s6], $0x5FFFF  }
0xac: {  	[dreg:$0x1] =	wrdreg $0xFFFFFFFF  }
0xad: {  	[dreg:$0x0] =	wrdreg $0x60  }
0xae: {  	[dreg:$0x2] =	wrdreg s24  }
0xaf: {  	[dreg:$0x3] =	wrdreg $0x1C000  }
0xb0: {  	[dreg:$0x4] =	wrdreg $0x26800  }
0xb1: {  	[dreg:$0x5] =	wrdreg $0x31000  }
0xb2: {  	[dreg:$0x6] =	wrdreg $0x3B800  }
0xb3: {  	[dreg:$0x7] =	wrdreg $0x46000  }
0xb4: {  	[dreg:$0x8] =	wrdreg $0x50800  }
0xb5: {  	[dreg:$0x9] =	wrdreg $0x9  }
0xb6: {  	_ =	task.clear_ibuf [dreg:s6], $0xAFFFF;
	_ =	strace $0x90000046  }
0xb7: {  	s29 =	simm.s32 $0x9;
	_ =	strace $0x80000048  }
0xb8: {  	_ =	swait.ge [sflag:s29], $0x1  }
0xb9: {  	[sflag:s29] =	ssyncadd.s32 $0xFFFFFFFF  }
0xba: {  	_ =	strace $0x90000048  }
0xbb: {  	_ =	sfence  }
0xbc: {  	s30 =	sld [smem:$0x0];
	_ =	sdelay $0x2  }
0xbd: {  	s31 =	sshll.u32 s1, $0xD;
	s1 =	sshrl.u32 s1, $0x2  }
0xbe: {  	s3 =	sand.u32 $0x4000, s31;
	s1 =	sadd.s32 s1, s30  }
0xbf: {  	s0 =	sor.u32 s3, s0;
	s1 =	sshll.u32 s1, $0x11  }
0xc0: {  	s0 =	sor.u32 s1, s0  }
0xc1: {  	s0 =	sadd.s32 $0x8F2B, s0  }
0xc2: {  	[sflag:s0] =	ssyncadd.remote.s32 $0x1  }
0xc3: {  	_ =	sfence.sel $0xFFFF  }
0xc4: {  	[dreg:$0x0] =	wrdreg $0xFFFFFFFF;
	(pc) =	sbr.abs _section_cstart, $3  }
0xc5: {  	[dreg:$0x1] =	wrdreg $0xFFFFFFFF  }
0xc6: {  	_ =	task.clear_ibuf [dreg:s6], $0x2FFFF;
	_ =	strace $0x9FFFFFFF  }
0xc7: {  	(tm) =	ssettm $0x7FFFFFFF  }
tec
execute0_lowered:
.L_overlay_start_1:
0x0: {  	(tag) =	ssettag $0x1  }
0x1: {  	s2 =	rddreg [dreg:$0x0]  }
0x2: {  	s0 =	rddreg [dreg:$0x1]  }
0x3: {  	s1 =	rddreg [dreg:$0x2]  }
0x4: {  	s3 =	rddreg [dreg:$0x3]  }
0x5: {  	s4 =	rddreg [dreg:$0x4]  }
0x6: {  	s5 =	rddreg [dreg:$0x5]  }
0x7: {  	s6 =	simm.s32 $0x0;
	s21 =	stileid.u32;
	s7 =	srdreg.scid  }
0x8: {  	[smem:$0x7FF] =	sst s6;
	s8 =	smul.u32 $0x180, s21  }
0x9: {  	s7 =	sand.u32 $0x1, s7;
	s9 =	sadd.s32 $0x2C00, s2;
	s19 =	sshll.u32 s21, $0x8  }
0xa: {  	s11 =	smul.u32 $0x1800, s7;
	s18 =	ssub.s32 $0x2, s7;
	s7 =	sshll.u32 s7, $0x7  }
0xb: {  	s10 =	sadd.s32 $0x3E00, s2;
	s12 =	sadd.s32 $0x5000, s2;
	s7 =	sor.u32 s7, s19  }
0xc: {  	s13 =	sadd.s32 $0x6200, s2;
	s14 =	sadd.s32 $0x7400, s2;
	s22 =	sadd.s32 s9, s7  }
0xd: {  	s15 =	sadd.s32 $0x8600, s2;
	s23 =	sadd.s32 s10, s7;
	[dreg:$0x8] =	wrdreg s22  }
0xe: {  	s17 =	sadd.s32 $0x9800, s2;
	s24 =	sadd.s32 s12, s7;
	[dreg:$0x9] =	wrdreg s23  }
0xf: {  	s16 =	sshrl.u32 s8, $0x3;
	s25 =	sadd.s32 s13, s7;
	[dreg:$0xa] =	wrdreg s24  }
0x10: {  	s20 =	sshrl.u32 s18, $0x1;
	s26 =	sadd.s32 s14, s7;
	[dreg:$0xb] =	wrdreg s25  }
0x11: {  	s11 =	sadd.s32 s8, s11;
	s19 =	sadd.s32 s15, s7;
	[dreg:$0xc] =	wrdreg s26  }
0x12: {  	s16 =	sadd.s32 s16, s2;
	s11 =	sshrl.u32 s11, $0x3;
	[dreg:$0xd] =	wrdreg s19  }
0x13: {  	s2 =	sadd.s32 s11, s2;
	s11 =	ssub.s32 s18, s20;
	s20 =	sadd.s32 s17, s7  }
0x14: {  	s7 =	sor.u32 $0x1000, s7;
	[dreg:$0xe] =	wrdreg s20  }
0x15: {  	s9 =	sadd.s32 s9, s7;
	s20 =	rddreg [dreg:$0x6]  }
0x16: {  	s22 =	sadd.s32 s10, s7;
	[dreg:$0xf] =	wrdreg s9  }
0x17: {  	s23 =	sadd.s32 s12, s7;
	[dreg:$0x10] =	wrdreg s22  }
0x18: {  	s24 =	sadd.s32 s13, s7;
	[dreg:$0x11] =	wrdreg s23  }
0x19: {  	s28 =	simm.s32 $0x1000;
	s25 =	sadd.s32 s14, s7;
	[dreg:$0x12] =	wrdreg s24  }
0x1a: {  	s29 =	simm.s32 $0x1400;
	s26 =	sadd.s32 s15, s7;
	[dreg:$0x13] =	wrdreg s25  }
0x1b: {  	s30 =	simm.s32 $0x1800;
	s7 =	sadd.s32 s17, s7;
	[dreg:$0x14] =	wrdreg s26  }
0x1c: {  	s31 =	simm.s32 $0x1;
	s12 =	sadd.s32 s8, s0;
	[dreg:$0x15] =	wrdreg s7  }
0x1d: {  	s13 =	sadd.s32 s8, s1;
	_ =	strace $0x80000047;
	[dreg:$0x16] =	wrdreg s12  }
0x1e: {  	p0 =	sgt.u32 s21, $0x1;
	s14 =	sadd.s32 s8, s3;
	[dreg:$0x17] =	wrdreg s13  }
0x1f: {  	s10 =	sshll.u32 s21, $0x6;
	s15 =	sadd.s32 s8, s4;
	[dreg:$0x18] =	wrdreg s14  }
0x20: {  	s23 =	sadd.s32 $0xAA00, s16;
	s16 =	sadd.s32 s8, s5;
	[dreg:$0x19] =	wrdreg s15  }
0x21: {  	s18 =	sadd.s32 $0xAE00, s2;
	s17 =	sadd.s32 s8, s20;
	[dreg:$0x1a] =	wrdreg s16  }
0x22: {  	s19 =	sadd.s32 $0xB400, s2;
	s21 =	simm.s32 $0x2;
	[dreg:$0x1b] =	wrdreg s17  }
0x23: {  	s24 =	sor.u32 $0x1C02, s10;
	s22 =	sadd.s32 $0xBA00, s2;
	[dreg:$0x1c] =	wrdreg s18  }
0x24: {  	s25 =	sadd.s32 $0xC000, s2;
	s26 =	sadd.s32 $0xC600, s2;
	[dreg:$0x1d] =	wrdreg s19  }
.Ltmp0:
0x25: {  	s2 =	sadd.s32 $0xCC00, s2;
	[dreg:$0x1e] =	wrdreg s22;
	(pc) =	sbr.rel .LBB2_1-.Ltmp0, $4  }
0x26: {  	s7 =	simm.s32 $0x80;
	s8 =	simm.s32 $0x100;
	[dreg:$0x1f] =	wrdreg s25  }
0x27: {  	s9 =	simm.s32 $0x180;
	s10 =	simm.s32 $0x200;
	[smem:$0x7FC] =	sst s26  }
0x28: {  	[smem:$0x7FD] =	sst s2;
	s19 =	smax.u32 s11, $0x1;
	s11 =	simm.s32 $0x280  }
0x29: {  	s12 =	simm.s32 $0x300;
	s13 =	simm.s32 $0x380;
	s26 =	simm.s32 $0xC00  }
.LBB2_3:
0x2a: {  	[bflag:$0x0] =	sbarrier.arrive $0xFFFF  }
0x2b: {  	s22 =	rddreg [dreg:$0x1c]  }
0x2c: {  	[hbm:s22], [sflag:s24] =	dma.local [spmem:s16], $0x30  }
0x2d: {  	_ =	swait.ge [sflag:s21], $0x30  }
0x2e: {  	[sflag:s21] =	ssyncset.done $0x0  }
0x2f: {  	s22 =	rddreg [dreg:$0x1d];
	[sflag:s21] =	ssyncadd.s32 $0xFFFFFFD0  }
0x30: {  	[hbm:s22], [sflag:s24] =	dma.local [spmem:s2], $0x30  }
0x31: {  	_ =	swait.ge [sflag:s21], $0x30  }
0x32: {  	[sflag:s21] =	ssyncset.done $0x0  }
0x33: {  	s25 =	rddreg [dreg:$0x1e];
	[sflag:s21] =	ssyncadd.s32 $0xFFFFFFD0  }
0x34: {  	[hbm:s25], [sflag:s24] =	dma.local [spmem:s14], $0x30  }
0x35: {  	_ =	swait.ge [sflag:s21], $0x30  }
0x36: {  	[sflag:s21] =	ssyncset.done $0x0  }
0x37: {  	s16 =	rddreg [dreg:$0x1f];
	[sflag:s21] =	ssyncadd.s32 $0xFFFFFFD0  }
0x38: {  	[hbm:s16], [sflag:s24] =	dma.local [spmem:s15], $0x30  }
0x39: {  	_ =	swait.ge [sflag:s21], $0x30  }
0x3a: {  	s22 =	sld [smem:$0x7FC]  }
0x3b: {  	[sflag:s21] =	ssyncset.done $0x0  }
0x3c: {  	[sflag:s21] =	ssyncadd.s32 $0xFFFFFFD0  }
0x3d: {  	[hbm:s22], [sflag:s24] =	dma.local [spmem:s17], $0x30  }
0x3e: {  	_ =	swait.ge [sflag:s21], $0x30  }
0x3f: {  	s19 =	sadd.s32 $0xFFFFFFFF, s19;
	s25 =	sld [smem:$0x7FD]  }
0x40: {  	p1 =	sne.s32 s19, $0x0;
	[sflag:s21] =	ssyncset.done $0x0  }
.Ltmp1:
0x41: {  	[sflag:s21] =	ssyncadd.s32 $0xFFFFFFD0;
	(pc) =	sbr.rel @!p1 .LBB2_4-.Ltmp1, $4  }
0x42: {  	[hbm:s25], [sflag:s24] =	dma.local [spmem:s18], $0x30  }
0x43: {  	_ =	swait.ge [sflag:s21], $0x30  }
0x44: {  	[sflag:s21] =	ssyncset.done $0x0  }
0x45: {  	[sflag:s21] =	ssyncadd.s32 $0xFFFFFFD0  }
.LBB2_1:
0x46: {  	s2 =	rddreg [dreg:$0x16]  }
0x47: {  	s16 =	sshrl.u32 s2, $0x3  }
0x48: {  	[spmem:s16], [sflag:s24] =	dma.local [hbm:s23], $0x30  }
0x49: {  	_ =	swait.ge [sflag:s21], $0x30  }
0x4a: {  	[sflag:s21] =	ssyncset.done $0x0;
	s22 =	rddreg [dreg:$0x17]  }
0x4b: {  	[sflag:s21] =	ssyncadd.s32 $0xFFFFFFD0;
	s2 =	sshrl.u32 s22, $0x3  }
0x4c: {  	[spmem:s2], [sflag:s24] =	dma.local [hbm:s23], $0x30  }
0x4d: {  	_ =	swait.ge [sflag:s21], $0x30  }
0x4e: {  	[sflag:s21] =	ssyncset.done $0x0;
	s14 =	rddreg [dreg:$0x18]  }
0x4f: {  	[sflag:s21] =	ssyncadd.s32 $0xFFFFFFD0;
	s14 =	sshrl.u32 s14, $0x3  }
0x50: {  	[spmem:s14], [sflag:s24] =	dma.local [hbm:s23], $0x30  }
0x51: {  	_ =	swait.ge [sflag:s21], $0x30  }
0x52: {  	[sflag:s21] =	ssyncset.done $0x0;
	s15 =	rddreg [dreg:$0x19]  }
0x53: {  	[sflag:s21] =	ssyncadd.s32 $0xFFFFFFD0;
	s15 =	sshrl.u32 s15, $0x3  }
0x54: {  	[spmem:s15], [sflag:s24] =	dma.local [hbm:s23], $0x30  }
0x55: {  	_ =	swait.ge [sflag:s21], $0x30  }
0x56: {  	[sflag:s21] =	ssyncset.done $0x0;
	s17 =	rddreg [dreg:$0x1a]  }
0x57: {  	[sflag:s21] =	ssyncadd.s32 $0xFFFFFFD0;
	s17 =	sshrl.u32 s17, $0x3  }
0x58: {  	[spmem:s17], [sflag:s24] =	dma.local [hbm:s23], $0x30  }
0x59: {  	_ =	swait.ge [sflag:s21], $0x30  }
0x5a: {  	[sflag:s21] =	ssyncset.done $0x0;
	s18 =	rddreg [dreg:$0x1b]  }
0x5b: {  	[sflag:s21] =	ssyncadd.s32 $0xFFFFFFD0;
	s18 =	sshrl.u32 s18, $0x3  }
0x5c: {  	[spmem:s18], [sflag:s24] =	dma.local [hbm:s23], $0x30  }
0x5d: {  	_ =	swait.ge [sflag:s21], $0x30  }
0x5e: {  	[sflag:s21] =	ssyncset.done $0x0  }
0x5f: {  	[sflag:s21] =	ssyncadd.s32 $0xFFFFFFD0  }
0x60: {  	[bflag:$0x0] =	sbarrier.arrive $0xFFFF  }
0x61: {  	s22 =	rddreg [dreg:$0x8]  }
0x62: {  	[tilespmem:s6], [sflag:$0x2] =	stream.linear.gather [hbm4b:s22+s6], $0x400, $0x38;
	[tilespmem:$0x5B00] =	vst v63  }
0x63: {  	_ =	swait.ge [sflag:s21], $0x400  }
0x64: {  	[sflag:s21] =	ssyncset.done $0x0  }
0x65: {  	s25 =	simm.s32 $0x400;
	s22 =	rddreg [dreg:$0x9];
	[sflag:s21] =	ssyncadd.s32 $0xFFFFFC00  }
0x66: {  	[tilespmem:s25], [sflag:$0x2] =	stream.linear.gather [hbm4b:s22+s6], $0x400, $0x38;
	[tilespmem:$0x5B00] =	vst v63  }
0x67: {  	_ =	swait.ge [sflag:s21], $0x400  }
0x68: {  	[sflag:s21] =	ssyncset.done $0x0  }
0x69: {  	[sflag:s21] =	ssyncadd.s32 $0xFFFFFC00  }
0x6a: {  	[spmem:s0] =	stream.indirect.scatter.add.f32 [tilespmem:s25], [sflag:$0x1], $0x1, s6, s7, $0xb8;
	[tilespmem:$0x5B00] =	vst v63  }
0x6b: {  	s25 =	simm.s32 $0x480  }
0x6c: {  	[spmem:s0] =	stream.indirect.scatter.add.f32 [tilespmem:s25], [sflag:$0x1], $0x1, s7, s7, $0xb8;
	[tilespmem:$0x5B00] =	vst v63  }
0x6d: {  	s25 =	simm.s32 $0x500  }
0x6e: {  	[spmem:s0] =	stream.indirect.scatter.add.f32 [tilespmem:s25], [sflag:$0x1], $0x1, s8, s7, $0xb8;
	[tilespmem:$0x5B00] =	vst v63  }
0x6f: {  	s25 =	simm.s32 $0x580  }
0x70: {  	[spmem:s0] =	stream.indirect.scatter.add.f32 [tilespmem:s25], [sflag:$0x1], $0x1, s9, s7, $0xb8;
	[tilespmem:$0x5B00] =	vst v63  }
0x71: {  	s25 =	simm.s32 $0x600  }
0x72: {  	[spmem:s0] =	stream.indirect.scatter.add.f32 [tilespmem:s25], [sflag:$0x1], $0x1, s10, s7, $0xb8;
	[tilespmem:$0x5B00] =	vst v63  }
0x73: {  	s25 =	simm.s32 $0x680  }
0x74: {  	[spmem:s0] =	stream.indirect.scatter.add.f32 [tilespmem:s25], [sflag:$0x1], $0x1, s11, s7, $0xb8;
	[tilespmem:$0x5B00] =	vst v63  }
0x75: {  	s25 =	simm.s32 $0x700  }
0x76: {  	[spmem:s0] =	stream.indirect.scatter.add.f32 [tilespmem:s25], [sflag:$0x1], $0x1, s12, s7, $0xb8;
	[tilespmem:$0x5B00] =	vst v63  }
0x77: {  	s25 =	simm.s32 $0x780  }
0x78: {  	[spmem:s0] =	stream.indirect.scatter.add.f32 [tilespmem:s25], [sflag:$0x1], $0x1, s13, s7, $0xb8;
	[tilespmem:$0x5B00] =	vst v63  }
0x79: {  	s22 =	rddreg [dreg:$0xa];
	s25 =	simm.s32 $0x800  }
0x7a: {  	[tilespmem:s25], [sflag:$0x2] =	stream.linear.gather [hbm4b:s22+s6], $0x400, $0x38;
	[tilespmem:$0x5B00] =	vst v63  }
0x7b: {  	_ =	swait.ge [sflag:s21], $0x400  }
0x7c: {  	[sflag:s21] =	ssyncset.done $0x0  }
0x7d: {  	[sflag:s21] =	ssyncadd.s32 $0xFFFFFC00  }
0x7e: {  	[spmem:s1] =	stream.indirect.scatter.add.f32 [tilespmem:s25], [sflag:$0x1], $0x1, s6, s7, $0xb8;
	[tilespmem:$0x5B00] =	vst v63  }
0x7f: {  	s25 =	simm.s32 $0x880  }
0x80: {  	[spmem:s1] =	stream.indirect.scatter.add.f32 [tilespmem:s25], [sflag:$0x1], $0x1, s7, s7, $0xb8;
	[tilespmem:$0x5B00] =	vst v63  }
0x81: {  	s25 =	simm.s32 $0x900  }
0x82: {  	[spmem:s1] =	stream.indirect.scatter.add.f32 [tilespmem:s25], [sflag:$0x1], $0x1, s8, s7, $0xb8;
	[tilespmem:$0x5B00] =	vst v63  }
0x83: {  	s25 =	simm.s32 $0x980  }
0x84: {  	[spmem:s1] =	stream.indirect.scatter.add.f32 [tilespmem:s25], [sflag:$0x1], $0x1, s9, s7, $0xb8;
	[tilespmem:$0x5B00] =	vst v63  }
0x85: {  	s25 =	simm.s32 $0xA00  }
0x86: {  	[spmem:s1] =	stream.indirect.scatter.add.f32 [tilespmem:s25], [sflag:$0x1], $0x1, s10, s7, $0xb8;
	[tilespmem:$0x5B00] =	vst v63  }
0x87: {  	s25 =	simm.s32 $0xA80  }
0x88: {  	[spmem:s1] =	stream.indirect.scatter.add.f32 [tilespmem:s25], [sflag:$0x1], $0x1, s11, s7, $0xb8;
	[tilespmem:$0x5B00] =	vst v63  }
0x89: {  	s25 =	simm.s32 $0xB00  }
0x8a: {  	[spmem:s1] =	stream.indirect.scatter.add.f32 [tilespmem:s25], [sflag:$0x1], $0x1, s12, s7, $0xb8;
	[tilespmem:$0x5B00] =	vst v63  }
0x8b: {  	s25 =	simm.s32 $0xB80  }
0x8c: {  	[spmem:s1] =	stream.indirect.scatter.add.f32 [tilespmem:s25], [sflag:$0x1], $0x1, s13, s7, $0xb8;
	[tilespmem:$0x5B00] =	vst v63  }
0x8d: {  	s25 =	rddreg [dreg:$0xb]  }
0x8e: {  	[tilespmem:s26], [sflag:$0x2] =	stream.linear.gather [hbm4b:s25+s6], $0x400, $0x38;
	[tilespmem:$0x5B00] =	vst v63  }
0x8f: {  	_ =	swait.ge [sflag:s21], $0x400  }
0x90: {  	[sflag:s21] =	ssyncset.done $0x0  }
0x91: {  	[sflag:s21] =	ssyncadd.s32 $0xFFFFFC00  }
0x92: {  	[spmem:s3] =	stream.indirect.scatter.add.f32 [tilespmem:s26], [sflag:$0x1], $0x1, s6, s7, $0xb8;
	[tilespmem:$0x5B00] =	vst v63  }
0x93: {  	s25 =	simm.s32 $0xC80  }
0x94: {  	[spmem:s3] =	stream.indirect.scatter.add.f32 [tilespmem:s25], [sflag:$0x1], $0x1, s7, s7, $0xb8;
	[tilespmem:$0x5B00] =	vst v63  }
0x95: {  	s25 =	simm.s32 $0xD00  }
0x96: {  	[spmem:s3] =	stream.indirect.scatter.add.f32 [tilespmem:s25], [sflag:$0x1], $0x1, s8, s7, $0xb8;
	[tilespmem:$0x5B00] =	vst v63  }
0x97: {  	s25 =	simm.s32 $0xD80  }
0x98: {  	[spmem:s3] =	stream.indirect.scatter.add.f32 [tilespmem:s25], [sflag:$0x1], $0x1, s9, s7, $0xb8;
	[tilespmem:$0x5B00] =	vst v63  }
0x99: {  	s25 =	simm.s32 $0xE00  }
0x9a: {  	[spmem:s3] =	stream.indirect.scatter.add.f32 [tilespmem:s25], [sflag:$0x1], $0x1, s10, s7, $0xb8;
	[tilespmem:$0x5B00] =	vst v63  }
0x9b: {  	s25 =	simm.s32 $0xE80  }
0x9c: {  	[spmem:s3] =	stream.indirect.scatter.add.f32 [tilespmem:s25], [sflag:$0x1], $0x1, s11, s7, $0xb8;
	[tilespmem:$0x5B00] =	vst v63  }
0x9d: {  	s25 =	simm.s32 $0xF00  }
0x9e: {  	[spmem:s3] =	stream.indirect.scatter.add.f32 [tilespmem:s25], [sflag:$0x1], $0x1, s12, s7, $0xb8;
	[tilespmem:$0x5B00] =	vst v63  }
0x9f: {  	s25 =	simm.s32 $0xF80  }
0xa0: {  	[spmem:s3] =	stream.indirect.scatter.add.f32 [tilespmem:s25], [sflag:$0x1], $0x1, s13, s7, $0xb8;
	[tilespmem:$0x5B00] =	vst v63  }
0xa1: {  	s25 =	rddreg [dreg:$0xc]  }
0xa2: {  	[tilespmem:s28], [sflag:$0x2] =	stream.linear.gather [hbm4b:s25+s6], $0x400, $0x38;
	[tilespmem:$0x5B00] =	vst v63  }
0xa3: {  	_ =	swait.ge [sflag:s21], $0x400  }
0xa4: {  	[sflag:s21] =	ssyncset.done $0x0  }
0xa5: {  	[sflag:s21] =	ssyncadd.s32 $0xFFFFFC00  }
0xa6: {  	[spmem:s4] =	stream.indirect.scatter.add.f32 [tilespmem:s28], [sflag:$0x1], $0x1, s6, s7, $0xb8;
	[tilespmem:$0x5B00] =	vst v63  }
0xa7: {  	s25 =	simm.s32 $0x1080  }
0xa8: {  	[spmem:s4] =	stream.indirect.scatter.add.f32 [tilespmem:s25], [sflag:$0x1], $0x1, s7, s7, $0xb8;
	[tilespmem:$0x5B00] =	vst v63  }
0xa9: {  	s25 =	simm.s32 $0x1100  }
0xaa: {  	[spmem:s4] =	stream.indirect.scatter.add.f32 [tilespmem:s25], [sflag:$0x1], $0x1, s8, s7, $0xb8;
	[tilespmem:$0x5B00] =	vst v63  }
0xab: {  	s25 =	simm.s32 $0x1180  }
0xac: {  	[spmem:s4] =	stream.indirect.scatter.add.f32 [tilespmem:s25], [sflag:$0x1], $0x1, s9, s7, $0xb8;
	[tilespmem:$0x5B00] =	vst v63  }
0xad: {  	s25 =	simm.s32 $0x1200  }
0xae: {  	[spmem:s4] =	stream.indirect.scatter.add.f32 [tilespmem:s25], [sflag:$0x1], $0x1, s10, s7, $0xb8;
	[tilespmem:$0x5B00] =	vst v63  }
0xaf: {  	s25 =	simm.s32 $0x1280  }
0xb0: {  	[spmem:s4] =	stream.indirect.scatter.add.f32 [tilespmem:s25], [sflag:$0x1], $0x1, s11, s7, $0xb8;
	[tilespmem:$0x5B00] =	vst v63  }
0xb1: {  	s25 =	simm.s32 $0x1300  }
0xb2: {  	[spmem:s4] =	stream.indirect.scatter.add.f32 [tilespmem:s25], [sflag:$0x1], $0x1, s12, s7, $0xb8;
	[tilespmem:$0x5B00] =	vst v63  }
0xb3: {  	s25 =	simm.s32 $0x1380  }
0xb4: {  	[spmem:s4] =	stream.indirect.scatter.add.f32 [tilespmem:s25], [sflag:$0x1], $0x1, s13, s7, $0xb8;
	[tilespmem:$0x5B00] =	vst v63  }
0xb5: {  	s25 =	rddreg [dreg:$0xd]  }
0xb6: {  	[tilespmem:s29], [sflag:$0x2] =	stream.linear.gather [hbm4b:s25+s6], $0x400, $0x38;
	[tilespmem:$0x5B00] =	vst v63  }
0xb7: {  	_ =	swait.ge [sflag:s21], $0x400  }
0xb8: {  	[sflag:s21] =	ssyncset.done $0x0  }
0xb9: {  	[sflag:s21] =	ssyncadd.s32 $0xFFFFFC00  }
0xba: {  	[spmem:s5] =	stream.indirect.scatter.add.f32 [tilespmem:s29], [sflag:$0x1], $0x1, s6, s7, $0xb8;
	[tilespmem:$0x5B00] =	vst v63  }
0xbb: {  	s25 =	simm.s32 $0x1480  }
0xbc: {  	[spmem:s5] =	stream.indirect.scatter.add.f32 [tilespmem:s25], [sflag:$0x1], $0x1, s7, s7, $0xb8;
	[tilespmem:$0x5B00] =	vst v63  }
0xbd: {  	s25 =	simm.s32 $0x1500  }
0xbe: {  	[spmem:s5] =	stream.indirect.scatter.add.f32 [tilespmem:s25], [sflag:$0x1], $0x1, s8, s7, $0xb8;
	[tilespmem:$0x5B00] =	vst v63  }
0xbf: {  	s25 =	simm.s32 $0x1580  }
0xc0: {  	[spmem:s5] =	stream.indirect.scatter.add.f32 [tilespmem:s25], [sflag:$0x1], $0x1, s9, s7, $0xb8;
	[tilespmem:$0x5B00] =	vst v63  }
0xc1: {  	s25 =	simm.s32 $0x1600  }
0xc2: {  	[spmem:s5] =	stream.indirect.scatter.add.f32 [tilespmem:s25], [sflag:$0x1], $0x1, s10, s7, $0xb8;
	[tilespmem:$0x5B00] =	vst v63  }
0xc3: {  	s25 =	simm.s32 $0x1680  }
0xc4: {  	[spmem:s5] =	stream.indirect.scatter.add.f32 [tilespmem:s25], [sflag:$0x1], $0x1, s11, s7, $0xb8;
	[tilespmem:$0x5B00] =	vst v63  }
0xc5: {  	s25 =	simm.s32 $0x1700  }
0xc6: {  	[spmem:s5] =	stream.indirect.scatter.add.f32 [tilespmem:s25], [sflag:$0x1], $0x1, s12, s7, $0xb8;
	[tilespmem:$0x5B00] =	vst v63  }
0xc7: {  	s25 =	simm.s32 $0x1780  }
0xc8: {  	[spmem:s5] =	stream.indirect.scatter.add.f32 [tilespmem:s25], [sflag:$0x1], $0x1, s13, s7, $0xb8;
	[tilespmem:$0x5B00] =	vst v63  }
0xc9: {  	s25 =	rddreg [dreg:$0xe]  }
0xca: {  	[tilespmem:s30], [sflag:$0x2] =	stream.linear.gather [hbm4b:s25+s6], $0x400, $0x38;
	[tilespmem:$0x5B00] =	vst v63  }
0xcb: {  	_ =	swait.ge [sflag:s21], $0x400  }
0xcc: {  	[sflag:s21] =	ssyncset.done $0x0  }
0xcd: {  	[sflag:s21] =	ssyncadd.s32 $0xFFFFFC00  }
0xce: {  	[spmem:s20] =	stream.indirect.scatter.add.f32 [tilespmem:s30], [sflag:$0x1], $0x1, s6, s7, $0xb8;
	[tilespmem:$0x5B00] =	vst v63  }
0xcf: {  	s25 =	simm.s32 $0x1880  }
0xd0: {  	[spmem:s20] =	stream.indirect.scatter.add.f32 [tilespmem:s25], [sflag:$0x1], $0x1, s7, s7, $0xb8;
	[tilespmem:$0x5B00] =	vst v63  }
0xd1: {  	s25 =	simm.s32 $0x1900  }
0xd2: {  	[spmem:s20] =	stream.indirect.scatter.add.f32 [tilespmem:s25], [sflag:$0x1], $0x1, s8, s7, $0xb8;
	[tilespmem:$0x5B00] =	vst v63  }
0xd3: {  	s25 =	simm.s32 $0x1980  }
0xd4: {  	[spmem:s20] =	stream.indirect.scatter.add.f32 [tilespmem:s25], [sflag:$0x1], $0x1, s9, s7, $0xb8;
	[tilespmem:$0x5B00] =	vst v63  }
0xd5: {  	s25 =	simm.s32 $0x1A00  }
0xd6: {  	[spmem:s20] =	stream.indirect.scatter.add.f32 [tilespmem:s25], [sflag:$0x1], $0x1, s10, s7, $0xb8;
	[tilespmem:$0x5B00] =	vst v63  }
0xd7: {  	s25 =	simm.s32 $0x1A80  }
0xd8: {  	[spmem:s20] =	stream.indirect.scatter.add.f32 [tilespmem:s25], [sflag:$0x1], $0x1, s11, s7, $0xb8;
	[tilespmem:$0x5B00] =	vst v63  }
0xd9: {  	s25 =	simm.s32 $0x1B00  }
0xda: {  	[spmem:s20] =	stream.indirect.scatter.add.f32 [tilespmem:s25], [sflag:$0x1], $0x1, s12, s7, $0xb8;
	[tilespmem:$0x5B00] =	vst v63  }
0xdb: {  	s25 =	simm.s32 $0x1B80  }
0xdc: {  	[spmem:s20] =	stream.indirect.scatter.add.f32 [tilespmem:s25], [sflag:$0x1], $0x1, s13, s7, $0xb8;
	[tilespmem:$0x5B00] =	vst v63  }
0xdd: {  	_ =	swait.ge [sflag:s31], $0x80  }
0xde: {  	[sflag:s31] =	ssyncset.done $0x0  }
0xdf: {  	[sflag:s31] =	ssyncadd.s32 $0xFFFFFF80  }
0xe0: {  	_ =	swait.ge [sflag:s31], $0x80  }
0xe1: {  	[sflag:s31] =	ssyncset.done $0x0  }
0xe2: {  	[sflag:s31] =	ssyncadd.s32 $0xFFFFFF80  }
0xe3: {  	_ =	swait.ge [sflag:s31], $0x80  }
0xe4: {  	[sflag:s31] =	ssyncset.done $0x0  }
0xe5: {  	[sflag:s31] =	ssyncadd.s32 $0xFFFFFF80  }
0xe6: {  	_ =	swait.ge [sflag:s31], $0x80  }
0xe7: {  	[sflag:s31] =	ssyncset.done $0x0  }
0xe8: {  	[sflag:s31] =	ssyncadd.s32 $0xFFFFFF80  }
0xe9: {  	_ =	swait.ge [sflag:s31], $0x80  }
0xea: {  	[sflag:s31] =	ssyncset.done $0x0  }
0xeb: {  	[sflag:s31] =	ssyncadd.s32 $0xFFFFFF80  }
0xec: {  	_ =	swait.ge [sflag:s31], $0x80  }
0xed: {  	[sflag:s31] =	ssyncset.done $0x0  }
0xee: {  	[sflag:s31] =	ssyncadd.s32 $0xFFFFFF80  }
0xef: {  	_ =	swait.ge [sflag:s31], $0x80  }
0xf0: {  	[sflag:s31] =	ssyncset.done $0x0  }
0xf1: {  	[sflag:s31] =	ssyncadd.s32 $0xFFFFFF80  }
0xf2: {  	_ =	swait.ge [sflag:s31], $0x80  }
0xf3: {  	[sflag:s31] =	ssyncset.done $0x0  }
0xf4: {  	[sflag:s31] =	ssyncadd.s32 $0xFFFFFF80  }
0xf5: {  	_ =	swait.ge [sflag:s31], $0x80  }
0xf6: {  	[sflag:s31] =	ssyncset.done $0x0  }
0xf7: {  	[sflag:s31] =	ssyncadd.s32 $0xFFFFFF80  }
0xf8: {  	_ =	swait.ge [sflag:s31], $0x80  }
0xf9: {  	[sflag:s31] =	ssyncset.done $0x0  }
0xfa: {  	[sflag:s31] =	ssyncadd.s32 $0xFFFFFF80  }
0xfb: {  	_ =	swait.ge [sflag:s31], $0x80  }
0xfc: {  	[sflag:s31] =	ssyncset.done $0x0  }
0xfd: {  	[sflag:s31] =	ssyncadd.s32 $0xFFFFFF80  }
0xfe: {  	_ =	swait.ge [sflag:s31], $0x80  }
0xff: {  	[sflag:s31] =	ssyncset.done $0x0  }
0x100: {  	[sflag:s31] =	ssyncadd.s32 $0xFFFFFF80  }
0x101: {  	_ =	swait.ge [sflag:s31], $0x80  }
0x102: {  	[sflag:s31] =	ssyncset.done $0x0  }
0x103: {  	[sflag:s31] =	ssyncadd.s32 $0xFFFFFF80  }
0x104: {  	_ =	swait.ge [sflag:s31], $0x80  }
0x105: {  	[sflag:s31] =	ssyncset.done $0x0  }
0x106: {  	[sflag:s31] =	ssyncadd.s32 $0xFFFFFF80  }
0x107: {  	_ =	swait.ge [sflag:s31], $0x80  }
0x108: {  	[sflag:s31] =	ssyncset.done $0x0  }
0x109: {  	[sflag:s31] =	ssyncadd.s32 $0xFFFFFF80  }
0x10a: {  	_ =	swait.ge [sflag:s31], $0x80  }
0x10b: {  	[sflag:s31] =	ssyncset.done $0x0  }
0x10c: {  	[sflag:s31] =	ssyncadd.s32 $0xFFFFFF80  }
0x10d: {  	_ =	swait.ge [sflag:s31], $0x80  }
0x10e: {  	[sflag:s31] =	ssyncset.done $0x0  }
0x10f: {  	[sflag:s31] =	ssyncadd.s32 $0xFFFFFF80  }
0x110: {  	_ =	swait.ge [sflag:s31], $0x80  }
0x111: {  	[sflag:s31] =	ssyncset.done $0x0  }
0x112: {  	[sflag:s31] =	ssyncadd.s32 $0xFFFFFF80  }
0x113: {  	_ =	swait.ge [sflag:s31], $0x80  }
0x114: {  	[sflag:s31] =	ssyncset.done $0x0  }
0x115: {  	[sflag:s31] =	ssyncadd.s32 $0xFFFFFF80  }
0x116: {  	_ =	swait.ge [sflag:s31], $0x80  }
0x117: {  	[sflag:s31] =	ssyncset.done $0x0  }
0x118: {  	[sflag:s31] =	ssyncadd.s32 $0xFFFFFF80  }
0x119: {  	_ =	swait.ge [sflag:s31], $0x80  }
0x11a: {  	[sflag:s31] =	ssyncset.done $0x0  }
0x11b: {  	[sflag:s31] =	ssyncadd.s32 $0xFFFFFF80  }
0x11c: {  	_ =	swait.ge [sflag:s31], $0x80  }
0x11d: {  	[sflag:s31] =	ssyncset.done $0x0  }
0x11e: {  	[sflag:s31] =	ssyncadd.s32 $0xFFFFFF80  }
0x11f: {  	_ =	swait.ge [sflag:s31], $0x80  }
0x120: {  	[sflag:s31] =	ssyncset.done $0x0  }
0x121: {  	[sflag:s31] =	ssyncadd.s32 $0xFFFFFF80  }
0x122: {  	_ =	swait.ge [sflag:s31], $0x80  }
0x123: {  	[sflag:s31] =	ssyncset.done $0x0  }
0x124: {  	[sflag:s31] =	ssyncadd.s32 $0xFFFFFF80  }
0x125: {  	_ =	swait.ge [sflag:s31], $0x80  }
0x126: {  	[sflag:s31] =	ssyncset.done $0x0  }
0x127: {  	[sflag:s31] =	ssyncadd.s32 $0xFFFFFF80  }
0x128: {  	_ =	swait.ge [sflag:s31], $0x80  }
0x129: {  	[sflag:s31] =	ssyncset.done $0x0  }
0x12a: {  	[sflag:s31] =	ssyncadd.s32 $0xFFFFFF80  }
0x12b: {  	_ =	swait.ge [sflag:s31], $0x80  }
0x12c: {  	[sflag:s31] =	ssyncset.done $0x0  }
0x12d: {  	[sflag:s31] =	ssyncadd.s32 $0xFFFFFF80  }
0x12e: {  	_ =	swait.ge [sflag:s31], $0x80  }
0x12f: {  	[sflag:s31] =	ssyncset.done $0x0  }
0x130: {  	[sflag:s31] =	ssyncadd.s32 $0xFFFFFF80  }
0x131: {  	_ =	swait.ge [sflag:s31], $0x80  }
0x132: {  	[sflag:s31] =	ssyncset.done $0x0  }
0x133: {  	[sflag:s31] =	ssyncadd.s32 $0xFFFFFF80  }
0x134: {  	_ =	swait.ge [sflag:s31], $0x80  }
0x135: {  	[sflag:s31] =	ssyncset.done $0x0  }
0x136: {  	[sflag:s31] =	ssyncadd.s32 $0xFFFFFF80  }
0x137: {  	_ =	swait.ge [sflag:s31], $0x80  }
0x138: {  	[sflag:s31] =	ssyncset.done $0x0  }
0x139: {  	[sflag:s31] =	ssyncadd.s32 $0xFFFFFF80  }
0x13a: {  	_ =	swait.ge [sflag:s31], $0x80  }
0x13b: {  	[sflag:s31] =	ssyncset.done $0x0  }
0x13c: {  	[sflag:s31] =	ssyncadd.s32 $0xFFFFFF80  }
0x13d: {  	_ =	swait.ge [sflag:s31], $0x80  }
0x13e: {  	[sflag:s31] =	ssyncset.done $0x0  }
0x13f: {  	[sflag:s31] =	ssyncadd.s32 $0xFFFFFF80  }
0x140: {  	_ =	swait.ge [sflag:s31], $0x80  }
0x141: {  	[sflag:s31] =	ssyncset.done $0x0  }
0x142: {  	[sflag:s31] =	ssyncadd.s32 $0xFFFFFF80  }
0x143: {  	_ =	swait.ge [sflag:s31], $0x80  }
0x144: {  	[sflag:s31] =	ssyncset.done $0x0  }
0x145: {  	[sflag:s31] =	ssyncadd.s32 $0xFFFFFF80  }
0x146: {  	_ =	swait.ge [sflag:s31], $0x80  }
0x147: {  	[sflag:s31] =	ssyncset.done $0x0  }
0x148: {  	[sflag:s31] =	ssyncadd.s32 $0xFFFFFF80  }
0x149: {  	_ =	swait.ge [sflag:s31], $0x80  }
0x14a: {  	[sflag:s31] =	ssyncset.done $0x0  }
0x14b: {  	[sflag:s31] =	ssyncadd.s32 $0xFFFFFF80  }
0x14c: {  	_ =	swait.ge [sflag:s31], $0x80  }
0x14d: {  	[sflag:s31] =	ssyncset.done $0x0  }
0x14e: {  	[sflag:s31] =	ssyncadd.s32 $0xFFFFFF80  }
0x14f: {  	_ =	swait.ge [sflag:s31], $0x80  }
0x150: {  	[sflag:s31] =	ssyncset.done $0x0  }
0x151: {  	[sflag:s31] =	ssyncadd.s32 $0xFFFFFF80  }
0x152: {  	_ =	swait.ge [sflag:s31], $0x80  }
0x153: {  	[sflag:s31] =	ssyncset.done $0x0  }
0x154: {  	[sflag:s31] =	ssyncadd.s32 $0xFFFFFF80  }
0x155: {  	_ =	swait.ge [sflag:s31], $0x80  }
0x156: {  	[sflag:s31] =	ssyncset.done $0x0  }
0x157: {  	[sflag:s31] =	ssyncadd.s32 $0xFFFFFF80  }
0x158: {  	_ =	swait.ge [sflag:s31], $0x80  }
0x159: {  	[sflag:s31] =	ssyncset.done $0x0  }
0x15a: {  	[sflag:s31] =	ssyncadd.s32 $0xFFFFFF80  }
0x15b: {  	_ =	swait.ge [sflag:s31], $0x80  }
0x15c: {  	[sflag:s31] =	ssyncset.done $0x0  }
0x15d: {  	[sflag:s31] =	ssyncadd.s32 $0xFFFFFF80  }
0x15e: {  	_ =	swait.ge [sflag:s31], $0x80  }
0x15f: {  	[sflag:s31] =	ssyncset.done $0x0  }
0x160: {  	[sflag:s31] =	ssyncadd.s32 $0xFFFFFF80  }
0x161: {  	_ =	swait.ge [sflag:s31], $0x80  }
0x162: {  	[sflag:s31] =	ssyncset.done $0x0  }
0x163: {  	[sflag:s31] =	ssyncadd.s32 $0xFFFFFF80  }
0x164: {  	_ =	swait.ge [sflag:s31], $0x80  }
0x165: {  	[sflag:s31] =	ssyncset.done $0x0  }
0x166: {  	[sflag:s31] =	ssyncadd.s32 $0xFFFFFF80  }
0x167: {  	_ =	swait.ge [sflag:s31], $0x80  }
.Ltmp2:
0x168: {  	[sflag:s31] =	ssyncset.done $0x0;
	(pc) =	sbr.rel @p0 .LBB2_3-.Ltmp2, $4  }
0x169: {  	[sflag:s31] =	ssyncadd.s32 $0xFFFFFF80  }
0x16a: {  	_ =	swait.ge [sflag:s31], $0x80  }
0x16b: {  	[sflag:s31] =	ssyncset.done $0x0  }
0x16c: {  	[sflag:s31] =	ssyncadd.s32 $0xFFFFFF80  }
0x16d: {  	s22 =	rddreg [dreg:$0xf]  }
0x16e: {  	[tilespmem:s6], [sflag:$0x2] =	stream.linear.gather [hbm4b:s22+s6], $0x400, $0x38;
	[tilespmem:$0x5B00] =	vst v63  }
0x16f: {  	_ =	swait.ge [sflag:s21], $0x400  }
0x170: {  	[sflag:s21] =	ssyncset.done $0x0  }
0x171: {  	s25 =	simm.s32 $0x400;
	s22 =	rddreg [dreg:$0x10];
	[sflag:s21] =	ssyncadd.s32 $0xFFFFFC00  }
0x172: {  	[tilespmem:s25], [sflag:$0x2] =	stream.linear.gather [hbm4b:s22+s6], $0x400, $0x38;
	[tilespmem:$0x5B00] =	vst v63  }
0x173: {  	_ =	swait.ge [sflag:s21], $0x400  }
0x174: {  	[sflag:s21] =	ssyncset.done $0x0  }
0x175: {  	[sflag:s21] =	ssyncadd.s32 $0xFFFFFC00  }
0x176: {  	[spmem:s0] =	stream.indirect.scatter.add.f32 [tilespmem:s25], [sflag:$0x1], $0x1, s6, s7, $0xb8;
	[tilespmem:$0x5B00] =	vst v63  }
0x177: {  	s25 =	simm.s32 $0x480  }
0x178: {  	[spmem:s0] =	stream.indirect.scatter.add.f32 [tilespmem:s25], [sflag:$0x1], $0x1, s7, s7, $0xb8;
	[tilespmem:$0x5B00] =	vst v63  }
0x179: {  	s25 =	simm.s32 $0x500  }
0x17a: {  	[spmem:s0] =	stream.indirect.scatter.add.f32 [tilespmem:s25], [sflag:$0x1], $0x1, s8, s7, $0xb8;
	[tilespmem:$0x5B00] =	vst v63  }
0x17b: {  	s25 =	simm.s32 $0x580  }
0x17c: {  	[spmem:s0] =	stream.indirect.scatter.add.f32 [tilespmem:s25], [sflag:$0x1], $0x1, s9, s7, $0xb8;
	[tilespmem:$0x5B00] =	vst v63  }
0x17d: {  	s25 =	simm.s32 $0x600  }
0x17e: {  	[spmem:s0] =	stream.indirect.scatter.add.f32 [tilespmem:s25], [sflag:$0x1], $0x1, s10, s7, $0xb8;
	[tilespmem:$0x5B00] =	vst v63  }
0x17f: {  	s25 =	simm.s32 $0x680  }
0x180: {  	[spmem:s0] =	stream.indirect.scatter.add.f32 [tilespmem:s25], [sflag:$0x1], $0x1, s11, s7, $0xb8;
	[tilespmem:$0x5B00] =	vst v63  }
0x181: {  	s25 =	simm.s32 $0x700  }
0x182: {  	[spmem:s0] =	stream.indirect.scatter.add.f32 [tilespmem:s25], [sflag:$0x1], $0x1, s12, s7, $0xb8;
	[tilespmem:$0x5B00] =	vst v63  }
0x183: {  	s25 =	simm.s32 $0x780  }
0x184: {  	[spmem:s0] =	stream.indirect.scatter.add.f32 [tilespmem:s25], [sflag:$0x1], $0x1, s13, s7, $0xb8;
	[tilespmem:$0x5B00] =	vst v63  }
0x185: {  	s22 =	rddreg [dreg:$0x11];
	s25 =	simm.s32 $0x800  }
0x186: {  	[tilespmem:s25], [sflag:$0x2] =	stream.linear.gather [hbm4b:s22+s6], $0x400, $0x38;
	[tilespmem:$0x5B00] =	vst v63  }
0x187: {  	_ =	swait.ge [sflag:s21], $0x400  }
0x188: {  	[sflag:s21] =	ssyncset.done $0x0  }
0x189: {  	[sflag:s21] =	ssyncadd.s32 $0xFFFFFC00  }
0x18a: {  	[spmem:s1] =	stream.indirect.scatter.add.f32 [tilespmem:s25], [sflag:$0x1], $0x1, s6, s7, $0xb8;
	[tilespmem:$0x5B00] =	vst v63  }
0x18b: {  	s25 =	simm.s32 $0x880  }
0x18c: {  	[spmem:s1] =	stream.indirect.scatter.add.f32 [tilespmem:s25], [sflag:$0x1], $0x1, s7, s7, $0xb8;
	[tilespmem:$0x5B00] =	vst v63  }
0x18d: {  	s25 =	simm.s32 $0x900  }
0x18e: {  	[spmem:s1] =	stream.indirect.scatter.add.f32 [tilespmem:s25], [sflag:$0x1], $0x1, s8, s7, $0xb8;
	[tilespmem:$0x5B00] =	vst v63  }
0x18f: {  	s25 =	simm.s32 $0x980  }
0x190: {  	[spmem:s1] =	stream.indirect.scatter.add.f32 [tilespmem:s25], [sflag:$0x1], $0x1, s9, s7, $0xb8;
	[tilespmem:$0x5B00] =	vst v63  }
0x191: {  	s25 =	simm.s32 $0xA00  }
0x192: {  	[spmem:s1] =	stream.indirect.scatter.add.f32 [tilespmem:s25], [sflag:$0x1], $0x1, s10, s7, $0xb8;
	[tilespmem:$0x5B00] =	vst v63  }
0x193: {  	s25 =	simm.s32 $0xA80  }
0x194: {  	[spmem:s1] =	stream.indirect.scatter.add.f32 [tilespmem:s25], [sflag:$0x1], $0x1, s11, s7, $0xb8;
	[tilespmem:$0x5B00] =	vst v63  }
0x195: {  	s25 =	simm.s32 $0xB00  }
0x196: {  	[spmem:s1] =	stream.indirect.scatter.add.f32 [tilespmem:s25], [sflag:$0x1], $0x1, s12, s7, $0xb8;
	[tilespmem:$0x5B00] =	vst v63  }
0x197: {  	s25 =	simm.s32 $0xB80  }
0x198: {  	[spmem:s1] =	stream.indirect.scatter.add.f32 [tilespmem:s25], [sflag:$0x1], $0x1, s13, s7, $0xb8;
	[tilespmem:$0x5B00] =	vst v63  }
0x199: {  	s25 =	rddreg [dreg:$0x12]  }
0x19a: {  	[tilespmem:s26], [sflag:$0x2] =	stream.linear.gather [hbm4b:s25+s6], $0x400, $0x38;
	[tilespmem:$0x5B00] =	vst v63  }
0x19b: {  	_ =	swait.ge [sflag:s21], $0x400  }
0x19c: {  	[sflag:s21] =	ssyncset.done $0x0  }
0x19d: {  	[sflag:s21] =	ssyncadd.s32 $0xFFFFFC00  }
0x19e: {  	[spmem:s3] =	stream.indirect.scatter.add.f32 [tilespmem:s26], [sflag:$0x1], $0x1, s6, s7, $0xb8;
	[tilespmem:$0x5B00] =	vst v63  }
0x19f: {  	s25 =	simm.s32 $0xC80  }
0x1a0: {  	[spmem:s3] =	stream.indirect.scatter.add.f32 [tilespmem:s25], [sflag:$0x1], $0x1, s7, s7, $0xb8;
	[tilespmem:$0x5B00] =	vst v63  }
0x1a1: {  	s25 =	simm.s32 $0xD00  }
0x1a2: {  	[spmem:s3] =	stream.indirect.scatter.add.f32 [tilespmem:s25], [sflag:$0x1], $0x1, s8, s7, $0xb8;
	[tilespmem:$0x5B00] =	vst v63  }
0x1a3: {  	s25 =	simm.s32 $0xD80  }
0x1a4: {  	[spmem:s3] =	stream.indirect.scatter.add.f32 [tilespmem:s25], [sflag:$0x1], $0x1, s9, s7, $0xb8;
	[tilespmem:$0x5B00] =	vst v63  }
0x1a5: {  	s25 =	simm.s32 $0xE00  }
0x1a6: {  	[spmem:s3] =	stream.indirect.scatter.add.f32 [tilespmem:s25], [sflag:$0x1], $0x1, s10, s7, $0xb8;
	[tilespmem:$0x5B00] =	vst v63  }
0x1a7: {  	s25 =	simm.s32 $0xE80  }
0x1a8: {  	[spmem:s3] =	stream.indirect.scatter.add.f32 [tilespmem:s25], [sflag:$0x1], $0x1, s11, s7, $0xb8;
	[tilespmem:$0x5B00] =	vst v63  }
0x1a9: {  	s25 =	simm.s32 $0xF00  }
0x1aa: {  	[spmem:s3] =	stream.indirect.scatter.add.f32 [tilespmem:s25], [sflag:$0x1], $0x1, s12, s7, $0xb8;
	[tilespmem:$0x5B00] =	vst v63  }
0x1ab: {  	s25 =	simm.s32 $0xF80  }
0x1ac: {  	[spmem:s3] =	stream.indirect.scatter.add.f32 [tilespmem:s25], [sflag:$0x1], $0x1, s13, s7, $0xb8;
	[tilespmem:$0x5B00] =	vst v63  }
0x1ad: {  	s25 =	rddreg [dreg:$0x13]  }
0x1ae: {  	[tilespmem:s28], [sflag:$0x2] =	stream.linear.gather [hbm4b:s25+s6], $0x400, $0x38;
	[tilespmem:$0x5B00] =	vst v63  }
0x1af: {  	_ =	swait.ge [sflag:s21], $0x400  }
0x1b0: {  	[sflag:s21] =	ssyncset.done $0x0  }
0x1b1: {  	[sflag:s21] =	ssyncadd.s32 $0xFFFFFC00  }
0x1b2: {  	[spmem:s4] =	stream.indirect.scatter.add.f32 [tilespmem:s28], [sflag:$0x1], $0x1, s6, s7, $0xb8;
	[tilespmem:$0x5B00] =	vst v63  }
0x1b3: {  	s25 =	simm.s32 $0x1080  }
0x1b4: {  	[spmem:s4] =	stream.indirect.scatter.add.f32 [tilespmem:s25], [sflag:$0x1], $0x1, s7, s7, $0xb8;
	[tilespmem:$0x5B00] =	vst v63  }
0x1b5: {  	s25 =	simm.s32 $0x1100  }
0x1b6: {  	[spmem:s4] =	stream.indirect.scatter.add.f32 [tilespmem:s25], [sflag:$0x1], $0x1, s8, s7, $0xb8;
	[tilespmem:$0x5B00] =	vst v63  }
0x1b7: {  	s25 =	simm.s32 $0x1180  }
0x1b8: {  	[spmem:s4] =	stream.indirect.scatter.add.f32 [tilespmem:s25], [sflag:$0x1], $0x1, s9, s7, $0xb8;
	[tilespmem:$0x5B00] =	vst v63  }
0x1b9: {  	s25 =	simm.s32 $0x1200  }
0x1ba: {  	[spmem:s4] =	stream.indirect.scatter.add.f32 [tilespmem:s25], [sflag:$0x1], $0x1, s10, s7, $0xb8;
	[tilespmem:$0x5B00] =	vst v63  }
0x1bb: {  	s25 =	simm.s32 $0x1280  }
0x1bc: {  	[spmem:s4] =	stream.indirect.scatter.add.f32 [tilespmem:s25], [sflag:$0x1], $0x1, s11, s7, $0xb8;
	[tilespmem:$0x5B00] =	vst v63  }
0x1bd: {  	s25 =	simm.s32 $0x1300  }
0x1be: {  	[spmem:s4] =	stream.indirect.scatter.add.f32 [tilespmem:s25], [sflag:$0x1], $0x1, s12, s7, $0xb8;
	[tilespmem:$0x5B00] =	vst v63  }
0x1bf: {  	s25 =	simm.s32 $0x1380  }
0x1c0: {  	[spmem:s4] =	stream.indirect.scatter.add.f32 [tilespmem:s25], [sflag:$0x1], $0x1, s13, s7, $0xb8;
	[tilespmem:$0x5B00] =	vst v63  }
0x1c1: {  	s25 =	rddreg [dreg:$0x14]  }
0x1c2: {  	[tilespmem:s29], [sflag:$0x2] =	stream.linear.gather [hbm4b:s25+s6], $0x400, $0x38;
	[tilespmem:$0x5B00] =	vst v63  }
0x1c3: {  	_ =	swait.ge [sflag:s21], $0x400  }
0x1c4: {  	[sflag:s21] =	ssyncset.done $0x0  }
0x1c5: {  	[sflag:s21] =	ssyncadd.s32 $0xFFFFFC00  }
0x1c6: {  	[spmem:s5] =	stream.indirect.scatter.add.f32 [tilespmem:s29], [sflag:$0x1], $0x1, s6, s7, $0xb8;
	[tilespmem:$0x5B00] =	vst v63  }
0x1c7: {  	s25 =	simm.s32 $0x1480  }
0x1c8: {  	[spmem:s5] =	stream.indirect.scatter.add.f32 [tilespmem:s25], [sflag:$0x1], $0x1, s7, s7, $0xb8;
	[tilespmem:$0x5B00] =	vst v63  }
0x1c9: {  	s25 =	simm.s32 $0x1500  }
0x1ca: {  	[spmem:s5] =	stream.indirect.scatter.add.f32 [tilespmem:s25], [sflag:$0x1], $0x1, s8, s7, $0xb8;
	[tilespmem:$0x5B00] =	vst v63  }
0x1cb: {  	s25 =	simm.s32 $0x1580  }
0x1cc: {  	[spmem:s5] =	stream.indirect.scatter.add.f32 [tilespmem:s25], [sflag:$0x1], $0x1, s9, s7, $0xb8;
	[tilespmem:$0x5B00] =	vst v63  }
0x1cd: {  	s25 =	simm.s32 $0x1600  }
0x1ce: {  	[spmem:s5] =	stream.indirect.scatter.add.f32 [tilespmem:s25], [sflag:$0x1], $0x1, s10, s7, $0xb8;
	[tilespmem:$0x5B00] =	vst v63  }
0x1cf: {  	s25 =	simm.s32 $0x1680  }
0x1d0: {  	[spmem:s5] =	stream.indirect.scatter.add.f32 [tilespmem:s25], [sflag:$0x1], $0x1, s11, s7, $0xb8;
	[tilespmem:$0x5B00] =	vst v63  }
0x1d1: {  	s25 =	simm.s32 $0x1700  }
0x1d2: {  	[spmem:s5] =	stream.indirect.scatter.add.f32 [tilespmem:s25], [sflag:$0x1], $0x1, s12, s7, $0xb8;
	[tilespmem:$0x5B00] =	vst v63  }
0x1d3: {  	s25 =	simm.s32 $0x1780  }
0x1d4: {  	[spmem:s5] =	stream.indirect.scatter.add.f32 [tilespmem:s25], [sflag:$0x1], $0x1, s13, s7, $0xb8;
	[tilespmem:$0x5B00] =	vst v63  }
0x1d5: {  	s25 =	rddreg [dreg:$0x15]  }
0x1d6: {  	[tilespmem:s30], [sflag:$0x2] =	stream.linear.gather [hbm4b:s25+s6], $0x400, $0x38;
	[tilespmem:$0x5B00] =	vst v63  }
0x1d7: {  	_ =	swait.ge [sflag:s21], $0x400  }
0x1d8: {  	[sflag:s21] =	ssyncset.done $0x0  }
0x1d9: {  	[sflag:s21] =	ssyncadd.s32 $0xFFFFFC00  }
0x1da: {  	[spmem:s20] =	stream.indirect.scatter.add.f32 [tilespmem:s30], [sflag:$0x1], $0x1, s6, s7, $0xb8;
	[tilespmem:$0x5B00] =	vst v63  }
0x1db: {  	s25 =	simm.s32 $0x1880  }
0x1dc: {  	[spmem:s20] =	stream.indirect.scatter.add.f32 [tilespmem:s25], [sflag:$0x1], $0x1, s7, s7, $0xb8;
	[tilespmem:$0x5B00] =	vst v63  }
0x1dd: {  	s25 =	simm.s32 $0x1900  }
0x1de: {  	[spmem:s20] =	stream.indirect.scatter.add.f32 [tilespmem:s25], [sflag:$0x1], $0x1, s8, s7, $0xb8;
	[tilespmem:$0x5B00] =	vst v63  }
0x1df: {  	s25 =	simm.s32 $0x1980  }
0x1e0: {  	[spmem:s20] =	stream.indirect.scatter.add.f32 [tilespmem:s25], [sflag:$0x1], $0x1, s9, s7, $0xb8;
	[tilespmem:$0x5B00] =	vst v63  }
0x1e1: {  	s25 =	simm.s32 $0x1A00  }
0x1e2: {  	[spmem:s20] =	stream.indirect.scatter.add.f32 [tilespmem:s25], [sflag:$0x1], $0x1, s10, s7, $0xb8;
	[tilespmem:$0x5B00] =	vst v63  }
0x1e3: {  	s25 =	simm.s32 $0x1A80  }
0x1e4: {  	[spmem:s20] =	stream.indirect.scatter.add.f32 [tilespmem:s25], [sflag:$0x1], $0x1, s11, s7, $0xb8;
	[tilespmem:$0x5B00] =	vst v63  }
0x1e5: {  	s25 =	simm.s32 $0x1B00  }
0x1e6: {  	[spmem:s20] =	stream.indirect.scatter.add.f32 [tilespmem:s25], [sflag:$0x1], $0x1, s12, s7, $0xb8;
	[tilespmem:$0x5B00] =	vst v63  }
0x1e7: {  	s25 =	simm.s32 $0x1B80  }
0x1e8: {  	[spmem:s20] =	stream.indirect.scatter.add.f32 [tilespmem:s25], [sflag:$0x1], $0x1, s13, s7, $0xb8;
	[tilespmem:$0x5B00] =	vst v63  }
0x1e9: {  	_ =	swait.ge [sflag:s31], $0x80  }
0x1ea: {  	[sflag:s31] =	ssyncset.done $0x0  }
0x1eb: {  	[sflag:s31] =	ssyncadd.s32 $0xFFFFFF80  }
0x1ec: {  	_ =	swait.ge [sflag:s31], $0x80  }
0x1ed: {  	[sflag:s31] =	ssyncset.done $0x0  }
0x1ee: {  	[sflag:s31] =	ssyncadd.s32 $0xFFFFFF80  }
0x1ef: {  	_ =	swait.ge [sflag:s31], $0x80  }
0x1f0: {  	[sflag:s31] =	ssyncset.done $0x0  }
0x1f1: {  	[sflag:s31] =	ssyncadd.s32 $0xFFFFFF80  }
0x1f2: {  	_ =	swait.ge [sflag:s31], $0x80  }
0x1f3: {  	[sflag:s31] =	ssyncset.done $0x0  }
0x1f4: {  	[sflag:s31] =	ssyncadd.s32 $0xFFFFFF80  }
0x1f5: {  	_ =	swait.ge [sflag:s31], $0x80  }
0x1f6: {  	[sflag:s31] =	ssyncset.done $0x0  }
0x1f7: {  	[sflag:s31] =	ssyncadd.s32 $0xFFFFFF80  }
0x1f8: {  	_ =	swait.ge [sflag:s31], $0x80  }
0x1f9: {  	[sflag:s31] =	ssyncset.done $0x0  }
0x1fa: {  	[sflag:s31] =	ssyncadd.s32 $0xFFFFFF80  }
0x1fb: {  	_ =	swait.ge [sflag:s31], $0x80  }
0x1fc: {  	[sflag:s31] =	ssyncset.done $0x0  }
0x1fd: {  	[sflag:s31] =	ssyncadd.s32 $0xFFFFFF80  }
0x1fe: {  	_ =	swait.ge [sflag:s31], $0x80  }
0x1ff: {  	[sflag:s31] =	ssyncset.done $0x0  }
0x200: {  	[sflag:s31] =	ssyncadd.s32 $0xFFFFFF80  }
0x201: {  	_ =	swait.ge [sflag:s31], $0x80  }
0x202: {  	[sflag:s31] =	ssyncset.done $0x0  }
0x203: {  	[sflag:s31] =	ssyncadd.s32 $0xFFFFFF80  }
0x204: {  	_ =	swait.ge [sflag:s31], $0x80  }
0x205: {  	[sflag:s31] =	ssyncset.done $0x0  }
0x206: {  	[sflag:s31] =	ssyncadd.s32 $0xFFFFFF80  }
0x207: {  	_ =	swait.ge [sflag:s31], $0x80  }
0x208: {  	[sflag:s31] =	ssyncset.done $0x0  }
0x209: {  	[sflag:s31] =	ssyncadd.s32 $0xFFFFFF80  }
0x20a: {  	_ =	swait.ge [sflag:s31], $0x80  }
0x20b: {  	[sflag:s31] =	ssyncset.done $0x0  }
0x20c: {  	[sflag:s31] =	ssyncadd.s32 $0xFFFFFF80  }
0x20d: {  	_ =	swait.ge [sflag:s31], $0x80  }
0x20e: {  	[sflag:s31] =	ssyncset.done $0x0  }
0x20f: {  	[sflag:s31] =	ssyncadd.s32 $0xFFFFFF80  }
0x210: {  	_ =	swait.ge [sflag:s31], $0x80  }
0x211: {  	[sflag:s31] =	ssyncset.done $0x0  }
0x212: {  	[sflag:s31] =	ssyncadd.s32 $0xFFFFFF80  }
0x213: {  	_ =	swait.ge [sflag:s31], $0x80  }
0x214: {  	[sflag:s31] =	ssyncset.done $0x0  }
0x215: {  	[sflag:s31] =	ssyncadd.s32 $0xFFFFFF80  }
0x216: {  	_ =	swait.ge [sflag:s31], $0x80  }
0x217: {  	[sflag:s31] =	ssyncset.done $0x0  }
0x218: {  	[sflag:s31] =	ssyncadd.s32 $0xFFFFFF80  }
0x219: {  	_ =	swait.ge [sflag:s31], $0x80  }
0x21a: {  	[sflag:s31] =	ssyncset.done $0x0  }
0x21b: {  	[sflag:s31] =	ssyncadd.s32 $0xFFFFFF80  }
0x21c: {  	_ =	swait.ge [sflag:s31], $0x80  }
0x21d: {  	[sflag:s31] =	ssyncset.done $0x0  }
0x21e: {  	[sflag:s31] =	ssyncadd.s32 $0xFFFFFF80  }
0x21f: {  	_ =	swait.ge [sflag:s31], $0x80  }
0x220: {  	[sflag:s31] =	ssyncset.done $0x0  }
0x221: {  	[sflag:s31] =	ssyncadd.s32 $0xFFFFFF80  }
0x222: {  	_ =	swait.ge [sflag:s31], $0x80  }
0x223: {  	[sflag:s31] =	ssyncset.done $0x0  }
0x224: {  	[sflag:s31] =	ssyncadd.s32 $0xFFFFFF80  }
0x225: {  	_ =	swait.ge [sflag:s31], $0x80  }
0x226: {  	[sflag:s31] =	ssyncset.done $0x0  }
0x227: {  	[sflag:s31] =	ssyncadd.s32 $0xFFFFFF80  }
0x228: {  	_ =	swait.ge [sflag:s31], $0x80  }
0x229: {  	[sflag:s31] =	ssyncset.done $0x0  }
0x22a: {  	[sflag:s31] =	ssyncadd.s32 $0xFFFFFF80  }
0x22b: {  	_ =	swait.ge [sflag:s31], $0x80  }
0x22c: {  	[sflag:s31] =	ssyncset.done $0x0  }
0x22d: {  	[sflag:s31] =	ssyncadd.s32 $0xFFFFFF80  }
0x22e: {  	_ =	swait.ge [sflag:s31], $0x80  }
0x22f: {  	[sflag:s31] =	ssyncset.done $0x0  }
0x230: {  	[sflag:s31] =	ssyncadd.s32 $0xFFFFFF80  }
0x231: {  	_ =	swait.ge [sflag:s31], $0x80  }
0x232: {  	[sflag:s31] =	ssyncset.done $0x0  }
0x233: {  	[sflag:s31] =	ssyncadd.s32 $0xFFFFFF80  }
0x234: {  	_ =	swait.ge [sflag:s31], $0x80  }
0x235: {  	[sflag:s31] =	ssyncset.done $0x0  }
0x236: {  	[sflag:s31] =	ssyncadd.s32 $0xFFFFFF80  }
0x237: {  	_ =	swait.ge [sflag:s31], $0x80  }
0x238: {  	[sflag:s31] =	ssyncset.done $0x0  }
0x239: {  	[sflag:s31] =	ssyncadd.s32 $0xFFFFFF80  }
0x23a: {  	_ =	swait.ge [sflag:s31], $0x80  }
0x23b: {  	[sflag:s31] =	ssyncset.done $0x0  }
0x23c: {  	[sflag:s31] =	ssyncadd.s32 $0xFFFFFF80  }
0x23d: {  	_ =	swait.ge [sflag:s31], $0x80  }
0x23e: {  	[sflag:s31] =	ssyncset.done $0x0  }
0x23f: {  	[sflag:s31] =	ssyncadd.s32 $0xFFFFFF80  }
0x240: {  	_ =	swait.ge [sflag:s31], $0x80  }
0x241: {  	[sflag:s31] =	ssyncset.done $0x0  }
0x242: {  	[sflag:s31] =	ssyncadd.s32 $0xFFFFFF80  }
0x243: {  	_ =	swait.ge [sflag:s31], $0x80  }
0x244: {  	[sflag:s31] =	ssyncset.done $0x0  }
0x245: {  	[sflag:s31] =	ssyncadd.s32 $0xFFFFFF80  }
0x246: {  	_ =	swait.ge [sflag:s31], $0x80  }
0x247: {  	[sflag:s31] =	ssyncset.done $0x0  }
0x248: {  	[sflag:s31] =	ssyncadd.s32 $0xFFFFFF80  }
0x249: {  	_ =	swait.ge [sflag:s31], $0x80  }
0x24a: {  	[sflag:s31] =	ssyncset.done $0x0  }
0x24b: {  	[sflag:s31] =	ssyncadd.s32 $0xFFFFFF80  }
0x24c: {  	_ =	swait.ge [sflag:s31], $0x80  }
0x24d: {  	[sflag:s31] =	ssyncset.done $0x0  }
0x24e: {  	[sflag:s31] =	ssyncadd.s32 $0xFFFFFF80  }
0x24f: {  	_ =	swait.ge [sflag:s31], $0x80  }
0x250: {  	[sflag:s31] =	ssyncset.done $0x0  }
0x251: {  	[sflag:s31] =	ssyncadd.s32 $0xFFFFFF80  }
0x252: {  	_ =	swait.ge [sflag:s31], $0x80  }
0x253: {  	[sflag:s31] =	ssyncset.done $0x0  }
0x254: {  	[sflag:s31] =	ssyncadd.s32 $0xFFFFFF80  }
0x255: {  	_ =	swait.ge [sflag:s31], $0x80  }
0x256: {  	[sflag:s31] =	ssyncset.done $0x0  }
0x257: {  	[sflag:s31] =	ssyncadd.s32 $0xFFFFFF80  }
0x258: {  	_ =	swait.ge [sflag:s31], $0x80  }
0x259: {  	[sflag:s31] =	ssyncset.done $0x0  }
0x25a: {  	[sflag:s31] =	ssyncadd.s32 $0xFFFFFF80  }
0x25b: {  	_ =	swait.ge [sflag:s31], $0x80  }
0x25c: {  	[sflag:s31] =	ssyncset.done $0x0  }
0x25d: {  	[sflag:s31] =	ssyncadd.s32 $0xFFFFFF80  }
0x25e: {  	_ =	swait.ge [sflag:s31], $0x80  }
0x25f: {  	[sflag:s31] =	ssyncset.done $0x0  }
0x260: {  	[sflag:s31] =	ssyncadd.s32 $0xFFFFFF80  }
0x261: {  	_ =	swait.ge [sflag:s31], $0x80  }
0x262: {  	[sflag:s31] =	ssyncset.done $0x0  }
0x263: {  	[sflag:s31] =	ssyncadd.s32 $0xFFFFFF80  }
0x264: {  	_ =	swait.ge [sflag:s31], $0x80  }
0x265: {  	[sflag:s31] =	ssyncset.done $0x0  }
0x266: {  	[sflag:s31] =	ssyncadd.s32 $0xFFFFFF80  }
0x267: {  	_ =	swait.ge [sflag:s31], $0x80  }
0x268: {  	[sflag:s31] =	ssyncset.done $0x0  }
0x269: {  	[sflag:s31] =	ssyncadd.s32 $0xFFFFFF80  }
0x26a: {  	_ =	swait.ge [sflag:s31], $0x80  }
0x26b: {  	[sflag:s31] =	ssyncset.done $0x0  }
0x26c: {  	[sflag:s31] =	ssyncadd.s32 $0xFFFFFF80  }
0x26d: {  	_ =	swait.ge [sflag:s31], $0x80  }
0x26e: {  	[sflag:s31] =	ssyncset.done $0x0  }
0x26f: {  	[sflag:s31] =	ssyncadd.s32 $0xFFFFFF80  }
0x270: {  	_ =	swait.ge [sflag:s31], $0x80  }
0x271: {  	[sflag:s31] =	ssyncset.done $0x0  }
0x272: {  	[sflag:s31] =	ssyncadd.s32 $0xFFFFFF80  }
0x273: {  	_ =	swait.ge [sflag:s31], $0x80  }
.Ltmp3:
0x274: {  	[sflag:s31] =	ssyncset.done $0x0;
	(pc) =	sbr.rel .LBB2_3-.Ltmp3, $4  }
0x275: {  	[sflag:s31] =	ssyncadd.s32 $0xFFFFFF80  }
0x276: {  	_ =	swait.ge [sflag:s31], $0x80  }
0x277: {  	[sflag:s31] =	ssyncset.done $0x0  }
0x278: {  	[sflag:s31] =	ssyncadd.s32 $0xFFFFFF80  }
.LBB2_4:
0x279: {  	_ =	sfence.sel $0x180000  }
0x27a: {  	[bflag:$0x0] =	sbarrier.arrive $0xFFFF  }
0x27b: {  	_ =	strace $0x90000047  }
0x27c: {  	s0 =	stileid.u32;
	[bflag:$0x2] =	sbarrier.arrive $0xFFFF  }
0x27d: {  	p0 =	sne.s32 s0, $0x0;
	s0 =	rddreg [dreg:$0x7]  }
0x27e: {  	s0 =	sadd.s32 @!p0 $0x100000, s0  }
0x27f: {  	[sflag:s0] =	ssyncadd.tile.s32 @!p0 $0x1;
	_ =	shalt  }
.Lfunc_end2:
_tile_overlayer_lowered:
.L_overlay_start_2:
0x280: {  	(tag) =	ssettag $0x2  }
0x281: {  	s0 =	rddreg [dreg:$0x0];
	s2 =	stileid.u32  }
0x282: {  	s1 =	rddreg [dreg:$0x1];
	p0 =	sne.s32 s2, $0x0  }
0x283: {  	s3 =	rddreg [dreg:$0x2];
	[bflag:$0x3] =	sbarrier.arrive $0xFFFF;
	s2 =	simm.s32 @!p0 $0x1C02  }
0x284: {  	[timem:s3], [sflag:s2] =	dma.local @!p0 [hbm:s0], s1  }
0x285: {  	s0 =	simm.s32 @!p0 $0x2  }
0x286: {  	_ =	swait.ge @!p0 [sflag:s0], s1  }
0x287: {  	s1 =	ssub.s32 @!p0 $0x0, s1;
	[sflag:s0] =	ssyncset.done @!p0 $0x0  }
0x288: {  	[sflag:s0] =	ssyncadd.s32 @!p0 s1  }
0x289: {  	[bflag:$0x3] =	sbarrier.arrive $0xFFFF  }
0x28a: {  	_ =	shalt  }

</sc_bundles>
